<compile_context>
chip_gen: v7x
topology: tpu7x:2x2x1
jax: 0.10.2.dev20260603
libtpu: 0.0.44.dev20260713+nightly
codegen_flags: <defaults>
</compile_context>

<pallas_src>
import functools

import jax
import jax.numpy as jnp
import numpy as np
from jax import lax
from jax.experimental import pallas as pl
from jax.experimental.pallas import tpu as pltpu
from jax.experimental.pallas import tpu_sc as plsc

LANES = 128
CHUNK = 512
KPOS_MAX = 128
BATCH = 512
TOPBIT = np.uint32(0x80000000)
LOWMASK = np.uint32(0x7FFFFFFF)
NBINS = 2048
HSTRIDE = NBINS + 1
HWORDS = ((16 * HSTRIDE + 63) // 64) * 64
SC_CH = 4096



def _sc_body(logits_hbm, targets_hbm, out_hbm, xbuf, tbuf, hist, red,
             mbuf, tmpv, xbuf2, tbuf2, sx0, st0, sx1, st1, shared2):
    cid = lax.axis_index("c")
    sid = lax.axis_index("s")
    per_tile = logits_hbm.shape[0] // 16
    nch = per_tile // SC_CH
    iota = lax.iota(jnp.int32, 16)
    zero16 = jnp.zeros((16,), jnp.int32)
    ones16 = jnp.full((16,), 1, jnp.int32)
    is_c0 = cid == 0
    c0v = jnp.broadcast_to(is_c0, (16,))
    flip = jnp.where(c0v, jnp.full((16,), np.uint32(0xFFFFFFFF), jnp.uint32),
                     jnp.zeros((16,), jnp.uint32))
    lanebase = iota * HSTRIDE

    def zero_hist():
        def zh(i, _):
            for u in range(4):
                plsc.store_scatter(hist, [(i * 4 + u) * 16 + iota], zero16)
            return 0
        lax.fori_loop(0, HWORDS // 64, zh, 0)

    zero_hist()

    def start_chunk(ci, xb, tb, sx, st):
        base = sid * per_tile + ci * SC_CH
        pltpu.make_async_copy(logits_hbm.at[pl.ds(base, SC_CH)], xb, sx).start()
        pltpu.make_async_copy(targets_hbm.at[pl.ds(base, SC_CH)], tb, st).start()

    def wait_chunk(xb, tb, sx, st):
        pltpu.make_async_copy(logits_hbm.at[pl.ds(0, SC_CH)], xb, sx).wait()
        pltpu.make_async_copy(targets_hbm.at[pl.ds(0, SC_CH)], tb, st).wait()

    def stream_pass(binfn):
        def process(xb, tb):
            def vec_body(v, _c):
                for u in range(4):
                    off = (v * 4 + u) * 16
                    x = xb[pl.ds(off, 16)]
                    t = tb[pl.ds(off, 16)]
                    b = lax.bitcast_convert_type(x, jnp.uint32)
                    neg = b >= TOPBIT
                    ukey = jnp.where(neg, ~b, b | TOPBIT)
                    key = ukey ^ flip
                    sel = (t >= 1) == c0v
                    keym = jnp.where(sel, key, np.uint32(0))
                    bn, m = binfn(keym, sel)
                    plsc.addupdate_scatter(hist, [lanebase + bn], ones16,
                                           mask=m)
                return 0
            lax.fori_loop(0, SC_CH // 64, vec_body, 0)

        nh = nch // 2
        start_chunk(0, xbuf, tbuf, sx0, st0)

        def loop2(i, _):
            c0 = i * 2
            start_chunk(c0 + 1, xbuf2, tbuf2, sx1, st1)
            wait_chunk(xbuf, tbuf, sx0, st0)
            process(xbuf, tbuf)

            @pl.when(i < nh - 1)
            def _():
                start_chunk(c0 + 2, xbuf, tbuf, sx0, st0)

            wait_chunk(xbuf2, tbuf2, sx1, st1)
            process(xbuf2, tbuf2)
            return 0
        lax.fori_loop(0, nh, loop2, 0)

    def bin_l1(keym, sel):
        return lax.bitcast_convert_type(keym >> np.uint32(21), jnp.int32), sel
    stream_pass(bin_l1)

    def reduce_hist(nrows):
        def rb(r, _):
            rbase = r * 16
            acc = zero16
            for l in range(16):
                acc = acc + plsc.load_gather(hist, [l * HSTRIDE + rbase + iota])
            red[r] = acc
            return 0
        lax.fori_loop(0, nrows, rb, 0)

    def merge_and_fetch(nrows):
        pltpu.sync_copy(red, shared2.at[sid])
        plsc.subcore_barrier()
        pltpu.sync_copy(shared2.at[0], red)

        def mj(j, _):
            pltpu.sync_copy(shared2.at[j], mbuf)

            def rr(r, _2):
                for u in range(4):
                    rw = r * 4 + u
                    red[rw] = red[rw] + mbuf[rw]
                return 0
            lax.fori_loop(0, nrows // 4, rr, 0)
            return 0
        lax.fori_loop(1, 16, mj, 0)
        plsc.subcore_barrier()

    def scan_rows(nrows, k):
        def sb(i, carry):
            cum, row_sel, cum_above, row_keep = carry
            r = nrows - 1 - i
            row = red[r]
            s = jnp.sum(row)
            hit = (row_sel < 0) & (cum + s >= k) & (k > 0)
            hitv = jnp.broadcast_to(hit, (16,))
            row_sel = jnp.where(hit, r, row_sel)
            cum_above = jnp.where(hit, cum, cum_above)
            row_keep = jnp.where(hitv, row, row_keep)
            return (cum + s, row_sel, cum_above, row_keep)

        cum, row_sel, cum_above, row_keep = lax.fori_loop(
            0, nrows, sb, (0, -1, 0, zero16))
        rv = jnp.flip(row_keep, 0)
        c = jnp.cumsum(rv)
        kr = k - cum_above
        j = jnp.min(jnp.where(c >= kr, iota, 16))
        jv = jnp.broadcast_to(j, (16,))
        cj = jnp.sum(jnp.where(iota == jv, c, 0))
        rj = jnp.sum(jnp.where(iota == jv, rv, 0))
        b = row_sel * 16 + (15 - j)
        above = cum_above + cj - rj
        return b, above, cum

    def refine_pass(mshift, mprefix, bshift, bmask, nrows):
        zero_hist()
        pm = jnp.broadcast_to(mprefix, (16,))

        def bin_ref(keym, sel):
            match = (keym >> mshift) == pm
            bn = lax.bitcast_convert_type((keym >> bshift) & bmask, jnp.int32)
            return bn, match
        stream_pass(bin_ref)
        reduce_hist(nrows)
        merge_and_fetch(nrows)

    reduce_hist(128)
    merge_and_fetch(128)
    n_total = per_tile * 16
    def tot_body(r, acc):
        return acc + jnp.sum(red[r])
    own_total = lax.fori_loop(0, 128, tot_body, 0)
    cpos = jnp.where(is_c0, own_total, n_total - own_total)
    cneg = n_total - cpos
    k1 = jnp.minimum(cpos, KPOS_MAX)
    k2 = jnp.minimum(BATCH - k1, cneg)
    k = jnp.where(is_c0, k1, k2)

    b1, a1, _ = scan_rows(128, k)
    p1u = b1.astype(jnp.uint32)

    refine_pass(np.uint32(21), p1u, np.uint32(10), np.uint32(0x7FF), 128)
    b2, a2, _ = scan_rows(128, k - a1)
    p2u = (p1u << np.uint32(11)) | b2.astype(jnp.uint32)

    refine_pass(np.uint32(10), p2u, np.uint32(0), np.uint32(0x3FF), 64)
    b3, a3, _ = scan_rows(64, k - a1 - a2)

    t_key = (p2u << np.uint32(10)) | b3.astype(jnp.uint32)
    t_key = jnp.where(k > 0, t_key, np.uint32(0xFFFFFFFF))
    r_tie = jnp.where(k > 0, k - (a1 + a2 + a3), 0)

    tbits = lax.bitcast_convert_type(jnp.broadcast_to(t_key, (16,)), jnp.int32)
    outv = jnp.where(iota == 0, tbits, zero16)
    outv = jnp.where(iota == 1, jnp.broadcast_to(r_tie, (16,)), outv)
    outv = jnp.where(iota == 2, jnp.broadcast_to(cpos, (16,)), outv)
    outv = jnp.where(iota == 3, jnp.broadcast_to(cneg, (16,)), outv)

    @pl.when(sid == 0)
    def _():
        tmpv[...] = outv
        pltpu.sync_copy(tmpv, out_hbm.at[cid])



def _softplus(t):
    return jnp.maximum(t, 0.0) + jnp.log1p(jnp.exp(-jnp.abs(t)))


def _unmono(ukey):
    b = jnp.where(ukey >= TOPBIT, ukey & LOWMASK, ~ukey)
    return lax.bitcast_convert_type(b, jnp.float32)


def _tc_body(params_ref, logits_ref, targets_ref, out_ref):
    rows = logits_ref.shape[0]
    nchunk = rows // CHUNK
    tpos = lax.bitcast_convert_type(params_ref[0, 0], jnp.uint32)
    rpos = params_ref[0, 1]
    tneg = lax.bitcast_convert_type(params_ref[1, 0], jnp.uint32)
    rneg = params_ref[1, 1]

    def fin_chunk(i, carry):
        s1, s2 = carry
        x = logits_ref[pl.ds(i * CHUNK, CHUNK), :]
        t = targets_ref[pl.ds(i * CHUNK, CHUNK), :]
        b = lax.bitcast_convert_type(x, jnp.uint32)
        ukey = jnp.where(b >= TOPBIT, ~b, b | TOPBIT)
        kpos = jnp.where(t >= 1, ~ukey, np.uint32(0))
        kneg = jnp.where(t == 0, ukey, np.uint32(0))
        l1 = jnp.minimum(_softplus(-x), 100.0)
        l2 = jnp.minimum(_softplus(x), 100.0)
        s1 = s1 + jnp.sum(jnp.where(kpos > tpos, l1, 0.0))
        s2 = s2 + jnp.sum(jnp.where(kneg > tneg, l2, 0.0))
        return s1, s2

    s1, s2 = lax.fori_loop(0, nchunk, fin_chunk, (0.0, 0.0))
    tl1v = jnp.minimum(_softplus(-_unmono(jnp.full((8, 128), ~tpos))), 100.0)
    tl2v = jnp.minimum(_softplus(_unmono(jnp.full((8, 128), tneg))), 100.0)
    i0 = lax.broadcasted_iota(jnp.int32, (8, 128), 0)
    i1 = lax.broadcasted_iota(jnp.int32, (8, 128), 1)
    m00 = (i0 == 0) & (i1 == 0)
    s1 = s1 + jnp.sum(jnp.where(m00 & (rpos > 0),
                                rpos.astype(jnp.float32) * tl1v, 0.0))
    s2 = s2 + jnp.sum(jnp.where(m00 & (rneg > 0),
                                rneg.astype(jnp.float32) * tl2v, 0.0))
    out_ref[...] = jnp.broadcast_to((s1 + s2) / float(BATCH), (1, 1))


N_TOTAL = 1048576
PER_TILE = N_TOTAL // 16


def _make_sck():
    mesh = plsc.VectorSubcoreMesh(core_axis_name="c", subcore_axis_name="s")
    return pl.kernel(
        _sc_body,
        mesh=mesh,
        out_type=jax.ShapeDtypeStruct((2, 16), jnp.int32),
        compiler_params=pltpu.CompilerParams(needs_layout_passes=False),
        scratch_types=[
            pltpu.VMEM((SC_CH,), jnp.float32),
            pltpu.VMEM((SC_CH,), jnp.int32),
            pltpu.VMEM((HWORDS,), jnp.int32),
            pltpu.VMEM((128, 16), jnp.int32),
            pltpu.VMEM((128, 16), jnp.int32),
            pltpu.VMEM((16,), jnp.int32),
            pltpu.VMEM((SC_CH,), jnp.float32),
            pltpu.VMEM((SC_CH,), jnp.int32),
            pltpu.SemaphoreType.DMA,
            pltpu.SemaphoreType.DMA,
            pltpu.SemaphoreType.DMA,
            pltpu.SemaphoreType.DMA,
            pltpu.VMEM_SHARED((16, 128, 16), jnp.int32),
        ],
    )


_SCK = _make_sck()


def kernel(logits, targets):
    n = logits.shape[0]
    flat = logits.reshape(n)
    params = _SCK(flat, targets)

    rows = n // LANES
    out = pl.pallas_call(
        _tc_body,
        out_shape=jax.ShapeDtypeStruct((1, 1), jnp.float32),
        in_specs=[
            pl.BlockSpec(memory_space=pltpu.SMEM),
            pl.BlockSpec(memory_space=pltpu.VMEM),
            pl.BlockSpec(memory_space=pltpu.VMEM),
        ],
        out_specs=pl.BlockSpec(memory_space=pltpu.VMEM),
    )(params, flat.reshape(rows, LANES), targets.reshape(rows, LANES))
    return out[0, 0]

# --- scband reference (transcript-rebuilt; emitter-appended) ---
"""Pipeline reference for scband-ohembinary-loss-3547642986600 (READ-ONLY COPY).

The authoritative reference and input builder live on the scoring server;
editing this copy changes nothing except your own understanding.
"""

import jax, jax.numpy as jnp
import numpy as np

BATCHSIZE = 512
RATIO = 0.25
N = 1048576


def setup_inputs(seed: int = 0) -> dict:
    key = jax.random.key(seed)
    k1, k2 = jax.random.split(key)
    logits = jax.random.normal(k1, (N, 1), dtype=jnp.float32)
    targets = jax.random.randint(k2, (N,), 0, 2, dtype=jnp.int32)
    return {"logits": logits, "targets": targets}


def reference(logits, targets):
    # idx_t = targets >= 0 (boolean mask select, done eagerly)
    valid = targets >= 0
    logits_t = logits[:, 0]
    targets_t = targets.astype(jnp.float32)
    # F.binary_cross_entropy(sigmoid(logits), targets, reduction='none')
    p = jax.nn.sigmoid(logits_t)
    log_p = jnp.clip(jnp.log(p), -100.0, None)
    log_1mp = jnp.clip(jnp.log(1.0 - p), -100.0, None)
    cls_loss = -(targets_t * log_p + (1.0 - targets_t) * log_1mp)
    positive = valid & (targets_t >= 1)
    negative = valid & (targets_t == 0)
    kmax_pos = int(BATCHSIZE * RATIO)
    num_pos = jnp.minimum(jnp.sum(positive), kmax_pos)
    num_neg = jnp.minimum(BATCHSIZE - num_pos, jnp.sum(negative))
    pos_sorted = jnp.sort(jnp.where(positive, cls_loss, -jnp.inf))[::-1][:kmax_pos]
    neg_sorted = jnp.sort(jnp.where(negative, cls_loss, -jnp.inf))[::-1][:BATCHSIZE]
    sampled_pos_loss = jnp.where(jnp.arange(kmax_pos) < num_pos, pos_sorted, 0.0)
    sampled_neg_loss = jnp.where(jnp.arange(BATCHSIZE) < num_neg, neg_sorted, 0.0)
    return (jnp.sum(sampled_pos_loss) + jnp.sum(sampled_neg_loss)) / BATCHSIZE

if __name__ == "__main__":
    import jax
    _d = setup_inputs()
    print(jax.jit(kernel)(*tuple(_d.values())))

</pallas_src>

<mosaic_0001>
#map = affine_map<(d0, d1) -> (0)>
#map1 = affine_map<(d0, d1) -> (0, 0)>
module attributes {stable_mosaic.version = 14 : i64} {
  func.func @_sc_body(%arg0: i32, %arg1: i32, %arg2: memref<1048576xf32, #tpu.memory_space<hbm>>, %arg3: memref<1048576xi32, #tpu.memory_space<hbm>>, %arg4: memref<2x16xi32, #tpu.memory_space<hbm>>, %arg5: memref<4096xf32, #tpu.memory_space<vmem>>, %arg6: memref<4096xi32, #tpu.memory_space<vmem>>, %arg7: memref<32832xi32, #tpu.memory_space<vmem>>, %arg8: memref<128x16xi32, #tpu.memory_space<vmem>>, %arg9: memref<128x16xi32, #tpu.memory_space<vmem>>, %arg10: memref<16xi32, #tpu.memory_space<vmem>>, %arg11: memref<4096xf32, #tpu.memory_space<vmem>>, %arg12: memref<4096xi32, #tpu.memory_space<vmem>>, %arg13: memref<!tpu.dma_semaphore, #tpu.memory_space<semaphore_mem>>, %arg14: memref<!tpu.dma_semaphore, #tpu.memory_space<semaphore_mem>>, %arg15: memref<!tpu.dma_semaphore, #tpu.memory_space<semaphore_mem>>, %arg16: memref<!tpu.dma_semaphore, #tpu.memory_space<semaphore_mem>>, %arg17: memref<16x128x16xi32, #tpu.memory_space<vmem_shared>>) attributes {dimension_semantics = [#tpu.dimension_semantics<core_parallel>, #tpu.dimension_semantics<subcore_parallel>], iteration_bounds = array<i64: 2, 16>, scalar_prefetch = 0 : i64, scratch_operands = 13 : i64, tpu.core_type = #tpu.core_type<sc_vector_subcore>, window_params = [{transform_indices = #map}, {transform_indices = #map}, {transform_indices = #map1}]} {
    %iota3A = tpu.iota {dimensions = array<i32: 0>} : vector<16xi32>
    %broadcast_in_dim3A = arith.constant 0 : i32
    %broadcast_in_dim3A_0 = vector.broadcast %broadcast_in_dim3A : i32 to vector<16xi32>
    %broadcast_in_dim3A_1 = arith.constant 1 : i32
    %broadcast_in_dim3A_2 = vector.broadcast %broadcast_in_dim3A_1 : i32 to vector<16xi32>
    %eq3A = arith.constant 0 : i32
    %eq3A_3 = arith.cmpi eq, %arg0, %eq3A : i32
    %broadcast_in_dim3A_4 = vector.broadcast %eq3A_3 : i1 to vector<16xi1>
    %broadcast_in_dim3A_5 = arith.constant -1 : i32
    %broadcast_in_dim3A_6 = vector.broadcast %broadcast_in_dim3A_5 : i32 to vector<16xi32>
    %broadcast_in_dim3A_7 = arith.constant 0 : i32
    %broadcast_in_dim3A_8 = vector.broadcast %broadcast_in_dim3A_7 : i32 to vector<16xi32>
    %select_n3A = arith.select %broadcast_in_dim3A_4, %broadcast_in_dim3A_6, %broadcast_in_dim3A_8 : vector<16xi1>, vector<16xi32>
    %mul3A = arith.constant 2049 : i32
    %mul3A_9 = vector.broadcast %mul3A : i32 to vector<16xi32>
    %mul3A_10 = arith.muli %iota3A, %mul3A_9 : vector<16xi32>
    %scan3A = arith.constant 0 : i32
    %scan3A_11 = arith.constant 0 : i32
    %scan3A_12 = arith.constant 513 : i32
    %scan3A_13 = arith.addi %scan3A_11, %scan3A_12 : i32
    %scan3A_14 = arith.constant 1 : i32
    %scan3A_15 = scf.for %scan3A_340 = %scan3A_11 to %scan3A_13 step %scan3A_14 iter_args(%scan3A_341 = %scan3A) -> (i32)  : i32 {
      %mul3A_342 = arith.constant 4 : i32
      %mul3A_343 = arith.muli %scan3A_340, %mul3A_342 : i32
      %add3A_344 = arith.constant 0 : i32
      %add3A_345 = arith.addi %mul3A_343, %add3A_344 : i32
      %mul3A_346 = arith.constant 16 : i32
      %mul3A_347 = arith.muli %add3A_345, %mul3A_346 : i32
      %add3A_348 = vector.broadcast %mul3A_347 : i32 to vector<16xi32>
      %add3A_349 = arith.addi %add3A_348, %iota3A : vector<16xi32>
      tpu.vector_store_idx %arg7[%add3A_349], %broadcast_in_dim3A_0 : memref<32832xi32, #tpu.memory_space<vmem>>[vector<16xi32>], vector<16xi32>,
      %mul3A_350 = arith.constant 4 : i32
      %mul3A_351 = arith.muli %scan3A_340, %mul3A_350 : i32
      %add3A_352 = arith.constant 1 : i32
      %add3A_353 = arith.addi %mul3A_351, %add3A_352 : i32
      %mul3A_354 = arith.constant 16 : i32
      %mul3A_355 = arith.muli %add3A_353, %mul3A_354 : i32
      %add3A_356 = vector.broadcast %mul3A_355 : i32 to vector<16xi32>
      %add3A_357 = arith.addi %add3A_356, %iota3A : vector<16xi32>
      tpu.vector_store_idx %arg7[%add3A_357], %broadcast_in_dim3A_0 : memref<32832xi32, #tpu.memory_space<vmem>>[vector<16xi32>], vector<16xi32>,
      %mul3A_358 = arith.constant 4 : i32
      %mul3A_359 = arith.muli %scan3A_340, %mul3A_358 : i32
      %add3A_360 = arith.constant 2 : i32
      %add3A_361 = arith.addi %mul3A_359, %add3A_360 : i32
      %mul3A_362 = arith.constant 16 : i32
      %mul3A_363 = arith.muli %add3A_361, %mul3A_362 : i32
      %add3A_364 = vector.broadcast %mul3A_363 : i32 to vector<16xi32>
      %add3A_365 = arith.addi %add3A_364, %iota3A : vector<16xi32>
      tpu.vector_store_idx %arg7[%add3A_365], %broadcast_in_dim3A_0 : memref<32832xi32, #tpu.memory_space<vmem>>[vector<16xi32>], vector<16xi32>,
      %mul3A_366 = arith.constant 4 : i32
      %mul3A_367 = arith.muli %scan3A_340, %mul3A_366 : i32
      %add3A_368 = arith.constant 3 : i32
      %add3A_369 = arith.addi %mul3A_367, %add3A_368 : i32
      %mul3A_370 = arith.constant 16 : i32
      %mul3A_371 = arith.muli %add3A_369, %mul3A_370 : i32
      %add3A_372 = vector.broadcast %mul3A_371 : i32 to vector<16xi32>
      %add3A_373 = arith.addi %add3A_372, %iota3A : vector<16xi32>
      tpu.vector_store_idx %arg7[%add3A_373], %broadcast_in_dim3A_0 : memref<32832xi32, #tpu.memory_space<vmem>>[vector<16xi32>], vector<16xi32>,
      %scan3A_374 = arith.constant 0 : i32
      scf.yield %scan3A_374 : i32
    }
    %scan3A_16 = arith.constant 513 : i32
    %mul3A_17 = arith.constant 65536 : i32
    %mul3A_18 = arith.muli %arg1, %mul3A_17 : i32
    %add3A = arith.constant 0 : i32
    %add3A_19 = arith.addi %mul3A_18, %add3A : i32
    %dma_start3A = tpu.memref_slice %arg2[%add3A_19] : memref<1048576xf32, #tpu.memory_space<hbm>> -> memref<4096xf32, #tpu.memory_space<hbm>>
    %dma_start3A_20 = tpu.memref_slice %arg2[%add3A_19] : memref<1048576xf32, #tpu.memory_space<hbm>> -> memref<4096xf32, #tpu.memory_space<hbm>>
    tpu.enqueue_dma source(%dma_start3A_20 : memref<4096xf32, #tpu.memory_space<hbm>>) target(%arg5 : memref<4096xf32, #tpu.memory_space<vmem>>) target_semaphore(%arg13 : memref<!tpu.dma_semaphore, #tpu.memory_space<semaphore_mem>>)
    %dma_start3A_21 = tpu.memref_slice %arg3[%add3A_19] : memref<1048576xi32, #tpu.memory_space<hbm>> -> memref<4096xi32, #tpu.memory_space<hbm>>
    %dma_start3A_22 = tpu.memref_slice %arg3[%add3A_19] : memref<1048576xi32, #tpu.memory_space<hbm>> -> memref<4096xi32, #tpu.memory_space<hbm>>
    tpu.enqueue_dma source(%dma_start3A_22 : memref<4096xi32, #tpu.memory_space<hbm>>) target(%arg6 : memref<4096xi32, #tpu.memory_space<vmem>>) target_semaphore(%arg14 : memref<!tpu.dma_semaphore, #tpu.memory_space<semaphore_mem>>)
    %scan3A_23 = arith.constant 0 : i32
    %scan3A_24 = arith.constant 0 : i32
    %scan3A_25 = arith.constant 8 : i32
    %scan3A_26 = arith.addi %scan3A_24, %scan3A_25 : i32
    %scan3A_27 = arith.constant 1 : i32
    %scan3A_28 = scf.for %scan3A_340 = %scan3A_24 to %scan3A_26 step %scan3A_27 iter_args(%scan3A_341 = %scan3A_23) -> (i32)  : i32 {
      %mul3A_342 = arith.constant 2 : i32
      %mul3A_343 = arith.muli %scan3A_340, %mul3A_342 : i32
      %add3A_344 = arith.constant 1 : i32
      %add3A_345 = arith.addi %mul3A_343, %add3A_344 : i32
      %mul3A_346 = arith.constant 65536 : i32
      %mul3A_347 = arith.muli %arg1, %mul3A_346 : i32
      %mul3A_348 = arith.constant 4096 : i32
      %mul3A_349 = arith.muli %add3A_345, %mul3A_348 : i32
      %add3A_350 = arith.addi %mul3A_347, %mul3A_349 : i32
      %dma_start3A_351 = tpu.memref_slice %arg2[%add3A_350] : memref<1048576xf32, #tpu.memory_space<hbm>> -> memref<4096xf32, #tpu.memory_space<hbm>>
      %dma_start3A_352 = tpu.memref_slice %arg2[%add3A_350] : memref<1048576xf32, #tpu.memory_space<hbm>> -> memref<4096xf32, #tpu.memory_space<hbm>>
      tpu.enqueue_dma source(%dma_start3A_352 : memref<4096xf32, #tpu.memory_space<hbm>>) target(%arg11 : memref<4096xf32, #tpu.memory_space<vmem>>) target_semaphore(%arg15 : memref<!tpu.dma_semaphore, #tpu.memory_space<semaphore_mem>>)
      %dma_start3A_353 = tpu.memref_slice %arg3[%add3A_350] : memref<1048576xi32, #tpu.memory_space<hbm>> -> memref<4096xi32, #tpu.memory_space<hbm>>
      %dma_start3A_354 = tpu.memref_slice %arg3[%add3A_350] : memref<1048576xi32, #tpu.memory_space<hbm>> -> memref<4096xi32, #tpu.memory_space<hbm>>
      tpu.enqueue_dma source(%dma_start3A_354 : memref<4096xi32, #tpu.memory_space<hbm>>) target(%arg12 : memref<4096xi32, #tpu.memory_space<vmem>>) target_semaphore(%arg16 : memref<!tpu.dma_semaphore, #tpu.memory_space<semaphore_mem>>)
      %dma_wait3A = arith.constant 0 : i32
      %dma_wait3A_355 = tpu.memref_slice %arg2[%dma_wait3A] : memref<1048576xf32, #tpu.memory_space<hbm>> -> memref<4096xf32, #tpu.memory_space<hbm>>
      %dma_wait3A_356 = arith.constant 0 : i32
      %dma_wait3A_357 = tpu.memref_slice %arg2[%dma_wait3A_356] : memref<1048576xf32, #tpu.memory_space<hbm>> -> memref<4096xf32, #tpu.memory_space<hbm>>
      tpu.wait_dma2 semaphore(%arg13 : memref<!tpu.dma_semaphore, #tpu.memory_space<semaphore_mem>>) src(%dma_wait3A_357 : memref<4096xf32, #tpu.memory_space<hbm>>) dst(%arg5 : memref<4096xf32, #tpu.memory_space<vmem>>)
      %dma_wait3A_358 = arith.constant 0 : i32
      %dma_wait3A_359 = tpu.memref_slice %arg3[%dma_wait3A_358] : memref<1048576xi32, #tpu.memory_space<hbm>> -> memref<4096xi32, #tpu.memory_space<hbm>>
      %dma_wait3A_360 = arith.constant 0 : i32
      %dma_wait3A_361 = tpu.memref_slice %arg3[%dma_wait3A_360] : memref<1048576xi32, #tpu.memory_space<hbm>> -> memref<4096xi32, #tpu.memory_space<hbm>>
      tpu.wait_dma2 semaphore(%arg14 : memref<!tpu.dma_semaphore, #tpu.memory_space<semaphore_mem>>) src(%dma_wait3A_361 : memref<4096xi32, #tpu.memory_space<hbm>>) dst(%arg6 : memref<4096xi32, #tpu.memory_space<vmem>>)
      %scan3A_362 = arith.constant 0 : i32
      %scan3A_363 = arith.constant 0 : i32
      %scan3A_364 = arith.constant 64 : i32
      %scan3A_365 = arith.addi %scan3A_363, %scan3A_364 : i32
      %scan3A_366 = arith.constant 1 : i32
      %scan3A_367 = scf.for %scan3A_389 = %scan3A_363 to %scan3A_365 step %scan3A_366 iter_args(%scan3A_390 = %scan3A_362) -> (i32)  : i32 {
        %mul3A_391 = arith.constant 4 : i32
        %mul3A_392 = arith.muli %scan3A_389, %mul3A_391 : i32
        %add3A_393 = arith.constant 0 : i32
        %add3A_394 = arith.addi %mul3A_392, %add3A_393 : i32
        %mul3A_395 = arith.constant 16 : i32
        %mul3A_396 = arith.muli %add3A_394, %mul3A_395 : i32
        %get3A = arith.index_cast %mul3A_396 : i32 to index
        %get3A_397 = tpu.vector_load %arg5[%get3A] {strides = array<i32>} : memref<4096xf32, #tpu.memory_space<vmem>>, vector<16xf32>,
        %get3A_398 = arith.index_cast %mul3A_396 : i32 to index
        %get3A_399 = tpu.vector_load %arg6[%get3A_398] {strides = array<i32>} : memref<4096xi32, #tpu.memory_space<vmem>>, vector<16xi32>,
        %bitcast_convert_type3A_400 = tpu.bitcast %get3A_397 : vector<16xf32> -> vector<16xi32>
        %ge3A_401 = arith.constant -2147483648 : i32
        %ge3A_402 = vector.broadcast %ge3A_401 : i32 to vector<16xi32>
        %ge3A_403 = arith.cmpi uge, %bitcast_convert_type3A_400, %ge3A_402 : vector<16xi32>
        %not3A = arith.constant dense<-1> : vector<16xi32>
        %not3A_404 = arith.xori %bitcast_convert_type3A_400, %not3A : vector<16xi32>
        %or3A_405 = arith.constant -2147483648 : i32
        %or3A_406 = vector.broadcast %or3A_405 : i32 to vector<16xi32>
        %or3A_407 = arith.ori %bitcast_convert_type3A_400, %or3A_406 : vector<16xi32>
        %select_n3A_408 = arith.select %ge3A_403, %not3A_404, %or3A_407 : vector<16xi1>, vector<16xi32>
        %xor3A = arith.xori %select_n3A_408, %select_n3A : vector<16xi32>
        %ge3A_409 = arith.constant 1 : i32
        %ge3A_410 = vector.broadcast %ge3A_409 : i32 to vector<16xi32>
        %ge3A_411 = arith.cmpi sge, %get3A_399, %ge3A_410 : vector<16xi32>
        %eq3A_412 = arith.xori %ge3A_411, %broadcast_in_dim3A_4 : vector<16xi1>
        %eq3A_413 = arith.constant dense<true> : vector<16xi1>
        %eq3A_414 = arith.xori %eq3A_412, %eq3A_413 : vector<16xi1>
        %jit3A_415 = arith.constant 0 : i32
        %broadcast_in_dim3A_416 = vector.broadcast %jit3A_415 : i32 to vector<16xi32>
        %select_n3A_417 = arith.select %eq3A_414, %xor3A, %broadcast_in_dim3A_416 : vector<16xi1>, vector<16xi32>
        %shift_right_logical3A = arith.constant 21 : i32
        %shift_right_logical3A_418 = vector.broadcast %shift_right_logical3A : i32 to vector<16xi32>
        %shift_right_logical3A_419 = arith.shrui %select_n3A_417, %shift_right_logical3A_418 : vector<16xi32>
        %bitcast_convert_type3A_420 = tpu.bitcast %shift_right_logical3A_419 : vector<16xi32> -> vector<16xi32>
        %add3A_421 = arith.addi %mul3A_10, %bitcast_convert_type3A_420 : vector<16xi32>
        tpu.vector_store_idx %arg7[%add3A_421], %broadcast_in_dim3A_2 masked %eq3A_414 {add = true} : memref<32832xi32, #tpu.memory_space<vmem>>[vector<16xi32>], vector<16xi32>, vector<16xi1>
        %mul3A_422 = arith.constant 4 : i32
        %mul3A_423 = arith.muli %scan3A_389, %mul3A_422 : i32
        %add3A_424 = arith.constant 1 : i32
        %add3A_425 = arith.addi %mul3A_423, %add3A_424 : i32
        %mul3A_426 = arith.constant 16 : i32
        %mul3A_427 = arith.muli %add3A_425, %mul3A_426 : i32
        %get3A_428 = arith.index_cast %mul3A_427 : i32 to index
        %get3A_429 = tpu.vector_load %arg5[%get3A_428] {strides = array<i32>} : memref<4096xf32, #tpu.memory_space<vmem>>, vector<16xf32>,
        %get3A_430 = arith.index_cast %mul3A_427 : i32 to index
        %get3A_431 = tpu.vector_load %arg6[%get3A_430] {strides = array<i32>} : memref<4096xi32, #tpu.memory_space<vmem>>, vector<16xi32>,
        %bitcast_convert_type3A_432 = tpu.bitcast %get3A_429 : vector<16xf32> -> vector<16xi32>
        %ge3A_433 = arith.constant -2147483648 : i32
        %ge3A_434 = vector.broadcast %ge3A_433 : i32 to vector<16xi32>
        %ge3A_435 = arith.cmpi uge, %bitcast_convert_type3A_432, %ge3A_434 : vector<16xi32>
        %not3A_436 = arith.constant dense<-1> : vector<16xi32>
        %not3A_437 = arith.xori %bitcast_convert_type3A_432, %not3A_436 : vector<16xi32>
        %or3A_438 = arith.constant -2147483648 : i32
        %or3A_439 = vector.broadcast %or3A_438 : i32 to vector<16xi32>
        %or3A_440 = arith.ori %bitcast_convert_type3A_432, %or3A_439 : vector<16xi32>
        %select_n3A_441 = arith.select %ge3A_435, %not3A_437, %or3A_440 : vector<16xi1>, vector<16xi32>
        %xor3A_442 = arith.xori %select_n3A_441, %select_n3A : vector<16xi32>
        %ge3A_443 = arith.constant 1 : i32
        %ge3A_444 = vector.broadcast %ge3A_443 : i32 to vector<16xi32>
        %ge3A_445 = arith.cmpi sge, %get3A_431, %ge3A_444 : vector<16xi32>
        %eq3A_446 = arith.xori %ge3A_445, %broadcast_in_dim3A_4 : vector<16xi1>
        %eq3A_447 = arith.constant dense<true> : vector<16xi1>
        %eq3A_448 = arith.xori %eq3A_446, %eq3A_447 : vector<16xi1>
        %jit3A_449 = arith.constant 0 : i32
        %broadcast_in_dim3A_450 = vector.broadcast %jit3A_449 : i32 to vector<16xi32>
        %select_n3A_451 = arith.select %eq3A_448, %xor3A_442, %broadcast_in_dim3A_450 : vector<16xi1>, vector<16xi32>
        %shift_right_logical3A_452 = arith.constant 21 : i32
        %shift_right_logical3A_453 = vector.broadcast %shift_right_logical3A_452 : i32 to vector<16xi32>
        %shift_right_logical3A_454 = arith.shrui %select_n3A_451, %shift_right_logical3A_453 : vector<16xi32>
        %bitcast_convert_type3A_455 = tpu.bitcast %shift_right_logical3A_454 : vector<16xi32> -> vector<16xi32>
        %add3A_456 = arith.addi %mul3A_10, %bitcast_convert_type3A_455 : vector<16xi32>
        tpu.vector_store_idx %arg7[%add3A_456], %broadcast_in_dim3A_2 masked %eq3A_448 {add = true} : memref<32832xi32, #tpu.memory_space<vmem>>[vector<16xi32>], vector<16xi32>, vector<16xi1>
        %mul3A_457 = arith.constant 4 : i32
        %mul3A_458 = arith.muli %scan3A_389, %mul3A_457 : i32
        %add3A_459 = arith.constant 2 : i32
        %add3A_460 = arith.addi %mul3A_458, %add3A_459 : i32
        %mul3A_461 = arith.constant 16 : i32
        %mul3A_462 = arith.muli %add3A_460, %mul3A_461 : i32
        %get3A_463 = arith.index_cast %mul3A_462 : i32 to index
        %get3A_464 = tpu.vector_load %arg5[%get3A_463] {strides = array<i32>} : memref<4096xf32, #tpu.memory_space<vmem>>, vector<16xf32>,
        %get3A_465 = arith.index_cast %mul3A_462 : i32 to index
        %get3A_466 = tpu.vector_load %arg6[%get3A_465] {strides = array<i32>} : memref<4096xi32, #tpu.memory_space<vmem>>, vector<16xi32>,
        %bitcast_convert_type3A_467 = tpu.bitcast %get3A_464 : vector<16xf32> -> vector<16xi32>
        %ge3A_468 = arith.constant -2147483648 : i32
        %ge3A_469 = vector.broadcast %ge3A_468 : i32 to vector<16xi32>
        %ge3A_470 = arith.cmpi uge, %bitcast_convert_type3A_467, %ge3A_469 : vector<16xi32>
        %not3A_471 = arith.constant dense<-1> : vector<16xi32>
        %not3A_472 = arith.xori %bitcast_convert_type3A_467, %not3A_471 : vector<16xi32>
        %or3A_473 = arith.constant -2147483648 : i32
        %or3A_474 = vector.broadcast %or3A_473 : i32 to vector<16xi32>
        %or3A_475 = arith.ori %bitcast_convert_type3A_467, %or3A_474 : vector<16xi32>
        %select_n3A_476 = arith.select %ge3A_470, %not3A_472, %or3A_475 : vector<16xi1>, vector<16xi32>
        %xor3A_477 = arith.xori %select_n3A_476, %select_n3A : vector<16xi32>
        %ge3A_478 = arith.constant 1 : i32
        %ge3A_479 = vector.broadcast %ge3A_478 : i32 to vector<16xi32>
        %ge3A_480 = arith.cmpi sge, %get3A_466, %ge3A_479 : vector<16xi32>
        %eq3A_481 = arith.xori %ge3A_480, %broadcast_in_dim3A_4 : vector<16xi1>
        %eq3A_482 = arith.constant dense<true> : vector<16xi1>
        %eq3A_483 = arith.xori %eq3A_481, %eq3A_482 : vector<16xi1>
        %jit3A_484 = arith.constant 0 : i32
        %broadcast_in_dim3A_485 = vector.broadcast %jit3A_484 : i32 to vector<16xi32>
        %select_n3A_486 = arith.select %eq3A_483, %xor3A_477, %broadcast_in_dim3A_485 : vector<16xi1>, vector<16xi32>
        %shift_right_logical3A_487 = arith.constant 21 : i32
        %shift_right_logical3A_488 = vector.broadcast %shift_right_logical3A_487 : i32 to vector<16xi32>
        %shift_right_logical3A_489 = arith.shrui %select_n3A_486, %shift_right_logical3A_488 : vector<16xi32>
        %bitcast_convert_type3A_490 = tpu.bitcast %shift_right_logical3A_489 : vector<16xi32> -> vector<16xi32>
        %add3A_491 = arith.addi %mul3A_10, %bitcast_convert_type3A_490 : vector<16xi32>
        tpu.vector_store_idx %arg7[%add3A_491], %broadcast_in_dim3A_2 masked %eq3A_483 {add = true} : memref<32832xi32, #tpu.memory_space<vmem>>[vector<16xi32>], vector<16xi32>, vector<16xi1>
        %mul3A_492 = arith.constant 4 : i32
        %mul3A_493 = arith.muli %scan3A_389, %mul3A_492 : i32
        %add3A_494 = arith.constant 3 : i32
        %add3A_495 = arith.addi %mul3A_493, %add3A_494 : i32
        %mul3A_496 = arith.constant 16 : i32
        %mul3A_497 = arith.muli %add3A_495, %mul3A_496 : i32
        %get3A_498 = arith.index_cast %mul3A_497 : i32 to index
        %get3A_499 = tpu.vector_load %arg5[%get3A_498] {strides = array<i32>} : memref<4096xf32, #tpu.memory_space<vmem>>, vector<16xf32>,
        %get3A_500 = arith.index_cast %mul3A_497 : i32 to index
        %get3A_501 = tpu.vector_load %arg6[%get3A_500] {strides = array<i32>} : memref<4096xi32, #tpu.memory_space<vmem>>, vector<16xi32>,
        %bitcast_convert_type3A_502 = tpu.bitcast %get3A_499 : vector<16xf32> -> vector<16xi32>
        %ge3A_503 = arith.constant -2147483648 : i32
        %ge3A_504 = vector.broadcast %ge3A_503 : i32 to vector<16xi32>
        %ge3A_505 = arith.cmpi uge, %bitcast_convert_type3A_502, %ge3A_504 : vector<16xi32>
        %not3A_506 = arith.constant dense<-1> : vector<16xi32>
        %not3A_507 = arith.xori %bitcast_convert_type3A_502, %not3A_506 : vector<16xi32>
        %or3A_508 = arith.constant -2147483648 : i32
        %or3A_509 = vector.broadcast %or3A_508 : i32 to vector<16xi32>
        %or3A_510 = arith.ori %bitcast_convert_type3A_502, %or3A_509 : vector<16xi32>
        %select_n3A_511 = arith.select %ge3A_505, %not3A_507, %or3A_510 : vector<16xi1>, vector<16xi32>
        %xor3A_512 = arith.xori %select_n3A_511, %select_n3A : vector<16xi32>
        %ge3A_513 = arith.constant 1 : i32
        %ge3A_514 = vector.broadcast %ge3A_513 : i32 to vector<16xi32>
        %ge3A_515 = arith.cmpi sge, %get3A_501, %ge3A_514 : vector<16xi32>
        %eq3A_516 = arith.xori %ge3A_515, %broadcast_in_dim3A_4 : vector<16xi1>
        %eq3A_517 = arith.constant dense<true> : vector<16xi1>
        %eq3A_518 = arith.xori %eq3A_516, %eq3A_517 : vector<16xi1>
        %jit3A_519 = arith.constant 0 : i32
        %broadcast_in_dim3A_520 = vector.broadcast %jit3A_519 : i32 to vector<16xi32>
        %select_n3A_521 = arith.select %eq3A_518, %xor3A_512, %broadcast_in_dim3A_520 : vector<16xi1>, vector<16xi32>
        %shift_right_logical3A_522 = arith.constant 21 : i32
        %shift_right_logical3A_523 = vector.broadcast %shift_right_logical3A_522 : i32 to vector<16xi32>
        %shift_right_logical3A_524 = arith.shrui %select_n3A_521, %shift_right_logical3A_523 : vector<16xi32>
        %bitcast_convert_type3A_525 = tpu.bitcast %shift_right_logical3A_524 : vector<16xi32> -> vector<16xi32>
        %add3A_526 = arith.addi %mul3A_10, %bitcast_convert_type3A_525 : vector<16xi32>
        tpu.vector_store_idx %arg7[%add3A_526], %broadcast_in_dim3A_2 masked %eq3A_518 {add = true} : memref<32832xi32, #tpu.memory_space<vmem>>[vector<16xi32>], vector<16xi32>, vector<16xi1>
        %scan3A_527 = arith.constant 0 : i32
        scf.yield %scan3A_527 : i32
      }
      %scan3A_368 = arith.constant 64 : i32
      %lt3A = arith.constant 7 : i32
      %lt3A_369 = arith.cmpi slt, %scan3A_340, %lt3A : i32
      %convert_element_type3A_370 = arith.extui %lt3A_369 : i1 to i32
      %cond3A_371 = arith.constant 0 : i32
      %cond3A_372 = arith.cmpi ne, %convert_element_type3A_370, %cond3A_371 : i32
      scf.if %cond3A_372 {
        %add3A_389 = arith.constant 2 : i32
        %add3A_390 = arith.addi %mul3A_343, %add3A_389 : i32
        %mul3A_391 = arith.constant 65536 : i32
        %mul3A_392 = arith.muli %arg1, %mul3A_391 : i32
        %mul3A_393 = arith.constant 4096 : i32
        %mul3A_394 = arith.muli %add3A_390, %mul3A_393 : i32
        %add3A_395 = arith.addi %mul3A_392, %mul3A_394 : i32
        %dma_start3A_396 = tpu.memref_slice %arg2[%add3A_395] : memref<1048576xf32, #tpu.memory_space<hbm>> -> memref<4096xf32, #tpu.memory_space<hbm>>
        %dma_start3A_397 = tpu.memref_slice %arg2[%add3A_395] : memref<1048576xf32, #tpu.memory_space<hbm>> -> memref<4096xf32, #tpu.memory_space<hbm>>
        tpu.enqueue_dma source(%dma_start3A_397 : memref<4096xf32, #tpu.memory_space<hbm>>) target(%arg5 : memref<4096xf32, #tpu.memory_space<vmem>>) target_semaphore(%arg13 : memref<!tpu.dma_semaphore, #tpu.memory_space<semaphore_mem>>)
        %dma_start3A_398 = tpu.memref_slice %arg3[%add3A_395] : memref<1048576xi32, #tpu.memory_space<hbm>> -> memref<4096xi32, #tpu.memory_space<hbm>>
        %dma_start3A_399 = tpu.memref_slice %arg3[%add3A_395] : memref<1048576xi32, #tpu.memory_space<hbm>> -> memref<4096xi32, #tpu.memory_space<hbm>>
        tpu.enqueue_dma source(%dma_start3A_399 : memref<4096xi32, #tpu.memory_space<hbm>>) target(%arg6 : memref<4096xi32, #tpu.memory_space<vmem>>) target_semaphore(%arg14 : memref<!tpu.dma_semaphore, #tpu.memory_space<semaphore_mem>>)
      } else {
      }
      %dma_wait3A_373 = arith.constant 0 : i32
      %dma_wait3A_374 = tpu.memref_slice %arg2[%dma_wait3A_373] : memref<1048576xf32, #tpu.memory_space<hbm>> -> memref<4096xf32, #tpu.memory_space<hbm>>
      %dma_wait3A_375 = arith.constant 0 : i32
      %dma_wait3A_376 = tpu.memref_slice %arg2[%dma_wait3A_375] : memref<1048576xf32, #tpu.memory_space<hbm>> -> memref<4096xf32, #tpu.memory_space<hbm>>
      tpu.wait_dma2 semaphore(%arg15 : memref<!tpu.dma_semaphore, #tpu.memory_space<semaphore_mem>>) src(%dma_wait3A_376 : memref<4096xf32, #tpu.memory_space<hbm>>) dst(%arg11 : memref<4096xf32, #tpu.memory_space<vmem>>)
      %dma_wait3A_377 = arith.constant 0 : i32
      %dma_wait3A_378 = tpu.memref_slice %arg3[%dma_wait3A_377] : memref<1048576xi32, #tpu.memory_space<hbm>> -> memref<4096xi32, #tpu.memory_space<hbm>>
      %dma_wait3A_379 = arith.constant 0 : i32
      %dma_wait3A_380 = tpu.memref_slice %arg3[%dma_wait3A_379] : memref<1048576xi32, #tpu.memory_space<hbm>> -> memref<4096xi32, #tpu.memory_space<hbm>>
      tpu.wait_dma2 semaphore(%arg16 : memref<!tpu.dma_semaphore, #tpu.memory_space<semaphore_mem>>) src(%dma_wait3A_380 : memref<4096xi32, #tpu.memory_space<hbm>>) dst(%arg12 : memref<4096xi32, #tpu.memory_space<vmem>>)
      %scan3A_381 = arith.constant 0 : i32
      %scan3A_382 = arith.constant 0 : i32
      %scan3A_383 = arith.constant 64 : i32
      %scan3A_384 = arith.addi %scan3A_382, %scan3A_383 : i32
      %scan3A_385 = arith.constant 1 : i32
      %scan3A_386 = scf.for %scan3A_389 = %scan3A_382 to %scan3A_384 step %scan3A_385 iter_args(%scan3A_390 = %scan3A_381) -> (i32)  : i32 {
        %mul3A_391 = arith.constant 4 : i32
        %mul3A_392 = arith.muli %scan3A_389, %mul3A_391 : i32
        %add3A_393 = arith.constant 0 : i32
        %add3A_394 = arith.addi %mul3A_392, %add3A_393 : i32
        %mul3A_395 = arith.constant 16 : i32
        %mul3A_396 = arith.muli %add3A_394, %mul3A_395 : i32
        %get3A = arith.index_cast %mul3A_396 : i32 to index
        %get3A_397 = tpu.vector_load %arg11[%get3A] {strides = array<i32>} : memref<4096xf32, #tpu.memory_space<vmem>>, vector<16xf32>,
        %get3A_398 = arith.index_cast %mul3A_396 : i32 to index
        %get3A_399 = tpu.vector_load %arg12[%get3A_398] {strides = array<i32>} : memref<4096xi32, #tpu.memory_space<vmem>>, vector<16xi32>,
        %bitcast_convert_type3A_400 = tpu.bitcast %get3A_397 : vector<16xf32> -> vector<16xi32>
        %ge3A_401 = arith.constant -2147483648 : i32
        %ge3A_402 = vector.broadcast %ge3A_401 : i32 to vector<16xi32>
        %ge3A_403 = arith.cmpi uge, %bitcast_convert_type3A_400, %ge3A_402 : vector<16xi32>
        %not3A = arith.constant dense<-1> : vector<16xi32>
        %not3A_404 = arith.xori %bitcast_convert_type3A_400, %not3A : vector<16xi32>
        %or3A_405 = arith.constant -2147483648 : i32
        %or3A_406 = vector.broadcast %or3A_405 : i32 to vector<16xi32>
        %or3A_407 = arith.ori %bitcast_convert_type3A_400, %or3A_406 : vector<16xi32>
        %select_n3A_408 = arith.select %ge3A_403, %not3A_404, %or3A_407 : vector<16xi1>, vector<16xi32>
        %xor3A = arith.xori %select_n3A_408, %select_n3A : vector<16xi32>
        %ge3A_409 = arith.constant 1 : i32
        %ge3A_410 = vector.broadcast %ge3A_409 : i32 to vector<16xi32>
        %ge3A_411 = arith.cmpi sge, %get3A_399, %ge3A_410 : vector<16xi32>
        %eq3A_412 = arith.xori %ge3A_411, %broadcast_in_dim3A_4 : vector<16xi1>
        %eq3A_413 = arith.constant dense<true> : vector<16xi1>
        %eq3A_414 = arith.xori %eq3A_412, %eq3A_413 : vector<16xi1>
        %jit3A_415 = arith.constant 0 : i32
        %broadcast_in_dim3A_416 = vector.broadcast %jit3A_415 : i32 to vector<16xi32>
        %select_n3A_417 = arith.select %eq3A_414, %xor3A, %broadcast_in_dim3A_416 : vector<16xi1>, vector<16xi32>
        %shift_right_logical3A = arith.constant 21 : i32
        %shift_right_logical3A_418 = vector.broadcast %shift_right_logical3A : i32 to vector<16xi32>
        %shift_right_logical3A_419 = arith.shrui %select_n3A_417, %shift_right_logical3A_418 : vector<16xi32>
        %bitcast_convert_type3A_420 = tpu.bitcast %shift_right_logical3A_419 : vector<16xi32> -> vector<16xi32>
        %add3A_421 = arith.addi %mul3A_10, %bitcast_convert_type3A_420 : vector<16xi32>
        tpu.vector_store_idx %arg7[%add3A_421], %broadcast_in_dim3A_2 masked %eq3A_414 {add = true} : memref<32832xi32, #tpu.memory_space<vmem>>[vector<16xi32>], vector<16xi32>, vector<16xi1>
        %mul3A_422 = arith.constant 4 : i32
        %mul3A_423 = arith.muli %scan3A_389, %mul3A_422 : i32
        %add3A_424 = arith.constant 1 : i32
        %add3A_425 = arith.addi %mul3A_423, %add3A_424 : i32
        %mul3A_426 = arith.constant 16 : i32
        %mul3A_427 = arith.muli %add3A_425, %mul3A_426 : i32
        %get3A_428 = arith.index_cast %mul3A_427 : i32 to index
        %get3A_429 = tpu.vector_load %arg11[%get3A_428] {strides = array<i32>} : memref<4096xf32, #tpu.memory_space<vmem>>, vector<16xf32>,
        %get3A_430 = arith.index_cast %mul3A_427 : i32 to index
        %get3A_431 = tpu.vector_load %arg12[%get3A_430] {strides = array<i32>} : memref<4096xi32, #tpu.memory_space<vmem>>, vector<16xi32>,
        %bitcast_convert_type3A_432 = tpu.bitcast %get3A_429 : vector<16xf32> -> vector<16xi32>
        %ge3A_433 = arith.constant -2147483648 : i32
        %ge3A_434 = vector.broadcast %ge3A_433 : i32 to vector<16xi32>
        %ge3A_435 = arith.cmpi uge, %bitcast_convert_type3A_432, %ge3A_434 : vector<16xi32>
        %not3A_436 = arith.constant dense<-1> : vector<16xi32>
        %not3A_437 = arith.xori %bitcast_convert_type3A_432, %not3A_436 : vector<16xi32>
        %or3A_438 = arith.constant -2147483648 : i32
        %or3A_439 = vector.broadcast %or3A_438 : i32 to vector<16xi32>
        %or3A_440 = arith.ori %bitcast_convert_type3A_432, %or3A_439 : vector<16xi32>
        %select_n3A_441 = arith.select %ge3A_435, %not3A_437, %or3A_440 : vector<16xi1>, vector<16xi32>
        %xor3A_442 = arith.xori %select_n3A_441, %select_n3A : vector<16xi32>
        %ge3A_443 = arith.constant 1 : i32
        %ge3A_444 = vector.broadcast %ge3A_443 : i32 to vector<16xi32>
        %ge3A_445 = arith.cmpi sge, %get3A_431, %ge3A_444 : vector<16xi32>
        %eq3A_446 = arith.xori %ge3A_445, %broadcast_in_dim3A_4 : vector<16xi1>
        %eq3A_447 = arith.constant dense<true> : vector<16xi1>
        %eq3A_448 = arith.xori %eq3A_446, %eq3A_447 : vector<16xi1>
        %jit3A_449 = arith.constant 0 : i32
        %broadcast_in_dim3A_450 = vector.broadcast %jit3A_449 : i32 to vector<16xi32>
        %select_n3A_451 = arith.select %eq3A_448, %xor3A_442, %broadcast_in_dim3A_450 : vector<16xi1>, vector<16xi32>
        %shift_right_logical3A_452 = arith.constant 21 : i32
        %shift_right_logical3A_453 = vector.broadcast %shift_right_logical3A_452 : i32 to vector<16xi32>
        %shift_right_logical3A_454 = arith.shrui %select_n3A_451, %shift_right_logical3A_453 : vector<16xi32>
        %bitcast_convert_type3A_455 = tpu.bitcast %shift_right_logical3A_454 : vector<16xi32> -> vector<16xi32>
        %add3A_456 = arith.addi %mul3A_10, %bitcast_convert_type3A_455 : vector<16xi32>
        tpu.vector_store_idx %arg7[%add3A_456], %broadcast_in_dim3A_2 masked %eq3A_448 {add = true} : memref<32832xi32, #tpu.memory_space<vmem>>[vector<16xi32>], vector<16xi32>, vector<16xi1>
        %mul3A_457 = arith.constant 4 : i32
        %mul3A_458 = arith.muli %scan3A_389, %mul3A_457 : i32
        %add3A_459 = arith.constant 2 : i32
        %add3A_460 = arith.addi %mul3A_458, %add3A_459 : i32
        %mul3A_461 = arith.constant 16 : i32
        %mul3A_462 = arith.muli %add3A_460, %mul3A_461 : i32
        %get3A_463 = arith.index_cast %mul3A_462 : i32 to index
        %get3A_464 = tpu.vector_load %arg11[%get3A_463] {strides = array<i32>} : memref<4096xf32, #tpu.memory_space<vmem>>, vector<16xf32>,
        %get3A_465 = arith.index_cast %mul3A_462 : i32 to index
        %get3A_466 = tpu.vector_load %arg12[%get3A_465] {strides = array<i32>} : memref<4096xi32, #tpu.memory_space<vmem>>, vector<16xi32>,
        %bitcast_convert_type3A_467 = tpu.bitcast %get3A_464 : vector<16xf32> -> vector<16xi32>
        %ge3A_468 = arith.constant -2147483648 : i32
        %ge3A_469 = vector.broadcast %ge3A_468 : i32 to vector<16xi32>
        %ge3A_470 = arith.cmpi uge, %bitcast_convert_type3A_467, %ge3A_469 : vector<16xi32>
        %not3A_471 = arith.constant dense<-1> : vector<16xi32>
        %not3A_472 = arith.xori %bitcast_convert_type3A_467, %not3A_471 : vector<16xi32>
        %or3A_473 = arith.constant -2147483648 : i32
        %or3A_474 = vector.broadcast %or3A_473 : i32 to vector<16xi32>
        %or3A_475 = arith.ori %bitcast_convert_type3A_467, %or3A_474 : vector<16xi32>
        %select_n3A_476 = arith.select %ge3A_470, %not3A_472, %or3A_475 : vector<16xi1>, vector<16xi32>
        %xor3A_477 = arith.xori %select_n3A_476, %select_n3A : vector<16xi32>
        %ge3A_478 = arith.constant 1 : i32
        %ge3A_479 = vector.broadcast %ge3A_478 : i32 to vector<16xi32>
        %ge3A_480 = arith.cmpi sge, %get3A_466, %ge3A_479 : vector<16xi32>
        %eq3A_481 = arith.xori %ge3A_480, %broadcast_in_dim3A_4 : vector<16xi1>
        %eq3A_482 = arith.constant dense<true> : vector<16xi1>
        %eq3A_483 = arith.xori %eq3A_481, %eq3A_482 : vector<16xi1>
        %jit3A_484 = arith.constant 0 : i32
        %broadcast_in_dim3A_485 = vector.broadcast %jit3A_484 : i32 to vector<16xi32>
        %select_n3A_486 = arith.select %eq3A_483, %xor3A_477, %broadcast_in_dim3A_485 : vector<16xi1>, vector<16xi32>
        %shift_right_logical3A_487 = arith.constant 21 : i32
        %shift_right_logical3A_488 = vector.broadcast %shift_right_logical3A_487 : i32 to vector<16xi32>
        %shift_right_logical3A_489 = arith.shrui %select_n3A_486, %shift_right_logical3A_488 : vector<16xi32>
        %bitcast_convert_type3A_490 = tpu.bitcast %shift_right_logical3A_489 : vector<16xi32> -> vector<16xi32>
        %add3A_491 = arith.addi %mul3A_10, %bitcast_convert_type3A_490 : vector<16xi32>
        tpu.vector_store_idx %arg7[%add3A_491], %broadcast_in_dim3A_2 masked %eq3A_483 {add = true} : memref<32832xi32, #tpu.memory_space<vmem>>[vector<16xi32>], vector<16xi32>, vector<16xi1>
        %mul3A_492 = arith.constant 4 : i32
        %mul3A_493 = arith.muli %scan3A_389, %mul3A_492 : i32
        %add3A_494 = arith.constant 3 : i32
        %add3A_495 = arith.addi %mul3A_493, %add3A_494 : i32
        %mul3A_496 = arith.constant 16 : i32
        %mul3A_497 = arith.muli %add3A_495, %mul3A_496 : i32
        %get3A_498 = arith.index_cast %mul3A_497 : i32 to index
        %get3A_499 = tpu.vector_load %arg11[%get3A_498] {strides = array<i32>} : memref<4096xf32, #tpu.memory_space<vmem>>, vector<16xf32>,
        %get3A_500 = arith.index_cast %mul3A_497 : i32 to index
        %get3A_501 = tpu.vector_load %arg12[%get3A_500] {strides = array<i32>} : memref<4096xi32, #tpu.memory_space<vmem>>, vector<16xi32>,
        %bitcast_convert_type3A_502 = tpu.bitcast %get3A_499 : vector<16xf32> -> vector<16xi32>
        %ge3A_503 = arith.constant -2147483648 : i32
        %ge3A_504 = vector.broadcast %ge3A_503 : i32 to vector<16xi32>
        %ge3A_505 = arith.cmpi uge, %bitcast_convert_type3A_502, %ge3A_504 : vector<16xi32>
        %not3A_506 = arith.constant dense<-1> : vector<16xi32>
        %not3A_507 = arith.xori %bitcast_convert_type3A_502, %not3A_506 : vector<16xi32>
        %or3A_508 = arith.constant -2147483648 : i32
        %or3A_509 = vector.broadcast %or3A_508 : i32 to vector<16xi32>
        %or3A_510 = arith.ori %bitcast_convert_type3A_502, %or3A_509 : vector<16xi32>
        %select_n3A_511 = arith.select %ge3A_505, %not3A_507, %or3A_510 : vector<16xi1>, vector<16xi32>
        %xor3A_512 = arith.xori %select_n3A_511, %select_n3A : vector<16xi32>
        %ge3A_513 = arith.constant 1 : i32
        %ge3A_514 = vector.broadcast %ge3A_513 : i32 to vector<16xi32>
        %ge3A_515 = arith.cmpi sge, %get3A_501, %ge3A_514 : vector<16xi32>
        %eq3A_516 = arith.xori %ge3A_515, %broadcast_in_dim3A_4 : vector<16xi1>
        %eq3A_517 = arith.constant dense<true> : vector<16xi1>
        %eq3A_518 = arith.xori %eq3A_516, %eq3A_517 : vector<16xi1>
        %jit3A_519 = arith.constant 0 : i32
        %broadcast_in_dim3A_520 = vector.broadcast %jit3A_519 : i32 to vector<16xi32>
        %select_n3A_521 = arith.select %eq3A_518, %xor3A_512, %broadcast_in_dim3A_520 : vector<16xi1>, vector<16xi32>
        %shift_right_logical3A_522 = arith.constant 21 : i32
        %shift_right_logical3A_523 = vector.broadcast %shift_right_logical3A_522 : i32 to vector<16xi32>
        %shift_right_logical3A_524 = arith.shrui %select_n3A_521, %shift_right_logical3A_523 : vector<16xi32>
        %bitcast_convert_type3A_525 = tpu.bitcast %shift_right_logical3A_524 : vector<16xi32> -> vector<16xi32>
        %add3A_526 = arith.addi %mul3A_10, %bitcast_convert_type3A_525 : vector<16xi32>
        tpu.vector_store_idx %arg7[%add3A_526], %broadcast_in_dim3A_2 masked %eq3A_518 {add = true} : memref<32832xi32, #tpu.memory_space<vmem>>[vector<16xi32>], vector<16xi32>, vector<16xi1>
        %scan3A_527 = arith.constant 0 : i32
        scf.yield %scan3A_527 : i32
      }
      %scan3A_387 = arith.constant 64 : i32
      %scan3A_388 = arith.constant 0 : i32
      scf.yield %scan3A_388 : i32
    }
    %scan3A_29 = arith.constant 8 : i32
    %scan3A_30 = arith.constant 0 : i32
    %scan3A_31 = arith.constant 0 : i32
    %scan3A_32 = arith.constant 128 : i32
    %scan3A_33 = arith.addi %scan3A_31, %scan3A_32 : i32
    %scan3A_34 = arith.constant 1 : i32
    %scan3A_35 = scf.for %scan3A_340 = %scan3A_31 to %scan3A_33 step %scan3A_34 iter_args(%scan3A_341 = %scan3A_30) -> (i32)  : i32 {
      %mul3A_342 = arith.constant 16 : i32
      %mul3A_343 = arith.muli %scan3A_340, %mul3A_342 : i32
      %add3A_344 = arith.constant 0 : i32
      %add3A_345 = arith.addi %add3A_344, %mul3A_343 : i32
      %add3A_346 = vector.broadcast %add3A_345 : i32 to vector<16xi32>
      %add3A_347 = arith.addi %add3A_346, %iota3A : vector<16xi32>
      %gather3A = tpu.vector_load_idx %arg7[%add3A_347] : memref<32832xi32, #tpu.memory_space<vmem>>[vector<16xi32>], vector<16xi32>,
      %add3A_348 = arith.addi %broadcast_in_dim3A_0, %gather3A : vector<16xi32>
      %add3A_349 = arith.constant 2049 : i32
      %add3A_350 = arith.addi %add3A_349, %mul3A_343 : i32
      %add3A_351 = vector.broadcast %add3A_350 : i32 to vector<16xi32>
      %add3A_352 = arith.addi %add3A_351, %iota3A : vector<16xi32>
      %gather3A_353 = tpu.vector_load_idx %arg7[%add3A_352] : memref<32832xi32, #tpu.memory_space<vmem>>[vector<16xi32>], vector<16xi32>,
      %add3A_354 = arith.addi %add3A_348, %gather3A_353 : vector<16xi32>
      %add3A_355 = arith.constant 4098 : i32
      %add3A_356 = arith.addi %add3A_355, %mul3A_343 : i32
      %add3A_357 = vector.broadcast %add3A_356 : i32 to vector<16xi32>
      %add3A_358 = arith.addi %add3A_357, %iota3A : vector<16xi32>
      %gather3A_359 = tpu.vector_load_idx %arg7[%add3A_358] : memref<32832xi32, #tpu.memory_space<vmem>>[vector<16xi32>], vector<16xi32>,
      %add3A_360 = arith.addi %add3A_354, %gather3A_359 : vector<16xi32>
      %add3A_361 = arith.constant 6147 : i32
      %add3A_362 = arith.addi %add3A_361, %mul3A_343 : i32
      %add3A_363 = vector.broadcast %add3A_362 : i32 to vector<16xi32>
      %add3A_364 = arith.addi %add3A_363, %iota3A : vector<16xi32>
      %gather3A_365 = tpu.vector_load_idx %arg7[%add3A_364] : memref<32832xi32, #tpu.memory_space<vmem>>[vector<16xi32>], vector<16xi32>,
      %add3A_366 = arith.addi %add3A_360, %gather3A_365 : vector<16xi32>
      %add3A_367 = arith.constant 8196 : i32
      %add3A_368 = arith.addi %add3A_367, %mul3A_343 : i32
      %add3A_369 = vector.broadcast %add3A_368 : i32 to vector<16xi32>
      %add3A_370 = arith.addi %add3A_369, %iota3A : vector<16xi32>
      %gather3A_371 = tpu.vector_load_idx %arg7[%add3A_370] : memref<32832xi32, #tpu.memory_space<vmem>>[vector<16xi32>], vector<16xi32>,
      %add3A_372 = arith.addi %add3A_366, %gather3A_371 : vector<16xi32>
      %add3A_373 = arith.constant 10245 : i32
      %add3A_374 = arith.addi %add3A_373, %mul3A_343 : i32
      %add3A_375 = vector.broadcast %add3A_374 : i32 to vector<16xi32>
      %add3A_376 = arith.addi %add3A_375, %iota3A : vector<16xi32>
      %gather3A_377 = tpu.vector_load_idx %arg7[%add3A_376] : memref<32832xi32, #tpu.memory_space<vmem>>[vector<16xi32>], vector<16xi32>,
      %add3A_378 = arith.addi %add3A_372, %gather3A_377 : vector<16xi32>
      %add3A_379 = arith.constant 12294 : i32
      %add3A_380 = arith.addi %add3A_379, %mul3A_343 : i32
      %add3A_381 = vector.broadcast %add3A_380 : i32 to vector<16xi32>
      %add3A_382 = arith.addi %add3A_381, %iota3A : vector<16xi32>
      %gather3A_383 = tpu.vector_load_idx %arg7[%add3A_382] : memref<32832xi32, #tpu.memory_space<vmem>>[vector<16xi32>], vector<16xi32>,
      %add3A_384 = arith.addi %add3A_378, %gather3A_383 : vector<16xi32>
      %add3A_385 = arith.constant 14343 : i32
      %add3A_386 = arith.addi %add3A_385, %mul3A_343 : i32
      %add3A_387 = vector.broadcast %add3A_386 : i32 to vector<16xi32>
      %add3A_388 = arith.addi %add3A_387, %iota3A : vector<16xi32>
      %gather3A_389 = tpu.vector_load_idx %arg7[%add3A_388] : memref<32832xi32, #tpu.memory_space<vmem>>[vector<16xi32>], vector<16xi32>,
      %add3A_390 = arith.addi %add3A_384, %gather3A_389 : vector<16xi32>
      %add3A_391 = arith.constant 16392 : i32
      %add3A_392 = arith.addi %add3A_391, %mul3A_343 : i32
      %add3A_393 = vector.broadcast %add3A_392 : i32 to vector<16xi32>
      %add3A_394 = arith.addi %add3A_393, %iota3A : vector<16xi32>
      %gather3A_395 = tpu.vector_load_idx %arg7[%add3A_394] : memref<32832xi32, #tpu.memory_space<vmem>>[vector<16xi32>], vector<16xi32>,
      %add3A_396 = arith.addi %add3A_390, %gather3A_395 : vector<16xi32>
      %add3A_397 = arith.constant 18441 : i32
      %add3A_398 = arith.addi %add3A_397, %mul3A_343 : i32
      %add3A_399 = vector.broadcast %add3A_398 : i32 to vector<16xi32>
      %add3A_400 = arith.addi %add3A_399, %iota3A : vector<16xi32>
      %gather3A_401 = tpu.vector_load_idx %arg7[%add3A_400] : memref<32832xi32, #tpu.memory_space<vmem>>[vector<16xi32>], vector<16xi32>,
      %add3A_402 = arith.addi %add3A_396, %gather3A_401 : vector<16xi32>
      %add3A_403 = arith.constant 20490 : i32
      %add3A_404 = arith.addi %add3A_403, %mul3A_343 : i32
      %add3A_405 = vector.broadcast %add3A_404 : i32 to vector<16xi32>
      %add3A_406 = arith.addi %add3A_405, %iota3A : vector<16xi32>
      %gather3A_407 = tpu.vector_load_idx %arg7[%add3A_406] : memref<32832xi32, #tpu.memory_space<vmem>>[vector<16xi32>], vector<16xi32>,
      %add3A_408 = arith.addi %add3A_402, %gather3A_407 : vector<16xi32>
      %add3A_409 = arith.constant 22539 : i32
      %add3A_410 = arith.addi %add3A_409, %mul3A_343 : i32
      %add3A_411 = vector.broadcast %add3A_410 : i32 to vector<16xi32>
      %add3A_412 = arith.addi %add3A_411, %iota3A : vector<16xi32>
      %gather3A_413 = tpu.vector_load_idx %arg7[%add3A_412] : memref<32832xi32, #tpu.memory_space<vmem>>[vector<16xi32>], vector<16xi32>,
      %add3A_414 = arith.addi %add3A_408, %gather3A_413 : vector<16xi32>
      %add3A_415 = arith.constant 24588 : i32
      %add3A_416 = arith.addi %add3A_415, %mul3A_343 : i32
      %add3A_417 = vector.broadcast %add3A_416 : i32 to vector<16xi32>
      %add3A_418 = arith.addi %add3A_417, %iota3A : vector<16xi32>
      %gather3A_419 = tpu.vector_load_idx %arg7[%add3A_418] : memref<32832xi32, #tpu.memory_space<vmem>>[vector<16xi32>], vector<16xi32>,
      %add3A_420 = arith.addi %add3A_414, %gather3A_419 : vector<16xi32>
      %add3A_421 = arith.constant 26637 : i32
      %add3A_422 = arith.addi %add3A_421, %mul3A_343 : i32
      %add3A_423 = vector.broadcast %add3A_422 : i32 to vector<16xi32>
      %add3A_424 = arith.addi %add3A_423, %iota3A : vector<16xi32>
      %gather3A_425 = tpu.vector_load_idx %arg7[%add3A_424] : memref<32832xi32, #tpu.memory_space<vmem>>[vector<16xi32>], vector<16xi32>,
      %add3A_426 = arith.addi %add3A_420, %gather3A_425 : vector<16xi32>
      %add3A_427 = arith.constant 28686 : i32
      %add3A_428 = arith.addi %add3A_427, %mul3A_343 : i32
      %add3A_429 = vector.broadcast %add3A_428 : i32 to vector<16xi32>
      %add3A_430 = arith.addi %add3A_429, %iota3A : vector<16xi32>
      %gather3A_431 = tpu.vector_load_idx %arg7[%add3A_430] : memref<32832xi32, #tpu.memory_space<vmem>>[vector<16xi32>], vector<16xi32>,
      %add3A_432 = arith.addi %add3A_426, %gather3A_431 : vector<16xi32>
      %add3A_433 = arith.constant 30735 : i32
      %add3A_434 = arith.addi %add3A_433, %mul3A_343 : i32
      %add3A_435 = vector.broadcast %add3A_434 : i32 to vector<16xi32>
      %add3A_436 = arith.addi %add3A_435, %iota3A : vector<16xi32>
      %gather3A_437 = tpu.vector_load_idx %arg7[%add3A_436] : memref<32832xi32, #tpu.memory_space<vmem>>[vector<16xi32>], vector<16xi32>,
      %add3A_438 = arith.addi %add3A_432, %gather3A_437 : vector<16xi32>
      %swap3A = arith.index_cast %scan3A_340 : i32 to index
      %swap3A_439 = arith.constant 0 : index
      %swap3A_440 = tpu.vector_load %arg8[%swap3A, %swap3A_439] {strides = array<i32>} : memref<128x16xi32, #tpu.memory_space<vmem>>, vector<16xi32>,
      tpu.vector_store %arg8[%swap3A, %swap3A_439], %add3A_438 {strides = array<i32>} : memref<128x16xi32, #tpu.memory_space<vmem>>, vector<16xi32>,
      %scan3A_441 = arith.constant 0 : i32
      scf.yield %scan3A_441 : i32
    }
    %scan3A_36 = arith.constant 128 : i32
    "tpu.region"() ({
      %run_scoped3A_340 = tpu.sem_alloc : memref<!tpu.dma_semaphore, #tpu.memory_space<semaphore_mem>>
      %dma_start3A_341 = arith.constant 0 : i32
      %dma_start3A_342 = arith.constant 0 : i32
      %dma_start3A_343 = tpu.memref_slice %arg17[%arg1, %dma_start3A_341, %dma_start3A_342] : memref<16x128x16xi32, #tpu.memory_space<vmem_shared>> -> memref<1x128x16xi32, #tpu.memory_space<vmem_shared>>
      %dma_start3A_344 = tpu.memref_squeeze %dma_start3A_343 : memref<1x128x16xi32, #tpu.memory_space<vmem_shared>> -> memref<128x16xi32, #tpu.memory_space<vmem_shared>>
      %dma_start3A_345 = arith.constant 0 : i32
      %dma_start3A_346 = arith.constant 0 : i32
      %dma_start3A_347 = tpu.memref_slice %arg17[%arg1, %dma_start3A_345, %dma_start3A_346] : memref<16x128x16xi32, #tpu.memory_space<vmem_shared>> -> memref<1x128x16xi32, #tpu.memory_space<vmem_shared>>
      %dma_start3A_348 = tpu.memref_squeeze %dma_start3A_347 : memref<1x128x16xi32, #tpu.memory_space<vmem_shared>> -> memref<128x16xi32, #tpu.memory_space<vmem_shared>>
      tpu.enqueue_dma source(%arg8 : memref<128x16xi32, #tpu.memory_space<vmem>>) target(%dma_start3A_348 : memref<128x16xi32, #tpu.memory_space<vmem_shared>>) target_semaphore(%run_scoped3A_340 : memref<!tpu.dma_semaphore, #tpu.memory_space<semaphore_mem>>)
      %dma_wait3A = arith.constant 0 : i32
      %dma_wait3A_349 = arith.constant 0 : i32
      %dma_wait3A_350 = tpu.memref_slice %arg17[%arg1, %dma_wait3A, %dma_wait3A_349] : memref<16x128x16xi32, #tpu.memory_space<vmem_shared>> -> memref<1x128x16xi32, #tpu.memory_space<vmem_shared>>
      %dma_wait3A_351 = tpu.memref_squeeze %dma_wait3A_350 : memref<1x128x16xi32, #tpu.memory_space<vmem_shared>> -> memref<128x16xi32, #tpu.memory_space<vmem_shared>>
      %dma_wait3A_352 = arith.constant 0 : i32
      %dma_wait3A_353 = arith.constant 0 : i32
      %dma_wait3A_354 = tpu.memref_slice %arg17[%arg1, %dma_wait3A_352, %dma_wait3A_353] : memref<16x128x16xi32, #tpu.memory_space<vmem_shared>> -> memref<1x128x16xi32, #tpu.memory_space<vmem_shared>>
      %dma_wait3A_355 = tpu.memref_squeeze %dma_wait3A_354 : memref<1x128x16xi32, #tpu.memory_space<vmem_shared>> -> memref<128x16xi32, #tpu.memory_space<vmem_shared>>
      tpu.wait_dma2 semaphore(%run_scoped3A_340 : memref<!tpu.dma_semaphore, #tpu.memory_space<semaphore_mem>>) src(%arg8 : memref<128x16xi32, #tpu.memory_space<vmem>>) dst(%dma_wait3A_355 : memref<128x16xi32, #tpu.memory_space<vmem_shared>>)
      tpu.yield
    }) : () -> ()
    %barrier3A = arith.constant 0 : index
    tpu.barrier barrier_id(%barrier3A)
    %run_scoped3A = arith.constant 0 : i32
    "tpu.region"() ({
      %run_scoped3A_340 = tpu.sem_alloc : memref<!tpu.dma_semaphore, #tpu.memory_space<semaphore_mem>>
      %dma_start3A_341 = arith.constant 0 : i32
      %dma_start3A_342 = arith.constant 0 : i32
      %dma_start3A_343 = tpu.memref_slice %arg17[%run_scoped3A, %dma_start3A_341, %dma_start3A_342] : memref<16x128x16xi32, #tpu.memory_space<vmem_shared>> -> memref<1x128x16xi32, #tpu.memory_space<vmem_shared>>
      %dma_start3A_344 = tpu.memref_squeeze %dma_start3A_343 : memref<1x128x16xi32, #tpu.memory_space<vmem_shared>> -> memref<128x16xi32, #tpu.memory_space<vmem_shared>>
      %dma_start3A_345 = arith.constant 0 : i32
      %dma_start3A_346 = arith.constant 0 : i32
      %dma_start3A_347 = tpu.memref_slice %arg17[%run_scoped3A, %dma_start3A_345, %dma_start3A_346] : memref<16x128x16xi32, #tpu.memory_space<vmem_shared>> -> memref<1x128x16xi32, #tpu.memory_space<vmem_shared>>
      %dma_start3A_348 = tpu.memref_squeeze %dma_start3A_347 : memref<1x128x16xi32, #tpu.memory_space<vmem_shared>> -> memref<128x16xi32, #tpu.memory_space<vmem_shared>>
      tpu.enqueue_dma source(%dma_start3A_348 : memref<128x16xi32, #tpu.memory_space<vmem_shared>>) target(%arg8 : memref<128x16xi32, #tpu.memory_space<vmem>>) target_semaphore(%run_scoped3A_340 : memref<!tpu.dma_semaphore, #tpu.memory_space<semaphore_mem>>)
      %dma_wait3A = arith.constant 0 : i32
      %dma_wait3A_349 = arith.constant 0 : i32
      %dma_wait3A_350 = tpu.memref_slice %arg17[%run_scoped3A, %dma_wait3A, %dma_wait3A_349] : memref<16x128x16xi32, #tpu.memory_space<vmem_shared>> -> memref<1x128x16xi32, #tpu.memory_space<vmem_shared>>
      %dma_wait3A_351 = tpu.memref_squeeze %dma_wait3A_350 : memref<1x128x16xi32, #tpu.memory_space<vmem_shared>> -> memref<128x16xi32, #tpu.memory_space<vmem_shared>>
      %dma_wait3A_352 = arith.constant 0 : i32
      %dma_wait3A_353 = arith.constant 0 : i32
      %dma_wait3A_354 = tpu.memref_slice %arg17[%run_scoped3A, %dma_wait3A_352, %dma_wait3A_353] : memref<16x128x16xi32, #tpu.memory_space<vmem_shared>> -> memref<1x128x16xi32, #tpu.memory_space<vmem_shared>>
      %dma_wait3A_355 = tpu.memref_squeeze %dma_wait3A_354 : memref<1x128x16xi32, #tpu.memory_space<vmem_shared>> -> memref<128x16xi32, #tpu.memory_space<vmem_shared>>
      tpu.wait_dma2 semaphore(%run_scoped3A_340 : memref<!tpu.dma_semaphore, #tpu.memory_space<semaphore_mem>>) src(%dma_wait3A_355 : memref<128x16xi32, #tpu.memory_space<vmem_shared>>) dst(%arg8 : memref<128x16xi32, #tpu.memory_space<vmem>>)
      tpu.yield
    }) : () -> ()
    %scan3A_37 = arith.constant 0 : i32
    %scan3A_38 = arith.constant 1 : i32
    %scan3A_39 = arith.constant 15 : i32
    %scan3A_40 = arith.addi %scan3A_38, %scan3A_39 : i32
    %scan3A_41 = arith.constant 1 : i32
    %scan3A_42 = scf.for %scan3A_340 = %scan3A_38 to %scan3A_40 step %scan3A_41 iter_args(%scan3A_341 = %scan3A_37) -> (i32)  : i32 {
      "tpu.region"() ({
        %run_scoped3A_350 = tpu.sem_alloc : memref<!tpu.dma_semaphore, #tpu.memory_space<semaphore_mem>>
        %dma_start3A_351 = arith.constant 0 : i32
        %dma_start3A_352 = arith.constant 0 : i32
        %dma_start3A_353 = tpu.memref_slice %arg17[%scan3A_340, %dma_start3A_351, %dma_start3A_352] : memref<16x128x16xi32, #tpu.memory_space<vmem_shared>> -> memref<1x128x16xi32, #tpu.memory_space<vmem_shared>>
        %dma_start3A_354 = tpu.memref_squeeze %dma_start3A_353 : memref<1x128x16xi32, #tpu.memory_space<vmem_shared>> -> memref<128x16xi32, #tpu.memory_space<vmem_shared>>
        %dma_start3A_355 = arith.constant 0 : i32
        %dma_start3A_356 = arith.constant 0 : i32
        %dma_start3A_357 = tpu.memref_slice %arg17[%scan3A_340, %dma_start3A_355, %dma_start3A_356] : memref<16x128x16xi32, #tpu.memory_space<vmem_shared>> -> memref<1x128x16xi32, #tpu.memory_space<vmem_shared>>
        %dma_start3A_358 = tpu.memref_squeeze %dma_start3A_357 : memref<1x128x16xi32, #tpu.memory_space<vmem_shared>> -> memref<128x16xi32, #tpu.memory_space<vmem_shared>>
        tpu.enqueue_dma source(%dma_start3A_358 : memref<128x16xi32, #tpu.memory_space<vmem_shared>>) target(%arg9 : memref<128x16xi32, #tpu.memory_space<vmem>>) target_semaphore(%run_scoped3A_350 : memref<!tpu.dma_semaphore, #tpu.memory_space<semaphore_mem>>)
        %dma_wait3A = arith.constant 0 : i32
        %dma_wait3A_359 = arith.constant 0 : i32
        %dma_wait3A_360 = tpu.memref_slice %arg17[%scan3A_340, %dma_wait3A, %dma_wait3A_359] : memref<16x128x16xi32, #tpu.memory_space<vmem_shared>> -> memref<1x128x16xi32, #tpu.memory_space<vmem_shared>>
        %dma_wait3A_361 = tpu.memref_squeeze %dma_wait3A_360 : memref<1x128x16xi32, #tpu.memory_space<vmem_shared>> -> memref<128x16xi32, #tpu.memory_space<vmem_shared>>
        %dma_wait3A_362 = arith.constant 0 : i32
        %dma_wait3A_363 = arith.constant 0 : i32
        %dma_wait3A_364 = tpu.memref_slice %arg17[%scan3A_340, %dma_wait3A_362, %dma_wait3A_363] : memref<16x128x16xi32, #tpu.memory_space<vmem_shared>> -> memref<1x128x16xi32, #tpu.memory_space<vmem_shared>>
        %dma_wait3A_365 = tpu.memref_squeeze %dma_wait3A_364 : memref<1x128x16xi32, #tpu.memory_space<vmem_shared>> -> memref<128x16xi32, #tpu.memory_space<vmem_shared>>
        tpu.wait_dma2 semaphore(%run_scoped3A_350 : memref<!tpu.dma_semaphore, #tpu.memory_space<semaphore_mem>>) src(%dma_wait3A_365 : memref<128x16xi32, #tpu.memory_space<vmem_shared>>) dst(%arg9 : memref<128x16xi32, #tpu.memory_space<vmem>>)
        tpu.yield
      }) : () -> ()
      %scan3A_342 = arith.constant 0 : i32
      %scan3A_343 = arith.constant 0 : i32
      %scan3A_344 = arith.constant 32 : i32
      %scan3A_345 = arith.addi %scan3A_343, %scan3A_344 : i32
      %scan3A_346 = arith.constant 1 : i32
      %scan3A_347 = scf.for %scan3A_350 = %scan3A_343 to %scan3A_345 step %scan3A_346 iter_args(%scan3A_351 = %scan3A_342) -> (i32)  : i32 {
        %mul3A_352 = arith.constant 4 : i32
        %mul3A_353 = arith.muli %scan3A_350, %mul3A_352 : i32
        %add3A_354 = arith.constant 0 : i32
        %add3A_355 = arith.addi %mul3A_353, %add3A_354 : i32
        %get3A = arith.index_cast %add3A_355 : i32 to index
        %get3A_356 = arith.constant 0 : index
        %get3A_357 = tpu.vector_load %arg8[%get3A, %get3A_356] {strides = array<i32>} : memref<128x16xi32, #tpu.memory_space<vmem>>, vector<16xi32>,
        %get3A_358 = arith.index_cast %add3A_355 : i32 to index
        %get3A_359 = arith.constant 0 : index
        %get3A_360 = tpu.vector_load %arg9[%get3A_358, %get3A_359] {strides = array<i32>} : memref<128x16xi32, #tpu.memory_space<vmem>>, vector<16xi32>,
        %add3A_361 = arith.addi %get3A_357, %get3A_360 : vector<16xi32>
        %swap3A = arith.index_cast %add3A_355 : i32 to index
        %swap3A_362 = arith.constant 0 : index
        %swap3A_363 = tpu.vector_load %arg8[%swap3A, %swap3A_362] {strides = array<i32>} : memref<128x16xi32, #tpu.memory_space<vmem>>, vector<16xi32>,
        tpu.vector_store %arg8[%swap3A, %swap3A_362], %add3A_361 {strides = array<i32>} : memref<128x16xi32, #tpu.memory_space<vmem>>, vector<16xi32>,
        %mul3A_364 = arith.constant 4 : i32
        %mul3A_365 = arith.muli %scan3A_350, %mul3A_364 : i32
        %add3A_366 = arith.constant 1 : i32
        %add3A_367 = arith.addi %mul3A_365, %add3A_366 : i32
        %get3A_368 = arith.index_cast %add3A_367 : i32 to index
        %get3A_369 = arith.constant 0 : index
        %get3A_370 = tpu.vector_load %arg8[%get3A_368, %get3A_369] {strides = array<i32>} : memref<128x16xi32, #tpu.memory_space<vmem>>, vector<16xi32>,
        %get3A_371 = arith.index_cast %add3A_367 : i32 to index
        %get3A_372 = arith.constant 0 : index
        %get3A_373 = tpu.vector_load %arg9[%get3A_371, %get3A_372] {strides = array<i32>} : memref<128x16xi32, #tpu.memory_space<vmem>>, vector<16xi32>,
        %add3A_374 = arith.addi %get3A_370, %get3A_373 : vector<16xi32>
        %swap3A_375 = arith.index_cast %add3A_367 : i32 to index
        %swap3A_376 = arith.constant 0 : index
        %swap3A_377 = tpu.vector_load %arg8[%swap3A_375, %swap3A_376] {strides = array<i32>} : memref<128x16xi32, #tpu.memory_space<vmem>>, vector<16xi32>,
        tpu.vector_store %arg8[%swap3A_375, %swap3A_376], %add3A_374 {strides = array<i32>} : memref<128x16xi32, #tpu.memory_space<vmem>>, vector<16xi32>,
        %mul3A_378 = arith.constant 4 : i32
        %mul3A_379 = arith.muli %scan3A_350, %mul3A_378 : i32
        %add3A_380 = arith.constant 2 : i32
        %add3A_381 = arith.addi %mul3A_379, %add3A_380 : i32
        %get3A_382 = arith.index_cast %add3A_381 : i32 to index
        %get3A_383 = arith.constant 0 : index
        %get3A_384 = tpu.vector_load %arg8[%get3A_382, %get3A_383] {strides = array<i32>} : memref<128x16xi32, #tpu.memory_space<vmem>>, vector<16xi32>,
        %get3A_385 = arith.index_cast %add3A_381 : i32 to index
        %get3A_386 = arith.constant 0 : index
        %get3A_387 = tpu.vector_load %arg9[%get3A_385, %get3A_386] {strides = array<i32>} : memref<128x16xi32, #tpu.memory_space<vmem>>, vector<16xi32>,
        %add3A_388 = arith.addi %get3A_384, %get3A_387 : vector<16xi32>
        %swap3A_389 = arith.index_cast %add3A_381 : i32 to index
        %swap3A_390 = arith.constant 0 : index
        %swap3A_391 = tpu.vector_load %arg8[%swap3A_389, %swap3A_390] {strides = array<i32>} : memref<128x16xi32, #tpu.memory_space<vmem>>, vector<16xi32>,
        tpu.vector_store %arg8[%swap3A_389, %swap3A_390], %add3A_388 {strides = array<i32>} : memref<128x16xi32, #tpu.memory_space<vmem>>, vector<16xi32>,
        %mul3A_392 = arith.constant 4 : i32
        %mul3A_393 = arith.muli %scan3A_350, %mul3A_392 : i32
        %add3A_394 = arith.constant 3 : i32
        %add3A_395 = arith.addi %mul3A_393, %add3A_394 : i32
        %get3A_396 = arith.index_cast %add3A_395 : i32 to index
        %get3A_397 = arith.constant 0 : index
        %get3A_398 = tpu.vector_load %arg8[%get3A_396, %get3A_397] {strides = array<i32>} : memref<128x16xi32, #tpu.memory_space<vmem>>, vector<16xi32>,
        %get3A_399 = arith.index_cast %add3A_395 : i32 to index
        %get3A_400 = arith.constant 0 : index
        %get3A_401 = tpu.vector_load %arg9[%get3A_399, %get3A_400] {strides = array<i32>} : memref<128x16xi32, #tpu.memory_space<vmem>>, vector<16xi32>,
        %add3A_402 = arith.addi %get3A_398, %get3A_401 : vector<16xi32>
        %swap3A_403 = arith.index_cast %add3A_395 : i32 to index
        %swap3A_404 = arith.constant 0 : index
        %swap3A_405 = tpu.vector_load %arg8[%swap3A_403, %swap3A_404] {strides = array<i32>} : memref<128x16xi32, #tpu.memory_space<vmem>>, vector<16xi32>,
        tpu.vector_store %arg8[%swap3A_403, %swap3A_404], %add3A_402 {strides = array<i32>} : memref<128x16xi32, #tpu.memory_space<vmem>>, vector<16xi32>,
        %scan3A_406 = arith.constant 0 : i32
        scf.yield %scan3A_406 : i32
      }
      %scan3A_348 = arith.constant 32 : i32
      %scan3A_349 = arith.constant 0 : i32
      scf.yield %scan3A_349 : i32
    }
    %scan3A_43 = arith.constant 15 : i32
    %barrier3A_44 = arith.constant 0 : index
    tpu.barrier barrier_id(%barrier3A_44)
    %scan3A_45 = arith.constant 0 : i32
    %scan3A_46 = arith.constant 0 : i32
    %scan3A_47 = arith.constant 128 : i32
    %scan3A_48 = arith.addi %scan3A_46, %scan3A_47 : i32
    %scan3A_49 = arith.constant 1 : i32
    %scan3A_50 = scf.for %scan3A_340 = %scan3A_46 to %scan3A_48 step %scan3A_49 iter_args(%scan3A_341 = %scan3A_45) -> (i32)  : i32 {
      %get3A = arith.index_cast %scan3A_340 : i32 to index
      %get3A_342 = arith.constant 0 : index
      %get3A_343 = tpu.vector_load %arg8[%get3A, %get3A_342] {strides = array<i32>} : memref<128x16xi32, #tpu.memory_space<vmem>>, vector<16xi32>,
      %reduce_sum3A_344 = arith.constant true
      %reduce_sum3A_345 = vector.broadcast %reduce_sum3A_344 : i1 to vector<16xi1>
      %reduce_sum3A_346 = tpu.scan <sum>, %get3A_343 masked %reduce_sum3A_345 : vector<16xi32>, vector<16xi1> -> vector<16xi32>
      %reduce_sum3A_347 = vector.extract %reduce_sum3A_346[15] : i32 from vector<16xi32>
      %add3A_348 = arith.addi %scan3A_341, %reduce_sum3A_347 : i32
      scf.yield %add3A_348 : i32
    }
    %scan3A_51 = arith.constant 128 : i32
    %sub3A = arith.constant 1048576 : i32
    %sub3A_52 = arith.subi %sub3A, %scan3A_50 : i32
    %select_n3A_53 = arith.select %eq3A_3, %scan3A_50, %sub3A_52 : i32
    %sub3A_54 = arith.constant 1048576 : i32
    %sub3A_55 = arith.subi %sub3A_54, %select_n3A_53 : i32
    %min3A = arith.constant 128 : i32
    %min3A_56 = arith.minsi %select_n3A_53, %min3A : i32
    %sub3A_57 = arith.constant 512 : i32
    %sub3A_58 = arith.subi %sub3A_57, %min3A_56 : i32
    %min3A_59 = arith.minsi %sub3A_58, %sub3A_55 : i32
    %select_n3A_60 = arith.select %eq3A_3, %min3A_56, %min3A_59 : i32
    %scan3A_61 = arith.constant 0 : i32
    %scan3A_62 = arith.constant -1 : i32
    %scan3A_63 = arith.constant 0 : i32
    %scan3A_64 = arith.constant 0 : i32
    %scan3A_65 = arith.constant 128 : i32
    %scan3A_66 = arith.addi %scan3A_64, %scan3A_65 : i32
    %scan3A_67 = arith.constant 1 : i32
    %scan3A_68:4 = scf.for %scan3A_340 = %scan3A_64 to %scan3A_66 step %scan3A_67 iter_args(%scan3A_341 = %scan3A_61, %scan3A_342 = %scan3A_62, %scan3A_343 = %scan3A_63, %scan3A_344 = %broadcast_in_dim3A_0) -> (i32, i32, i32, vector<16xi32>)  : i32 {
      %sub3A_345 = arith.constant 127 : i32
      %sub3A_346 = arith.subi %sub3A_345, %scan3A_340 : i32
      %get3A = arith.index_cast %sub3A_346 : i32 to index
      %get3A_347 = arith.constant 0 : index
      %get3A_348 = tpu.vector_load %arg8[%get3A, %get3A_347] {strides = array<i32>} : memref<128x16xi32, #tpu.memory_space<vmem>>, vector<16xi32>,
      %reduce_sum3A_349 = arith.constant true
      %reduce_sum3A_350 = vector.broadcast %reduce_sum3A_349 : i1 to vector<16xi1>
      %reduce_sum3A_351 = tpu.scan <sum>, %get3A_348 masked %reduce_sum3A_350 : vector<16xi32>, vector<16xi1> -> vector<16xi32>
      %reduce_sum3A_352 = vector.extract %reduce_sum3A_351[15] : i32 from vector<16xi32>
      %lt3A = arith.constant 0 : i32
      %lt3A_353 = arith.cmpi slt, %scan3A_342, %lt3A : i32
      %add3A_354 = arith.addi %scan3A_341, %reduce_sum3A_352 : i32
      %ge3A_355 = arith.cmpi sge, %add3A_354, %select_n3A_60 : i32
      %and3A = arith.andi %lt3A_353, %ge3A_355 : i1
      %gt3A_356 = arith.constant 0 : i32
      %gt3A_357 = arith.cmpi sgt, %select_n3A_60, %gt3A_356 : i32
      %and3A_358 = arith.andi %and3A, %gt3A_357 : i1
      %broadcast_in_dim3A_359 = vector.broadcast %and3A_358 : i1 to vector<16xi1>
      %select_n3A_360 = arith.select %and3A_358, %sub3A_346, %scan3A_342 : i32
      %select_n3A_361 = arith.select %and3A_358, %scan3A_341, %scan3A_343 : i32
      %select_n3A_362 = arith.select %broadcast_in_dim3A_359, %get3A_348, %scan3A_344 : vector<16xi1>, vector<16xi32>
      %add3A_363 = arith.addi %scan3A_341, %reduce_sum3A_352 : i32
      scf.yield %add3A_363, %select_n3A_360, %select_n3A_361, %select_n3A_362 : i32, i32, i32, vector<16xi32>
    }
    %scan3A_69 = arith.constant 128 : i32
    %rev3A = arith.constant 15 : i32
    %rev3A_70 = vector.broadcast %rev3A : i32 to vector<16xi32>
    %rev3A_71 = tpu.iota {dimensions = array<i32: 0>} : vector<16xi32>
    %rev3A_72 = arith.subi %rev3A_70, %rev3A_71 : vector<16xi32>
    %rev3A_73 = tpu.dynamic_gather %scan3A_68#3[%rev3A_72] in [0] : vector<16xi32>, vector<16xi32> -> vector<16xi32>
    %cumsum3A = arith.constant true
    %cumsum3A_74 = vector.broadcast %cumsum3A : i1 to vector<16xi1>
    %cumsum3A_75 = tpu.scan <sum>, %rev3A_73 masked %cumsum3A_74 : vector<16xi32>, vector<16xi1> -> vector<16xi32>
    %sub3A_76 = arith.subi %select_n3A_60, %scan3A_68#2 : i32
    %ge3A = vector.broadcast %sub3A_76 : i32 to vector<16xi32>
    %ge3A_77 = arith.cmpi sge, %cumsum3A_75, %ge3A : vector<16xi32>
    %jit3A = arith.constant 16 : i32
    %broadcast_in_dim3A_78 = vector.broadcast %jit3A : i32 to vector<16xi32>
    %select_n3A_79 = arith.select %ge3A_77, %iota3A, %broadcast_in_dim3A_78 : vector<16xi1>, vector<16xi32>
    %reduce_min3A = arith.constant true
    %reduce_min3A_80 = vector.broadcast %reduce_min3A : i1 to vector<16xi1>
    %reduce_min3A_81 = arith.constant -2147483648 : i32
    %reduce_min3A_82 = vector.broadcast %reduce_min3A_81 : i32 to vector<16xi32>
    %reduce_min3A_83 = arith.xori %select_n3A_79, %reduce_min3A_82 : vector<16xi32>
    %reduce_min3A_84 = tpu.scan <min>, %reduce_min3A_83 masked %reduce_min3A_80 : vector<16xi32>, vector<16xi1> -> vector<16xi32>
    %reduce_min3A_85 = arith.xori %reduce_min3A_84, %reduce_min3A_82 : vector<16xi32>
    %reduce_min3A_86 = vector.extract %reduce_min3A_85[15] : i32 from vector<16xi32>
    %broadcast_in_dim3A_87 = vector.broadcast %reduce_min3A_86 : i32 to vector<16xi32>
    %eq3A_88 = arith.cmpi eq, %iota3A, %broadcast_in_dim3A_87 : vector<16xi32>
    %jit3A_89 = arith.constant 0 : i32
    %broadcast_in_dim3A_90 = vector.broadcast %jit3A_89 : i32 to vector<16xi32>
    %select_n3A_91 = arith.select %eq3A_88, %cumsum3A_75, %broadcast_in_dim3A_90 : vector<16xi1>, vector<16xi32>
    %reduce_sum3A = arith.constant true
    %reduce_sum3A_92 = vector.broadcast %reduce_sum3A : i1 to vector<16xi1>
    %reduce_sum3A_93 = tpu.scan <sum>, %select_n3A_91 masked %reduce_sum3A_92 : vector<16xi32>, vector<16xi1> -> vector<16xi32>
    %reduce_sum3A_94 = vector.extract %reduce_sum3A_93[15] : i32 from vector<16xi32>
    %eq3A_95 = arith.cmpi eq, %iota3A, %broadcast_in_dim3A_87 : vector<16xi32>
    %jit3A_96 = arith.constant 0 : i32
    %broadcast_in_dim3A_97 = vector.broadcast %jit3A_96 : i32 to vector<16xi32>
    %select_n3A_98 = arith.select %eq3A_95, %rev3A_73, %broadcast_in_dim3A_97 : vector<16xi1>, vector<16xi32>
    %reduce_sum3A_99 = arith.constant true
    %reduce_sum3A_100 = vector.broadcast %reduce_sum3A_99 : i1 to vector<16xi1>
    %reduce_sum3A_101 = tpu.scan <sum>, %select_n3A_98 masked %reduce_sum3A_100 : vector<16xi32>, vector<16xi1> -> vector<16xi32>
    %reduce_sum3A_102 = vector.extract %reduce_sum3A_101[15] : i32 from vector<16xi32>
    %mul3A_103 = arith.constant 16 : i32
    %mul3A_104 = arith.muli %scan3A_68#1, %mul3A_103 : i32
    %sub3A_105 = arith.constant 15 : i32
    %sub3A_106 = arith.subi %sub3A_105, %reduce_min3A_86 : i32
    %add3A_107 = arith.addi %mul3A_104, %sub3A_106 : i32
    %add3A_108 = arith.addi %scan3A_68#2, %reduce_sum3A_94 : i32
    %sub3A_109 = arith.subi %add3A_108, %reduce_sum3A_102 : i32
    %scan3A_110 = arith.constant 0 : i32
    %scan3A_111 = arith.constant 0 : i32
    %scan3A_112 = arith.constant 513 : i32
    %scan3A_113 = arith.addi %scan3A_111, %scan3A_112 : i32
    %scan3A_114 = arith.constant 1 : i32
    %scan3A_115 = scf.for %scan3A_340 = %scan3A_111 to %scan3A_113 step %scan3A_114 iter_args(%scan3A_341 = %scan3A_110) -> (i32)  : i32 {
      %mul3A_342 = arith.constant 4 : i32
      %mul3A_343 = arith.muli %scan3A_340, %mul3A_342 : i32
      %add3A_344 = arith.constant 0 : i32
      %add3A_345 = arith.addi %mul3A_343, %add3A_344 : i32
      %mul3A_346 = arith.constant 16 : i32
      %mul3A_347 = arith.muli %add3A_345, %mul3A_346 : i32
      %add3A_348 = vector.broadcast %mul3A_347 : i32 to vector<16xi32>
      %add3A_349 = arith.addi %add3A_348, %iota3A : vector<16xi32>
      tpu.vector_store_idx %arg7[%add3A_349], %broadcast_in_dim3A_0 : memref<32832xi32, #tpu.memory_space<vmem>>[vector<16xi32>], vector<16xi32>,
      %mul3A_350 = arith.constant 4 : i32
      %mul3A_351 = arith.muli %scan3A_340, %mul3A_350 : i32
      %add3A_352 = arith.constant 1 : i32
      %add3A_353 = arith.addi %mul3A_351, %add3A_352 : i32
      %mul3A_354 = arith.constant 16 : i32
      %mul3A_355 = arith.muli %add3A_353, %mul3A_354 : i32
      %add3A_356 = vector.broadcast %mul3A_355 : i32 to vector<16xi32>
      %add3A_357 = arith.addi %add3A_356, %iota3A : vector<16xi32>
      tpu.vector_store_idx %arg7[%add3A_357], %broadcast_in_dim3A_0 : memref<32832xi32, #tpu.memory_space<vmem>>[vector<16xi32>], vector<16xi32>,
      %mul3A_358 = arith.constant 4 : i32
      %mul3A_359 = arith.muli %scan3A_340, %mul3A_358 : i32
      %add3A_360 = arith.constant 2 : i32
      %add3A_361 = arith.addi %mul3A_359, %add3A_360 : i32
      %mul3A_362 = arith.constant 16 : i32
      %mul3A_363 = arith.muli %add3A_361, %mul3A_362 : i32
      %add3A_364 = vector.broadcast %mul3A_363 : i32 to vector<16xi32>
      %add3A_365 = arith.addi %add3A_364, %iota3A : vector<16xi32>
      tpu.vector_store_idx %arg7[%add3A_365], %broadcast_in_dim3A_0 : memref<32832xi32, #tpu.memory_space<vmem>>[vector<16xi32>], vector<16xi32>,
      %mul3A_366 = arith.constant 4 : i32
      %mul3A_367 = arith.muli %scan3A_340, %mul3A_366 : i32
      %add3A_368 = arith.constant 3 : i32
      %add3A_369 = arith.addi %mul3A_367, %add3A_368 : i32
      %mul3A_370 = arith.constant 16 : i32
      %mul3A_371 = arith.muli %add3A_369, %mul3A_370 : i32
      %add3A_372 = vector.broadcast %mul3A_371 : i32 to vector<16xi32>
      %add3A_373 = arith.addi %add3A_372, %iota3A : vector<16xi32>
      tpu.vector_store_idx %arg7[%add3A_373], %broadcast_in_dim3A_0 : memref<32832xi32, #tpu.memory_space<vmem>>[vector<16xi32>], vector<16xi32>,
      %scan3A_374 = arith.constant 0 : i32
      scf.yield %scan3A_374 : i32
    }
    %scan3A_116 = arith.constant 513 : i32
    %broadcast_in_dim3A_117 = vector.broadcast %add3A_107 : i32 to vector<16xi32>
    %mul3A_118 = arith.constant 65536 : i32
    %mul3A_119 = arith.muli %arg1, %mul3A_118 : i32
    %add3A_120 = arith.constant 0 : i32
    %add3A_121 = arith.addi %mul3A_119, %add3A_120 : i32
    %dma_start3A_122 = tpu.memref_slice %arg2[%add3A_121] : memref<1048576xf32, #tpu.memory_space<hbm>> -> memref<4096xf32, #tpu.memory_space<hbm>>
    %dma_start3A_123 = tpu.memref_slice %arg2[%add3A_121] : memref<1048576xf32, #tpu.memory_space<hbm>> -> memref<4096xf32, #tpu.memory_space<hbm>>
    tpu.enqueue_dma source(%dma_start3A_123 : memref<4096xf32, #tpu.memory_space<hbm>>) target(%arg5 : memref<4096xf32, #tpu.memory_space<vmem>>) target_semaphore(%arg13 : memref<!tpu.dma_semaphore, #tpu.memory_space<semaphore_mem>>)
    %dma_start3A_124 = tpu.memref_slice %arg3[%add3A_121] : memref<1048576xi32, #tpu.memory_space<hbm>> -> memref<4096xi32, #tpu.memory_space<hbm>>
    %dma_start3A_125 = tpu.memref_slice %arg3[%add3A_121] : memref<1048576xi32, #tpu.memory_space<hbm>> -> memref<4096xi32, #tpu.memory_space<hbm>>
    tpu.enqueue_dma source(%dma_start3A_125 : memref<4096xi32, #tpu.memory_space<hbm>>) target(%arg6 : memref<4096xi32, #tpu.memory_space<vmem>>) target_semaphore(%arg14 : memref<!tpu.dma_semaphore, #tpu.memory_space<semaphore_mem>>)
    %scan3A_126 = arith.constant 0 : i32
    %scan3A_127 = arith.constant 0 : i32
    %scan3A_128 = arith.constant 8 : i32
    %scan3A_129 = arith.addi %scan3A_127, %scan3A_128 : i32
    %scan3A_130 = arith.constant 1 : i32
    %scan3A_131 = scf.for %scan3A_340 = %scan3A_127 to %scan3A_129 step %scan3A_130 iter_args(%scan3A_341 = %scan3A_126) -> (i32)  : i32 {
      %mul3A_342 = arith.constant 2 : i32
      %mul3A_343 = arith.muli %scan3A_340, %mul3A_342 : i32
      %add3A_344 = arith.constant 1 : i32
      %add3A_345 = arith.addi %mul3A_343, %add3A_344 : i32
      %mul3A_346 = arith.constant 65536 : i32
      %mul3A_347 = arith.muli %arg1, %mul3A_346 : i32
      %mul3A_348 = arith.constant 4096 : i32
      %mul3A_349 = arith.muli %add3A_345, %mul3A_348 : i32
      %add3A_350 = arith.addi %mul3A_347, %mul3A_349 : i32
      %dma_start3A_351 = tpu.memref_slice %arg2[%add3A_350] : memref<1048576xf32, #tpu.memory_space<hbm>> -> memref<4096xf32, #tpu.memory_space<hbm>>
      %dma_start3A_352 = tpu.memref_slice %arg2[%add3A_350] : memref<1048576xf32, #tpu.memory_space<hbm>> -> memref<4096xf32, #tpu.memory_space<hbm>>
      tpu.enqueue_dma source(%dma_start3A_352 : memref<4096xf32, #tpu.memory_space<hbm>>) target(%arg11 : memref<4096xf32, #tpu.memory_space<vmem>>) target_semaphore(%arg15 : memref<!tpu.dma_semaphore, #tpu.memory_space<semaphore_mem>>)
      %dma_start3A_353 = tpu.memref_slice %arg3[%add3A_350] : memref<1048576xi32, #tpu.memory_space<hbm>> -> memref<4096xi32, #tpu.memory_space<hbm>>
      %dma_start3A_354 = tpu.memref_slice %arg3[%add3A_350] : memref<1048576xi32, #tpu.memory_space<hbm>> -> memref<4096xi32, #tpu.memory_space<hbm>>
      tpu.enqueue_dma source(%dma_start3A_354 : memref<4096xi32, #tpu.memory_space<hbm>>) target(%arg12 : memref<4096xi32, #tpu.memory_space<vmem>>) target_semaphore(%arg16 : memref<!tpu.dma_semaphore, #tpu.memory_space<semaphore_mem>>)
      %dma_wait3A = arith.constant 0 : i32
      %dma_wait3A_355 = tpu.memref_slice %arg2[%dma_wait3A] : memref<1048576xf32, #tpu.memory_space<hbm>> -> memref<4096xf32, #tpu.memory_space<hbm>>
      %dma_wait3A_356 = arith.constant 0 : i32
      %dma_wait3A_357 = tpu.memref_slice %arg2[%dma_wait3A_356] : memref<1048576xf32, #tpu.memory_space<hbm>> -> memref<4096xf32, #tpu.memory_space<hbm>>
      tpu.wait_dma2 semaphore(%arg13 : memref<!tpu.dma_semaphore, #tpu.memory_space<semaphore_mem>>) src(%dma_wait3A_357 : memref<4096xf32, #tpu.memory_space<hbm>>) dst(%arg5 : memref<4096xf32, #tpu.memory_space<vmem>>)
      %dma_wait3A_358 = arith.constant 0 : i32
      %dma_wait3A_359 = tpu.memref_slice %arg3[%dma_wait3A_358] : memref<1048576xi32, #tpu.memory_space<hbm>> -> memref<4096xi32, #tpu.memory_space<hbm>>
      %dma_wait3A_360 = arith.constant 0 : i32
      %dma_wait3A_361 = tpu.memref_slice %arg3[%dma_wait3A_360] : memref<1048576xi32, #tpu.memory_space<hbm>> -> memref<4096xi32, #tpu.memory_space<hbm>>
      tpu.wait_dma2 semaphore(%arg14 : memref<!tpu.dma_semaphore, #tpu.memory_space<semaphore_mem>>) src(%dma_wait3A_361 : memref<4096xi32, #tpu.memory_space<hbm>>) dst(%arg6 : memref<4096xi32, #tpu.memory_space<vmem>>)
      %scan3A_362 = arith.constant 0 : i32
      %scan3A_363 = arith.constant 0 : i32
      %scan3A_364 = arith.constant 64 : i32
      %scan3A_365 = arith.addi %scan3A_363, %scan3A_364 : i32
      %scan3A_366 = arith.constant 1 : i32
      %scan3A_367 = scf.for %scan3A_389 = %scan3A_363 to %scan3A_365 step %scan3A_366 iter_args(%scan3A_390 = %scan3A_362) -> (i32)  : i32 {
        %mul3A_391 = arith.constant 4 : i32
        %mul3A_392 = arith.muli %scan3A_389, %mul3A_391 : i32
        %add3A_393 = arith.constant 0 : i32
        %add3A_394 = arith.addi %mul3A_392, %add3A_393 : i32
        %mul3A_395 = arith.constant 16 : i32
        %mul3A_396 = arith.muli %add3A_394, %mul3A_395 : i32
        %get3A = arith.index_cast %mul3A_396 : i32 to index
        %get3A_397 = tpu.vector_load %arg5[%get3A] {strides = array<i32>} : memref<4096xf32, #tpu.memory_space<vmem>>, vector<16xf32>,
        %get3A_398 = arith.index_cast %mul3A_396 : i32 to index
        %get3A_399 = tpu.vector_load %arg6[%get3A_398] {strides = array<i32>} : memref<4096xi32, #tpu.memory_space<vmem>>, vector<16xi32>,
        %bitcast_convert_type3A_400 = tpu.bitcast %get3A_397 : vector<16xf32> -> vector<16xi32>
        %ge3A_401 = arith.constant -2147483648 : i32
        %ge3A_402 = vector.broadcast %ge3A_401 : i32 to vector<16xi32>
        %ge3A_403 = arith.cmpi uge, %bitcast_convert_type3A_400, %ge3A_402 : vector<16xi32>
        %not3A = arith.constant dense<-1> : vector<16xi32>
        %not3A_404 = arith.xori %bitcast_convert_type3A_400, %not3A : vector<16xi32>
        %or3A_405 = arith.constant -2147483648 : i32
        %or3A_406 = vector.broadcast %or3A_405 : i32 to vector<16xi32>
        %or3A_407 = arith.ori %bitcast_convert_type3A_400, %or3A_406 : vector<16xi32>
        %select_n3A_408 = arith.select %ge3A_403, %not3A_404, %or3A_407 : vector<16xi1>, vector<16xi32>
        %xor3A = arith.xori %select_n3A_408, %select_n3A : vector<16xi32>
        %ge3A_409 = arith.constant 1 : i32
        %ge3A_410 = vector.broadcast %ge3A_409 : i32 to vector<16xi32>
        %ge3A_411 = arith.cmpi sge, %get3A_399, %ge3A_410 : vector<16xi32>
        %eq3A_412 = arith.xori %ge3A_411, %broadcast_in_dim3A_4 : vector<16xi1>
        %eq3A_413 = arith.constant dense<true> : vector<16xi1>
        %eq3A_414 = arith.xori %eq3A_412, %eq3A_413 : vector<16xi1>
        %jit3A_415 = arith.constant 0 : i32
        %broadcast_in_dim3A_416 = vector.broadcast %jit3A_415 : i32 to vector<16xi32>
        %select_n3A_417 = arith.select %eq3A_414, %xor3A, %broadcast_in_dim3A_416 : vector<16xi1>, vector<16xi32>
        %shift_right_logical3A = arith.constant 21 : i32
        %shift_right_logical3A_418 = vector.broadcast %shift_right_logical3A : i32 to vector<16xi32>
        %shift_right_logical3A_419 = arith.shrui %select_n3A_417, %shift_right_logical3A_418 : vector<16xi32>
        %eq3A_420 = arith.cmpi eq, %shift_right_logical3A_419, %broadcast_in_dim3A_117 : vector<16xi32>
        %shift_right_logical3A_421 = arith.constant 10 : i32
        %shift_right_logical3A_422 = vector.broadcast %shift_right_logical3A_421 : i32 to vector<16xi32>
        %shift_right_logical3A_423 = arith.shrui %select_n3A_417, %shift_right_logical3A_422 : vector<16xi32>
        %and3A = arith.constant 2047 : i32
        %and3A_424 = vector.broadcast %and3A : i32 to vector<16xi32>
        %and3A_425 = arith.andi %shift_right_logical3A_423, %and3A_424 : vector<16xi32>
        %bitcast_convert_type3A_426 = tpu.bitcast %and3A_425 : vector<16xi32> -> vector<16xi32>
        %add3A_427 = arith.addi %mul3A_10, %bitcast_convert_type3A_426 : vector<16xi32>
        tpu.vector_store_idx %arg7[%add3A_427], %broadcast_in_dim3A_2 masked %eq3A_420 {add = true} : memref<32832xi32, #tpu.memory_space<vmem>>[vector<16xi32>], vector<16xi32>, vector<16xi1>
        %mul3A_428 = arith.constant 4 : i32
        %mul3A_429 = arith.muli %scan3A_389, %mul3A_428 : i32
        %add3A_430 = arith.constant 1 : i32
        %add3A_431 = arith.addi %mul3A_429, %add3A_430 : i32
        %mul3A_432 = arith.constant 16 : i32
        %mul3A_433 = arith.muli %add3A_431, %mul3A_432 : i32
        %get3A_434 = arith.index_cast %mul3A_433 : i32 to index
        %get3A_435 = tpu.vector_load %arg5[%get3A_434] {strides = array<i32>} : memref<4096xf32, #tpu.memory_space<vmem>>, vector<16xf32>,
        %get3A_436 = arith.index_cast %mul3A_433 : i32 to index
        %get3A_437 = tpu.vector_load %arg6[%get3A_436] {strides = array<i32>} : memref<4096xi32, #tpu.memory_space<vmem>>, vector<16xi32>,
        %bitcast_convert_type3A_438 = tpu.bitcast %get3A_435 : vector<16xf32> -> vector<16xi32>
        %ge3A_439 = arith.constant -2147483648 : i32
        %ge3A_440 = vector.broadcast %ge3A_439 : i32 to vector<16xi32>
        %ge3A_441 = arith.cmpi uge, %bitcast_convert_type3A_438, %ge3A_440 : vector<16xi32>
        %not3A_442 = arith.constant dense<-1> : vector<16xi32>
        %not3A_443 = arith.xori %bitcast_convert_type3A_438, %not3A_442 : vector<16xi32>
        %or3A_444 = arith.constant -2147483648 : i32
        %or3A_445 = vector.broadcast %or3A_444 : i32 to vector<16xi32>
        %or3A_446 = arith.ori %bitcast_convert_type3A_438, %or3A_445 : vector<16xi32>
        %select_n3A_447 = arith.select %ge3A_441, %not3A_443, %or3A_446 : vector<16xi1>, vector<16xi32>
        %xor3A_448 = arith.xori %select_n3A_447, %select_n3A : vector<16xi32>
        %ge3A_449 = arith.constant 1 : i32
        %ge3A_450 = vector.broadcast %ge3A_449 : i32 to vector<16xi32>
        %ge3A_451 = arith.cmpi sge, %get3A_437, %ge3A_450 : vector<16xi32>
        %eq3A_452 = arith.xori %ge3A_451, %broadcast_in_dim3A_4 : vector<16xi1>
        %eq3A_453 = arith.constant dense<true> : vector<16xi1>
        %eq3A_454 = arith.xori %eq3A_452, %eq3A_453 : vector<16xi1>
        %jit3A_455 = arith.constant 0 : i32
        %broadcast_in_dim3A_456 = vector.broadcast %jit3A_455 : i32 to vector<16xi32>
        %select_n3A_457 = arith.select %eq3A_454, %xor3A_448, %broadcast_in_dim3A_456 : vector<16xi1>, vector<16xi32>
        %shift_right_logical3A_458 = arith.constant 21 : i32
        %shift_right_logical3A_459 = vector.broadcast %shift_right_logical3A_458 : i32 to vector<16xi32>
        %shift_right_logical3A_460 = arith.shrui %select_n3A_457, %shift_right_logical3A_459 : vector<16xi32>
        %eq3A_461 = arith.cmpi eq, %shift_right_logical3A_460, %broadcast_in_dim3A_117 : vector<16xi32>
        %shift_right_logical3A_462 = arith.constant 10 : i32
        %shift_right_logical3A_463 = vector.broadcast %shift_right_logical3A_462 : i32 to vector<16xi32>
        %shift_right_logical3A_464 = arith.shrui %select_n3A_457, %shift_right_logical3A_463 : vector<16xi32>
        %and3A_465 = arith.constant 2047 : i32
        %and3A_466 = vector.broadcast %and3A_465 : i32 to vector<16xi32>
        %and3A_467 = arith.andi %shift_right_logical3A_464, %and3A_466 : vector<16xi32>
        %bitcast_convert_type3A_468 = tpu.bitcast %and3A_467 : vector<16xi32> -> vector<16xi32>
        %add3A_469 = arith.addi %mul3A_10, %bitcast_convert_type3A_468 : vector<16xi32>
        tpu.vector_store_idx %arg7[%add3A_469], %broadcast_in_dim3A_2 masked %eq3A_461 {add = true} : memref<32832xi32, #tpu.memory_space<vmem>>[vector<16xi32>], vector<16xi32>, vector<16xi1>
        %mul3A_470 = arith.constant 4 : i32
        %mul3A_471 = arith.muli %scan3A_389, %mul3A_470 : i32
        %add3A_472 = arith.constant 2 : i32
        %add3A_473 = arith.addi %mul3A_471, %add3A_472 : i32
        %mul3A_474 = arith.constant 16 : i32
        %mul3A_475 = arith.muli %add3A_473, %mul3A_474 : i32
        %get3A_476 = arith.index_cast %mul3A_475 : i32 to index
        %get3A_477 = tpu.vector_load %arg5[%get3A_476] {strides = array<i32>} : memref<4096xf32, #tpu.memory_space<vmem>>, vector<16xf32>,
        %get3A_478 = arith.index_cast %mul3A_475 : i32 to index
        %get3A_479 = tpu.vector_load %arg6[%get3A_478] {strides = array<i32>} : memref<4096xi32, #tpu.memory_space<vmem>>, vector<16xi32>,
        %bitcast_convert_type3A_480 = tpu.bitcast %get3A_477 : vector<16xf32> -> vector<16xi32>
        %ge3A_481 = arith.constant -2147483648 : i32
        %ge3A_482 = vector.broadcast %ge3A_481 : i32 to vector<16xi32>
        %ge3A_483 = arith.cmpi uge, %bitcast_convert_type3A_480, %ge3A_482 : vector<16xi32>
        %not3A_484 = arith.constant dense<-1> : vector<16xi32>
        %not3A_485 = arith.xori %bitcast_convert_type3A_480, %not3A_484 : vector<16xi32>
        %or3A_486 = arith.constant -2147483648 : i32
        %or3A_487 = vector.broadcast %or3A_486 : i32 to vector<16xi32>
        %or3A_488 = arith.ori %bitcast_convert_type3A_480, %or3A_487 : vector<16xi32>
        %select_n3A_489 = arith.select %ge3A_483, %not3A_485, %or3A_488 : vector<16xi1>, vector<16xi32>
        %xor3A_490 = arith.xori %select_n3A_489, %select_n3A : vector<16xi32>
        %ge3A_491 = arith.constant 1 : i32
        %ge3A_492 = vector.broadcast %ge3A_491 : i32 to vector<16xi32>
        %ge3A_493 = arith.cmpi sge, %get3A_479, %ge3A_492 : vector<16xi32>
        %eq3A_494 = arith.xori %ge3A_493, %broadcast_in_dim3A_4 : vector<16xi1>
        %eq3A_495 = arith.constant dense<true> : vector<16xi1>
        %eq3A_496 = arith.xori %eq3A_494, %eq3A_495 : vector<16xi1>
        %jit3A_497 = arith.constant 0 : i32
        %broadcast_in_dim3A_498 = vector.broadcast %jit3A_497 : i32 to vector<16xi32>
        %select_n3A_499 = arith.select %eq3A_496, %xor3A_490, %broadcast_in_dim3A_498 : vector<16xi1>, vector<16xi32>
        %shift_right_logical3A_500 = arith.constant 21 : i32
        %shift_right_logical3A_501 = vector.broadcast %shift_right_logical3A_500 : i32 to vector<16xi32>
        %shift_right_logical3A_502 = arith.shrui %select_n3A_499, %shift_right_logical3A_501 : vector<16xi32>
        %eq3A_503 = arith.cmpi eq, %shift_right_logical3A_502, %broadcast_in_dim3A_117 : vector<16xi32>
        %shift_right_logical3A_504 = arith.constant 10 : i32
        %shift_right_logical3A_505 = vector.broadcast %shift_right_logical3A_504 : i32 to vector<16xi32>
        %shift_right_logical3A_506 = arith.shrui %select_n3A_499, %shift_right_logical3A_505 : vector<16xi32>
        %and3A_507 = arith.constant 2047 : i32
        %and3A_508 = vector.broadcast %and3A_507 : i32 to vector<16xi32>
        %and3A_509 = arith.andi %shift_right_logical3A_506, %and3A_508 : vector<16xi32>
        %bitcast_convert_type3A_510 = tpu.bitcast %and3A_509 : vector<16xi32> -> vector<16xi32>
        %add3A_511 = arith.addi %mul3A_10, %bitcast_convert_type3A_510 : vector<16xi32>
        tpu.vector_store_idx %arg7[%add3A_511], %broadcast_in_dim3A_2 masked %eq3A_503 {add = true} : memref<32832xi32, #tpu.memory_space<vmem>>[vector<16xi32>], vector<16xi32>, vector<16xi1>
        %mul3A_512 = arith.constant 4 : i32
        %mul3A_513 = arith.muli %scan3A_389, %mul3A_512 : i32
        %add3A_514 = arith.constant 3 : i32
        %add3A_515 = arith.addi %mul3A_513, %add3A_514 : i32
        %mul3A_516 = arith.constant 16 : i32
        %mul3A_517 = arith.muli %add3A_515, %mul3A_516 : i32
        %get3A_518 = arith.index_cast %mul3A_517 : i32 to index
        %get3A_519 = tpu.vector_load %arg5[%get3A_518] {strides = array<i32>} : memref<4096xf32, #tpu.memory_space<vmem>>, vector<16xf32>,
        %get3A_520 = arith.index_cast %mul3A_517 : i32 to index
        %get3A_521 = tpu.vector_load %arg6[%get3A_520] {strides = array<i32>} : memref<4096xi32, #tpu.memory_space<vmem>>, vector<16xi32>,
        %bitcast_convert_type3A_522 = tpu.bitcast %get3A_519 : vector<16xf32> -> vector<16xi32>
        %ge3A_523 = arith.constant -2147483648 : i32
        %ge3A_524 = vector.broadcast %ge3A_523 : i32 to vector<16xi32>
        %ge3A_525 = arith.cmpi uge, %bitcast_convert_type3A_522, %ge3A_524 : vector<16xi32>
        %not3A_526 = arith.constant dense<-1> : vector<16xi32>
        %not3A_527 = arith.xori %bitcast_convert_type3A_522, %not3A_526 : vector<16xi32>
        %or3A_528 = arith.constant -2147483648 : i32
        %or3A_529 = vector.broadcast %or3A_528 : i32 to vector<16xi32>
        %or3A_530 = arith.ori %bitcast_convert_type3A_522, %or3A_529 : vector<16xi32>
        %select_n3A_531 = arith.select %ge3A_525, %not3A_527, %or3A_530 : vector<16xi1>, vector<16xi32>
        %xor3A_532 = arith.xori %select_n3A_531, %select_n3A : vector<16xi32>
        %ge3A_533 = arith.constant 1 : i32
        %ge3A_534 = vector.broadcast %ge3A_533 : i32 to vector<16xi32>
        %ge3A_535 = arith.cmpi sge, %get3A_521, %ge3A_534 : vector<16xi32>
        %eq3A_536 = arith.xori %ge3A_535, %broadcast_in_dim3A_4 : vector<16xi1>
        %eq3A_537 = arith.constant dense<true> : vector<16xi1>
        %eq3A_538 = arith.xori %eq3A_536, %eq3A_537 : vector<16xi1>
        %jit3A_539 = arith.constant 0 : i32
        %broadcast_in_dim3A_540 = vector.broadcast %jit3A_539 : i32 to vector<16xi32>
        %select_n3A_541 = arith.select %eq3A_538, %xor3A_532, %broadcast_in_dim3A_540 : vector<16xi1>, vector<16xi32>
        %shift_right_logical3A_542 = arith.constant 21 : i32
        %shift_right_logical3A_543 = vector.broadcast %shift_right_logical3A_542 : i32 to vector<16xi32>
        %shift_right_logical3A_544 = arith.shrui %select_n3A_541, %shift_right_logical3A_543 : vector<16xi32>
        %eq3A_545 = arith.cmpi eq, %shift_right_logical3A_544, %broadcast_in_dim3A_117 : vector<16xi32>
        %shift_right_logical3A_546 = arith.constant 10 : i32
        %shift_right_logical3A_547 = vector.broadcast %shift_right_logical3A_546 : i32 to vector<16xi32>
        %shift_right_logical3A_548 = arith.shrui %select_n3A_541, %shift_right_logical3A_547 : vector<16xi32>
        %and3A_549 = arith.constant 2047 : i32
        %and3A_550 = vector.broadcast %and3A_549 : i32 to vector<16xi32>
        %and3A_551 = arith.andi %shift_right_logical3A_548, %and3A_550 : vector<16xi32>
        %bitcast_convert_type3A_552 = tpu.bitcast %and3A_551 : vector<16xi32> -> vector<16xi32>
        %add3A_553 = arith.addi %mul3A_10, %bitcast_convert_type3A_552 : vector<16xi32>
        tpu.vector_store_idx %arg7[%add3A_553], %broadcast_in_dim3A_2 masked %eq3A_545 {add = true} : memref<32832xi32, #tpu.memory_space<vmem>>[vector<16xi32>], vector<16xi32>, vector<16xi1>
        %scan3A_554 = arith.constant 0 : i32
        scf.yield %scan3A_554 : i32
      }
      %scan3A_368 = arith.constant 64 : i32
      %lt3A = arith.constant 7 : i32
      %lt3A_369 = arith.cmpi slt, %scan3A_340, %lt3A : i32
      %convert_element_type3A_370 = arith.extui %lt3A_369 : i1 to i32
      %cond3A_371 = arith.constant 0 : i32
      %cond3A_372 = arith.cmpi ne, %convert_element_type3A_370, %cond3A_371 : i32
      scf.if %cond3A_372 {
        %add3A_389 = arith.constant 2 : i32
        %add3A_390 = arith.addi %mul3A_343, %add3A_389 : i32
        %mul3A_391 = arith.constant 65536 : i32
        %mul3A_392 = arith.muli %arg1, %mul3A_391 : i32
        %mul3A_393 = arith.constant 4096 : i32
        %mul3A_394 = arith.muli %add3A_390, %mul3A_393 : i32
        %add3A_395 = arith.addi %mul3A_392, %mul3A_394 : i32
        %dma_start3A_396 = tpu.memref_slice %arg2[%add3A_395] : memref<1048576xf32, #tpu.memory_space<hbm>> -> memref<4096xf32, #tpu.memory_space<hbm>>
        %dma_start3A_397 = tpu.memref_slice %arg2[%add3A_395] : memref<1048576xf32, #tpu.memory_space<hbm>> -> memref<4096xf32, #tpu.memory_space<hbm>>
        tpu.enqueue_dma source(%dma_start3A_397 : memref<4096xf32, #tpu.memory_space<hbm>>) target(%arg5 : memref<4096xf32, #tpu.memory_space<vmem>>) target_semaphore(%arg13 : memref<!tpu.dma_semaphore, #tpu.memory_space<semaphore_mem>>)
        %dma_start3A_398 = tpu.memref_slice %arg3[%add3A_395] : memref<1048576xi32, #tpu.memory_space<hbm>> -> memref<4096xi32, #tpu.memory_space<hbm>>
        %dma_start3A_399 = tpu.memref_slice %arg3[%add3A_395] : memref<1048576xi32, #tpu.memory_space<hbm>> -> memref<4096xi32, #tpu.memory_space<hbm>>
        tpu.enqueue_dma source(%dma_start3A_399 : memref<4096xi32, #tpu.memory_space<hbm>>) target(%arg6 : memref<4096xi32, #tpu.memory_space<vmem>>) target_semaphore(%arg14 : memref<!tpu.dma_semaphore, #tpu.memory_space<semaphore_mem>>)
      } else {
      }
      %dma_wait3A_373 = arith.constant 0 : i32
      %dma_wait3A_374 = tpu.memref_slice %arg2[%dma_wait3A_373] : memref<1048576xf32, #tpu.memory_space<hbm>> -> memref<4096xf32, #tpu.memory_space<hbm>>
      %dma_wait3A_375 = arith.constant 0 : i32
      %dma_wait3A_376 = tpu.memref_slice %arg2[%dma_wait3A_375] : memref<1048576xf32, #tpu.memory_space<hbm>> -> memref<4096xf32, #tpu.memory_space<hbm>>
      tpu.wait_dma2 semaphore(%arg15 : memref<!tpu.dma_semaphore, #tpu.memory_space<semaphore_mem>>) src(%dma_wait3A_376 : memref<4096xf32, #tpu.memory_space<hbm>>) dst(%arg11 : memref<4096xf32, #tpu.memory_space<vmem>>)
      %dma_wait3A_377 = arith.constant 0 : i32
      %dma_wait3A_378 = tpu.memref_slice %arg3[%dma_wait3A_377] : memref<1048576xi32, #tpu.memory_space<hbm>> -> memref<4096xi32, #tpu.memory_space<hbm>>
      %dma_wait3A_379 = arith.constant 0 : i32
      %dma_wait3A_380 = tpu.memref_slice %arg3[%dma_wait3A_379] : memref<1048576xi32, #tpu.memory_space<hbm>> -> memref<4096xi32, #tpu.memory_space<hbm>>
      tpu.wait_dma2 semaphore(%arg16 : memref<!tpu.dma_semaphore, #tpu.memory_space<semaphore_mem>>) src(%dma_wait3A_380 : memref<4096xi32, #tpu.memory_space<hbm>>) dst(%arg12 : memref<4096xi32, #tpu.memory_space<vmem>>)
      %scan3A_381 = arith.constant 0 : i32
      %scan3A_382 = arith.constant 0 : i32
      %scan3A_383 = arith.constant 64 : i32
      %scan3A_384 = arith.addi %scan3A_382, %scan3A_383 : i32
      %scan3A_385 = arith.constant 1 : i32
      %scan3A_386 = scf.for %scan3A_389 = %scan3A_382 to %scan3A_384 step %scan3A_385 iter_args(%scan3A_390 = %scan3A_381) -> (i32)  : i32 {
        %mul3A_391 = arith.constant 4 : i32
        %mul3A_392 = arith.muli %scan3A_389, %mul3A_391 : i32
        %add3A_393 = arith.constant 0 : i32
        %add3A_394 = arith.addi %mul3A_392, %add3A_393 : i32
        %mul3A_395 = arith.constant 16 : i32
        %mul3A_396 = arith.muli %add3A_394, %mul3A_395 : i32
        %get3A = arith.index_cast %mul3A_396 : i32 to index
        %get3A_397 = tpu.vector_load %arg11[%get3A] {strides = array<i32>} : memref<4096xf32, #tpu.memory_space<vmem>>, vector<16xf32>,
        %get3A_398 = arith.index_cast %mul3A_396 : i32 to index
        %get3A_399 = tpu.vector_load %arg12[%get3A_398] {strides = array<i32>} : memref<4096xi32, #tpu.memory_space<vmem>>, vector<16xi32>,
        %bitcast_convert_type3A_400 = tpu.bitcast %get3A_397 : vector<16xf32> -> vector<16xi32>
        %ge3A_401 = arith.constant -2147483648 : i32
        %ge3A_402 = vector.broadcast %ge3A_401 : i32 to vector<16xi32>
        %ge3A_403 = arith.cmpi uge, %bitcast_convert_type3A_400, %ge3A_402 : vector<16xi32>
        %not3A = arith.constant dense<-1> : vector<16xi32>
        %not3A_404 = arith.xori %bitcast_convert_type3A_400, %not3A : vector<16xi32>
        %or3A_405 = arith.constant -2147483648 : i32
        %or3A_406 = vector.broadcast %or3A_405 : i32 to vector<16xi32>
        %or3A_407 = arith.ori %bitcast_convert_type3A_400, %or3A_406 : vector<16xi32>
        %select_n3A_408 = arith.select %ge3A_403, %not3A_404, %or3A_407 : vector<16xi1>, vector<16xi32>
        %xor3A = arith.xori %select_n3A_408, %select_n3A : vector<16xi32>
        %ge3A_409 = arith.constant 1 : i32
        %ge3A_410 = vector.broadcast %ge3A_409 : i32 to vector<16xi32>
        %ge3A_411 = arith.cmpi sge, %get3A_399, %ge3A_410 : vector<16xi32>
        %eq3A_412 = arith.xori %ge3A_411, %broadcast_in_dim3A_4 : vector<16xi1>
        %eq3A_413 = arith.constant dense<true> : vector<16xi1>
        %eq3A_414 = arith.xori %eq3A_412, %eq3A_413 : vector<16xi1>
        %jit3A_415 = arith.constant 0 : i32
        %broadcast_in_dim3A_416 = vector.broadcast %jit3A_415 : i32 to vector<16xi32>
        %select_n3A_417 = arith.select %eq3A_414, %xor3A, %broadcast_in_dim3A_416 : vector<16xi1>, vector<16xi32>
        %shift_right_logical3A = arith.constant 21 : i32
        %shift_right_logical3A_418 = vector.broadcast %shift_right_logical3A : i32 to vector<16xi32>
        %shift_right_logical3A_419 = arith.shrui %select_n3A_417, %shift_right_logical3A_418 : vector<16xi32>
        %eq3A_420 = arith.cmpi eq, %shift_right_logical3A_419, %broadcast_in_dim3A_117 : vector<16xi32>
        %shift_right_logical3A_421 = arith.constant 10 : i32
        %shift_right_logical3A_422 = vector.broadcast %shift_right_logical3A_421 : i32 to vector<16xi32>
        %shift_right_logical3A_423 = arith.shrui %select_n3A_417, %shift_right_logical3A_422 : vector<16xi32>
        %and3A = arith.constant 2047 : i32
        %and3A_424 = vector.broadcast %and3A : i32 to vector<16xi32>
        %and3A_425 = arith.andi %shift_right_logical3A_423, %and3A_424 : vector<16xi32>
        %bitcast_convert_type3A_426 = tpu.bitcast %and3A_425 : vector<16xi32> -> vector<16xi32>
        %add3A_427 = arith.addi %mul3A_10, %bitcast_convert_type3A_426 : vector<16xi32>
        tpu.vector_store_idx %arg7[%add3A_427], %broadcast_in_dim3A_2 masked %eq3A_420 {add = true} : memref<32832xi32, #tpu.memory_space<vmem>>[vector<16xi32>], vector<16xi32>, vector<16xi1>
        %mul3A_428 = arith.constant 4 : i32
        %mul3A_429 = arith.muli %scan3A_389, %mul3A_428 : i32
        %add3A_430 = arith.constant 1 : i32
        %add3A_431 = arith.addi %mul3A_429, %add3A_430 : i32
        %mul3A_432 = arith.constant 16 : i32
        %mul3A_433 = arith.muli %add3A_431, %mul3A_432 : i32
        %get3A_434 = arith.index_cast %mul3A_433 : i32 to index
        %get3A_435 = tpu.vector_load %arg11[%get3A_434] {strides = array<i32>} : memref<4096xf32, #tpu.memory_space<vmem>>, vector<16xf32>,
        %get3A_436 = arith.index_cast %mul3A_433 : i32 to index
        %get3A_437 = tpu.vector_load %arg12[%get3A_436] {strides = array<i32>} : memref<4096xi32, #tpu.memory_space<vmem>>, vector<16xi32>,
        %bitcast_convert_type3A_438 = tpu.bitcast %get3A_435 : vector<16xf32> -> vector<16xi32>
        %ge3A_439 = arith.constant -2147483648 : i32
        %ge3A_440 = vector.broadcast %ge3A_439 : i32 to vector<16xi32>
        %ge3A_441 = arith.cmpi uge, %bitcast_convert_type3A_438, %ge3A_440 : vector<16xi32>
        %not3A_442 = arith.constant dense<-1> : vector<16xi32>
        %not3A_443 = arith.xori %bitcast_convert_type3A_438, %not3A_442 : vector<16xi32>
        %or3A_444 = arith.constant -2147483648 : i32
        %or3A_445 = vector.broadcast %or3A_444 : i32 to vector<16xi32>
        %or3A_446 = arith.ori %bitcast_convert_type3A_438, %or3A_445 : vector<16xi32>
        %select_n3A_447 = arith.select %ge3A_441, %not3A_443, %or3A_446 : vector<16xi1>, vector<16xi32>
        %xor3A_448 = arith.xori %select_n3A_447, %select_n3A : vector<16xi32>
        %ge3A_449 = arith.constant 1 : i32
        %ge3A_450 = vector.broadcast %ge3A_449 : i32 to vector<16xi32>
        %ge3A_451 = arith.cmpi sge, %get3A_437, %ge3A_450 : vector<16xi32>
        %eq3A_452 = arith.xori %ge3A_451, %broadcast_in_dim3A_4 : vector<16xi1>
        %eq3A_453 = arith.constant dense<true> : vector<16xi1>
        %eq3A_454 = arith.xori %eq3A_452, %eq3A_453 : vector<16xi1>
        %jit3A_455 = arith.constant 0 : i32
        %broadcast_in_dim3A_456 = vector.broadcast %jit3A_455 : i32 to vector<16xi32>
        %select_n3A_457 = arith.select %eq3A_454, %xor3A_448, %broadcast_in_dim3A_456 : vector<16xi1>, vector<16xi32>
        %shift_right_logical3A_458 = arith.constant 21 : i32
        %shift_right_logical3A_459 = vector.broadcast %shift_right_logical3A_458 : i32 to vector<16xi32>
        %shift_right_logical3A_460 = arith.shrui %select_n3A_457, %shift_right_logical3A_459 : vector<16xi32>
        %eq3A_461 = arith.cmpi eq, %shift_right_logical3A_460, %broadcast_in_dim3A_117 : vector<16xi32>
        %shift_right_logical3A_462 = arith.constant 10 : i32
        %shift_right_logical3A_463 = vector.broadcast %shift_right_logical3A_462 : i32 to vector<16xi32>
        %shift_right_logical3A_464 = arith.shrui %select_n3A_457, %shift_right_logical3A_463 : vector<16xi32>
        %and3A_465 = arith.constant 2047 : i32
        %and3A_466 = vector.broadcast %and3A_465 : i32 to vector<16xi32>
        %and3A_467 = arith.andi %shift_right_logical3A_464, %and3A_466 : vector<16xi32>
        %bitcast_convert_type3A_468 = tpu.bitcast %and3A_467 : vector<16xi32> -> vector<16xi32>
        %add3A_469 = arith.addi %mul3A_10, %bitcast_convert_type3A_468 : vector<16xi32>
        tpu.vector_store_idx %arg7[%add3A_469], %broadcast_in_dim3A_2 masked %eq3A_461 {add = true} : memref<32832xi32, #tpu.memory_space<vmem>>[vector<16xi32>], vector<16xi32>, vector<16xi1>
        %mul3A_470 = arith.constant 4 : i32
        %mul3A_471 = arith.muli %scan3A_389, %mul3A_470 : i32
        %add3A_472 = arith.constant 2 : i32
        %add3A_473 = arith.addi %mul3A_471, %add3A_472 : i32
        %mul3A_474 = arith.constant 16 : i32
        %mul3A_475 = arith.muli %add3A_473, %mul3A_474 : i32
        %get3A_476 = arith.index_cast %mul3A_475 : i32 to index
        %get3A_477 = tpu.vector_load %arg11[%get3A_476] {strides = array<i32>} : memref<4096xf32, #tpu.memory_space<vmem>>, vector<16xf32>,
        %get3A_478 = arith.index_cast %mul3A_475 : i32 to index
        %get3A_479 = tpu.vector_load %arg12[%get3A_478] {strides = array<i32>} : memref<4096xi32, #tpu.memory_space<vmem>>, vector<16xi32>,
        %bitcast_convert_type3A_480 = tpu.bitcast %get3A_477 : vector<16xf32> -> vector<16xi32>
        %ge3A_481 = arith.constant -2147483648 : i32
        %ge3A_482 = vector.broadcast %ge3A_481 : i32 to vector<16xi32>
        %ge3A_483 = arith.cmpi uge, %bitcast_convert_type3A_480, %ge3A_482 : vector<16xi32>
        %not3A_484 = arith.constant dense<-1> : vector<16xi32>
        %not3A_485 = arith.xori %bitcast_convert_type3A_480, %not3A_484 : vector<16xi32>
        %or3A_486 = arith.constant -2147483648 : i32
        %or3A_487 = vector.broadcast %or3A_486 : i32 to vector<16xi32>
        %or3A_488 = arith.ori %bitcast_convert_type3A_480, %or3A_487 : vector<16xi32>
        %select_n3A_489 = arith.select %ge3A_483, %not3A_485, %or3A_488 : vector<16xi1>, vector<16xi32>
        %xor3A_490 = arith.xori %select_n3A_489, %select_n3A : vector<16xi32>
        %ge3A_491 = arith.constant 1 : i32
        %ge3A_492 = vector.broadcast %ge3A_491 : i32 to vector<16xi32>
        %ge3A_493 = arith.cmpi sge, %get3A_479, %ge3A_492 : vector<16xi32>
        %eq3A_494 = arith.xori %ge3A_493, %broadcast_in_dim3A_4 : vector<16xi1>
        %eq3A_495 = arith.constant dense<true> : vector<16xi1>
        %eq3A_496 = arith.xori %eq3A_494, %eq3A_495 : vector<16xi1>
        %jit3A_497 = arith.constant 0 : i32
        %broadcast_in_dim3A_498 = vector.broadcast %jit3A_497 : i32 to vector<16xi32>
        %select_n3A_499 = arith.select %eq3A_496, %xor3A_490, %broadcast_in_dim3A_498 : vector<16xi1>, vector<16xi32>
        %shift_right_logical3A_500 = arith.constant 21 : i32
        %shift_right_logical3A_501 = vector.broadcast %shift_right_logical3A_500 : i32 to vector<16xi32>
        %shift_right_logical3A_502 = arith.shrui %select_n3A_499, %shift_right_logical3A_501 : vector<16xi32>
        %eq3A_503 = arith.cmpi eq, %shift_right_logical3A_502, %broadcast_in_dim3A_117 : vector<16xi32>
        %shift_right_logical3A_504 = arith.constant 10 : i32
        %shift_right_logical3A_505 = vector.broadcast %shift_right_logical3A_504 : i32 to vector<16xi32>
        %shift_right_logical3A_506 = arith.shrui %select_n3A_499, %shift_right_logical3A_505 : vector<16xi32>
        %and3A_507 = arith.constant 2047 : i32
        %and3A_508 = vector.broadcast %and3A_507 : i32 to vector<16xi32>
        %and3A_509 = arith.andi %shift_right_logical3A_506, %and3A_508 : vector<16xi32>
        %bitcast_convert_type3A_510 = tpu.bitcast %and3A_509 : vector<16xi32> -> vector<16xi32>
        %add3A_511 = arith.addi %mul3A_10, %bitcast_convert_type3A_510 : vector<16xi32>
        tpu.vector_store_idx %arg7[%add3A_511], %broadcast_in_dim3A_2 masked %eq3A_503 {add = true} : memref<32832xi32, #tpu.memory_space<vmem>>[vector<16xi32>], vector<16xi32>, vector<16xi1>
        %mul3A_512 = arith.constant 4 : i32
        %mul3A_513 = arith.muli %scan3A_389, %mul3A_512 : i32
        %add3A_514 = arith.constant 3 : i32
        %add3A_515 = arith.addi %mul3A_513, %add3A_514 : i32
        %mul3A_516 = arith.constant 16 : i32
        %mul3A_517 = arith.muli %add3A_515, %mul3A_516 : i32
        %get3A_518 = arith.index_cast %mul3A_517 : i32 to index
        %get3A_519 = tpu.vector_load %arg11[%get3A_518] {strides = array<i32>} : memref<4096xf32, #tpu.memory_space<vmem>>, vector<16xf32>,
        %get3A_520 = arith.index_cast %mul3A_517 : i32 to index
        %get3A_521 = tpu.vector_load %arg12[%get3A_520] {strides = array<i32>} : memref<4096xi32, #tpu.memory_space<vmem>>, vector<16xi32>,
        %bitcast_convert_type3A_522 = tpu.bitcast %get3A_519 : vector<16xf32> -> vector<16xi32>
        %ge3A_523 = arith.constant -2147483648 : i32
        %ge3A_524 = vector.broadcast %ge3A_523 : i32 to vector<16xi32>
        %ge3A_525 = arith.cmpi uge, %bitcast_convert_type3A_522, %ge3A_524 : vector<16xi32>
        %not3A_526 = arith.constant dense<-1> : vector<16xi32>
        %not3A_527 = arith.xori %bitcast_convert_type3A_522, %not3A_526 : vector<16xi32>
        %or3A_528 = arith.constant -2147483648 : i32
        %or3A_529 = vector.broadcast %or3A_528 : i32 to vector<16xi32>
        %or3A_530 = arith.ori %bitcast_convert_type3A_522, %or3A_529 : vector<16xi32>
        %select_n3A_531 = arith.select %ge3A_525, %not3A_527, %or3A_530 : vector<16xi1>, vector<16xi32>
        %xor3A_532 = arith.xori %select_n3A_531, %select_n3A : vector<16xi32>
        %ge3A_533 = arith.constant 1 : i32
        %ge3A_534 = vector.broadcast %ge3A_533 : i32 to vector<16xi32>
        %ge3A_535 = arith.cmpi sge, %get3A_521, %ge3A_534 : vector<16xi32>
        %eq3A_536 = arith.xori %ge3A_535, %broadcast_in_dim3A_4 : vector<16xi1>
        %eq3A_537 = arith.constant dense<true> : vector<16xi1>
        %eq3A_538 = arith.xori %eq3A_536, %eq3A_537 : vector<16xi1>
        %jit3A_539 = arith.constant 0 : i32
        %broadcast_in_dim3A_540 = vector.broadcast %jit3A_539 : i32 to vector<16xi32>
        %select_n3A_541 = arith.select %eq3A_538, %xor3A_532, %broadcast_in_dim3A_540 : vector<16xi1>, vector<16xi32>
        %shift_right_logical3A_542 = arith.constant 21 : i32
        %shift_right_logical3A_543 = vector.broadcast %shift_right_logical3A_542 : i32 to vector<16xi32>
        %shift_right_logical3A_544 = arith.shrui %select_n3A_541, %shift_right_logical3A_543 : vector<16xi32>
        %eq3A_545 = arith.cmpi eq, %shift_right_logical3A_544, %broadcast_in_dim3A_117 : vector<16xi32>
        %shift_right_logical3A_546 = arith.constant 10 : i32
        %shift_right_logical3A_547 = vector.broadcast %shift_right_logical3A_546 : i32 to vector<16xi32>
        %shift_right_logical3A_548 = arith.shrui %select_n3A_541, %shift_right_logical3A_547 : vector<16xi32>
        %and3A_549 = arith.constant 2047 : i32
        %and3A_550 = vector.broadcast %and3A_549 : i32 to vector<16xi32>
        %and3A_551 = arith.andi %shift_right_logical3A_548, %and3A_550 : vector<16xi32>
        %bitcast_convert_type3A_552 = tpu.bitcast %and3A_551 : vector<16xi32> -> vector<16xi32>
        %add3A_553 = arith.addi %mul3A_10, %bitcast_convert_type3A_552 : vector<16xi32>
        tpu.vector_store_idx %arg7[%add3A_553], %broadcast_in_dim3A_2 masked %eq3A_545 {add = true} : memref<32832xi32, #tpu.memory_space<vmem>>[vector<16xi32>], vector<16xi32>, vector<16xi1>
        %scan3A_554 = arith.constant 0 : i32
        scf.yield %scan3A_554 : i32
      }
      %scan3A_387 = arith.constant 64 : i32
      %scan3A_388 = arith.constant 0 : i32
      scf.yield %scan3A_388 : i32
    }
    %scan3A_132 = arith.constant 8 : i32
    %scan3A_133 = arith.constant 0 : i32
    %scan3A_134 = arith.constant 0 : i32
    %scan3A_135 = arith.constant 128 : i32
    %scan3A_136 = arith.addi %scan3A_134, %scan3A_135 : i32
    %scan3A_137 = arith.constant 1 : i32
    %scan3A_138 = scf.for %scan3A_340 = %scan3A_134 to %scan3A_136 step %scan3A_137 iter_args(%scan3A_341 = %scan3A_133) -> (i32)  : i32 {
      %mul3A_342 = arith.constant 16 : i32
      %mul3A_343 = arith.muli %scan3A_340, %mul3A_342 : i32
      %add3A_344 = arith.constant 0 : i32
      %add3A_345 = arith.addi %add3A_344, %mul3A_343 : i32
      %add3A_346 = vector.broadcast %add3A_345 : i32 to vector<16xi32>
      %add3A_347 = arith.addi %add3A_346, %iota3A : vector<16xi32>
      %gather3A = tpu.vector_load_idx %arg7[%add3A_347] : memref<32832xi32, #tpu.memory_space<vmem>>[vector<16xi32>], vector<16xi32>,
      %add3A_348 = arith.addi %broadcast_in_dim3A_0, %gather3A : vector<16xi32>
      %add3A_349 = arith.constant 2049 : i32
      %add3A_350 = arith.addi %add3A_349, %mul3A_343 : i32
      %add3A_351 = vector.broadcast %add3A_350 : i32 to vector<16xi32>
      %add3A_352 = arith.addi %add3A_351, %iota3A : vector<16xi32>
      %gather3A_353 = tpu.vector_load_idx %arg7[%add3A_352] : memref<32832xi32, #tpu.memory_space<vmem>>[vector<16xi32>], vector<16xi32>,
      %add3A_354 = arith.addi %add3A_348, %gather3A_353 : vector<16xi32>
      %add3A_355 = arith.constant 4098 : i32
      %add3A_356 = arith.addi %add3A_355, %mul3A_343 : i32
      %add3A_357 = vector.broadcast %add3A_356 : i32 to vector<16xi32>
      %add3A_358 = arith.addi %add3A_357, %iota3A : vector<16xi32>
      %gather3A_359 = tpu.vector_load_idx %arg7[%add3A_358] : memref<32832xi32, #tpu.memory_space<vmem>>[vector<16xi32>], vector<16xi32>,
      %add3A_360 = arith.addi %add3A_354, %gather3A_359 : vector<16xi32>
      %add3A_361 = arith.constant 6147 : i32
      %add3A_362 = arith.addi %add3A_361, %mul3A_343 : i32
      %add3A_363 = vector.broadcast %add3A_362 : i32 to vector<16xi32>
      %add3A_364 = arith.addi %add3A_363, %iota3A : vector<16xi32>
      %gather3A_365 = tpu.vector_load_idx %arg7[%add3A_364] : memref<32832xi32, #tpu.memory_space<vmem>>[vector<16xi32>], vector<16xi32>,
      %add3A_366 = arith.addi %add3A_360, %gather3A_365 : vector<16xi32>
      %add3A_367 = arith.constant 8196 : i32
      %add3A_368 = arith.addi %add3A_367, %mul3A_343 : i32
      %add3A_369 = vector.broadcast %add3A_368 : i32 to vector<16xi32>
      %add3A_370 = arith.addi %add3A_369, %iota3A : vector<16xi32>
      %gather3A_371 = tpu.vector_load_idx %arg7[%add3A_370] : memref<32832xi32, #tpu.memory_space<vmem>>[vector<16xi32>], vector<16xi32>,
      %add3A_372 = arith.addi %add3A_366, %gather3A_371 : vector<16xi32>
      %add3A_373 = arith.constant 10245 : i32
      %add3A_374 = arith.addi %add3A_373, %mul3A_343 : i32
      %add3A_375 = vector.broadcast %add3A_374 : i32 to vector<16xi32>
      %add3A_376 = arith.addi %add3A_375, %iota3A : vector<16xi32>
      %gather3A_377 = tpu.vector_load_idx %arg7[%add3A_376] : memref<32832xi32, #tpu.memory_space<vmem>>[vector<16xi32>], vector<16xi32>,
      %add3A_378 = arith.addi %add3A_372, %gather3A_377 : vector<16xi32>
      %add3A_379 = arith.constant 12294 : i32
      %add3A_380 = arith.addi %add3A_379, %mul3A_343 : i32
      %add3A_381 = vector.broadcast %add3A_380 : i32 to vector<16xi32>
      %add3A_382 = arith.addi %add3A_381, %iota3A : vector<16xi32>
      %gather3A_383 = tpu.vector_load_idx %arg7[%add3A_382] : memref<32832xi32, #tpu.memory_space<vmem>>[vector<16xi32>], vector<16xi32>,
      %add3A_384 = arith.addi %add3A_378, %gather3A_383 : vector<16xi32>
      %add3A_385 = arith.constant 14343 : i32
      %add3A_386 = arith.addi %add3A_385, %mul3A_343 : i32
      %add3A_387 = vector.broadcast %add3A_386 : i32 to vector<16xi32>
      %add3A_388 = arith.addi %add3A_387, %iota3A : vector<16xi32>
      %gather3A_389 = tpu.vector_load_idx %arg7[%add3A_388] : memref<32832xi32, #tpu.memory_space<vmem>>[vector<16xi32>], vector<16xi32>,
      %add3A_390 = arith.addi %add3A_384, %gather3A_389 : vector<16xi32>
      %add3A_391 = arith.constant 16392 : i32
      %add3A_392 = arith.addi %add3A_391, %mul3A_343 : i32
      %add3A_393 = vector.broadcast %add3A_392 : i32 to vector<16xi32>
      %add3A_394 = arith.addi %add3A_393, %iota3A : vector<16xi32>
      %gather3A_395 = tpu.vector_load_idx %arg7[%add3A_394] : memref<32832xi32, #tpu.memory_space<vmem>>[vector<16xi32>], vector<16xi32>,
      %add3A_396 = arith.addi %add3A_390, %gather3A_395 : vector<16xi32>
      %add3A_397 = arith.constant 18441 : i32
      %add3A_398 = arith.addi %add3A_397, %mul3A_343 : i32
      %add3A_399 = vector.broadcast %add3A_398 : i32 to vector<16xi32>
      %add3A_400 = arith.addi %add3A_399, %iota3A : vector<16xi32>
      %gather3A_401 = tpu.vector_load_idx %arg7[%add3A_400] : memref<32832xi32, #tpu.memory_space<vmem>>[vector<16xi32>], vector<16xi32>,
      %add3A_402 = arith.addi %add3A_396, %gather3A_401 : vector<16xi32>
      %add3A_403 = arith.constant 20490 : i32
      %add3A_404 = arith.addi %add3A_403, %mul3A_343 : i32
      %add3A_405 = vector.broadcast %add3A_404 : i32 to vector<16xi32>
      %add3A_406 = arith.addi %add3A_405, %iota3A : vector<16xi32>
      %gather3A_407 = tpu.vector_load_idx %arg7[%add3A_406] : memref<32832xi32, #tpu.memory_space<vmem>>[vector<16xi32>], vector<16xi32>,
      %add3A_408 = arith.addi %add3A_402, %gather3A_407 : vector<16xi32>
      %add3A_409 = arith.constant 22539 : i32
      %add3A_410 = arith.addi %add3A_409, %mul3A_343 : i32
      %add3A_411 = vector.broadcast %add3A_410 : i32 to vector<16xi32>
      %add3A_412 = arith.addi %add3A_411, %iota3A : vector<16xi32>
      %gather3A_413 = tpu.vector_load_idx %arg7[%add3A_412] : memref<32832xi32, #tpu.memory_space<vmem>>[vector<16xi32>], vector<16xi32>,
      %add3A_414 = arith.addi %add3A_408, %gather3A_413 : vector<16xi32>
      %add3A_415 = arith.constant 24588 : i32
      %add3A_416 = arith.addi %add3A_415, %mul3A_343 : i32
      %add3A_417 = vector.broadcast %add3A_416 : i32 to vector<16xi32>
      %add3A_418 = arith.addi %add3A_417, %iota3A : vector<16xi32>
      %gather3A_419 = tpu.vector_load_idx %arg7[%add3A_418] : memref<32832xi32, #tpu.memory_space<vmem>>[vector<16xi32>], vector<16xi32>,
      %add3A_420 = arith.addi %add3A_414, %gather3A_419 : vector<16xi32>
      %add3A_421 = arith.constant 26637 : i32
      %add3A_422 = arith.addi %add3A_421, %mul3A_343 : i32
      %add3A_423 = vector.broadcast %add3A_422 : i32 to vector<16xi32>
      %add3A_424 = arith.addi %add3A_423, %iota3A : vector<16xi32>
      %gather3A_425 = tpu.vector_load_idx %arg7[%add3A_424] : memref<32832xi32, #tpu.memory_space<vmem>>[vector<16xi32>], vector<16xi32>,
      %add3A_426 = arith.addi %add3A_420, %gather3A_425 : vector<16xi32>
      %add3A_427 = arith.constant 28686 : i32
      %add3A_428 = arith.addi %add3A_427, %mul3A_343 : i32
      %add3A_429 = vector.broadcast %add3A_428 : i32 to vector<16xi32>
      %add3A_430 = arith.addi %add3A_429, %iota3A : vector<16xi32>
      %gather3A_431 = tpu.vector_load_idx %arg7[%add3A_430] : memref<32832xi32, #tpu.memory_space<vmem>>[vector<16xi32>], vector<16xi32>,
      %add3A_432 = arith.addi %add3A_426, %gather3A_431 : vector<16xi32>
      %add3A_433 = arith.constant 30735 : i32
      %add3A_434 = arith.addi %add3A_433, %mul3A_343 : i32
      %add3A_435 = vector.broadcast %add3A_434 : i32 to vector<16xi32>
      %add3A_436 = arith.addi %add3A_435, %iota3A : vector<16xi32>
      %gather3A_437 = tpu.vector_load_idx %arg7[%add3A_436] : memref<32832xi32, #tpu.memory_space<vmem>>[vector<16xi32>], vector<16xi32>,
      %add3A_438 = arith.addi %add3A_432, %gather3A_437 : vector<16xi32>
      %swap3A = arith.index_cast %scan3A_340 : i32 to index
      %swap3A_439 = arith.constant 0 : index
      %swap3A_440 = tpu.vector_load %arg8[%swap3A, %swap3A_439] {strides = array<i32>} : memref<128x16xi32, #tpu.memory_space<vmem>>, vector<16xi32>,
      tpu.vector_store %arg8[%swap3A, %swap3A_439], %add3A_438 {strides = array<i32>} : memref<128x16xi32, #tpu.memory_space<vmem>>, vector<16xi32>,
      %scan3A_441 = arith.constant 0 : i32
      scf.yield %scan3A_441 : i32
    }
    %scan3A_139 = arith.constant 128 : i32
    "tpu.region"() ({
      %run_scoped3A_340 = tpu.sem_alloc : memref<!tpu.dma_semaphore, #tpu.memory_space<semaphore_mem>>
      %dma_start3A_341 = arith.constant 0 : i32
      %dma_start3A_342 = arith.constant 0 : i32
      %dma_start3A_343 = tpu.memref_slice %arg17[%arg1, %dma_start3A_341, %dma_start3A_342] : memref<16x128x16xi32, #tpu.memory_space<vmem_shared>> -> memref<1x128x16xi32, #tpu.memory_space<vmem_shared>>
      %dma_start3A_344 = tpu.memref_squeeze %dma_start3A_343 : memref<1x128x16xi32, #tpu.memory_space<vmem_shared>> -> memref<128x16xi32, #tpu.memory_space<vmem_shared>>
      %dma_start3A_345 = arith.constant 0 : i32
      %dma_start3A_346 = arith.constant 0 : i32
      %dma_start3A_347 = tpu.memref_slice %arg17[%arg1, %dma_start3A_345, %dma_start3A_346] : memref<16x128x16xi32, #tpu.memory_space<vmem_shared>> -> memref<1x128x16xi32, #tpu.memory_space<vmem_shared>>
      %dma_start3A_348 = tpu.memref_squeeze %dma_start3A_347 : memref<1x128x16xi32, #tpu.memory_space<vmem_shared>> -> memref<128x16xi32, #tpu.memory_space<vmem_shared>>
      tpu.enqueue_dma source(%arg8 : memref<128x16xi32, #tpu.memory_space<vmem>>) target(%dma_start3A_348 : memref<128x16xi32, #tpu.memory_space<vmem_shared>>) target_semaphore(%run_scoped3A_340 : memref<!tpu.dma_semaphore, #tpu.memory_space<semaphore_mem>>)
      %dma_wait3A = arith.constant 0 : i32
      %dma_wait3A_349 = arith.constant 0 : i32
      %dma_wait3A_350 = tpu.memref_slice %arg17[%arg1, %dma_wait3A, %dma_wait3A_349] : memref<16x128x16xi32, #tpu.memory_space<vmem_shared>> -> memref<1x128x16xi32, #tpu.memory_space<vmem_shared>>
      %dma_wait3A_351 = tpu.memref_squeeze %dma_wait3A_350 : memref<1x128x16xi32, #tpu.memory_space<vmem_shared>> -> memref<128x16xi32, #tpu.memory_space<vmem_shared>>
      %dma_wait3A_352 = arith.constant 0 : i32
      %dma_wait3A_353 = arith.constant 0 : i32
      %dma_wait3A_354 = tpu.memref_slice %arg17[%arg1, %dma_wait3A_352, %dma_wait3A_353] : memref<16x128x16xi32, #tpu.memory_space<vmem_shared>> -> memref<1x128x16xi32, #tpu.memory_space<vmem_shared>>
      %dma_wait3A_355 = tpu.memref_squeeze %dma_wait3A_354 : memref<1x128x16xi32, #tpu.memory_space<vmem_shared>> -> memref<128x16xi32, #tpu.memory_space<vmem_shared>>
      tpu.wait_dma2 semaphore(%run_scoped3A_340 : memref<!tpu.dma_semaphore, #tpu.memory_space<semaphore_mem>>) src(%arg8 : memref<128x16xi32, #tpu.memory_space<vmem>>) dst(%dma_wait3A_355 : memref<128x16xi32, #tpu.memory_space<vmem_shared>>)
      tpu.yield
    }) : () -> ()
    %barrier3A_140 = arith.constant 0 : index
    tpu.barrier barrier_id(%barrier3A_140)
    %run_scoped3A_141 = arith.constant 0 : i32
    "tpu.region"() ({
      %run_scoped3A_340 = tpu.sem_alloc : memref<!tpu.dma_semaphore, #tpu.memory_space<semaphore_mem>>
      %dma_start3A_341 = arith.constant 0 : i32
      %dma_start3A_342 = arith.constant 0 : i32
      %dma_start3A_343 = tpu.memref_slice %arg17[%run_scoped3A_141, %dma_start3A_341, %dma_start3A_342] : memref<16x128x16xi32, #tpu.memory_space<vmem_shared>> -> memref<1x128x16xi32, #tpu.memory_space<vmem_shared>>
      %dma_start3A_344 = tpu.memref_squeeze %dma_start3A_343 : memref<1x128x16xi32, #tpu.memory_space<vmem_shared>> -> memref<128x16xi32, #tpu.memory_space<vmem_shared>>
      %dma_start3A_345 = arith.constant 0 : i32
      %dma_start3A_346 = arith.constant 0 : i32
      %dma_start3A_347 = tpu.memref_slice %arg17[%run_scoped3A_141, %dma_start3A_345, %dma_start3A_346] : memref<16x128x16xi32, #tpu.memory_space<vmem_shared>> -> memref<1x128x16xi32, #tpu.memory_space<vmem_shared>>
      %dma_start3A_348 = tpu.memref_squeeze %dma_start3A_347 : memref<1x128x16xi32, #tpu.memory_space<vmem_shared>> -> memref<128x16xi32, #tpu.memory_space<vmem_shared>>
      tpu.enqueue_dma source(%dma_start3A_348 : memref<128x16xi32, #tpu.memory_space<vmem_shared>>) target(%arg8 : memref<128x16xi32, #tpu.memory_space<vmem>>) target_semaphore(%run_scoped3A_340 : memref<!tpu.dma_semaphore, #tpu.memory_space<semaphore_mem>>)
      %dma_wait3A = arith.constant 0 : i32
      %dma_wait3A_349 = arith.constant 0 : i32
      %dma_wait3A_350 = tpu.memref_slice %arg17[%run_scoped3A_141, %dma_wait3A, %dma_wait3A_349] : memref<16x128x16xi32, #tpu.memory_space<vmem_shared>> -> memref<1x128x16xi32, #tpu.memory_space<vmem_shared>>
      %dma_wait3A_351 = tpu.memref_squeeze %dma_wait3A_350 : memref<1x128x16xi32, #tpu.memory_space<vmem_shared>> -> memref<128x16xi32, #tpu.memory_space<vmem_shared>>
      %dma_wait3A_352 = arith.constant 0 : i32
      %dma_wait3A_353 = arith.constant 0 : i32
      %dma_wait3A_354 = tpu.memref_slice %arg17[%run_scoped3A_141, %dma_wait3A_352, %dma_wait3A_353] : memref<16x128x16xi32, #tpu.memory_space<vmem_shared>> -> memref<1x128x16xi32, #tpu.memory_space<vmem_shared>>
      %dma_wait3A_355 = tpu.memref_squeeze %dma_wait3A_354 : memref<1x128x16xi32, #tpu.memory_space<vmem_shared>> -> memref<128x16xi32, #tpu.memory_space<vmem_shared>>
      tpu.wait_dma2 semaphore(%run_scoped3A_340 : memref<!tpu.dma_semaphore, #tpu.memory_space<semaphore_mem>>) src(%dma_wait3A_355 : memref<128x16xi32, #tpu.memory_space<vmem_shared>>) dst(%arg8 : memref<128x16xi32, #tpu.memory_space<vmem>>)
      tpu.yield
    }) : () -> ()
    %scan3A_142 = arith.constant 0 : i32
    %scan3A_143 = arith.constant 1 : i32
    %scan3A_144 = arith.constant 15 : i32
    %scan3A_145 = arith.addi %scan3A_143, %scan3A_144 : i32
    %scan3A_146 = arith.constant 1 : i32
    %scan3A_147 = scf.for %scan3A_340 = %scan3A_143 to %scan3A_145 step %scan3A_146 iter_args(%scan3A_341 = %scan3A_142) -> (i32)  : i32 {
      "tpu.region"() ({
        %run_scoped3A_350 = tpu.sem_alloc : memref<!tpu.dma_semaphore, #tpu.memory_space<semaphore_mem>>
        %dma_start3A_351 = arith.constant 0 : i32
        %dma_start3A_352 = arith.constant 0 : i32
        %dma_start3A_353 = tpu.memref_slice %arg17[%scan3A_340, %dma_start3A_351, %dma_start3A_352] : memref<16x128x16xi32, #tpu.memory_space<vmem_shared>> -> memref<1x128x16xi32, #tpu.memory_space<vmem_shared>>
        %dma_start3A_354 = tpu.memref_squeeze %dma_start3A_353 : memref<1x128x16xi32, #tpu.memory_space<vmem_shared>> -> memref<128x16xi32, #tpu.memory_space<vmem_shared>>
        %dma_start3A_355 = arith.constant 0 : i32
        %dma_start3A_356 = arith.constant 0 : i32
        %dma_start3A_357 = tpu.memref_slice %arg17[%scan3A_340, %dma_start3A_355, %dma_start3A_356] : memref<16x128x16xi32, #tpu.memory_space<vmem_shared>> -> memref<1x128x16xi32, #tpu.memory_space<vmem_shared>>
        %dma_start3A_358 = tpu.memref_squeeze %dma_start3A_357 : memref<1x128x16xi32, #tpu.memory_space<vmem_shared>> -> memref<128x16xi32, #tpu.memory_space<vmem_shared>>
        tpu.enqueue_dma source(%dma_start3A_358 : memref<128x16xi32, #tpu.memory_space<vmem_shared>>) target(%arg9 : memref<128x16xi32, #tpu.memory_space<vmem>>) target_semaphore(%run_scoped3A_350 : memref<!tpu.dma_semaphore, #tpu.memory_space<semaphore_mem>>)
        %dma_wait3A = arith.constant 0 : i32
        %dma_wait3A_359 = arith.constant 0 : i32
        %dma_wait3A_360 = tpu.memref_slice %arg17[%scan3A_340, %dma_wait3A, %dma_wait3A_359] : memref<16x128x16xi32, #tpu.memory_space<vmem_shared>> -> memref<1x128x16xi32, #tpu.memory_space<vmem_shared>>
        %dma_wait3A_361 = tpu.memref_squeeze %dma_wait3A_360 : memref<1x128x16xi32, #tpu.memory_space<vmem_shared>> -> memref<128x16xi32, #tpu.memory_space<vmem_shared>>
        %dma_wait3A_362 = arith.constant 0 : i32
        %dma_wait3A_363 = arith.constant 0 : i32
        %dma_wait3A_364 = tpu.memref_slice %arg17[%scan3A_340, %dma_wait3A_362, %dma_wait3A_363] : memref<16x128x16xi32, #tpu.memory_space<vmem_shared>> -> memref<1x128x16xi32, #tpu.memory_space<vmem_shared>>
        %dma_wait3A_365 = tpu.memref_squeeze %dma_wait3A_364 : memref<1x128x16xi32, #tpu.memory_space<vmem_shared>> -> memref<128x16xi32, #tpu.memory_space<vmem_shared>>
        tpu.wait_dma2 semaphore(%run_scoped3A_350 : memref<!tpu.dma_semaphore, #tpu.memory_space<semaphore_mem>>) src(%dma_wait3A_365 : memref<128x16xi32, #tpu.memory_space<vmem_shared>>) dst(%arg9 : memref<128x16xi32, #tpu.memory_space<vmem>>)
        tpu.yield
      }) : () -> ()
      %scan3A_342 = arith.constant 0 : i32
      %scan3A_343 = arith.constant 0 : i32
      %scan3A_344 = arith.constant 32 : i32
      %scan3A_345 = arith.addi %scan3A_343, %scan3A_344 : i32
      %scan3A_346 = arith.constant 1 : i32
      %scan3A_347 = scf.for %scan3A_350 = %scan3A_343 to %scan3A_345 step %scan3A_346 iter_args(%scan3A_351 = %scan3A_342) -> (i32)  : i32 {
        %mul3A_352 = arith.constant 4 : i32
        %mul3A_353 = arith.muli %scan3A_350, %mul3A_352 : i32
        %add3A_354 = arith.constant 0 : i32
        %add3A_355 = arith.addi %mul3A_353, %add3A_354 : i32
        %get3A = arith.index_cast %add3A_355 : i32 to index
        %get3A_356 = arith.constant 0 : index
        %get3A_357 = tpu.vector_load %arg8[%get3A, %get3A_356] {strides = array<i32>} : memref<128x16xi32, #tpu.memory_space<vmem>>, vector<16xi32>,
        %get3A_358 = arith.index_cast %add3A_355 : i32 to index
        %get3A_359 = arith.constant 0 : index
        %get3A_360 = tpu.vector_load %arg9[%get3A_358, %get3A_359] {strides = array<i32>} : memref<128x16xi32, #tpu.memory_space<vmem>>, vector<16xi32>,
        %add3A_361 = arith.addi %get3A_357, %get3A_360 : vector<16xi32>
        %swap3A = arith.index_cast %add3A_355 : i32 to index
        %swap3A_362 = arith.constant 0 : index
        %swap3A_363 = tpu.vector_load %arg8[%swap3A, %swap3A_362] {strides = array<i32>} : memref<128x16xi32, #tpu.memory_space<vmem>>, vector<16xi32>,
        tpu.vector_store %arg8[%swap3A, %swap3A_362], %add3A_361 {strides = array<i32>} : memref<128x16xi32, #tpu.memory_space<vmem>>, vector<16xi32>,
        %mul3A_364 = arith.constant 4 : i32
        %mul3A_365 = arith.muli %scan3A_350, %mul3A_364 : i32
        %add3A_366 = arith.constant 1 : i32
        %add3A_367 = arith.addi %mul3A_365, %add3A_366 : i32
        %get3A_368 = arith.index_cast %add3A_367 : i32 to index
        %get3A_369 = arith.constant 0 : index
        %get3A_370 = tpu.vector_load %arg8[%get3A_368, %get3A_369] {strides = array<i32>} : memref<128x16xi32, #tpu.memory_space<vmem>>, vector<16xi32>,
        %get3A_371 = arith.index_cast %add3A_367 : i32 to index
        %get3A_372 = arith.constant 0 : index
        %get3A_373 = tpu.vector_load %arg9[%get3A_371, %get3A_372] {strides = array<i32>} : memref<128x16xi32, #tpu.memory_space<vmem>>, vector<16xi32>,
        %add3A_374 = arith.addi %get3A_370, %get3A_373 : vector<16xi32>
        %swap3A_375 = arith.index_cast %add3A_367 : i32 to index
        %swap3A_376 = arith.constant 0 : index
        %swap3A_377 = tpu.vector_load %arg8[%swap3A_375, %swap3A_376] {strides = array<i32>} : memref<128x16xi32, #tpu.memory_space<vmem>>, vector<16xi32>,
        tpu.vector_store %arg8[%swap3A_375, %swap3A_376], %add3A_374 {strides = array<i32>} : memref<128x16xi32, #tpu.memory_space<vmem>>, vector<16xi32>,
        %mul3A_378 = arith.constant 4 : i32
        %mul3A_379 = arith.muli %scan3A_350, %mul3A_378 : i32
        %add3A_380 = arith.constant 2 : i32
        %add3A_381 = arith.addi %mul3A_379, %add3A_380 : i32
        %get3A_382 = arith.index_cast %add3A_381 : i32 to index
        %get3A_383 = arith.constant 0 : index
        %get3A_384 = tpu.vector_load %arg8[%get3A_382, %get3A_383] {strides = array<i32>} : memref<128x16xi32, #tpu.memory_space<vmem>>, vector<16xi32>,
        %get3A_385 = arith.index_cast %add3A_381 : i32 to index
        %get3A_386 = arith.constant 0 : index
        %get3A_387 = tpu.vector_load %arg9[%get3A_385, %get3A_386] {strides = array<i32>} : memref<128x16xi32, #tpu.memory_space<vmem>>, vector<16xi32>,
        %add3A_388 = arith.addi %get3A_384, %get3A_387 : vector<16xi32>
        %swap3A_389 = arith.index_cast %add3A_381 : i32 to index
        %swap3A_390 = arith.constant 0 : index
        %swap3A_391 = tpu.vector_load %arg8[%swap3A_389, %swap3A_390] {strides = array<i32>} : memref<128x16xi32, #tpu.memory_space<vmem>>, vector<16xi32>,
        tpu.vector_store %arg8[%swap3A_389, %swap3A_390], %add3A_388 {strides = array<i32>} : memref<128x16xi32, #tpu.memory_space<vmem>>, vector<16xi32>,
        %mul3A_392 = arith.constant 4 : i32
        %mul3A_393 = arith.muli %scan3A_350, %mul3A_392 : i32
        %add3A_394 = arith.constant 3 : i32
        %add3A_395 = arith.addi %mul3A_393, %add3A_394 : i32
        %get3A_396 = arith.index_cast %add3A_395 : i32 to index
        %get3A_397 = arith.constant 0 : index
        %get3A_398 = tpu.vector_load %arg8[%get3A_396, %get3A_397] {strides = array<i32>} : memref<128x16xi32, #tpu.memory_space<vmem>>, vector<16xi32>,
        %get3A_399 = arith.index_cast %add3A_395 : i32 to index
        %get3A_400 = arith.constant 0 : index
        %get3A_401 = tpu.vector_load %arg9[%get3A_399, %get3A_400] {strides = array<i32>} : memref<128x16xi32, #tpu.memory_space<vmem>>, vector<16xi32>,
        %add3A_402 = arith.addi %get3A_398, %get3A_401 : vector<16xi32>
        %swap3A_403 = arith.index_cast %add3A_395 : i32 to index
        %swap3A_404 = arith.constant 0 : index
        %swap3A_405 = tpu.vector_load %arg8[%swap3A_403, %swap3A_404] {strides = array<i32>} : memref<128x16xi32, #tpu.memory_space<vmem>>, vector<16xi32>,
        tpu.vector_store %arg8[%swap3A_403, %swap3A_404], %add3A_402 {strides = array<i32>} : memref<128x16xi32, #tpu.memory_space<vmem>>, vector<16xi32>,
        %scan3A_406 = arith.constant 0 : i32
        scf.yield %scan3A_406 : i32
      }
      %scan3A_348 = arith.constant 32 : i32
      %scan3A_349 = arith.constant 0 : i32
      scf.yield %scan3A_349 : i32
    }
    %scan3A_148 = arith.constant 15 : i32
    %barrier3A_149 = arith.constant 0 : index
    tpu.barrier barrier_id(%barrier3A_149)
    %sub3A_150 = arith.subi %select_n3A_60, %sub3A_109 : i32
    %scan3A_151 = arith.constant 0 : i32
    %scan3A_152 = arith.constant -1 : i32
    %scan3A_153 = arith.constant 0 : i32
    %scan3A_154 = arith.constant 0 : i32
    %scan3A_155 = arith.constant 128 : i32
    %scan3A_156 = arith.addi %scan3A_154, %scan3A_155 : i32
    %scan3A_157 = arith.constant 1 : i32
    %scan3A_158:4 = scf.for %scan3A_340 = %scan3A_154 to %scan3A_156 step %scan3A_157 iter_args(%scan3A_341 = %scan3A_151, %scan3A_342 = %scan3A_152, %scan3A_343 = %scan3A_153, %scan3A_344 = %broadcast_in_dim3A_0) -> (i32, i32, i32, vector<16xi32>)  : i32 {
      %sub3A_345 = arith.constant 127 : i32
      %sub3A_346 = arith.subi %sub3A_345, %scan3A_340 : i32
      %get3A = arith.index_cast %sub3A_346 : i32 to index
      %get3A_347 = arith.constant 0 : index
      %get3A_348 = tpu.vector_load %arg8[%get3A, %get3A_347] {strides = array<i32>} : memref<128x16xi32, #tpu.memory_space<vmem>>, vector<16xi32>,
      %reduce_sum3A_349 = arith.constant true
      %reduce_sum3A_350 = vector.broadcast %reduce_sum3A_349 : i1 to vector<16xi1>
      %reduce_sum3A_351 = tpu.scan <sum>, %get3A_348 masked %reduce_sum3A_350 : vector<16xi32>, vector<16xi1> -> vector<16xi32>
      %reduce_sum3A_352 = vector.extract %reduce_sum3A_351[15] : i32 from vector<16xi32>
      %lt3A = arith.constant 0 : i32
      %lt3A_353 = arith.cmpi slt, %scan3A_342, %lt3A : i32
      %add3A_354 = arith.addi %scan3A_341, %reduce_sum3A_352 : i32
      %ge3A_355 = arith.cmpi sge, %add3A_354, %sub3A_150 : i32
      %and3A = arith.andi %lt3A_353, %ge3A_355 : i1
      %gt3A_356 = arith.constant 0 : i32
      %gt3A_357 = arith.cmpi sgt, %sub3A_150, %gt3A_356 : i32
      %and3A_358 = arith.andi %and3A, %gt3A_357 : i1
      %broadcast_in_dim3A_359 = vector.broadcast %and3A_358 : i1 to vector<16xi1>
      %select_n3A_360 = arith.select %and3A_358, %sub3A_346, %scan3A_342 : i32
      %select_n3A_361 = arith.select %and3A_358, %scan3A_341, %scan3A_343 : i32
      %select_n3A_362 = arith.select %broadcast_in_dim3A_359, %get3A_348, %scan3A_344 : vector<16xi1>, vector<16xi32>
      %add3A_363 = arith.addi %scan3A_341, %reduce_sum3A_352 : i32
      scf.yield %add3A_363, %select_n3A_360, %select_n3A_361, %select_n3A_362 : i32, i32, i32, vector<16xi32>
    }
    %scan3A_159 = arith.constant 128 : i32
    %rev3A_160 = arith.constant 15 : i32
    %rev3A_161 = vector.broadcast %rev3A_160 : i32 to vector<16xi32>
    %rev3A_162 = tpu.iota {dimensions = array<i32: 0>} : vector<16xi32>
    %rev3A_163 = arith.subi %rev3A_161, %rev3A_162 : vector<16xi32>
    %rev3A_164 = tpu.dynamic_gather %scan3A_158#3[%rev3A_163] in [0] : vector<16xi32>, vector<16xi32> -> vector<16xi32>
    %cumsum3A_165 = arith.constant true
    %cumsum3A_166 = vector.broadcast %cumsum3A_165 : i1 to vector<16xi1>
    %cumsum3A_167 = tpu.scan <sum>, %rev3A_164 masked %cumsum3A_166 : vector<16xi32>, vector<16xi1> -> vector<16xi32>
    %sub3A_168 = arith.subi %sub3A_150, %scan3A_158#2 : i32
    %ge3A_169 = vector.broadcast %sub3A_168 : i32 to vector<16xi32>
    %ge3A_170 = arith.cmpi sge, %cumsum3A_167, %ge3A_169 : vector<16xi32>
    %jit3A_171 = arith.constant 16 : i32
    %broadcast_in_dim3A_172 = vector.broadcast %jit3A_171 : i32 to vector<16xi32>
    %select_n3A_173 = arith.select %ge3A_170, %iota3A, %broadcast_in_dim3A_172 : vector<16xi1>, vector<16xi32>
    %reduce_min3A_174 = arith.constant true
    %reduce_min3A_175 = vector.broadcast %reduce_min3A_174 : i1 to vector<16xi1>
    %reduce_min3A_176 = arith.constant -2147483648 : i32
    %reduce_min3A_177 = vector.broadcast %reduce_min3A_176 : i32 to vector<16xi32>
    %reduce_min3A_178 = arith.xori %select_n3A_173, %reduce_min3A_177 : vector<16xi32>
    %reduce_min3A_179 = tpu.scan <min>, %reduce_min3A_178 masked %reduce_min3A_175 : vector<16xi32>, vector<16xi1> -> vector<16xi32>
    %reduce_min3A_180 = arith.xori %reduce_min3A_179, %reduce_min3A_177 : vector<16xi32>
    %reduce_min3A_181 = vector.extract %reduce_min3A_180[15] : i32 from vector<16xi32>
    %broadcast_in_dim3A_182 = vector.broadcast %reduce_min3A_181 : i32 to vector<16xi32>
    %eq3A_183 = arith.cmpi eq, %iota3A, %broadcast_in_dim3A_182 : vector<16xi32>
    %jit3A_184 = arith.constant 0 : i32
    %broadcast_in_dim3A_185 = vector.broadcast %jit3A_184 : i32 to vector<16xi32>
    %select_n3A_186 = arith.select %eq3A_183, %cumsum3A_167, %broadcast_in_dim3A_185 : vector<16xi1>, vector<16xi32>
    %reduce_sum3A_187 = arith.constant true
    %reduce_sum3A_188 = vector.broadcast %reduce_sum3A_187 : i1 to vector<16xi1>
    %reduce_sum3A_189 = tpu.scan <sum>, %select_n3A_186 masked %reduce_sum3A_188 : vector<16xi32>, vector<16xi1> -> vector<16xi32>
    %reduce_sum3A_190 = vector.extract %reduce_sum3A_189[15] : i32 from vector<16xi32>
    %eq3A_191 = arith.cmpi eq, %iota3A, %broadcast_in_dim3A_182 : vector<16xi32>
    %jit3A_192 = arith.constant 0 : i32
    %broadcast_in_dim3A_193 = vector.broadcast %jit3A_192 : i32 to vector<16xi32>
    %select_n3A_194 = arith.select %eq3A_191, %rev3A_164, %broadcast_in_dim3A_193 : vector<16xi1>, vector<16xi32>
    %reduce_sum3A_195 = arith.constant true
    %reduce_sum3A_196 = vector.broadcast %reduce_sum3A_195 : i1 to vector<16xi1>
    %reduce_sum3A_197 = tpu.scan <sum>, %select_n3A_194 masked %reduce_sum3A_196 : vector<16xi32>, vector<16xi1> -> vector<16xi32>
    %reduce_sum3A_198 = vector.extract %reduce_sum3A_197[15] : i32 from vector<16xi32>
    %mul3A_199 = arith.constant 16 : i32
    %mul3A_200 = arith.muli %scan3A_158#1, %mul3A_199 : i32
    %sub3A_201 = arith.constant 15 : i32
    %sub3A_202 = arith.subi %sub3A_201, %reduce_min3A_181 : i32
    %add3A_203 = arith.addi %mul3A_200, %sub3A_202 : i32
    %add3A_204 = arith.addi %scan3A_158#2, %reduce_sum3A_190 : i32
    %sub3A_205 = arith.subi %add3A_204, %reduce_sum3A_198 : i32
    %shift_left3A = arith.constant 11 : i32
    %shift_left3A_206 = arith.shli %add3A_107, %shift_left3A : i32
    %or3A = arith.ori %shift_left3A_206, %add3A_203 : i32
    %scan3A_207 = arith.constant 0 : i32
    %scan3A_208 = arith.constant 0 : i32
    %scan3A_209 = arith.constant 513 : i32
    %scan3A_210 = arith.addi %scan3A_208, %scan3A_209 : i32
    %scan3A_211 = arith.constant 1 : i32
    %scan3A_212 = scf.for %scan3A_340 = %scan3A_208 to %scan3A_210 step %scan3A_211 iter_args(%scan3A_341 = %scan3A_207) -> (i32)  : i32 {
      %mul3A_342 = arith.constant 4 : i32
      %mul3A_343 = arith.muli %scan3A_340, %mul3A_342 : i32
      %add3A_344 = arith.constant 0 : i32
      %add3A_345 = arith.addi %mul3A_343, %add3A_344 : i32
      %mul3A_346 = arith.constant 16 : i32
      %mul3A_347 = arith.muli %add3A_345, %mul3A_346 : i32
      %add3A_348 = vector.broadcast %mul3A_347 : i32 to vector<16xi32>
      %add3A_349 = arith.addi %add3A_348, %iota3A : vector<16xi32>
      tpu.vector_store_idx %arg7[%add3A_349], %broadcast_in_dim3A_0 : memref<32832xi32, #tpu.memory_space<vmem>>[vector<16xi32>], vector<16xi32>,
      %mul3A_350 = arith.constant 4 : i32
      %mul3A_351 = arith.muli %scan3A_340, %mul3A_350 : i32
      %add3A_352 = arith.constant 1 : i32
      %add3A_353 = arith.addi %mul3A_351, %add3A_352 : i32
      %mul3A_354 = arith.constant 16 : i32
      %mul3A_355 = arith.muli %add3A_353, %mul3A_354 : i32
      %add3A_356 = vector.broadcast %mul3A_355 : i32 to vector<16xi32>
      %add3A_357 = arith.addi %add3A_356, %iota3A : vector<16xi32>
      tpu.vector_store_idx %arg7[%add3A_357], %broadcast_in_dim3A_0 : memref<32832xi32, #tpu.memory_space<vmem>>[vector<16xi32>], vector<16xi32>,
      %mul3A_358 = arith.constant 4 : i32
      %mul3A_359 = arith.muli %scan3A_340, %mul3A_358 : i32
      %add3A_360 = arith.constant 2 : i32
      %add3A_361 = arith.addi %mul3A_359, %add3A_360 : i32
      %mul3A_362 = arith.constant 16 : i32
      %mul3A_363 = arith.muli %add3A_361, %mul3A_362 : i32
      %add3A_364 = vector.broadcast %mul3A_363 : i32 to vector<16xi32>
      %add3A_365 = arith.addi %add3A_364, %iota3A : vector<16xi32>
      tpu.vector_store_idx %arg7[%add3A_365], %broadcast_in_dim3A_0 : memref<32832xi32, #tpu.memory_space<vmem>>[vector<16xi32>], vector<16xi32>,
      %mul3A_366 = arith.constant 4 : i32
      %mul3A_367 = arith.muli %scan3A_340, %mul3A_366 : i32
      %add3A_368 = arith.constant 3 : i32
      %add3A_369 = arith.addi %mul3A_367, %add3A_368 : i32
      %mul3A_370 = arith.constant 16 : i32
      %mul3A_371 = arith.muli %add3A_369, %mul3A_370 : i32
      %add3A_372 = vector.broadcast %mul3A_371 : i32 to vector<16xi32>
      %add3A_373 = arith.addi %add3A_372, %iota3A : vector<16xi32>
      tpu.vector_store_idx %arg7[%add3A_373], %broadcast_in_dim3A_0 : memref<32832xi32, #tpu.memory_space<vmem>>[vector<16xi32>], vector<16xi32>,
      %scan3A_374 = arith.constant 0 : i32
      scf.yield %scan3A_374 : i32
    }
    %scan3A_213 = arith.constant 513 : i32
    %broadcast_in_dim3A_214 = vector.broadcast %or3A : i32 to vector<16xi32>
    %mul3A_215 = arith.constant 65536 : i32
    %mul3A_216 = arith.muli %arg1, %mul3A_215 : i32
    %add3A_217 = arith.constant 0 : i32
    %add3A_218 = arith.addi %mul3A_216, %add3A_217 : i32
    %dma_start3A_219 = tpu.memref_slice %arg2[%add3A_218] : memref<1048576xf32, #tpu.memory_space<hbm>> -> memref<4096xf32, #tpu.memory_space<hbm>>
    %dma_start3A_220 = tpu.memref_slice %arg2[%add3A_218] : memref<1048576xf32, #tpu.memory_space<hbm>> -> memref<4096xf32, #tpu.memory_space<hbm>>
    tpu.enqueue_dma source(%dma_start3A_220 : memref<4096xf32, #tpu.memory_space<hbm>>) target(%arg5 : memref<4096xf32, #tpu.memory_space<vmem>>) target_semaphore(%arg13 : memref<!tpu.dma_semaphore, #tpu.memory_space<semaphore_mem>>)
    %dma_start3A_221 = tpu.memref_slice %arg3[%add3A_218] : memref<1048576xi32, #tpu.memory_space<hbm>> -> memref<4096xi32, #tpu.memory_space<hbm>>
    %dma_start3A_222 = tpu.memref_slice %arg3[%add3A_218] : memref<1048576xi32, #tpu.memory_space<hbm>> -> memref<4096xi32, #tpu.memory_space<hbm>>
    tpu.enqueue_dma source(%dma_start3A_222 : memref<4096xi32, #tpu.memory_space<hbm>>) target(%arg6 : memref<4096xi32, #tpu.memory_space<vmem>>) target_semaphore(%arg14 : memref<!tpu.dma_semaphore, #tpu.memory_space<semaphore_mem>>)
    %scan3A_223 = arith.constant 0 : i32
    %scan3A_224 = arith.constant 0 : i32
    %scan3A_225 = arith.constant 8 : i32
    %scan3A_226 = arith.addi %scan3A_224, %scan3A_225 : i32
    %scan3A_227 = arith.constant 1 : i32
    %scan3A_228 = scf.for %scan3A_340 = %scan3A_224 to %scan3A_226 step %scan3A_227 iter_args(%scan3A_341 = %scan3A_223) -> (i32)  : i32 {
      %mul3A_342 = arith.constant 2 : i32
      %mul3A_343 = arith.muli %scan3A_340, %mul3A_342 : i32
      %add3A_344 = arith.constant 1 : i32
      %add3A_345 = arith.addi %mul3A_343, %add3A_344 : i32
      %mul3A_346 = arith.constant 65536 : i32
      %mul3A_347 = arith.muli %arg1, %mul3A_346 : i32
      %mul3A_348 = arith.constant 4096 : i32
      %mul3A_349 = arith.muli %add3A_345, %mul3A_348 : i32
      %add3A_350 = arith.addi %mul3A_347, %mul3A_349 : i32
      %dma_start3A_351 = tpu.memref_slice %arg2[%add3A_350] : memref<1048576xf32, #tpu.memory_space<hbm>> -> memref<4096xf32, #tpu.memory_space<hbm>>
      %dma_start3A_352 = tpu.memref_slice %arg2[%add3A_350] : memref<1048576xf32, #tpu.memory_space<hbm>> -> memref<4096xf32, #tpu.memory_space<hbm>>
      tpu.enqueue_dma source(%dma_start3A_352 : memref<4096xf32, #tpu.memory_space<hbm>>) target(%arg11 : memref<4096xf32, #tpu.memory_space<vmem>>) target_semaphore(%arg15 : memref<!tpu.dma_semaphore, #tpu.memory_space<semaphore_mem>>)
      %dma_start3A_353 = tpu.memref_slice %arg3[%add3A_350] : memref<1048576xi32, #tpu.memory_space<hbm>> -> memref<4096xi32, #tpu.memory_space<hbm>>
      %dma_start3A_354 = tpu.memref_slice %arg3[%add3A_350] : memref<1048576xi32, #tpu.memory_space<hbm>> -> memref<4096xi32, #tpu.memory_space<hbm>>
      tpu.enqueue_dma source(%dma_start3A_354 : memref<4096xi32, #tpu.memory_space<hbm>>) target(%arg12 : memref<4096xi32, #tpu.memory_space<vmem>>) target_semaphore(%arg16 : memref<!tpu.dma_semaphore, #tpu.memory_space<semaphore_mem>>)
      %dma_wait3A = arith.constant 0 : i32
      %dma_wait3A_355 = tpu.memref_slice %arg2[%dma_wait3A] : memref<1048576xf32, #tpu.memory_space<hbm>> -> memref<4096xf32, #tpu.memory_space<hbm>>
      %dma_wait3A_356 = arith.constant 0 : i32
      %dma_wait3A_357 = tpu.memref_slice %arg2[%dma_wait3A_356] : memref<1048576xf32, #tpu.memory_space<hbm>> -> memref<4096xf32, #tpu.memory_space<hbm>>
      tpu.wait_dma2 semaphore(%arg13 : memref<!tpu.dma_semaphore, #tpu.memory_space<semaphore_mem>>) src(%dma_wait3A_357 : memref<4096xf32, #tpu.memory_space<hbm>>) dst(%arg5 : memref<4096xf32, #tpu.memory_space<vmem>>)
      %dma_wait3A_358 = arith.constant 0 : i32
      %dma_wait3A_359 = tpu.memref_slice %arg3[%dma_wait3A_358] : memref<1048576xi32, #tpu.memory_space<hbm>> -> memref<4096xi32, #tpu.memory_space<hbm>>
      %dma_wait3A_360 = arith.constant 0 : i32
      %dma_wait3A_361 = tpu.memref_slice %arg3[%dma_wait3A_360] : memref<1048576xi32, #tpu.memory_space<hbm>> -> memref<4096xi32, #tpu.memory_space<hbm>>
      tpu.wait_dma2 semaphore(%arg14 : memref<!tpu.dma_semaphore, #tpu.memory_space<semaphore_mem>>) src(%dma_wait3A_361 : memref<4096xi32, #tpu.memory_space<hbm>>) dst(%arg6 : memref<4096xi32, #tpu.memory_space<vmem>>)
      %scan3A_362 = arith.constant 0 : i32
      %scan3A_363 = arith.constant 0 : i32
      %scan3A_364 = arith.constant 64 : i32
      %scan3A_365 = arith.addi %scan3A_363, %scan3A_364 : i32
      %scan3A_366 = arith.constant 1 : i32
      %scan3A_367 = scf.for %scan3A_389 = %scan3A_363 to %scan3A_365 step %scan3A_366 iter_args(%scan3A_390 = %scan3A_362) -> (i32)  : i32 {
        %mul3A_391 = arith.constant 4 : i32
        %mul3A_392 = arith.muli %scan3A_389, %mul3A_391 : i32
        %add3A_393 = arith.constant 0 : i32
        %add3A_394 = arith.addi %mul3A_392, %add3A_393 : i32
        %mul3A_395 = arith.constant 16 : i32
        %mul3A_396 = arith.muli %add3A_394, %mul3A_395 : i32
        %get3A = arith.index_cast %mul3A_396 : i32 to index
        %get3A_397 = tpu.vector_load %arg5[%get3A] {strides = array<i32>} : memref<4096xf32, #tpu.memory_space<vmem>>, vector<16xf32>,
        %get3A_398 = arith.index_cast %mul3A_396 : i32 to index
        %get3A_399 = tpu.vector_load %arg6[%get3A_398] {strides = array<i32>} : memref<4096xi32, #tpu.memory_space<vmem>>, vector<16xi32>,
        %bitcast_convert_type3A_400 = tpu.bitcast %get3A_397 : vector<16xf32> -> vector<16xi32>
        %ge3A_401 = arith.constant -2147483648 : i32
        %ge3A_402 = vector.broadcast %ge3A_401 : i32 to vector<16xi32>
        %ge3A_403 = arith.cmpi uge, %bitcast_convert_type3A_400, %ge3A_402 : vector<16xi32>
        %not3A = arith.constant dense<-1> : vector<16xi32>
        %not3A_404 = arith.xori %bitcast_convert_type3A_400, %not3A : vector<16xi32>
        %or3A_405 = arith.constant -2147483648 : i32
        %or3A_406 = vector.broadcast %or3A_405 : i32 to vector<16xi32>
        %or3A_407 = arith.ori %bitcast_convert_type3A_400, %or3A_406 : vector<16xi32>
        %select_n3A_408 = arith.select %ge3A_403, %not3A_404, %or3A_407 : vector<16xi1>, vector<16xi32>
        %xor3A = arith.xori %select_n3A_408, %select_n3A : vector<16xi32>
        %ge3A_409 = arith.constant 1 : i32
        %ge3A_410 = vector.broadcast %ge3A_409 : i32 to vector<16xi32>
        %ge3A_411 = arith.cmpi sge, %get3A_399, %ge3A_410 : vector<16xi32>
        %eq3A_412 = arith.xori %ge3A_411, %broadcast_in_dim3A_4 : vector<16xi1>
        %eq3A_413 = arith.constant dense<true> : vector<16xi1>
        %eq3A_414 = arith.xori %eq3A_412, %eq3A_413 : vector<16xi1>
        %jit3A_415 = arith.constant 0 : i32
        %broadcast_in_dim3A_416 = vector.broadcast %jit3A_415 : i32 to vector<16xi32>
        %select_n3A_417 = arith.select %eq3A_414, %xor3A, %broadcast_in_dim3A_416 : vector<16xi1>, vector<16xi32>
        %shift_right_logical3A = arith.constant 10 : i32
        %shift_right_logical3A_418 = vector.broadcast %shift_right_logical3A : i32 to vector<16xi32>
        %shift_right_logical3A_419 = arith.shrui %select_n3A_417, %shift_right_logical3A_418 : vector<16xi32>
        %eq3A_420 = arith.cmpi eq, %shift_right_logical3A_419, %broadcast_in_dim3A_214 : vector<16xi32>
        %shift_right_logical3A_421 = arith.constant 0 : i32
        %shift_right_logical3A_422 = vector.broadcast %shift_right_logical3A_421 : i32 to vector<16xi32>
        %shift_right_logical3A_423 = arith.shrui %select_n3A_417, %shift_right_logical3A_422 : vector<16xi32>
        %and3A = arith.constant 1023 : i32
        %and3A_424 = vector.broadcast %and3A : i32 to vector<16xi32>
        %and3A_425 = arith.andi %shift_right_logical3A_423, %and3A_424 : vector<16xi32>
        %bitcast_convert_type3A_426 = tpu.bitcast %and3A_425 : vector<16xi32> -> vector<16xi32>
        %add3A_427 = arith.addi %mul3A_10, %bitcast_convert_type3A_426 : vector<16xi32>
        tpu.vector_store_idx %arg7[%add3A_427], %broadcast_in_dim3A_2 masked %eq3A_420 {add = true} : memref<32832xi32, #tpu.memory_space<vmem>>[vector<16xi32>], vector<16xi32>, vector<16xi1>
        %mul3A_428 = arith.constant 4 : i32
        %mul3A_429 = arith.muli %scan3A_389, %mul3A_428 : i32
        %add3A_430 = arith.constant 1 : i32
        %add3A_431 = arith.addi %mul3A_429, %add3A_430 : i32
        %mul3A_432 = arith.constant 16 : i32
        %mul3A_433 = arith.muli %add3A_431, %mul3A_432 : i32
        %get3A_434 = arith.index_cast %mul3A_433 : i32 to index
        %get3A_435 = tpu.vector_load %arg5[%get3A_434] {strides = array<i32>} : memref<4096xf32, #tpu.memory_space<vmem>>, vector<16xf32>,
        %get3A_436 = arith.index_cast %mul3A_433 : i32 to index
        %get3A_437 = tpu.vector_load %arg6[%get3A_436] {strides = array<i32>} : memref<4096xi32, #tpu.memory_space<vmem>>, vector<16xi32>,
        %bitcast_convert_type3A_438 = tpu.bitcast %get3A_435 : vector<16xf32> -> vector<16xi32>
        %ge3A_439 = arith.constant -2147483648 : i32
        %ge3A_440 = vector.broadcast %ge3A_439 : i32 to vector<16xi32>
        %ge3A_441 = arith.cmpi uge, %bitcast_convert_type3A_438, %ge3A_440 : vector<16xi32>
        %not3A_442 = arith.constant dense<-1> : vector<16xi32>
        %not3A_443 = arith.xori %bitcast_convert_type3A_438, %not3A_442 : vector<16xi32>
        %or3A_444 = arith.constant -2147483648 : i32
        %or3A_445 = vector.broadcast %or3A_444 : i32 to vector<16xi32>
        %or3A_446 = arith.ori %bitcast_convert_type3A_438, %or3A_445 : vector<16xi32>
        %select_n3A_447 = arith.select %ge3A_441, %not3A_443, %or3A_446 : vector<16xi1>, vector<16xi32>
        %xor3A_448 = arith.xori %select_n3A_447, %select_n3A : vector<16xi32>
        %ge3A_449 = arith.constant 1 : i32
        %ge3A_450 = vector.broadcast %ge3A_449 : i32 to vector<16xi32>
        %ge3A_451 = arith.cmpi sge, %get3A_437, %ge3A_450 : vector<16xi32>
        %eq3A_452 = arith.xori %ge3A_451, %broadcast_in_dim3A_4 : vector<16xi1>
        %eq3A_453 = arith.constant dense<true> : vector<16xi1>
        %eq3A_454 = arith.xori %eq3A_452, %eq3A_453 : vector<16xi1>
        %jit3A_455 = arith.constant 0 : i32
        %broadcast_in_dim3A_456 = vector.broadcast %jit3A_455 : i32 to vector<16xi32>
        %select_n3A_457 = arith.select %eq3A_454, %xor3A_448, %broadcast_in_dim3A_456 : vector<16xi1>, vector<16xi32>
        %shift_right_logical3A_458 = arith.constant 10 : i32
        %shift_right_logical3A_459 = vector.broadcast %shift_right_logical3A_458 : i32 to vector<16xi32>
        %shift_right_logical3A_460 = arith.shrui %select_n3A_457, %shift_right_logical3A_459 : vector<16xi32>
        %eq3A_461 = arith.cmpi eq, %shift_right_logical3A_460, %broadcast_in_dim3A_214 : vector<16xi32>
        %shift_right_logical3A_462 = arith.constant 0 : i32
        %shift_right_logical3A_463 = vector.broadcast %shift_right_logical3A_462 : i32 to vector<16xi32>
        %shift_right_logical3A_464 = arith.shrui %select_n3A_457, %shift_right_logical3A_463 : vector<16xi32>
        %and3A_465 = arith.constant 1023 : i32
        %and3A_466 = vector.broadcast %and3A_465 : i32 to vector<16xi32>
        %and3A_467 = arith.andi %shift_right_logical3A_464, %and3A_466 : vector<16xi32>
        %bitcast_convert_type3A_468 = tpu.bitcast %and3A_467 : vector<16xi32> -> vector<16xi32>
        %add3A_469 = arith.addi %mul3A_10, %bitcast_convert_type3A_468 : vector<16xi32>
        tpu.vector_store_idx %arg7[%add3A_469], %broadcast_in_dim3A_2 masked %eq3A_461 {add = true} : memref<32832xi32, #tpu.memory_space<vmem>>[vector<16xi32>], vector<16xi32>, vector<16xi1>
        %mul3A_470 = arith.constant 4 : i32
        %mul3A_471 = arith.muli %scan3A_389, %mul3A_470 : i32
        %add3A_472 = arith.constant 2 : i32
        %add3A_473 = arith.addi %mul3A_471, %add3A_472 : i32
        %mul3A_474 = arith.constant 16 : i32
        %mul3A_475 = arith.muli %add3A_473, %mul3A_474 : i32
        %get3A_476 = arith.index_cast %mul3A_475 : i32 to index
        %get3A_477 = tpu.vector_load %arg5[%get3A_476] {strides = array<i32>} : memref<4096xf32, #tpu.memory_space<vmem>>, vector<16xf32>,
        %get3A_478 = arith.index_cast %mul3A_475 : i32 to index
        %get3A_479 = tpu.vector_load %arg6[%get3A_478] {strides = array<i32>} : memref<4096xi32, #tpu.memory_space<vmem>>, vector<16xi32>,
        %bitcast_convert_type3A_480 = tpu.bitcast %get3A_477 : vector<16xf32> -> vector<16xi32>
        %ge3A_481 = arith.constant -2147483648 : i32
        %ge3A_482 = vector.broadcast %ge3A_481 : i32 to vector<16xi32>
        %ge3A_483 = arith.cmpi uge, %bitcast_convert_type3A_480, %ge3A_482 : vector<16xi32>
        %not3A_484 = arith.constant dense<-1> : vector<16xi32>
        %not3A_485 = arith.xori %bitcast_convert_type3A_480, %not3A_484 : vector<16xi32>
        %or3A_486 = arith.constant -2147483648 : i32
        %or3A_487 = vector.broadcast %or3A_486 : i32 to vector<16xi32>
        %or3A_488 = arith.ori %bitcast_convert_type3A_480, %or3A_487 : vector<16xi32>
        %select_n3A_489 = arith.select %ge3A_483, %not3A_485, %or3A_488 : vector<16xi1>, vector<16xi32>
        %xor3A_490 = arith.xori %select_n3A_489, %select_n3A : vector<16xi32>
        %ge3A_491 = arith.constant 1 : i32
        %ge3A_492 = vector.broadcast %ge3A_491 : i32 to vector<16xi32>
        %ge3A_493 = arith.cmpi sge, %get3A_479, %ge3A_492 : vector<16xi32>
        %eq3A_494 = arith.xori %ge3A_493, %broadcast_in_dim3A_4 : vector<16xi1>
        %eq3A_495 = arith.constant dense<true> : vector<16xi1>
        %eq3A_496 = arith.xori %eq3A_494, %eq3A_495 : vector<16xi1>
        %jit3A_497 = arith.constant 0 : i32
        %broadcast_in_dim3A_498 = vector.broadcast %jit3A_497 : i32 to vector<16xi32>
        %select_n3A_499 = arith.select %eq3A_496, %xor3A_490, %broadcast_in_dim3A_498 : vector<16xi1>, vector<16xi32>
        %shift_right_logical3A_500 = arith.constant 10 : i32
        %shift_right_logical3A_501 = vector.broadcast %shift_right_logical3A_500 : i32 to vector<16xi32>
        %shift_right_logical3A_502 = arith.shrui %select_n3A_499, %shift_right_logical3A_501 : vector<16xi32>
        %eq3A_503 = arith.cmpi eq, %shift_right_logical3A_502, %broadcast_in_dim3A_214 : vector<16xi32>
        %shift_right_logical3A_504 = arith.constant 0 : i32
        %shift_right_logical3A_505 = vector.broadcast %shift_right_logical3A_504 : i32 to vector<16xi32>
        %shift_right_logical3A_506 = arith.shrui %select_n3A_499, %shift_right_logical3A_505 : vector<16xi32>
        %and3A_507 = arith.constant 1023 : i32
        %and3A_508 = vector.broadcast %and3A_507 : i32 to vector<16xi32>
        %and3A_509 = arith.andi %shift_right_logical3A_506, %and3A_508 : vector<16xi32>
        %bitcast_convert_type3A_510 = tpu.bitcast %and3A_509 : vector<16xi32> -> vector<16xi32>
        %add3A_511 = arith.addi %mul3A_10, %bitcast_convert_type3A_510 : vector<16xi32>
        tpu.vector_store_idx %arg7[%add3A_511], %broadcast_in_dim3A_2 masked %eq3A_503 {add = true} : memref<32832xi32, #tpu.memory_space<vmem>>[vector<16xi32>], vector<16xi32>, vector<16xi1>
        %mul3A_512 = arith.constant 4 : i32
        %mul3A_513 = arith.muli %scan3A_389, %mul3A_512 : i32
        %add3A_514 = arith.constant 3 : i32
        %add3A_515 = arith.addi %mul3A_513, %add3A_514 : i32
        %mul3A_516 = arith.constant 16 : i32
        %mul3A_517 = arith.muli %add3A_515, %mul3A_516 : i32
        %get3A_518 = arith.index_cast %mul3A_517 : i32 to index
        %get3A_519 = tpu.vector_load %arg5[%get3A_518] {strides = array<i32>} : memref<4096xf32, #tpu.memory_space<vmem>>, vector<16xf32>,
        %get3A_520 = arith.index_cast %mul3A_517 : i32 to index
        %get3A_521 = tpu.vector_load %arg6[%get3A_520] {strides = array<i32>} : memref<4096xi32, #tpu.memory_space<vmem>>, vector<16xi32>,
        %bitcast_convert_type3A_522 = tpu.bitcast %get3A_519 : vector<16xf32> -> vector<16xi32>
        %ge3A_523 = arith.constant -2147483648 : i32
        %ge3A_524 = vector.broadcast %ge3A_523 : i32 to vector<16xi32>
        %ge3A_525 = arith.cmpi uge, %bitcast_convert_type3A_522, %ge3A_524 : vector<16xi32>
        %not3A_526 = arith.constant dense<-1> : vector<16xi32>
        %not3A_527 = arith.xori %bitcast_convert_type3A_522, %not3A_526 : vector<16xi32>
        %or3A_528 = arith.constant -2147483648 : i32
        %or3A_529 = vector.broadcast %or3A_528 : i32 to vector<16xi32>
        %or3A_530 = arith.ori %bitcast_convert_type3A_522, %or3A_529 : vector<16xi32>
        %select_n3A_531 = arith.select %ge3A_525, %not3A_527, %or3A_530 : vector<16xi1>, vector<16xi32>
        %xor3A_532 = arith.xori %select_n3A_531, %select_n3A : vector<16xi32>
        %ge3A_533 = arith.constant 1 : i32
        %ge3A_534 = vector.broadcast %ge3A_533 : i32 to vector<16xi32>
        %ge3A_535 = arith.cmpi sge, %get3A_521, %ge3A_534 : vector<16xi32>
        %eq3A_536 = arith.xori %ge3A_535, %broadcast_in_dim3A_4 : vector<16xi1>
        %eq3A_537 = arith.constant dense<true> : vector<16xi1>
        %eq3A_538 = arith.xori %eq3A_536, %eq3A_537 : vector<16xi1>
        %jit3A_539 = arith.constant 0 : i32
        %broadcast_in_dim3A_540 = vector.broadcast %jit3A_539 : i32 to vector<16xi32>
        %select_n3A_541 = arith.select %eq3A_538, %xor3A_532, %broadcast_in_dim3A_540 : vector<16xi1>, vector<16xi32>
        %shift_right_logical3A_542 = arith.constant 10 : i32
        %shift_right_logical3A_543 = vector.broadcast %shift_right_logical3A_542 : i32 to vector<16xi32>
        %shift_right_logical3A_544 = arith.shrui %select_n3A_541, %shift_right_logical3A_543 : vector<16xi32>
        %eq3A_545 = arith.cmpi eq, %shift_right_logical3A_544, %broadcast_in_dim3A_214 : vector<16xi32>
        %shift_right_logical3A_546 = arith.constant 0 : i32
        %shift_right_logical3A_547 = vector.broadcast %shift_right_logical3A_546 : i32 to vector<16xi32>
        %shift_right_logical3A_548 = arith.shrui %select_n3A_541, %shift_right_logical3A_547 : vector<16xi32>
        %and3A_549 = arith.constant 1023 : i32
        %and3A_550 = vector.broadcast %and3A_549 : i32 to vector<16xi32>
        %and3A_551 = arith.andi %shift_right_logical3A_548, %and3A_550 : vector<16xi32>
        %bitcast_convert_type3A_552 = tpu.bitcast %and3A_551 : vector<16xi32> -> vector<16xi32>
        %add3A_553 = arith.addi %mul3A_10, %bitcast_convert_type3A_552 : vector<16xi32>
        tpu.vector_store_idx %arg7[%add3A_553], %broadcast_in_dim3A_2 masked %eq3A_545 {add = true} : memref<32832xi32, #tpu.memory_space<vmem>>[vector<16xi32>], vector<16xi32>, vector<16xi1>
        %scan3A_554 = arith.constant 0 : i32
        scf.yield %scan3A_554 : i32
      }
      %scan3A_368 = arith.constant 64 : i32
      %lt3A = arith.constant 7 : i32
      %lt3A_369 = arith.cmpi slt, %scan3A_340, %lt3A : i32
      %convert_element_type3A_370 = arith.extui %lt3A_369 : i1 to i32
      %cond3A_371 = arith.constant 0 : i32
      %cond3A_372 = arith.cmpi ne, %convert_element_type3A_370, %cond3A_371 : i32
      scf.if %cond3A_372 {
        %add3A_389 = arith.constant 2 : i32
        %add3A_390 = arith.addi %mul3A_343, %add3A_389 : i32
        %mul3A_391 = arith.constant 65536 : i32
        %mul3A_392 = arith.muli %arg1, %mul3A_391 : i32
        %mul3A_393 = arith.constant 4096 : i32
        %mul3A_394 = arith.muli %add3A_390, %mul3A_393 : i32
        %add3A_395 = arith.addi %mul3A_392, %mul3A_394 : i32
        %dma_start3A_396 = tpu.memref_slice %arg2[%add3A_395] : memref<1048576xf32, #tpu.memory_space<hbm>> -> memref<4096xf32, #tpu.memory_space<hbm>>
        %dma_start3A_397 = tpu.memref_slice %arg2[%add3A_395] : memref<1048576xf32, #tpu.memory_space<hbm>> -> memref<4096xf32, #tpu.memory_space<hbm>>
        tpu.enqueue_dma source(%dma_start3A_397 : memref<4096xf32, #tpu.memory_space<hbm>>) target(%arg5 : memref<4096xf32, #tpu.memory_space<vmem>>) target_semaphore(%arg13 : memref<!tpu.dma_semaphore, #tpu.memory_space<semaphore_mem>>)
        %dma_start3A_398 = tpu.memref_slice %arg3[%add3A_395] : memref<1048576xi32, #tpu.memory_space<hbm>> -> memref<4096xi32, #tpu.memory_space<hbm>>
        %dma_start3A_399 = tpu.memref_slice %arg3[%add3A_395] : memref<1048576xi32, #tpu.memory_space<hbm>> -> memref<4096xi32, #tpu.memory_space<hbm>>
        tpu.enqueue_dma source(%dma_start3A_399 : memref<4096xi32, #tpu.memory_space<hbm>>) target(%arg6 : memref<4096xi32, #tpu.memory_space<vmem>>) target_semaphore(%arg14 : memref<!tpu.dma_semaphore, #tpu.memory_space<semaphore_mem>>)
      } else {
      }
      %dma_wait3A_373 = arith.constant 0 : i32
      %dma_wait3A_374 = tpu.memref_slice %arg2[%dma_wait3A_373] : memref<1048576xf32, #tpu.memory_space<hbm>> -> memref<4096xf32, #tpu.memory_space<hbm>>
      %dma_wait3A_375 = arith.constant 0 : i32
      %dma_wait3A_376 = tpu.memref_slice %arg2[%dma_wait3A_375] : memref<1048576xf32, #tpu.memory_space<hbm>> -> memref<4096xf32, #tpu.memory_space<hbm>>
      tpu.wait_dma2 semaphore(%arg15 : memref<!tpu.dma_semaphore, #tpu.memory_space<semaphore_mem>>) src(%dma_wait3A_376 : memref<4096xf32, #tpu.memory_space<hbm>>) dst(%arg11 : memref<4096xf32, #tpu.memory_space<vmem>>)
      %dma_wait3A_377 = arith.constant 0 : i32
      %dma_wait3A_378 = tpu.memref_slice %arg3[%dma_wait3A_377] : memref<1048576xi32, #tpu.memory_space<hbm>> -> memref<4096xi32, #tpu.memory_space<hbm>>
      %dma_wait3A_379 = arith.constant 0 : i32
      %dma_wait3A_380 = tpu.memref_slice %arg3[%dma_wait3A_379] : memref<1048576xi32, #tpu.memory_space<hbm>> -> memref<4096xi32, #tpu.memory_space<hbm>>
      tpu.wait_dma2 semaphore(%arg16 : memref<!tpu.dma_semaphore, #tpu.memory_space<semaphore_mem>>) src(%dma_wait3A_380 : memref<4096xi32, #tpu.memory_space<hbm>>) dst(%arg12 : memref<4096xi32, #tpu.memory_space<vmem>>)
      %scan3A_381 = arith.constant 0 : i32
      %scan3A_382 = arith.constant 0 : i32
      %scan3A_383 = arith.constant 64 : i32
      %scan3A_384 = arith.addi %scan3A_382, %scan3A_383 : i32
      %scan3A_385 = arith.constant 1 : i32
      %scan3A_386 = scf.for %scan3A_389 = %scan3A_382 to %scan3A_384 step %scan3A_385 iter_args(%scan3A_390 = %scan3A_381) -> (i32)  : i32 {
        %mul3A_391 = arith.constant 4 : i32
        %mul3A_392 = arith.muli %scan3A_389, %mul3A_391 : i32
        %add3A_393 = arith.constant 0 : i32
        %add3A_394 = arith.addi %mul3A_392, %add3A_393 : i32
        %mul3A_395 = arith.constant 16 : i32
        %mul3A_396 = arith.muli %add3A_394, %mul3A_395 : i32
        %get3A = arith.index_cast %mul3A_396 : i32 to index
        %get3A_397 = tpu.vector_load %arg11[%get3A] {strides = array<i32>} : memref<4096xf32, #tpu.memory_space<vmem>>, vector<16xf32>,
        %get3A_398 = arith.index_cast %mul3A_396 : i32 to index
        %get3A_399 = tpu.vector_load %arg12[%get3A_398] {strides = array<i32>} : memref<4096xi32, #tpu.memory_space<vmem>>, vector<16xi32>,
        %bitcast_convert_type3A_400 = tpu.bitcast %get3A_397 : vector<16xf32> -> vector<16xi32>
        %ge3A_401 = arith.constant -2147483648 : i32
        %ge3A_402 = vector.broadcast %ge3A_401 : i32 to vector<16xi32>
        %ge3A_403 = arith.cmpi uge, %bitcast_convert_type3A_400, %ge3A_402 : vector<16xi32>
        %not3A = arith.constant dense<-1> : vector<16xi32>
        %not3A_404 = arith.xori %bitcast_convert_type3A_400, %not3A : vector<16xi32>
        %or3A_405 = arith.constant -2147483648 : i32
        %or3A_406 = vector.broadcast %or3A_405 : i32 to vector<16xi32>
        %or3A_407 = arith.ori %bitcast_convert_type3A_400, %or3A_406 : vector<16xi32>
        %select_n3A_408 = arith.select %ge3A_403, %not3A_404, %or3A_407 : vector<16xi1>, vector<16xi32>
        %xor3A = arith.xori %select_n3A_408, %select_n3A : vector<16xi32>
        %ge3A_409 = arith.constant 1 : i32
        %ge3A_410 = vector.broadcast %ge3A_409 : i32 to vector<16xi32>
        %ge3A_411 = arith.cmpi sge, %get3A_399, %ge3A_410 : vector<16xi32>
        %eq3A_412 = arith.xori %ge3A_411, %broadcast_in_dim3A_4 : vector<16xi1>
        %eq3A_413 = arith.constant dense<true> : vector<16xi1>
        %eq3A_414 = arith.xori %eq3A_412, %eq3A_413 : vector<16xi1>
        %jit3A_415 = arith.constant 0 : i32
        %broadcast_in_dim3A_416 = vector.broadcast %jit3A_415 : i32 to vector<16xi32>
        %select_n3A_417 = arith.select %eq3A_414, %xor3A, %broadcast_in_dim3A_416 : vector<16xi1>, vector<16xi32>
        %shift_right_logical3A = arith.constant 10 : i32
        %shift_right_logical3A_418 = vector.broadcast %shift_right_logical3A : i32 to vector<16xi32>
        %shift_right_logical3A_419 = arith.shrui %select_n3A_417, %shift_right_logical3A_418 : vector<16xi32>
        %eq3A_420 = arith.cmpi eq, %shift_right_logical3A_419, %broadcast_in_dim3A_214 : vector<16xi32>
        %shift_right_logical3A_421 = arith.constant 0 : i32
        %shift_right_logical3A_422 = vector.broadcast %shift_right_logical3A_421 : i32 to vector<16xi32>
        %shift_right_logical3A_423 = arith.shrui %select_n3A_417, %shift_right_logical3A_422 : vector<16xi32>
        %and3A = arith.constant 1023 : i32
        %and3A_424 = vector.broadcast %and3A : i32 to vector<16xi32>
        %and3A_425 = arith.andi %shift_right_logical3A_423, %and3A_424 : vector<16xi32>
        %bitcast_convert_type3A_426 = tpu.bitcast %and3A_425 : vector<16xi32> -> vector<16xi32>
        %add3A_427 = arith.addi %mul3A_10, %bitcast_convert_type3A_426 : vector<16xi32>
        tpu.vector_store_idx %arg7[%add3A_427], %broadcast_in_dim3A_2 masked %eq3A_420 {add = true} : memref<32832xi32, #tpu.memory_space<vmem>>[vector<16xi32>], vector<16xi32>, vector<16xi1>
        %mul3A_428 = arith.constant 4 : i32
        %mul3A_429 = arith.muli %scan3A_389, %mul3A_428 : i32
        %add3A_430 = arith.constant 1 : i32
        %add3A_431 = arith.addi %mul3A_429, %add3A_430 : i32
        %mul3A_432 = arith.constant 16 : i32
        %mul3A_433 = arith.muli %add3A_431, %mul3A_432 : i32
        %get3A_434 = arith.index_cast %mul3A_433 : i32 to index
        %get3A_435 = tpu.vector_load %arg11[%get3A_434] {strides = array<i32>} : memref<4096xf32, #tpu.memory_space<vmem>>, vector<16xf32>,
        %get3A_436 = arith.index_cast %mul3A_433 : i32 to index
        %get3A_437 = tpu.vector_load %arg12[%get3A_436] {strides = array<i32>} : memref<4096xi32, #tpu.memory_space<vmem>>, vector<16xi32>,
        %bitcast_convert_type3A_438 = tpu.bitcast %get3A_435 : vector<16xf32> -> vector<16xi32>
        %ge3A_439 = arith.constant -2147483648 : i32
        %ge3A_440 = vector.broadcast %ge3A_439 : i32 to vector<16xi32>
        %ge3A_441 = arith.cmpi uge, %bitcast_convert_type3A_438, %ge3A_440 : vector<16xi32>
        %not3A_442 = arith.constant dense<-1> : vector<16xi32>
        %not3A_443 = arith.xori %bitcast_convert_type3A_438, %not3A_442 : vector<16xi32>
        %or3A_444 = arith.constant -2147483648 : i32
        %or3A_445 = vector.broadcast %or3A_444 : i32 to vector<16xi32>
        %or3A_446 = arith.ori %bitcast_convert_type3A_438, %or3A_445 : vector<16xi32>
        %select_n3A_447 = arith.select %ge3A_441, %not3A_443, %or3A_446 : vector<16xi1>, vector<16xi32>
        %xor3A_448 = arith.xori %select_n3A_447, %select_n3A : vector<16xi32>
        %ge3A_449 = arith.constant 1 : i32
        %ge3A_450 = vector.broadcast %ge3A_449 : i32 to vector<16xi32>
        %ge3A_451 = arith.cmpi sge, %get3A_437, %ge3A_450 : vector<16xi32>
        %eq3A_452 = arith.xori %ge3A_451, %broadcast_in_dim3A_4 : vector<16xi1>
        %eq3A_453 = arith.constant dense<true> : vector<16xi1>
        %eq3A_454 = arith.xori %eq3A_452, %eq3A_453 : vector<16xi1>
        %jit3A_455 = arith.constant 0 : i32
        %broadcast_in_dim3A_456 = vector.broadcast %jit3A_455 : i32 to vector<16xi32>
        %select_n3A_457 = arith.select %eq3A_454, %xor3A_448, %broadcast_in_dim3A_456 : vector<16xi1>, vector<16xi32>
        %shift_right_logical3A_458 = arith.constant 10 : i32
        %shift_right_logical3A_459 = vector.broadcast %shift_right_logical3A_458 : i32 to vector<16xi32>
        %shift_right_logical3A_460 = arith.shrui %select_n3A_457, %shift_right_logical3A_459 : vector<16xi32>
        %eq3A_461 = arith.cmpi eq, %shift_right_logical3A_460, %broadcast_in_dim3A_214 : vector<16xi32>
        %shift_right_logical3A_462 = arith.constant 0 : i32
        %shift_right_logical3A_463 = vector.broadcast %shift_right_logical3A_462 : i32 to vector<16xi32>
        %shift_right_logical3A_464 = arith.shrui %select_n3A_457, %shift_right_logical3A_463 : vector<16xi32>
        %and3A_465 = arith.constant 1023 : i32
        %and3A_466 = vector.broadcast %and3A_465 : i32 to vector<16xi32>
        %and3A_467 = arith.andi %shift_right_logical3A_464, %and3A_466 : vector<16xi32>
        %bitcast_convert_type3A_468 = tpu.bitcast %and3A_467 : vector<16xi32> -> vector<16xi32>
        %add3A_469 = arith.addi %mul3A_10, %bitcast_convert_type3A_468 : vector<16xi32>
        tpu.vector_store_idx %arg7[%add3A_469], %broadcast_in_dim3A_2 masked %eq3A_461 {add = true} : memref<32832xi32, #tpu.memory_space<vmem>>[vector<16xi32>], vector<16xi32>, vector<16xi1>
        %mul3A_470 = arith.constant 4 : i32
        %mul3A_471 = arith.muli %scan3A_389, %mul3A_470 : i32
        %add3A_472 = arith.constant 2 : i32
        %add3A_473 = arith.addi %mul3A_471, %add3A_472 : i32
        %mul3A_474 = arith.constant 16 : i32
        %mul3A_475 = arith.muli %add3A_473, %mul3A_474 : i32
        %get3A_476 = arith.index_cast %mul3A_475 : i32 to index
        %get3A_477 = tpu.vector_load %arg11[%get3A_476] {strides = array<i32>} : memref<4096xf32, #tpu.memory_space<vmem>>, vector<16xf32>,
        %get3A_478 = arith.index_cast %mul3A_475 : i32 to index
        %get3A_479 = tpu.vector_load %arg12[%get3A_478] {strides = array<i32>} : memref<4096xi32, #tpu.memory_space<vmem>>, vector<16xi32>,
        %bitcast_convert_type3A_480 = tpu.bitcast %get3A_477 : vector<16xf32> -> vector<16xi32>
        %ge3A_481 = arith.constant -2147483648 : i32
        %ge3A_482 = vector.broadcast %ge3A_481 : i32 to vector<16xi32>
        %ge3A_483 = arith.cmpi uge, %bitcast_convert_type3A_480, %ge3A_482 : vector<16xi32>
        %not3A_484 = arith.constant dense<-1> : vector<16xi32>
        %not3A_485 = arith.xori %bitcast_convert_type3A_480, %not3A_484 : vector<16xi32>
        %or3A_486 = arith.constant -2147483648 : i32
        %or3A_487 = vector.broadcast %or3A_486 : i32 to vector<16xi32>
        %or3A_488 = arith.ori %bitcast_convert_type3A_480, %or3A_487 : vector<16xi32>
        %select_n3A_489 = arith.select %ge3A_483, %not3A_485, %or3A_488 : vector<16xi1>, vector<16xi32>
        %xor3A_490 = arith.xori %select_n3A_489, %select_n3A : vector<16xi32>
        %ge3A_491 = arith.constant 1 : i32
        %ge3A_492 = vector.broadcast %ge3A_491 : i32 to vector<16xi32>
        %ge3A_493 = arith.cmpi sge, %get3A_479, %ge3A_492 : vector<16xi32>
        %eq3A_494 = arith.xori %ge3A_493, %broadcast_in_dim3A_4 : vector<16xi1>
        %eq3A_495 = arith.constant dense<true> : vector<16xi1>
        %eq3A_496 = arith.xori %eq3A_494, %eq3A_495 : vector<16xi1>
        %jit3A_497 = arith.constant 0 : i32
        %broadcast_in_dim3A_498 = vector.broadcast %jit3A_497 : i32 to vector<16xi32>
        %select_n3A_499 = arith.select %eq3A_496, %xor3A_490, %broadcast_in_dim3A_498 : vector<16xi1>, vector<16xi32>
        %shift_right_logical3A_500 = arith.constant 10 : i32
        %shift_right_logical3A_501 = vector.broadcast %shift_right_logical3A_500 : i32 to vector<16xi32>
        %shift_right_logical3A_502 = arith.shrui %select_n3A_499, %shift_right_logical3A_501 : vector<16xi32>
        %eq3A_503 = arith.cmpi eq, %shift_right_logical3A_502, %broadcast_in_dim3A_214 : vector<16xi32>
        %shift_right_logical3A_504 = arith.constant 0 : i32
        %shift_right_logical3A_505 = vector.broadcast %shift_right_logical3A_504 : i32 to vector<16xi32>
        %shift_right_logical3A_506 = arith.shrui %select_n3A_499, %shift_right_logical3A_505 : vector<16xi32>
        %and3A_507 = arith.constant 1023 : i32
        %and3A_508 = vector.broadcast %and3A_507 : i32 to vector<16xi32>
        %and3A_509 = arith.andi %shift_right_logical3A_506, %and3A_508 : vector<16xi32>
        %bitcast_convert_type3A_510 = tpu.bitcast %and3A_509 : vector<16xi32> -> vector<16xi32>
        %add3A_511 = arith.addi %mul3A_10, %bitcast_convert_type3A_510 : vector<16xi32>
        tpu.vector_store_idx %arg7[%add3A_511], %broadcast_in_dim3A_2 masked %eq3A_503 {add = true} : memref<32832xi32, #tpu.memory_space<vmem>>[vector<16xi32>], vector<16xi32>, vector<16xi1>
        %mul3A_512 = arith.constant 4 : i32
        %mul3A_513 = arith.muli %scan3A_389, %mul3A_512 : i32
        %add3A_514 = arith.constant 3 : i32
        %add3A_515 = arith.addi %mul3A_513, %add3A_514 : i32
        %mul3A_516 = arith.constant 16 : i32
        %mul3A_517 = arith.muli %add3A_515, %mul3A_516 : i32
        %get3A_518 = arith.index_cast %mul3A_517 : i32 to index
        %get3A_519 = tpu.vector_load %arg11[%get3A_518] {strides = array<i32>} : memref<4096xf32, #tpu.memory_space<vmem>>, vector<16xf32>,
        %get3A_520 = arith.index_cast %mul3A_517 : i32 to index
        %get3A_521 = tpu.vector_load %arg12[%get3A_520] {strides = array<i32>} : memref<4096xi32, #tpu.memory_space<vmem>>, vector<16xi32>,
        %bitcast_convert_type3A_522 = tpu.bitcast %get3A_519 : vector<16xf32> -> vector<16xi32>
        %ge3A_523 = arith.constant -2147483648 : i32
        %ge3A_524 = vector.broadcast %ge3A_523 : i32 to vector<16xi32>
        %ge3A_525 = arith.cmpi uge, %bitcast_convert_type3A_522, %ge3A_524 : vector<16xi32>
        %not3A_526 = arith.constant dense<-1> : vector<16xi32>
        %not3A_527 = arith.xori %bitcast_convert_type3A_522, %not3A_526 : vector<16xi32>
        %or3A_528 = arith.constant -2147483648 : i32
        %or3A_529 = vector.broadcast %or3A_528 : i32 to vector<16xi32>
        %or3A_530 = arith.ori %bitcast_convert_type3A_522, %or3A_529 : vector<16xi32>
        %select_n3A_531 = arith.select %ge3A_525, %not3A_527, %or3A_530 : vector<16xi1>, vector<16xi32>
        %xor3A_532 = arith.xori %select_n3A_531, %select_n3A : vector<16xi32>
        %ge3A_533 = arith.constant 1 : i32
        %ge3A_534 = vector.broadcast %ge3A_533 : i32 to vector<16xi32>
        %ge3A_535 = arith.cmpi sge, %get3A_521, %ge3A_534 : vector<16xi32>
        %eq3A_536 = arith.xori %ge3A_535, %broadcast_in_dim3A_4 : vector<16xi1>
        %eq3A_537 = arith.constant dense<true> : vector<16xi1>
        %eq3A_538 = arith.xori %eq3A_536, %eq3A_537 : vector<16xi1>
        %jit3A_539 = arith.constant 0 : i32
        %broadcast_in_dim3A_540 = vector.broadcast %jit3A_539 : i32 to vector<16xi32>
        %select_n3A_541 = arith.select %eq3A_538, %xor3A_532, %broadcast_in_dim3A_540 : vector<16xi1>, vector<16xi32>
        %shift_right_logical3A_542 = arith.constant 10 : i32
        %shift_right_logical3A_543 = vector.broadcast %shift_right_logical3A_542 : i32 to vector<16xi32>
        %shift_right_logical3A_544 = arith.shrui %select_n3A_541, %shift_right_logical3A_543 : vector<16xi32>
        %eq3A_545 = arith.cmpi eq, %shift_right_logical3A_544, %broadcast_in_dim3A_214 : vector<16xi32>
        %shift_right_logical3A_546 = arith.constant 0 : i32
        %shift_right_logical3A_547 = vector.broadcast %shift_right_logical3A_546 : i32 to vector<16xi32>
        %shift_right_logical3A_548 = arith.shrui %select_n3A_541, %shift_right_logical3A_547 : vector<16xi32>
        %and3A_549 = arith.constant 1023 : i32
        %and3A_550 = vector.broadcast %and3A_549 : i32 to vector<16xi32>
        %and3A_551 = arith.andi %shift_right_logical3A_548, %and3A_550 : vector<16xi32>
        %bitcast_convert_type3A_552 = tpu.bitcast %and3A_551 : vector<16xi32> -> vector<16xi32>
        %add3A_553 = arith.addi %mul3A_10, %bitcast_convert_type3A_552 : vector<16xi32>
        tpu.vector_store_idx %arg7[%add3A_553], %broadcast_in_dim3A_2 masked %eq3A_545 {add = true} : memref<32832xi32, #tpu.memory_space<vmem>>[vector<16xi32>], vector<16xi32>, vector<16xi1>
        %scan3A_554 = arith.constant 0 : i32
        scf.yield %scan3A_554 : i32
      }
      %scan3A_387 = arith.constant 64 : i32
      %scan3A_388 = arith.constant 0 : i32
      scf.yield %scan3A_388 : i32
    }
    %scan3A_229 = arith.constant 8 : i32
    %scan3A_230 = arith.constant 0 : i32
    %scan3A_231 = arith.constant 0 : i32
    %scan3A_232 = arith.constant 64 : i32
    %scan3A_233 = arith.addi %scan3A_231, %scan3A_232 : i32
    %scan3A_234 = arith.constant 1 : i32
    %scan3A_235 = scf.for %scan3A_340 = %scan3A_231 to %scan3A_233 step %scan3A_234 iter_args(%scan3A_341 = %scan3A_230) -> (i32)  : i32 {
      %mul3A_342 = arith.constant 16 : i32
      %mul3A_343 = arith.muli %scan3A_340, %mul3A_342 : i32
      %add3A_344 = arith.constant 0 : i32
      %add3A_345 = arith.addi %add3A_344, %mul3A_343 : i32
      %add3A_346 = vector.broadcast %add3A_345 : i32 to vector<16xi32>
      %add3A_347 = arith.addi %add3A_346, %iota3A : vector<16xi32>
      %gather3A = tpu.vector_load_idx %arg7[%add3A_347] : memref<32832xi32, #tpu.memory_space<vmem>>[vector<16xi32>], vector<16xi32>,
      %add3A_348 = arith.addi %broadcast_in_dim3A_0, %gather3A : vector<16xi32>
      %add3A_349 = arith.constant 2049 : i32
      %add3A_350 = arith.addi %add3A_349, %mul3A_343 : i32
      %add3A_351 = vector.broadcast %add3A_350 : i32 to vector<16xi32>
      %add3A_352 = arith.addi %add3A_351, %iota3A : vector<16xi32>
      %gather3A_353 = tpu.vector_load_idx %arg7[%add3A_352] : memref<32832xi32, #tpu.memory_space<vmem>>[vector<16xi32>], vector<16xi32>,
      %add3A_354 = arith.addi %add3A_348, %gather3A_353 : vector<16xi32>
      %add3A_355 = arith.constant 4098 : i32
      %add3A_356 = arith.addi %add3A_355, %mul3A_343 : i32
      %add3A_357 = vector.broadcast %add3A_356 : i32 to vector<16xi32>
      %add3A_358 = arith.addi %add3A_357, %iota3A : vector<16xi32>
      %gather3A_359 = tpu.vector_load_idx %arg7[%add3A_358] : memref<32832xi32, #tpu.memory_space<vmem>>[vector<16xi32>], vector<16xi32>,
      %add3A_360 = arith.addi %add3A_354, %gather3A_359 : vector<16xi32>
      %add3A_361 = arith.constant 6147 : i32
      %add3A_362 = arith.addi %add3A_361, %mul3A_343 : i32
      %add3A_363 = vector.broadcast %add3A_362 : i32 to vector<16xi32>
      %add3A_364 = arith.addi %add3A_363, %iota3A : vector<16xi32>
      %gather3A_365 = tpu.vector_load_idx %arg7[%add3A_364] : memref<32832xi32, #tpu.memory_space<vmem>>[vector<16xi32>], vector<16xi32>,
      %add3A_366 = arith.addi %add3A_360, %gather3A_365 : vector<16xi32>
      %add3A_367 = arith.constant 8196 : i32
      %add3A_368 = arith.addi %add3A_367, %mul3A_343 : i32
      %add3A_369 = vector.broadcast %add3A_368 : i32 to vector<16xi32>
      %add3A_370 = arith.addi %add3A_369, %iota3A : vector<16xi32>
      %gather3A_371 = tpu.vector_load_idx %arg7[%add3A_370] : memref<32832xi32, #tpu.memory_space<vmem>>[vector<16xi32>], vector<16xi32>,
      %add3A_372 = arith.addi %add3A_366, %gather3A_371 : vector<16xi32>
      %add3A_373 = arith.constant 10245 : i32
      %add3A_374 = arith.addi %add3A_373, %mul3A_343 : i32
      %add3A_375 = vector.broadcast %add3A_374 : i32 to vector<16xi32>
      %add3A_376 = arith.addi %add3A_375, %iota3A : vector<16xi32>
      %gather3A_377 = tpu.vector_load_idx %arg7[%add3A_376] : memref<32832xi32, #tpu.memory_space<vmem>>[vector<16xi32>], vector<16xi32>,
      %add3A_378 = arith.addi %add3A_372, %gather3A_377 : vector<16xi32>
      %add3A_379 = arith.constant 12294 : i32
      %add3A_380 = arith.addi %add3A_379, %mul3A_343 : i32
      %add3A_381 = vector.broadcast %add3A_380 : i32 to vector<16xi32>
      %add3A_382 = arith.addi %add3A_381, %iota3A : vector<16xi32>
      %gather3A_383 = tpu.vector_load_idx %arg7[%add3A_382] : memref<32832xi32, #tpu.memory_space<vmem>>[vector<16xi32>], vector<16xi32>,
      %add3A_384 = arith.addi %add3A_378, %gather3A_383 : vector<16xi32>
      %add3A_385 = arith.constant 14343 : i32
      %add3A_386 = arith.addi %add3A_385, %mul3A_343 : i32
      %add3A_387 = vector.broadcast %add3A_386 : i32 to vector<16xi32>
      %add3A_388 = arith.addi %add3A_387, %iota3A : vector<16xi32>
      %gather3A_389 = tpu.vector_load_idx %arg7[%add3A_388] : memref<32832xi32, #tpu.memory_space<vmem>>[vector<16xi32>], vector<16xi32>,
      %add3A_390 = arith.addi %add3A_384, %gather3A_389 : vector<16xi32>
      %add3A_391 = arith.constant 16392 : i32
      %add3A_392 = arith.addi %add3A_391, %mul3A_343 : i32
      %add3A_393 = vector.broadcast %add3A_392 : i32 to vector<16xi32>
      %add3A_394 = arith.addi %add3A_393, %iota3A : vector<16xi32>
      %gather3A_395 = tpu.vector_load_idx %arg7[%add3A_394] : memref<32832xi32, #tpu.memory_space<vmem>>[vector<16xi32>], vector<16xi32>,
      %add3A_396 = arith.addi %add3A_390, %gather3A_395 : vector<16xi32>
      %add3A_397 = arith.constant 18441 : i32
      %add3A_398 = arith.addi %add3A_397, %mul3A_343 : i32
      %add3A_399 = vector.broadcast %add3A_398 : i32 to vector<16xi32>
      %add3A_400 = arith.addi %add3A_399, %iota3A : vector<16xi32>
      %gather3A_401 = tpu.vector_load_idx %arg7[%add3A_400] : memref<32832xi32, #tpu.memory_space<vmem>>[vector<16xi32>], vector<16xi32>,
      %add3A_402 = arith.addi %add3A_396, %gather3A_401 : vector<16xi32>
      %add3A_403 = arith.constant 20490 : i32
      %add3A_404 = arith.addi %add3A_403, %mul3A_343 : i32
      %add3A_405 = vector.broadcast %add3A_404 : i32 to vector<16xi32>
      %add3A_406 = arith.addi %add3A_405, %iota3A : vector<16xi32>
      %gather3A_407 = tpu.vector_load_idx %arg7[%add3A_406] : memref<32832xi32, #tpu.memory_space<vmem>>[vector<16xi32>], vector<16xi32>,
      %add3A_408 = arith.addi %add3A_402, %gather3A_407 : vector<16xi32>
      %add3A_409 = arith.constant 22539 : i32
      %add3A_410 = arith.addi %add3A_409, %mul3A_343 : i32
      %add3A_411 = vector.broadcast %add3A_410 : i32 to vector<16xi32>
      %add3A_412 = arith.addi %add3A_411, %iota3A : vector<16xi32>
      %gather3A_413 = tpu.vector_load_idx %arg7[%add3A_412] : memref<32832xi32, #tpu.memory_space<vmem>>[vector<16xi32>], vector<16xi32>,
      %add3A_414 = arith.addi %add3A_408, %gather3A_413 : vector<16xi32>
      %add3A_415 = arith.constant 24588 : i32
      %add3A_416 = arith.addi %add3A_415, %mul3A_343 : i32
      %add3A_417 = vector.broadcast %add3A_416 : i32 to vector<16xi32>
      %add3A_418 = arith.addi %add3A_417, %iota3A : vector<16xi32>
      %gather3A_419 = tpu.vector_load_idx %arg7[%add3A_418] : memref<32832xi32, #tpu.memory_space<vmem>>[vector<16xi32>], vector<16xi32>,
      %add3A_420 = arith.addi %add3A_414, %gather3A_419 : vector<16xi32>
      %add3A_421 = arith.constant 26637 : i32
      %add3A_422 = arith.addi %add3A_421, %mul3A_343 : i32
      %add3A_423 = vector.broadcast %add3A_422 : i32 to vector<16xi32>
      %add3A_424 = arith.addi %add3A_423, %iota3A : vector<16xi32>
      %gather3A_425 = tpu.vector_load_idx %arg7[%add3A_424] : memref<32832xi32, #tpu.memory_space<vmem>>[vector<16xi32>], vector<16xi32>,
      %add3A_426 = arith.addi %add3A_420, %gather3A_425 : vector<16xi32>
      %add3A_427 = arith.constant 28686 : i32
      %add3A_428 = arith.addi %add3A_427, %mul3A_343 : i32
      %add3A_429 = vector.broadcast %add3A_428 : i32 to vector<16xi32>
      %add3A_430 = arith.addi %add3A_429, %iota3A : vector<16xi32>
      %gather3A_431 = tpu.vector_load_idx %arg7[%add3A_430] : memref<32832xi32, #tpu.memory_space<vmem>>[vector<16xi32>], vector<16xi32>,
      %add3A_432 = arith.addi %add3A_426, %gather3A_431 : vector<16xi32>
      %add3A_433 = arith.constant 30735 : i32
      %add3A_434 = arith.addi %add3A_433, %mul3A_343 : i32
      %add3A_435 = vector.broadcast %add3A_434 : i32 to vector<16xi32>
      %add3A_436 = arith.addi %add3A_435, %iota3A : vector<16xi32>
      %gather3A_437 = tpu.vector_load_idx %arg7[%add3A_436] : memref<32832xi32, #tpu.memory_space<vmem>>[vector<16xi32>], vector<16xi32>,
      %add3A_438 = arith.addi %add3A_432, %gather3A_437 : vector<16xi32>
      %swap3A = arith.index_cast %scan3A_340 : i32 to index
      %swap3A_439 = arith.constant 0 : index
      %swap3A_440 = tpu.vector_load %arg8[%swap3A, %swap3A_439] {strides = array<i32>} : memref<128x16xi32, #tpu.memory_space<vmem>>, vector<16xi32>,
      tpu.vector_store %arg8[%swap3A, %swap3A_439], %add3A_438 {strides = array<i32>} : memref<128x16xi32, #tpu.memory_space<vmem>>, vector<16xi32>,
      %scan3A_441 = arith.constant 0 : i32
      scf.yield %scan3A_441 : i32
    }
    %scan3A_236 = arith.constant 64 : i32
    "tpu.region"() ({
      %run_scoped3A_340 = tpu.sem_alloc : memref<!tpu.dma_semaphore, #tpu.memory_space<semaphore_mem>>
      %dma_start3A_341 = arith.constant 0 : i32
      %dma_start3A_342 = arith.constant 0 : i32
      %dma_start3A_343 = tpu.memref_slice %arg17[%arg1, %dma_start3A_341, %dma_start3A_342] : memref<16x128x16xi32, #tpu.memory_space<vmem_shared>> -> memref<1x128x16xi32, #tpu.memory_space<vmem_shared>>
      %dma_start3A_344 = tpu.memref_squeeze %dma_start3A_343 : memref<1x128x16xi32, #tpu.memory_space<vmem_shared>> -> memref<128x16xi32, #tpu.memory_space<vmem_shared>>
      %dma_start3A_345 = arith.constant 0 : i32
      %dma_start3A_346 = arith.constant 0 : i32
      %dma_start3A_347 = tpu.memref_slice %arg17[%arg1, %dma_start3A_345, %dma_start3A_346] : memref<16x128x16xi32, #tpu.memory_space<vmem_shared>> -> memref<1x128x16xi32, #tpu.memory_space<vmem_shared>>
      %dma_start3A_348 = tpu.memref_squeeze %dma_start3A_347 : memref<1x128x16xi32, #tpu.memory_space<vmem_shared>> -> memref<128x16xi32, #tpu.memory_space<vmem_shared>>
      tpu.enqueue_dma source(%arg8 : memref<128x16xi32, #tpu.memory_space<vmem>>) target(%dma_start3A_348 : memref<128x16xi32, #tpu.memory_space<vmem_shared>>) target_semaphore(%run_scoped3A_340 : memref<!tpu.dma_semaphore, #tpu.memory_space<semaphore_mem>>)
      %dma_wait3A = arith.constant 0 : i32
      %dma_wait3A_349 = arith.constant 0 : i32
      %dma_wait3A_350 = tpu.memref_slice %arg17[%arg1, %dma_wait3A, %dma_wait3A_349] : memref<16x128x16xi32, #tpu.memory_space<vmem_shared>> -> memref<1x128x16xi32, #tpu.memory_space<vmem_shared>>
      %dma_wait3A_351 = tpu.memref_squeeze %dma_wait3A_350 : memref<1x128x16xi32, #tpu.memory_space<vmem_shared>> -> memref<128x16xi32, #tpu.memory_space<vmem_shared>>
      %dma_wait3A_352 = arith.constant 0 : i32
      %dma_wait3A_353 = arith.constant 0 : i32
      %dma_wait3A_354 = tpu.memref_slice %arg17[%arg1, %dma_wait3A_352, %dma_wait3A_353] : memref<16x128x16xi32, #tpu.memory_space<vmem_shared>> -> memref<1x128x16xi32, #tpu.memory_space<vmem_shared>>
      %dma_wait3A_355 = tpu.memref_squeeze %dma_wait3A_354 : memref<1x128x16xi32, #tpu.memory_space<vmem_shared>> -> memref<128x16xi32, #tpu.memory_space<vmem_shared>>
      tpu.wait_dma2 semaphore(%run_scoped3A_340 : memref<!tpu.dma_semaphore, #tpu.memory_space<semaphore_mem>>) src(%arg8 : memref<128x16xi32, #tpu.memory_space<vmem>>) dst(%dma_wait3A_355 : memref<128x16xi32, #tpu.memory_space<vmem_shared>>)
      tpu.yield
    }) : () -> ()
    %barrier3A_237 = arith.constant 0 : index
    tpu.barrier barrier_id(%barrier3A_237)
    %run_scoped3A_238 = arith.constant 0 : i32
    "tpu.region"() ({
      %run_scoped3A_340 = tpu.sem_alloc : memref<!tpu.dma_semaphore, #tpu.memory_space<semaphore_mem>>
      %dma_start3A_341 = arith.constant 0 : i32
      %dma_start3A_342 = arith.constant 0 : i32
      %dma_start3A_343 = tpu.memref_slice %arg17[%run_scoped3A_238, %dma_start3A_341, %dma_start3A_342] : memref<16x128x16xi32, #tpu.memory_space<vmem_shared>> -> memref<1x128x16xi32, #tpu.memory_space<vmem_shared>>
      %dma_start3A_344 = tpu.memref_squeeze %dma_start3A_343 : memref<1x128x16xi32, #tpu.memory_space<vmem_shared>> -> memref<128x16xi32, #tpu.memory_space<vmem_shared>>
      %dma_start3A_345 = arith.constant 0 : i32
      %dma_start3A_346 = arith.constant 0 : i32
      %dma_start3A_347 = tpu.memref_slice %arg17[%run_scoped3A_238, %dma_start3A_345, %dma_start3A_346] : memref<16x128x16xi32, #tpu.memory_space<vmem_shared>> -> memref<1x128x16xi32, #tpu.memory_space<vmem_shared>>
      %dma_start3A_348 = tpu.memref_squeeze %dma_start3A_347 : memref<1x128x16xi32, #tpu.memory_space<vmem_shared>> -> memref<128x16xi32, #tpu.memory_space<vmem_shared>>
      tpu.enqueue_dma source(%dma_start3A_348 : memref<128x16xi32, #tpu.memory_space<vmem_shared>>) target(%arg8 : memref<128x16xi32, #tpu.memory_space<vmem>>) target_semaphore(%run_scoped3A_340 : memref<!tpu.dma_semaphore, #tpu.memory_space<semaphore_mem>>)
      %dma_wait3A = arith.constant 0 : i32
      %dma_wait3A_349 = arith.constant 0 : i32
      %dma_wait3A_350 = tpu.memref_slice %arg17[%run_scoped3A_238, %dma_wait3A, %dma_wait3A_349] : memref<16x128x16xi32, #tpu.memory_space<vmem_shared>> -> memref<1x128x16xi32, #tpu.memory_space<vmem_shared>>
      %dma_wait3A_351 = tpu.memref_squeeze %dma_wait3A_350 : memref<1x128x16xi32, #tpu.memory_space<vmem_shared>> -> memref<128x16xi32, #tpu.memory_space<vmem_shared>>
      %dma_wait3A_352 = arith.constant 0 : i32
      %dma_wait3A_353 = arith.constant 0 : i32
      %dma_wait3A_354 = tpu.memref_slice %arg17[%run_scoped3A_238, %dma_wait3A_352, %dma_wait3A_353] : memref<16x128x16xi32, #tpu.memory_space<vmem_shared>> -> memref<1x128x16xi32, #tpu.memory_space<vmem_shared>>
      %dma_wait3A_355 = tpu.memref_squeeze %dma_wait3A_354 : memref<1x128x16xi32, #tpu.memory_space<vmem_shared>> -> memref<128x16xi32, #tpu.memory_space<vmem_shared>>
      tpu.wait_dma2 semaphore(%run_scoped3A_340 : memref<!tpu.dma_semaphore, #tpu.memory_space<semaphore_mem>>) src(%dma_wait3A_355 : memref<128x16xi32, #tpu.memory_space<vmem_shared>>) dst(%arg8 : memref<128x16xi32, #tpu.memory_space<vmem>>)
      tpu.yield
    }) : () -> ()
    %scan3A_239 = arith.constant 0 : i32
    %scan3A_240 = arith.constant 1 : i32
    %scan3A_241 = arith.constant 15 : i32
    %scan3A_242 = arith.addi %scan3A_240, %scan3A_241 : i32
    %scan3A_243 = arith.constant 1 : i32
    %scan3A_244 = scf.for %scan3A_340 = %scan3A_240 to %scan3A_242 step %scan3A_243 iter_args(%scan3A_341 = %scan3A_239) -> (i32)  : i32 {
      "tpu.region"() ({
        %run_scoped3A_350 = tpu.sem_alloc : memref<!tpu.dma_semaphore, #tpu.memory_space<semaphore_mem>>
        %dma_start3A_351 = arith.constant 0 : i32
        %dma_start3A_352 = arith.constant 0 : i32
        %dma_start3A_353 = tpu.memref_slice %arg17[%scan3A_340, %dma_start3A_351, %dma_start3A_352] : memref<16x128x16xi32, #tpu.memory_space<vmem_shared>> -> memref<1x128x16xi32, #tpu.memory_space<vmem_shared>>
        %dma_start3A_354 = tpu.memref_squeeze %dma_start3A_353 : memref<1x128x16xi32, #tpu.memory_space<vmem_shared>> -> memref<128x16xi32, #tpu.memory_space<vmem_shared>>
        %dma_start3A_355 = arith.constant 0 : i32
        %dma_start3A_356 = arith.constant 0 : i32
        %dma_start3A_357 = tpu.memref_slice %arg17[%scan3A_340, %dma_start3A_355, %dma_start3A_356] : memref<16x128x16xi32, #tpu.memory_space<vmem_shared>> -> memref<1x128x16xi32, #tpu.memory_space<vmem_shared>>
        %dma_start3A_358 = tpu.memref_squeeze %dma_start3A_357 : memref<1x128x16xi32, #tpu.memory_space<vmem_shared>> -> memref<128x16xi32, #tpu.memory_space<vmem_shared>>
        tpu.enqueue_dma source(%dma_start3A_358 : memref<128x16xi32, #tpu.memory_space<vmem_shared>>) target(%arg9 : memref<128x16xi32, #tpu.memory_space<vmem>>) target_semaphore(%run_scoped3A_350 : memref<!tpu.dma_semaphore, #tpu.memory_space<semaphore_mem>>)
        %dma_wait3A = arith.constant 0 : i32
        %dma_wait3A_359 = arith.constant 0 : i32
        %dma_wait3A_360 = tpu.memref_slice %arg17[%scan3A_340, %dma_wait3A, %dma_wait3A_359] : memref<16x128x16xi32, #tpu.memory_space<vmem_shared>> -> memref<1x128x16xi32, #tpu.memory_space<vmem_shared>>
        %dma_wait3A_361 = tpu.memref_squeeze %dma_wait3A_360 : memref<1x128x16xi32, #tpu.memory_space<vmem_shared>> -> memref<128x16xi32, #tpu.memory_space<vmem_shared>>
        %dma_wait3A_362 = arith.constant 0 : i32
        %dma_wait3A_363 = arith.constant 0 : i32
        %dma_wait3A_364 = tpu.memref_slice %arg17[%scan3A_340, %dma_wait3A_362, %dma_wait3A_363] : memref<16x128x16xi32, #tpu.memory_space<vmem_shared>> -> memref<1x128x16xi32, #tpu.memory_space<vmem_shared>>
        %dma_wait3A_365 = tpu.memref_squeeze %dma_wait3A_364 : memref<1x128x16xi32, #tpu.memory_space<vmem_shared>> -> memref<128x16xi32, #tpu.memory_space<vmem_shared>>
        tpu.wait_dma2 semaphore(%run_scoped3A_350 : memref<!tpu.dma_semaphore, #tpu.memory_space<semaphore_mem>>) src(%dma_wait3A_365 : memref<128x16xi32, #tpu.memory_space<vmem_shared>>) dst(%arg9 : memref<128x16xi32, #tpu.memory_space<vmem>>)
        tpu.yield
      }) : () -> ()
      %scan3A_342 = arith.constant 0 : i32
      %scan3A_343 = arith.constant 0 : i32
      %scan3A_344 = arith.constant 16 : i32
      %scan3A_345 = arith.addi %scan3A_343, %scan3A_344 : i32
      %scan3A_346 = arith.constant 1 : i32
      %scan3A_347 = scf.for %scan3A_350 = %scan3A_343 to %scan3A_345 step %scan3A_346 iter_args(%scan3A_351 = %scan3A_342) -> (i32)  : i32 {
        %mul3A_352 = arith.constant 4 : i32
        %mul3A_353 = arith.muli %scan3A_350, %mul3A_352 : i32
        %add3A_354 = arith.constant 0 : i32
        %add3A_355 = arith.addi %mul3A_353, %add3A_354 : i32
        %get3A = arith.index_cast %add3A_355 : i32 to index
        %get3A_356 = arith.constant 0 : index
        %get3A_357 = tpu.vector_load %arg8[%get3A, %get3A_356] {strides = array<i32>} : memref<128x16xi32, #tpu.memory_space<vmem>>, vector<16xi32>,
        %get3A_358 = arith.index_cast %add3A_355 : i32 to index
        %get3A_359 = arith.constant 0 : index
        %get3A_360 = tpu.vector_load %arg9[%get3A_358, %get3A_359] {strides = array<i32>} : memref<128x16xi32, #tpu.memory_space<vmem>>, vector<16xi32>,
        %add3A_361 = arith.addi %get3A_357, %get3A_360 : vector<16xi32>
        %swap3A = arith.index_cast %add3A_355 : i32 to index
        %swap3A_362 = arith.constant 0 : index
        %swap3A_363 = tpu.vector_load %arg8[%swap3A, %swap3A_362] {strides = array<i32>} : memref<128x16xi32, #tpu.memory_space<vmem>>, vector<16xi32>,
        tpu.vector_store %arg8[%swap3A, %swap3A_362], %add3A_361 {strides = array<i32>} : memref<128x16xi32, #tpu.memory_space<vmem>>, vector<16xi32>,
        %mul3A_364 = arith.constant 4 : i32
        %mul3A_365 = arith.muli %scan3A_350, %mul3A_364 : i32
        %add3A_366 = arith.constant 1 : i32
        %add3A_367 = arith.addi %mul3A_365, %add3A_366 : i32
        %get3A_368 = arith.index_cast %add3A_367 : i32 to index
        %get3A_369 = arith.constant 0 : index
        %get3A_370 = tpu.vector_load %arg8[%get3A_368, %get3A_369] {strides = array<i32>} : memref<128x16xi32, #tpu.memory_space<vmem>>, vector<16xi32>,
        %get3A_371 = arith.index_cast %add3A_367 : i32 to index
        %get3A_372 = arith.constant 0 : index
        %get3A_373 = tpu.vector_load %arg9[%get3A_371, %get3A_372] {strides = array<i32>} : memref<128x16xi32, #tpu.memory_space<vmem>>, vector<16xi32>,
        %add3A_374 = arith.addi %get3A_370, %get3A_373 : vector<16xi32>
        %swap3A_375 = arith.index_cast %add3A_367 : i32 to index
        %swap3A_376 = arith.constant 0 : index
        %swap3A_377 = tpu.vector_load %arg8[%swap3A_375, %swap3A_376] {strides = array<i32>} : memref<128x16xi32, #tpu.memory_space<vmem>>, vector<16xi32>,
        tpu.vector_store %arg8[%swap3A_375, %swap3A_376], %add3A_374 {strides = array<i32>} : memref<128x16xi32, #tpu.memory_space<vmem>>, vector<16xi32>,
        %mul3A_378 = arith.constant 4 : i32
        %mul3A_379 = arith.muli %scan3A_350, %mul3A_378 : i32
        %add3A_380 = arith.constant 2 : i32
        %add3A_381 = arith.addi %mul3A_379, %add3A_380 : i32
        %get3A_382 = arith.index_cast %add3A_381 : i32 to index
        %get3A_383 = arith.constant 0 : index
        %get3A_384 = tpu.vector_load %arg8[%get3A_382, %get3A_383] {strides = array<i32>} : memref<128x16xi32, #tpu.memory_space<vmem>>, vector<16xi32>,
        %get3A_385 = arith.index_cast %add3A_381 : i32 to index
        %get3A_386 = arith.constant 0 : index
        %get3A_387 = tpu.vector_load %arg9[%get3A_385, %get3A_386] {strides = array<i32>} : memref<128x16xi32, #tpu.memory_space<vmem>>, vector<16xi32>,
        %add3A_388 = arith.addi %get3A_384, %get3A_387 : vector<16xi32>
        %swap3A_389 = arith.index_cast %add3A_381 : i32 to index
        %swap3A_390 = arith.constant 0 : index
        %swap3A_391 = tpu.vector_load %arg8[%swap3A_389, %swap3A_390] {strides = array<i32>} : memref<128x16xi32, #tpu.memory_space<vmem>>, vector<16xi32>,
        tpu.vector_store %arg8[%swap3A_389, %swap3A_390], %add3A_388 {strides = array<i32>} : memref<128x16xi32, #tpu.memory_space<vmem>>, vector<16xi32>,
        %mul3A_392 = arith.constant 4 : i32
        %mul3A_393 = arith.muli %scan3A_350, %mul3A_392 : i32
        %add3A_394 = arith.constant 3 : i32
        %add3A_395 = arith.addi %mul3A_393, %add3A_394 : i32
        %get3A_396 = arith.index_cast %add3A_395 : i32 to index
        %get3A_397 = arith.constant 0 : index
        %get3A_398 = tpu.vector_load %arg8[%get3A_396, %get3A_397] {strides = array<i32>} : memref<128x16xi32, #tpu.memory_space<vmem>>, vector<16xi32>,
        %get3A_399 = arith.index_cast %add3A_395 : i32 to index
        %get3A_400 = arith.constant 0 : index
        %get3A_401 = tpu.vector_load %arg9[%get3A_399, %get3A_400] {strides = array<i32>} : memref<128x16xi32, #tpu.memory_space<vmem>>, vector<16xi32>,
        %add3A_402 = arith.addi %get3A_398, %get3A_401 : vector<16xi32>
        %swap3A_403 = arith.index_cast %add3A_395 : i32 to index
        %swap3A_404 = arith.constant 0 : index
        %swap3A_405 = tpu.vector_load %arg8[%swap3A_403, %swap3A_404] {strides = array<i32>} : memref<128x16xi32, #tpu.memory_space<vmem>>, vector<16xi32>,
        tpu.vector_store %arg8[%swap3A_403, %swap3A_404], %add3A_402 {strides = array<i32>} : memref<128x16xi32, #tpu.memory_space<vmem>>, vector<16xi32>,
        %scan3A_406 = arith.constant 0 : i32
        scf.yield %scan3A_406 : i32
      }
      %scan3A_348 = arith.constant 16 : i32
      %scan3A_349 = arith.constant 0 : i32
      scf.yield %scan3A_349 : i32
    }
    %scan3A_245 = arith.constant 15 : i32
    %barrier3A_246 = arith.constant 0 : index
    tpu.barrier barrier_id(%barrier3A_246)
    %sub3A_247 = arith.subi %select_n3A_60, %sub3A_109 : i32
    %sub3A_248 = arith.subi %sub3A_247, %sub3A_205 : i32
    %scan3A_249 = arith.constant 0 : i32
    %scan3A_250 = arith.constant -1 : i32
    %scan3A_251 = arith.constant 0 : i32
    %scan3A_252 = arith.constant 0 : i32
    %scan3A_253 = arith.constant 64 : i32
    %scan3A_254 = arith.addi %scan3A_252, %scan3A_253 : i32
    %scan3A_255 = arith.constant 1 : i32
    %scan3A_256:4 = scf.for %scan3A_340 = %scan3A_252 to %scan3A_254 step %scan3A_255 iter_args(%scan3A_341 = %scan3A_249, %scan3A_342 = %scan3A_250, %scan3A_343 = %scan3A_251, %scan3A_344 = %broadcast_in_dim3A_0) -> (i32, i32, i32, vector<16xi32>)  : i32 {
      %sub3A_345 = arith.constant 63 : i32
      %sub3A_346 = arith.subi %sub3A_345, %scan3A_340 : i32
      %get3A = arith.index_cast %sub3A_346 : i32 to index
      %get3A_347 = arith.constant 0 : index
      %get3A_348 = tpu.vector_load %arg8[%get3A, %get3A_347] {strides = array<i32>} : memref<128x16xi32, #tpu.memory_space<vmem>>, vector<16xi32>,
      %reduce_sum3A_349 = arith.constant true
      %reduce_sum3A_350 = vector.broadcast %reduce_sum3A_349 : i1 to vector<16xi1>
      %reduce_sum3A_351 = tpu.scan <sum>, %get3A_348 masked %reduce_sum3A_350 : vector<16xi32>, vector<16xi1> -> vector<16xi32>
      %reduce_sum3A_352 = vector.extract %reduce_sum3A_351[15] : i32 from vector<16xi32>
      %lt3A = arith.constant 0 : i32
      %lt3A_353 = arith.cmpi slt, %scan3A_342, %lt3A : i32
      %add3A_354 = arith.addi %scan3A_341, %reduce_sum3A_352 : i32
      %ge3A_355 = arith.cmpi sge, %add3A_354, %sub3A_248 : i32
      %and3A = arith.andi %lt3A_353, %ge3A_355 : i1
      %gt3A_356 = arith.constant 0 : i32
      %gt3A_357 = arith.cmpi sgt, %sub3A_248, %gt3A_356 : i32
      %and3A_358 = arith.andi %and3A, %gt3A_357 : i1
      %broadcast_in_dim3A_359 = vector.broadcast %and3A_358 : i1 to vector<16xi1>
      %select_n3A_360 = arith.select %and3A_358, %sub3A_346, %scan3A_342 : i32
      %select_n3A_361 = arith.select %and3A_358, %scan3A_341, %scan3A_343 : i32
      %select_n3A_362 = arith.select %broadcast_in_dim3A_359, %get3A_348, %scan3A_344 : vector<16xi1>, vector<16xi32>
      %add3A_363 = arith.addi %scan3A_341, %reduce_sum3A_352 : i32
      scf.yield %add3A_363, %select_n3A_360, %select_n3A_361, %select_n3A_362 : i32, i32, i32, vector<16xi32>
    }
    %scan3A_257 = arith.constant 64 : i32
    %rev3A_258 = arith.constant 15 : i32
    %rev3A_259 = vector.broadcast %rev3A_258 : i32 to vector<16xi32>
    %rev3A_260 = tpu.iota {dimensions = array<i32: 0>} : vector<16xi32>
    %rev3A_261 = arith.subi %rev3A_259, %rev3A_260 : vector<16xi32>
    %rev3A_262 = tpu.dynamic_gather %scan3A_256#3[%rev3A_261] in [0] : vector<16xi32>, vector<16xi32> -> vector<16xi32>
    %cumsum3A_263 = arith.constant true
    %cumsum3A_264 = vector.broadcast %cumsum3A_263 : i1 to vector<16xi1>
    %cumsum3A_265 = tpu.scan <sum>, %rev3A_262 masked %cumsum3A_264 : vector<16xi32>, vector<16xi1> -> vector<16xi32>
    %sub3A_266 = arith.subi %sub3A_248, %scan3A_256#2 : i32
    %ge3A_267 = vector.broadcast %sub3A_266 : i32 to vector<16xi32>
    %ge3A_268 = arith.cmpi sge, %cumsum3A_265, %ge3A_267 : vector<16xi32>
    %jit3A_269 = arith.constant 16 : i32
    %broadcast_in_dim3A_270 = vector.broadcast %jit3A_269 : i32 to vector<16xi32>
    %select_n3A_271 = arith.select %ge3A_268, %iota3A, %broadcast_in_dim3A_270 : vector<16xi1>, vector<16xi32>
    %reduce_min3A_272 = arith.constant true
    %reduce_min3A_273 = vector.broadcast %reduce_min3A_272 : i1 to vector<16xi1>
    %reduce_min3A_274 = arith.constant -2147483648 : i32
    %reduce_min3A_275 = vector.broadcast %reduce_min3A_274 : i32 to vector<16xi32>
    %reduce_min3A_276 = arith.xori %select_n3A_271, %reduce_min3A_275 : vector<16xi32>
    %reduce_min3A_277 = tpu.scan <min>, %reduce_min3A_276 masked %reduce_min3A_273 : vector<16xi32>, vector<16xi1> -> vector<16xi32>
    %reduce_min3A_278 = arith.xori %reduce_min3A_277, %reduce_min3A_275 : vector<16xi32>
    %reduce_min3A_279 = vector.extract %reduce_min3A_278[15] : i32 from vector<16xi32>
    %broadcast_in_dim3A_280 = vector.broadcast %reduce_min3A_279 : i32 to vector<16xi32>
    %eq3A_281 = arith.cmpi eq, %iota3A, %broadcast_in_dim3A_280 : vector<16xi32>
    %jit3A_282 = arith.constant 0 : i32
    %broadcast_in_dim3A_283 = vector.broadcast %jit3A_282 : i32 to vector<16xi32>
    %select_n3A_284 = arith.select %eq3A_281, %cumsum3A_265, %broadcast_in_dim3A_283 : vector<16xi1>, vector<16xi32>
    %reduce_sum3A_285 = arith.constant true
    %reduce_sum3A_286 = vector.broadcast %reduce_sum3A_285 : i1 to vector<16xi1>
    %reduce_sum3A_287 = tpu.scan <sum>, %select_n3A_284 masked %reduce_sum3A_286 : vector<16xi32>, vector<16xi1> -> vector<16xi32>
    %reduce_sum3A_288 = vector.extract %reduce_sum3A_287[15] : i32 from vector<16xi32>
    %eq3A_289 = arith.cmpi eq, %iota3A, %broadcast_in_dim3A_280 : vector<16xi32>
    %jit3A_290 = arith.constant 0 : i32
    %broadcast_in_dim3A_291 = vector.broadcast %jit3A_290 : i32 to vector<16xi32>
    %select_n3A_292 = arith.select %eq3A_289, %rev3A_262, %broadcast_in_dim3A_291 : vector<16xi1>, vector<16xi32>
    %reduce_sum3A_293 = arith.constant true
    %reduce_sum3A_294 = vector.broadcast %reduce_sum3A_293 : i1 to vector<16xi1>
    %reduce_sum3A_295 = tpu.scan <sum>, %select_n3A_292 masked %reduce_sum3A_294 : vector<16xi32>, vector<16xi1> -> vector<16xi32>
    %reduce_sum3A_296 = vector.extract %reduce_sum3A_295[15] : i32 from vector<16xi32>
    %mul3A_297 = arith.constant 16 : i32
    %mul3A_298 = arith.muli %scan3A_256#1, %mul3A_297 : i32
    %sub3A_299 = arith.constant 15 : i32
    %sub3A_300 = arith.subi %sub3A_299, %reduce_min3A_279 : i32
    %add3A_301 = arith.addi %mul3A_298, %sub3A_300 : i32
    %add3A_302 = arith.addi %scan3A_256#2, %reduce_sum3A_288 : i32
    %sub3A_303 = arith.subi %add3A_302, %reduce_sum3A_296 : i32
    %shift_left3A_304 = arith.constant 10 : i32
    %shift_left3A_305 = arith.shli %or3A, %shift_left3A_304 : i32
    %or3A_306 = arith.ori %shift_left3A_305, %add3A_301 : i32
    %gt3A = arith.constant 0 : i32
    %gt3A_307 = arith.cmpi sgt, %select_n3A_60, %gt3A : i32
    %jit3A_308 = arith.constant -1 : i32
    %select_n3A_309 = arith.select %gt3A_307, %or3A_306, %jit3A_308 : i32
    %gt3A_310 = arith.constant 0 : i32
    %gt3A_311 = arith.cmpi sgt, %select_n3A_60, %gt3A_310 : i32
    %add3A_312 = arith.addi %sub3A_109, %sub3A_205 : i32
    %add3A_313 = arith.addi %add3A_312, %sub3A_303 : i32
    %sub3A_314 = arith.subi %select_n3A_60, %add3A_313 : i32
    %jit3A_315 = arith.constant 0 : i32
    %select_n3A_316 = arith.select %gt3A_311, %sub3A_314, %jit3A_315 : i32
    %broadcast_in_dim3A_317 = vector.broadcast %select_n3A_309 : i32 to vector<16xi32>
    %bitcast_convert_type3A = tpu.bitcast %broadcast_in_dim3A_317 : vector<16xi32> -> vector<16xi32>
    %eq3A_318 = arith.constant 0 : i32
    %eq3A_319 = vector.broadcast %eq3A_318 : i32 to vector<16xi32>
    %eq3A_320 = arith.cmpi eq, %iota3A, %eq3A_319 : vector<16xi32>
    %select_n3A_321 = arith.select %eq3A_320, %bitcast_convert_type3A, %broadcast_in_dim3A_0 : vector<16xi1>, vector<16xi32>
    %eq3A_322 = arith.constant 1 : i32
    %eq3A_323 = vector.broadcast %eq3A_322 : i32 to vector<16xi32>
    %eq3A_324 = arith.cmpi eq, %iota3A, %eq3A_323 : vector<16xi32>
    %broadcast_in_dim3A_325 = vector.broadcast %select_n3A_316 : i32 to vector<16xi32>
    %select_n3A_326 = arith.select %eq3A_324, %broadcast_in_dim3A_325, %select_n3A_321 : vector<16xi1>, vector<16xi32>
    %eq3A_327 = arith.constant 2 : i32
    %eq3A_328 = vector.broadcast %eq3A_327 : i32 to vector<16xi32>
    %eq3A_329 = arith.cmpi eq, %iota3A, %eq3A_328 : vector<16xi32>
    %broadcast_in_dim3A_330 = vector.broadcast %select_n3A_53 : i32 to vector<16xi32>
    %select_n3A_331 = arith.select %eq3A_329, %broadcast_in_dim3A_330, %select_n3A_326 : vector<16xi1>, vector<16xi32>
    %eq3A_332 = arith.constant 3 : i32
    %eq3A_333 = vector.broadcast %eq3A_332 : i32 to vector<16xi32>
    %eq3A_334 = arith.cmpi eq, %iota3A, %eq3A_333 : vector<16xi32>
    %broadcast_in_dim3A_335 = vector.broadcast %sub3A_55 : i32 to vector<16xi32>
    %select_n3A_336 = arith.select %eq3A_334, %broadcast_in_dim3A_335, %select_n3A_331 : vector<16xi1>, vector<16xi32>
    %eq3A_337 = arith.constant 0 : i32
    %eq3A_338 = arith.cmpi eq, %arg1, %eq3A_337 : i32
    %convert_element_type3A = arith.extui %eq3A_338 : i1 to i32
    %cond3A = arith.constant 0 : i32
    %cond3A_339 = arith.cmpi ne, %convert_element_type3A, %cond3A : i32
    scf.if %cond3A_339 {
      %swap3A = arith.constant 0 : index
      %swap3A_340 = tpu.vector_load %arg10[%swap3A] {strides = array<i32>} : memref<16xi32, #tpu.memory_space<vmem>>, vector<16xi32>,
      tpu.vector_store %arg10[%swap3A], %select_n3A_336 {strides = array<i32>} : memref<16xi32, #tpu.memory_space<vmem>>, vector<16xi32>,
      "tpu.region"() ({
        %run_scoped3A_341 = tpu.sem_alloc : memref<!tpu.dma_semaphore, #tpu.memory_space<semaphore_mem>>
        %dma_start3A_342 = arith.constant 0 : i32
        %dma_start3A_343 = tpu.memref_slice %arg4[%arg0, %dma_start3A_342] : memref<2x16xi32, #tpu.memory_space<hbm>> -> memref<1x16xi32, #tpu.memory_space<hbm>>
        %dma_start3A_344 = tpu.memref_squeeze %dma_start3A_343 : memref<1x16xi32, #tpu.memory_space<hbm>> -> memref<16xi32, #tpu.memory_space<hbm>>
        %dma_start3A_345 = arith.constant 0 : i32
        %dma_start3A_346 = tpu.memref_slice %arg4[%arg0, %dma_start3A_345] : memref<2x16xi32, #tpu.memory_space<hbm>> -> memref<1x16xi32, #tpu.memory_space<hbm>>
        %dma_start3A_347 = tpu.memref_squeeze %dma_start3A_346 : memref<1x16xi32, #tpu.memory_space<hbm>> -> memref<16xi32, #tpu.memory_space<hbm>>
        tpu.enqueue_dma source(%arg10 : memref<16xi32, #tpu.memory_space<vmem>>) target(%dma_start3A_347 : memref<16xi32, #tpu.memory_space<hbm>>) target_semaphore(%run_scoped3A_341 : memref<!tpu.dma_semaphore, #tpu.memory_space<semaphore_mem>>)
        %dma_wait3A = arith.constant 0 : i32
        %dma_wait3A_348 = tpu.memref_slice %arg4[%arg0, %dma_wait3A] : memref<2x16xi32, #tpu.memory_space<hbm>> -> memref<1x16xi32, #tpu.memory_space<hbm>>
        %dma_wait3A_349 = tpu.memref_squeeze %dma_wait3A_348 : memref<1x16xi32, #tpu.memory_space<hbm>> -> memref<16xi32, #tpu.memory_space<hbm>>
        %dma_wait3A_350 = arith.constant 0 : i32
        %dma_wait3A_351 = tpu.memref_slice %arg4[%arg0, %dma_wait3A_350] : memref<2x16xi32, #tpu.memory_space<hbm>> -> memref<1x16xi32, #tpu.memory_space<hbm>>
        %dma_wait3A_352 = tpu.memref_squeeze %dma_wait3A_351 : memref<1x16xi32, #tpu.memory_space<hbm>> -> memref<16xi32, #tpu.memory_space<hbm>>
        tpu.wait_dma2 semaphore(%run_scoped3A_341 : memref<!tpu.dma_semaphore, #tpu.memory_space<semaphore_mem>>) src(%arg10 : memref<16xi32, #tpu.memory_space<vmem>>) dst(%dma_wait3A_352 : memref<16xi32, #tpu.memory_space<hbm>>)
        tpu.yield
      }) : () -> ()
    } else {
    }
    return
  }
}

module attributes {stable_mosaic.version = 14 : i64} {
  func.func @_tc_body(%arg0: memref<2x16xi32, #tpu.memory_space<smem>>, %arg1: memref<8192x128xf32, #tpu.memory_space<vmem>>, %arg2: memref<8192x128xi32, #tpu.memory_space<vmem>>, %arg3: memref<1x1xf32, #tpu.memory_space<vmem>>) attributes {dimension_semantics = [], scalar_prefetch = 0 : i64, scratch_operands = 0 : i64, tpu.core_type = #tpu.core_type<tc>} {
    %get3A = arith.constant 0 : index
    %get3A_0 = arith.constant 0 : index
    %get3A_1 = memref.load %arg0[%get3A, %get3A_0] : memref<2x16xi32, #tpu.memory_space<smem>>
    %bitcast_convert_type3A = arith.bitcast %get3A_1 : i32 to i32
    %get3A_2 = arith.constant 0 : index
    %get3A_3 = arith.constant 1 : index
    %get3A_4 = memref.load %arg0[%get3A_2, %get3A_3] : memref<2x16xi32, #tpu.memory_space<smem>>
    %get3A_5 = arith.constant 1 : index
    %get3A_6 = arith.constant 0 : index
    %get3A_7 = memref.load %arg0[%get3A_5, %get3A_6] : memref<2x16xi32, #tpu.memory_space<smem>>
    %bitcast_convert_type3A_8 = arith.bitcast %get3A_7 : i32 to i32
    %get3A_9 = arith.constant 1 : index
    %get3A_10 = arith.constant 1 : index
    %get3A_11 = memref.load %arg0[%get3A_9, %get3A_10] : memref<2x16xi32, #tpu.memory_space<smem>>
    %scan3A = arith.constant 0.000000e+00 : f32
    %scan3A_12 = arith.constant 0.000000e+00 : f32
    %scan3A_13 = arith.constant 0 : i32
    %scan3A_14 = arith.constant 16 : i32
    %scan3A_15 = arith.addi %scan3A_13, %scan3A_14 : i32
    %scan3A_16 = arith.constant 1 : i32
    %scan3A_17:2 = scf.for %scan3A_99 = %scan3A_13 to %scan3A_15 step %scan3A_16 iter_args(%scan3A_100 = %scan3A, %scan3A_101 = %scan3A_12) -> (f32, f32)  : i32 {
      %mul3A_102 = arith.constant 512 : i32
      %mul3A_103 = arith.muli %scan3A_99, %mul3A_102 : i32
      %get3A_104 = arith.index_cast %mul3A_103 : i32 to index
      %get3A_105 = arith.constant 0 : index
      %get3A_106 = vector.load %arg1[%get3A_104, %get3A_105] : memref<8192x128xf32, #tpu.memory_space<vmem>>, vector<512x128xf32>
      %mul3A_107 = arith.constant 512 : i32
      %mul3A_108 = arith.muli %scan3A_99, %mul3A_107 : i32
      %get3A_109 = arith.index_cast %mul3A_108 : i32 to index
      %get3A_110 = arith.constant 0 : index
      %get3A_111 = vector.load %arg2[%get3A_109, %get3A_110] : memref<8192x128xi32, #tpu.memory_space<vmem>>, vector<512x128xi32>
      %bitcast_convert_type3A_112 = tpu.bitcast %get3A_106 : vector<512x128xf32> -> vector<512x128xi32>
      %ge3A_113 = arith.constant -2147483648 : i32
      %ge3A_114 = vector.broadcast %ge3A_113 : i32 to vector<512x128xi32>
      %ge3A_115 = arith.cmpi uge, %bitcast_convert_type3A_112, %ge3A_114 : vector<512x128xi32>
      %not3A_116 = arith.constant dense<-1> : vector<512x128xi32>
      %not3A_117 = arith.xori %bitcast_convert_type3A_112, %not3A_116 : vector<512x128xi32>
      %or3A = arith.constant -2147483648 : i32
      %or3A_118 = vector.broadcast %or3A : i32 to vector<512x128xi32>
      %or3A_119 = arith.ori %bitcast_convert_type3A_112, %or3A_118 : vector<512x128xi32>
      %select_n3A_120 = arith.select %ge3A_115, %not3A_117, %or3A_119 : vector<512x128xi1>, vector<512x128xi32>
      %ge3A_121 = arith.constant 1 : i32
      %ge3A_122 = vector.broadcast %ge3A_121 : i32 to vector<512x128xi32>
      %ge3A_123 = arith.cmpi sge, %get3A_111, %ge3A_122 : vector<512x128xi32>
      %not3A_124 = arith.constant dense<-1> : vector<512x128xi32>
      %not3A_125 = arith.xori %select_n3A_120, %not3A_124 : vector<512x128xi32>
      %jit3A_126 = arith.constant 0 : i32
      %broadcast_in_dim3A_127 = vector.broadcast %jit3A_126 : i32 to vector<512x128xi32>
      %select_n3A_128 = arith.select %ge3A_123, %not3A_125, %broadcast_in_dim3A_127 : vector<512x128xi1>, vector<512x128xi32>
      %eq3A_129 = arith.constant 0 : i32
      %eq3A_130 = vector.broadcast %eq3A_129 : i32 to vector<512x128xi32>
      %eq3A_131 = arith.cmpi eq, %get3A_111, %eq3A_130 : vector<512x128xi32>
      %jit3A_132 = arith.constant 0 : i32
      %broadcast_in_dim3A_133 = vector.broadcast %jit3A_132 : i32 to vector<512x128xi32>
      %select_n3A_134 = arith.select %eq3A_131, %select_n3A_120, %broadcast_in_dim3A_133 : vector<512x128xi1>, vector<512x128xi32>
      %neg3A_135 = arith.constant 0.000000e+00 : f32
      %neg3A_136 = vector.broadcast %neg3A_135 : f32 to vector<512x128xf32>
      %neg3A_137 = arith.subf %neg3A_136, %get3A_106 : vector<512x128xf32>
      %max3A_138 = arith.constant 0.000000e+00 : f32
      %max3A_139 = vector.broadcast %max3A_138 : f32 to vector<512x128xf32>
      %max3A_140 = arith.maximumf %neg3A_137, %max3A_139 : vector<512x128xf32>
      %abs3A_141 = math.absf %neg3A_137 : vector<512x128xf32>
      %neg3A_142 = arith.constant 0.000000e+00 : f32
      %neg3A_143 = vector.broadcast %neg3A_142 : f32 to vector<512x128xf32>
      %neg3A_144 = arith.subf %neg3A_143, %abs3A_141 : vector<512x128xf32>
      %exp3A_145 = math.exp %neg3A_144 : vector<512x128xf32>
      %log1p3A_146 = math.log1p %exp3A_145 : vector<512x128xf32>
      %add3A_147 = arith.addf %max3A_140, %log1p3A_146 : vector<512x128xf32>
      %min3A_148 = arith.constant 1.000000e+02 : f32
      %min3A_149 = vector.broadcast %min3A_148 : f32 to vector<512x128xf32>
      %min3A_150 = arith.minimumf %add3A_147, %min3A_149 : vector<512x128xf32>
      %max3A_151 = arith.constant 0.000000e+00 : f32
      %max3A_152 = vector.broadcast %max3A_151 : f32 to vector<512x128xf32>
      %max3A_153 = arith.maximumf %get3A_106, %max3A_152 : vector<512x128xf32>
      %abs3A_154 = math.absf %get3A_106 : vector<512x128xf32>
      %neg3A_155 = arith.constant 0.000000e+00 : f32
      %neg3A_156 = vector.broadcast %neg3A_155 : f32 to vector<512x128xf32>
      %neg3A_157 = arith.subf %neg3A_156, %abs3A_154 : vector<512x128xf32>
      %exp3A_158 = math.exp %neg3A_157 : vector<512x128xf32>
      %log1p3A_159 = math.log1p %exp3A_158 : vector<512x128xf32>
      %add3A_160 = arith.addf %max3A_153, %log1p3A_159 : vector<512x128xf32>
      %min3A_161 = arith.constant 1.000000e+02 : f32
      %min3A_162 = vector.broadcast %min3A_161 : f32 to vector<512x128xf32>
      %min3A_163 = arith.minimumf %add3A_160, %min3A_162 : vector<512x128xf32>
      %gt3A_164 = vector.broadcast %bitcast_convert_type3A : i32 to vector<512x128xi32>
      %gt3A_165 = arith.cmpi ugt, %select_n3A_128, %gt3A_164 : vector<512x128xi32>
      %jit3A_166 = arith.constant 0.000000e+00 : f32
      %broadcast_in_dim3A_167 = vector.broadcast %jit3A_166 : f32 to vector<512x128xf32>
      %select_n3A_168 = arith.select %gt3A_165, %min3A_150, %broadcast_in_dim3A_167 : vector<512x128xi1>, vector<512x128xf32>
      %reduce_sum3A_169 = vector.shape_cast %select_n3A_168 : vector<512x128xf32> to vector<1x512x128xf32>
      %reduce_sum3A_170 = arith.constant dense<0.000000e+00> : vector<1xf32>
      %reduce_sum3A_171 = vector.multi_reduction <add>, %reduce_sum3A_169, %reduce_sum3A_170 [1, 2] : vector<1x512x128xf32> to vector<1xf32>
      %reduce_sum3A_172 = vector.shape_cast %reduce_sum3A_171 : vector<1xf32> to vector<1x1x1xf32>
      %reduce_sum3A_173 = vector.extract %reduce_sum3A_172[0, 0, 0] : f32 from vector<1x1x1xf32>
      %add3A_174 = arith.addf %scan3A_100, %reduce_sum3A_173 : f32
      %gt3A_175 = vector.broadcast %bitcast_convert_type3A_8 : i32 to vector<512x128xi32>
      %gt3A_176 = arith.cmpi ugt, %select_n3A_134, %gt3A_175 : vector<512x128xi32>
      %jit3A_177 = arith.constant 0.000000e+00 : f32
      %broadcast_in_dim3A_178 = vector.broadcast %jit3A_177 : f32 to vector<512x128xf32>
      %select_n3A_179 = arith.select %gt3A_176, %min3A_163, %broadcast_in_dim3A_178 : vector<512x128xi1>, vector<512x128xf32>
      %reduce_sum3A_180 = vector.shape_cast %select_n3A_179 : vector<512x128xf32> to vector<1x512x128xf32>
      %reduce_sum3A_181 = arith.constant dense<0.000000e+00> : vector<1xf32>
      %reduce_sum3A_182 = vector.multi_reduction <add>, %reduce_sum3A_180, %reduce_sum3A_181 [1, 2] : vector<1x512x128xf32> to vector<1xf32>
      %reduce_sum3A_183 = vector.shape_cast %reduce_sum3A_182 : vector<1xf32> to vector<1x1x1xf32>
      %reduce_sum3A_184 = vector.extract %reduce_sum3A_183[0, 0, 0] : f32 from vector<1x1x1xf32>
      %add3A_185 = arith.addf %scan3A_101, %reduce_sum3A_184 : f32
      scf.yield %add3A_174, %add3A_185 : f32, f32
    }
    %scan3A_18 = arith.constant 16 : i32
    %not3A = arith.constant -1 : i32
    %not3A_19 = arith.xori %bitcast_convert_type3A, %not3A : i32
    %broadcast_in_dim3A = vector.broadcast %not3A_19 : i32 to vector<8x128xi32>
    %ge3A = arith.constant -2147483648 : i32
    %ge3A_20 = vector.broadcast %ge3A : i32 to vector<8x128xi32>
    %ge3A_21 = arith.cmpi uge, %broadcast_in_dim3A, %ge3A_20 : vector<8x128xi32>
    %and3A = arith.constant 2147483647 : i32
    %and3A_22 = vector.broadcast %and3A : i32 to vector<8x128xi32>
    %and3A_23 = arith.andi %broadcast_in_dim3A, %and3A_22 : vector<8x128xi32>
    %not3A_24 = arith.constant dense<-1> : vector<8x128xi32>
    %not3A_25 = arith.xori %broadcast_in_dim3A, %not3A_24 : vector<8x128xi32>
    %select_n3A = arith.select %ge3A_21, %and3A_23, %not3A_25 : vector<8x128xi1>, vector<8x128xi32>
    %bitcast_convert_type3A_26 = tpu.bitcast %select_n3A : vector<8x128xi32> -> vector<8x128xf32>
    %neg3A = arith.constant 0.000000e+00 : f32
    %neg3A_27 = vector.broadcast %neg3A : f32 to vector<8x128xf32>
    %neg3A_28 = arith.subf %neg3A_27, %bitcast_convert_type3A_26 : vector<8x128xf32>
    %max3A = arith.constant 0.000000e+00 : f32
    %max3A_29 = vector.broadcast %max3A : f32 to vector<8x128xf32>
    %max3A_30 = arith.maximumf %neg3A_28, %max3A_29 : vector<8x128xf32>
    %abs3A = math.absf %neg3A_28 : vector<8x128xf32>
    %neg3A_31 = arith.constant 0.000000e+00 : f32
    %neg3A_32 = vector.broadcast %neg3A_31 : f32 to vector<8x128xf32>
    %neg3A_33 = arith.subf %neg3A_32, %abs3A : vector<8x128xf32>
    %exp3A = math.exp %neg3A_33 : vector<8x128xf32>
    %log1p3A = math.log1p %exp3A : vector<8x128xf32>
    %add3A = arith.addf %max3A_30, %log1p3A : vector<8x128xf32>
    %min3A = arith.constant 1.000000e+02 : f32
    %min3A_34 = vector.broadcast %min3A : f32 to vector<8x128xf32>
    %min3A_35 = arith.minimumf %add3A, %min3A_34 : vector<8x128xf32>
    %broadcast_in_dim3A_36 = vector.broadcast %bitcast_convert_type3A_8 : i32 to vector<8x128xi32>
    %ge3A_37 = arith.constant -2147483648 : i32
    %ge3A_38 = vector.broadcast %ge3A_37 : i32 to vector<8x128xi32>
    %ge3A_39 = arith.cmpi uge, %broadcast_in_dim3A_36, %ge3A_38 : vector<8x128xi32>
    %and3A_40 = arith.constant 2147483647 : i32
    %and3A_41 = vector.broadcast %and3A_40 : i32 to vector<8x128xi32>
    %and3A_42 = arith.andi %broadcast_in_dim3A_36, %and3A_41 : vector<8x128xi32>
    %not3A_43 = arith.constant dense<-1> : vector<8x128xi32>
    %not3A_44 = arith.xori %broadcast_in_dim3A_36, %not3A_43 : vector<8x128xi32>
    %select_n3A_45 = arith.select %ge3A_39, %and3A_42, %not3A_44 : vector<8x128xi1>, vector<8x128xi32>
    %bitcast_convert_type3A_46 = tpu.bitcast %select_n3A_45 : vector<8x128xi32> -> vector<8x128xf32>
    %max3A_47 = arith.constant 0.000000e+00 : f32
    %max3A_48 = vector.broadcast %max3A_47 : f32 to vector<8x128xf32>
    %max3A_49 = arith.maximumf %bitcast_convert_type3A_46, %max3A_48 : vector<8x128xf32>
    %abs3A_50 = math.absf %bitcast_convert_type3A_46 : vector<8x128xf32>
    %neg3A_51 = arith.constant 0.000000e+00 : f32
    %neg3A_52 = vector.broadcast %neg3A_51 : f32 to vector<8x128xf32>
    %neg3A_53 = arith.subf %neg3A_52, %abs3A_50 : vector<8x128xf32>
    %exp3A_54 = math.exp %neg3A_53 : vector<8x128xf32>
    %log1p3A_55 = math.log1p %exp3A_54 : vector<8x128xf32>
    %add3A_56 = arith.addf %max3A_49, %log1p3A_55 : vector<8x128xf32>
    %min3A_57 = arith.constant 1.000000e+02 : f32
    %min3A_58 = vector.broadcast %min3A_57 : f32 to vector<8x128xf32>
    %min3A_59 = arith.minimumf %add3A_56, %min3A_58 : vector<8x128xf32>
    %iota3A = tpu.iota {dimensions = array<i32: 0>} : vector<8x128xi32>
    %iota3A_60 = tpu.iota {dimensions = array<i32: 1>} : vector<8x128xi32>
    %eq3A = arith.constant 0 : i32
    %eq3A_61 = vector.broadcast %eq3A : i32 to vector<8x128xi32>
    %eq3A_62 = arith.cmpi eq, %iota3A, %eq3A_61 : vector<8x128xi32>
    %eq3A_63 = arith.constant 0 : i32
    %eq3A_64 = vector.broadcast %eq3A_63 : i32 to vector<8x128xi32>
    %eq3A_65 = arith.cmpi eq, %iota3A_60, %eq3A_64 : vector<8x128xi32>
    %and3A_66 = arith.andi %eq3A_62, %eq3A_65 : vector<8x128xi1>
    %gt3A = arith.constant 0 : i32
    %gt3A_67 = arith.cmpi sgt, %get3A_4, %gt3A : i32
    %and3A_68 = vector.broadcast %gt3A_67 : i1 to vector<8x128xi1>
    %and3A_69 = arith.andi %and3A_66, %and3A_68 : vector<8x128xi1>
    %convert_element_type3A = arith.sitofp %get3A_4 : i32 to f32
    %mul3A = vector.broadcast %convert_element_type3A : f32 to vector<8x128xf32>
    %mul3A_70 = arith.mulf %mul3A, %min3A_35 : vector<8x128xf32>
    %jit3A = arith.constant 0.000000e+00 : f32
    %broadcast_in_dim3A_71 = vector.broadcast %jit3A : f32 to vector<8x128xf32>
    %select_n3A_72 = arith.select %and3A_69, %mul3A_70, %broadcast_in_dim3A_71 : vector<8x128xi1>, vector<8x128xf32>
    %reduce_sum3A = vector.shape_cast %select_n3A_72 : vector<8x128xf32> to vector<1x8x128xf32>
    %reduce_sum3A_73 = arith.constant dense<0.000000e+00> : vector<1xf32>
    %reduce_sum3A_74 = vector.multi_reduction <add>, %reduce_sum3A, %reduce_sum3A_73 [1, 2] : vector<1x8x128xf32> to vector<1xf32>
    %reduce_sum3A_75 = vector.shape_cast %reduce_sum3A_74 : vector<1xf32> to vector<1x1x1xf32>
    %reduce_sum3A_76 = vector.extract %reduce_sum3A_75[0, 0, 0] : f32 from vector<1x1x1xf32>
    %add3A_77 = arith.addf %scan3A_17#0, %reduce_sum3A_76 : f32
    %gt3A_78 = arith.constant 0 : i32
    %gt3A_79 = arith.cmpi sgt, %get3A_11, %gt3A_78 : i32
    %and3A_80 = vector.broadcast %gt3A_79 : i1 to vector<8x128xi1>
    %and3A_81 = arith.andi %and3A_66, %and3A_80 : vector<8x128xi1>
    %convert_element_type3A_82 = arith.sitofp %get3A_11 : i32 to f32
    %mul3A_83 = vector.broadcast %convert_element_type3A_82 : f32 to vector<8x128xf32>
    %mul3A_84 = arith.mulf %mul3A_83, %min3A_59 : vector<8x128xf32>
    %jit3A_85 = arith.constant 0.000000e+00 : f32
    %broadcast_in_dim3A_86 = vector.broadcast %jit3A_85 : f32 to vector<8x128xf32>
    %select_n3A_87 = arith.select %and3A_81, %mul3A_84, %broadcast_in_dim3A_86 : vector<8x128xi1>, vector<8x128xf32>
    %reduce_sum3A_88 = vector.shape_cast %select_n3A_87 : vector<8x128xf32> to vector<1x8x128xf32>
    %reduce_sum3A_89 = arith.constant dense<0.000000e+00> : vector<1xf32>
    %reduce_sum3A_90 = vector.multi_reduction <add>, %reduce_sum3A_88, %reduce_sum3A_89 [1, 2] : vector<1x8x128xf32> to vector<1xf32>
    %reduce_sum3A_91 = vector.shape_cast %reduce_sum3A_90 : vector<1xf32> to vector<1x1x1xf32>
    %reduce_sum3A_92 = vector.extract %reduce_sum3A_91[0, 0, 0] : f32 from vector<1x1x1xf32>
    %add3A_93 = arith.addf %scan3A_17#1, %reduce_sum3A_92 : f32
    %add3A_94 = arith.addf %add3A_77, %add3A_93 : f32
    %div3A = arith.constant 5.120000e+02 : f32
    %div3A_95 = arith.divf %add3A_94, %div3A : f32
    %broadcast_in_dim3A_96 = vector.broadcast %div3A_95 : f32 to vector<1x1xf32>
    %swap3A = arith.constant 0 : index
    %swap3A_97 = arith.constant 0 : index
    %swap3A_98 = vector.load %arg3[%swap3A, %swap3A_97] : memref<1x1xf32, #tpu.memory_space<vmem>>, vector<1x1xf32>
    tpu.vector_store %arg3[%swap3A, %swap3A_97], %broadcast_in_dim3A_96 {strides = array<i32>} : memref<1x1xf32, #tpu.memory_space<vmem>>, vector<1x1xf32>,
    return
  }
}

</mosaic_0001>

<sc_bundles>
// kernel: kernel.4.cloned.1.call-start
scs
__scs_entry_jumppad:
0x0: {  	(pc) =	sbr.rel $0x88, $3  }
0x1: {  	(tag) =	ssettag $0x0;
	lr =	simm.s32 $0x1  }
0x2: {  	[smem:$0x3F9F] =	sst lr;
	_ =	strace $0xD0000000  }
0x3: {  	_ = 	snop  }
0x4: {  	_ = 	snop  }
0x5: {  	_ = 	snop  }
0x6: {  	_ = 	snop  }
0x7: {  	_ = 	snop  }
__scs_overlays_trampoline_lowered:
0x8: {  	[smem:$0x3FAE] =	sst s0  }
0x9: {  	[smem:$0x3FAF] =	sst s1  }
0xa: {  	[smem:$0x3FB0] =	sst s2  }
0xb: {  	[smem:$0x3FB1] =	sst s3  }
0xc: {  	[smem:$0x3FB2] =	sst s4  }
0xd: {  	[smem:$0x3FB3] =	sst s5  }
0xe: {  	[smem:$0x3FB4] =	sst s6  }
0xf: {  	[smem:$0x3FB5] =	sst s7  }
0x10: {  	[smem:$0x3FB6] =	sst s8  }
0x11: {  	[smem:$0x3FB7] =	sst s9;
	s0 =	simm.s32 @!p0 $0x0  }
0x12: {  	s1 =	sld [smem:$0x3F9D];
	s0 =	simm.s32 @p0 $0x1  }
0x13: {  	[smem:$0x3FB8] =	sst s0;
	s0 =	simm.s32 @!p1 $0x0  }
0x14: {  	s2 =	sld [smem:$0x3F9C];
	s0 =	simm.s32 @p1 $0x1  }
0x15: {  	[smem:$0x3FB9] =	sst s0;
	s0 =	simm.s32 @!p2 $0x0  }
0x16: {  	s3 =	sld [smem:$0x3FDB];
	s0 =	simm.s32 @p2 $0x1  }
0x17: {  	s4 =	simm.s32 $0x1BF5;
	[smem:$0x3FBB] =	sst s0  }
0x18: {  	s0 =	sld [smem:$0x3F9E];
	_ =	swait.ge [sflag:s4], $0x0  }
0x19: {  	s7 =	sld [smem:$0x3F9F]  }
0x1a: {  	s8 =	sadd.s32 $0xFFFFE003, lr  }
0x1b: {  	s9 =	sadd.s32 $0xFFFFFEF7, lr;
	s5 =	simm.s32 $0xFFFFFFFF;
	p2 =	slt.u32 s8, $0xFFFFF086  }
0x1c: {  	p1 =	slt.u32 s9, $0xF7A;
	s5 =	simm.s32 @!p2 $0x0  }
0x1d: {  	s5 =	simm.s32 @p1 $0x1;
	p0 =	seq.s32 s7, s2  }
0x1e: {  	s7 =	smul.u32 @!p0 $0xF7A, s2;
	p2 =	seq.s32 @!p0 s5, $0x0  }
0x1f: {  	s9 =	smul.u32 $0xF7A, s1;
	s8 =	simm.s32 @!p0 $0x1BF5;
	p2 =	por !p2, p0  }
0x20: {  	[sflag:s8] =	ssyncset.s32 @!p0 $0xFFFFF086;
	s6 =	sadd.s32 @!p0 s3, s7;
	s7 =	simm.s32 @!p0 $0x108  }
0x21: {  	s3 =	sadd.s32 s3, s9;
	s6 =	sadd.s32 @!p0 $0x88, s6;
	s7 =	simm.s32 @p2 $0x1082  }
0x22: {  	[simem:s7], [sflag:s8] =	dma.local @!p0 [hbm:s6], $0xF7A  }
0x23: {  	s9 =	sor.u32 $0xD0000000, s2;
	s6 =	simm.s32 $0x108;
	_ =	swait.ge @!p0 [sflag:s8], $0x0  }
0x24: {  	s3 =	sadd.s32 $0x88, s3;
	s6 =	simm.s32 @!p1 $0x1082;
	[sflag:s4] =	ssyncset.s32 $0xFFFFF086  }
0x25: {  	[simem:s6], [sflag:s4] =	dma.local [hbm:s3], $0xF7A  }
0x26: {  	[smem:$0x3F9F] =	sst s1;
	(tag) =	ssettag s2;
	_ =	strace s9  }
0x27: {  	s1 =	sld [smem:$0x3FAF]  }
0x28: {  	s2 =	sld [smem:$0x3FB0]  }
0x29: {  	s4 =	sld [smem:$0x3FB2]  }
0x2a: {  	p0 =	seq.s32 s5, $0x0;
	s5 =	sld [smem:$0x3FB3]  }
0x2b: {  	s6 =	sld [smem:$0x3FB4]  }
0x2c: {  	s7 =	sld [smem:$0x3FB5]  }
0x2d: {  	s3 =	simm.s32 $0x108;
	s8 =	sld [smem:$0x3FB6]  }
0x2e: {  	s3 =	simm.s32 @!p0 $0x1082;
	s9 =	sld [smem:$0x3FB7]  }
0x2f: {  	lr =	sadd.s32 s0, s3;
	s0 =	sld [smem:$0x3FAE]  }
0x30: {  	s3 =	sld [smem:$0x3FB1]  }
0x31: {  	[smem:$0x3FBA] =	sst s10  }
0x32: {  	s10 =	sld [smem:$0x3FB8];
	_ =	sdelay $0x3  }
0x33: {  	p0 =	seq.s32 s10, $0x1;
	s10 =	sld [smem:$0x3FBA];
	_ =	sdelay $0x3  }
0x34: {  	[smem:$0x3FBA] =	sst s10  }
0x35: {  	s10 =	sld [smem:$0x3FB9];
	_ =	sdelay $0x3  }
0x36: {  	p1 =	seq.s32 s10, $0x1;
	s10 =	sld [smem:$0x3FBA];
	_ =	sdelay $0x3  }
0x37: {  	[smem:$0x3FBA] =	sst s10  }
0x38: {  	s10 =	sld [smem:$0x3FBB]  }
0x39: {  	_ = 	snop;
	(pc) =	sbr.ind lr, $3  }
0x3a: {  	_ = 	snop  }
0x3b: {  	_ = 	snop  }
0x3c: {  	p2 =	seq.s32 s10, $0x1;
	s10 =	sld [smem:$0x3FBA]  }
0x3d: {  	_ =	shalt  }
0x3e: {  	_ =	shalt  }
0x3f: {  	_ =	shalt  }
0x40: {  	_ =	shalt  }
0x41: {  	_ =	shalt  }
0x42: {  	_ =	shalt  }
0x43: {  	_ =	shalt  }
0x44: {  	_ =	shalt  }
0x45: {  	_ =	shalt  }
0x46: {  	_ =	shalt  }
0x47: {  	_ =	shalt  }
0x48: {  	_ =	shalt  }
0x49: {  	_ =	shalt  }
0x4a: {  	_ =	shalt  }
0x4b: {  	_ =	shalt  }
0x4c: {  	_ =	shalt  }
0x4d: {  	_ =	shalt  }
0x4e: {  	_ =	shalt  }
0x4f: {  	_ =	shalt  }
0x50: {  	_ =	shalt  }
0x51: {  	_ =	shalt  }
0x52: {  	_ =	shalt  }
0x53: {  	_ =	shalt  }
0x54: {  	_ =	shalt  }
0x55: {  	_ =	shalt  }
0x56: {  	_ =	shalt  }
0x57: {  	_ =	shalt  }
0x58: {  	_ =	shalt  }
0x59: {  	_ =	shalt  }
0x5a: {  	_ =	shalt  }
0x5b: {  	_ =	shalt  }
0x5c: {  	_ =	shalt  }
0x5d: {  	_ =	shalt  }
0x5e: {  	_ =	shalt  }
0x5f: {  	_ =	shalt  }
0x60: {  	_ =	shalt  }
0x61: {  	_ =	shalt  }
0x62: {  	_ =	shalt  }
0x63: {  	_ =	shalt  }
0x64: {  	_ =	shalt  }
0x65: {  	_ =	shalt  }
0x66: {  	_ =	shalt  }
0x67: {  	_ =	shalt  }
0x68: {  	_ =	shalt  }
0x69: {  	_ =	shalt  }
0x6a: {  	_ =	shalt  }
0x6b: {  	_ =	shalt  }
0x6c: {  	_ =	shalt  }
0x6d: {  	_ =	shalt  }
0x6e: {  	_ =	shalt  }
0x6f: {  	_ =	shalt  }
0x70: {  	_ =	shalt  }
0x71: {  	_ =	shalt  }
0x72: {  	_ =	shalt  }
0x73: {  	_ =	shalt  }
0x74: {  	_ =	shalt  }
0x75: {  	_ =	shalt  }
0x76: {  	_ =	shalt  }
0x77: {  	_ =	shalt  }
0x78: {  	_ =	shalt  }
0x79: {  	_ =	shalt  }
0x7a: {  	_ =	shalt  }
0x7b: {  	_ =	shalt  }
0x7c: {  	_ =	shalt  }
0x7d: {  	_ =	shalt  }
0x7e: {  	_ =	shalt  }
0x7f: {  	_ =	shalt  }
0x80: {  	_ =	shalt  }
0x81: {  	_ =	shalt  }
0x82: {  	_ =	shalt  }
0x83: {  	_ =	shalt  }
0x84: {  	_ =	shalt  }
0x85: {  	_ =	shalt  }
0x86: {  	_ =	shalt  }
0x87: {  	_ =	shalt  }
.Lfunc_end0:
.L_simem_size_0:
called_computation_lowered:
.L_overlay_start_0:
0x88: {  	s2 =	sld [smem:$0x3FD9]  }
0x89: {  	s3 =	sld [smem:$0x3FFE];
	_ =	sdelay $0x1  }
0x8a: {  	s1 =	srdreg.scid  }
0x8b: {  	s0 =	sand.u32 $0x1, s1  }
0x8c: {  	s17 =	sshll.u32 s0, $0xA;
	s2 =	sadd.s32 s3, s2  }
0x8d: {  	s2 =	sadd.s32 s2, s17  }
0x8e: {  	[smem:$0x3FC6] =	sst s2  }
0x8f: {  	_ = 	snop  }
0x90: {  	s2 =	sld [smem:$0x3FC9]  }
0x91: {  	s18 =	sld [smem:$0x3FC8];
	(tm) =	ssettm $0x1  }
0x92: {  	s4 =	sld [smem:$0x3FFB];
	_ =	sdelay $0x3  }
0x93: {  	_ =	strace s4  }
0x94: {  	s4 =	sld [smem:$0x3FFC];
	_ =	sdelay $0x3  }
0x95: {  	_ =	strace s4  }
0x96: {  	s4 =	sld [smem:$0x3FFD];
	_ =	sdelay $0x3  }
0x97: {  	_ =	strace s4  }
0x98: {  	_ =	strace $0x8FFFFFFF  }
0x99: {  	s19 =	sld [smem:$0x3FDB];
	_ =	sdelay $0x1  }
0x9a: {  	s5 =	simm.s32 $_scs_section_size  }
0x9b: {  	s6 =	simm.s32 $_size__tile_overlayer_lowered;
	s7 =	simm.s32 $_tile_overlayer_lowered  }
0x9c: {  	s22 =	simm.s32 $0x1BFF;
	s21 =	sshll.u32 s7, $0x1;
	s4 =	sadd.s32 s5, s19  }
0x9d: {  	s8 =	simm.s32 $0x0;
	s20 =	sshll.u32 s6, $0x1;
	s6 =	sadd.s32 s21, s4  }
0x9e: {  	[timem:s8], [sflag:s22] =	dma.local [hbm:s6], s20  }
0x9f: {  	_ =	swait.ge [sflag:s22], s20  }
0xa0: {  	s5 =	ssub.s32 $0x0, s20;
	[sflag:s22] =	ssyncset.done $0x0  }
0xa1: {  	[sflag:s22] =	ssyncadd.s32 s5;
	_ =	sdelay $0x1  }
0xa2: {  	s23 =	simm.s32 $0x1B8B  }
0xa3: {  	_ =	swait.ge [sflag:s23], $0x1  }
0xa4: {  	[sflag:s23] =	ssyncset.done $0x0  }
0xa5: {  	s25 =	simm.s32 $0x1B8E;
	s24 =	sld [smem:$0x3FFE];
	[sflag:s23] =	ssyncadd.s32 $0xFFFFFFFF  }
0xa6: {  	s26 =	simm.s32 $execute0_lowered;
	[smem:$0x3FD2] =	sst s25  }
0xa7: {  	s6 =	sshll.u32 s26, $0x1;
	_ =	strace $0x80000046;
	[dreg:$0x1] =	wrdreg $0xFFFFFFFF  }
0xa8: {  	s28 =	simm.s32 $_size_execute0_lowered;
	s4 =	sadd.s32 s4, s6;
	[dreg:$0x0] =	wrdreg $0x0  }
0xa9: {  	s6 =	sshll.u32 s28, $0x1;
	[dreg:$0x2] =	wrdreg s4  }
0xaa: {  	[dreg:$0x3] =	wrdreg s6  }
0xab: {  	[dreg:$0x4] =	wrdreg $0xC0  }
0xac: {  	_ =	task [dreg:s8], $0x5FFFF  }
0xad: {  	[dreg:$0x1] =	wrdreg $0xFFFFFFFF  }
0xae: {  	[dreg:$0x0] =	wrdreg $0x60  }
0xaf: {  	[dreg:$0x2] =	wrdreg s2  }
0xb0: {  	[dreg:$0x3] =	wrdreg s18  }
0xb1: {  	[dreg:$0x4] =	wrdreg s24  }
0xb2: {  	[dreg:$0x5] =	wrdreg $0x141000  }
0xb3: {  	[dreg:$0x6] =	wrdreg $0x9  }
0xb4: {  	_ =	task.clear_ibuf [dreg:s8], $0x7FFFF;
	_ =	strace $0x90000046  }
0xb5: {  	s29 =	simm.s32 $0x9;
	_ =	strace $0x80000048  }
0xb6: {  	_ =	swait.ge [sflag:s29], $0x1  }
0xb7: {  	[sflag:s29] =	ssyncadd.s32 $0xFFFFFFFF  }
0xb8: {  	_ =	strace $0x90000048  }
0xb9: {  	_ =	sfence  }
0xba: {  	s30 =	sld [smem:$0x0];
	_ =	sdelay $0x2  }
0xbb: {  	s31 =	sshll.u32 s1, $0xD;
	s1 =	sshrl.u32 s1, $0x2  }
0xbc: {  	s3 =	sand.u32 $0x4000, s31;
	s1 =	sadd.s32 s1, s30  }
0xbd: {  	s0 =	sor.u32 s3, s0;
	s1 =	sshll.u32 s1, $0x11  }
0xbe: {  	s0 =	sor.u32 s1, s0  }
0xbf: {  	s0 =	sadd.s32 $0x8F2B, s0  }
0xc0: {  	[sflag:s0] =	ssyncadd.remote.s32 $0x1  }
0xc1: {  	_ =	sfence.sel $0xFFFF  }
0xc2: {  	[dreg:$0x0] =	wrdreg $0xFFFFFFFF;
	(pc) =	sbr.abs _section_cstart, $3  }
0xc3: {  	[dreg:$0x1] =	wrdreg $0xFFFFFFFF  }
0xc4: {  	_ =	task.clear_ibuf [dreg:s8], $0x2FFFF;
	_ =	strace $0x9FFFFFFF  }
0xc5: {  	(tm) =	ssettm $0x7FFFFFFF  }
tec
execute0_lowered:
.L_overlay_start_1:
0x0: {  	(tag) =	ssettag $0x1  }
0x1: {  	s1 =	rddreg [dreg:$0x0]  }
0x2: {  	s2 =	rddreg [dreg:$0x1]  }
0x3: {  	s0 =	rddreg [dreg:$0x2]  }
0x4: {  	s3 =	rddreg [dreg:$0x3]  }
0x5: {  	s4 =	simm.s32 $0x0;
	s5 =	srdreg.scid;
	s9 =	stileid.u32  }
0x6: {  	s12 =	simm.s32 $0x2000;
	s14 =	simm.s32 $0x12100;
	s15 =	simm.s32 $0x13100  }
0x7: {  	s16 =	simm.s32 $0x1;
	s17 =	simm.s32 $0x2;
	s18 =	simm.s32 $0x3  }
0x8: {  	s19 =	simm.s32 $0x4;
	[smem:$0x7FF] =	sst s4;
	s5 =	sand.u32 $0x1, s5  }
0x9: {  	s28 =	sshll.u32 s9, $0xD;
	p1 =	sne.s32 s9, $0x0;
	_ =	strace $0x80000047  }
0xa: {  	s6 =	ssub.s32 $0x2, s5;
	s7 =	sshll.u32 s5, $0x4;
	p0 =	seq.s32 s5, $0x0  }
0xb: {  	s5 =	sshll.u32 s9, $0x10;
	s29 =	sadd.s32 s1, s28;
	s0 =	sadd.s32 s7, s0  }
0xc: {  	[dreg:$0x5] =	wrdreg s29;
	s7 =	sadd.s32 s2, s28;
	s30 =	sshrl.u32 s5, $0x2  }
0xd: {  	s8 =	sshrl.u32 s6, $0x1;
	[dreg:$0x6] =	wrdreg s7;
	s7 =	sadd.s32 s30, s3  }
0xe: {  	vm0 =	vmxor vm0, vm0;
	v0 =	vlaneseq.u32;
	v1 =	vimm.s32 $0x0;
	s6 =	ssub.s32 s6, s8;
	s0 =	sadd.s32 $0xA00, s0;
	[dreg:$0x7] =	wrdreg s7  }
0xf: {  	v3 =	vimm.s32 $0x1;
	v5 =	vmul.u32 $0xFFFFFFFF, v0;
	v4 =	vmul.u32 $0x801, v0;
	[dreg:$0x8] =	wrdreg s0;
	s31 =	smax.u32 s6, $0x1;
	s0 =	simm.s32 @!p0 $0x0  }
0x10: {  	s21 =	simm.s32 $0x5;
	v6 =	vor.u32 $0x80000000, v0;
	vm1 =	vcmask @!p1 $0x300;
	vm0 =	vmneg @p0 vm0;
	[dreg:$0x9] =	wrdreg s31;
	s0 =	simm.s32 @p0 $0x1  }
0x11: {  	s22 =	simm.s32 $0xE080;
	vm2 =	vcmask @!p1 $0x704;
	v5 =	vadd.s32 $0xF, v5;
	s8 =	sor.u32 $0x2000, s5;
	v2 =	vsel vm0, $0xFFFFFFFF, v1;
	[smem:$0x7FD] =	sst s0  }
.LBB2_1:
0x12: {  	s6 =	simm.s32 $0x0  }
0x13: {  	v9 =	vor.u32 s6, v0;
	_ =	sdelay $0x1  }
0x14: {  	s7 =	simm.s32 $0x10  }
0x15: {  	s9 =	simm.s32 $0x20;
	v7 =	vor.u32 s7, v0  }
0x16: {  	s0 =	simm.s32 $0x30;
	v8 =	vor.u32 s9, v0;
	s6 =	simm.s32 $0x70  }
.LBB2_2:
0x17: {  	s7 =	sadd.s32 $0xFFFFFFD0, s6;
	[tilespmem:v9+s12+$0x0] =	vst.idx.msk $0xffff, v1;
	v10 =	vor.u32 s0, v0;
	s0 =	smov.u32 s6;
	p2 =	sne.s32 s6, $0x8030  }
.Ltmp0:
0x18: {  	v9 =	vor.u32 s7, v0;
	(pc) =	sbr.rel @p2 .LBB2_2-.Ltmp0, $4  }
0x19: {  	_ = 	snop  }
0x1a: {  	s7 =	sadd.s32 $0xFFFFFFE0, s6;
	[tilespmem:v7+s12+$0x0] =	vst.idx.msk $0xffff, v1  }
0x1b: {  	v7 =	vor.u32 s7, v0;
	s7 =	sadd.s32 $0xFFFFFFF0, s6;
	[tilespmem:v8+s12+$0x0] =	vst.idx.msk $0xffff, v1  }
0x1c: {  	s6 =	sadd.s32 $0x40, s6;
	v8 =	vor.u32 s7, v0;
	[tilespmem:v10+s12+$0x0] =	vst.idx.msk $0xffff, v1  }
0x1d: {  	_ =	sdelay $0x1  }
0x1e: {  	v10 =	vor.u32 s0, v0;
	_ =	sdelay $0x1  }
0x1f: {  	[tilespmem:v9+s12+$0x0] =	vst.idx.msk $0xffff, v1  }
0x20: {  	[tilespmem:v7+s12+$0x0] =	vst.idx.msk $0xffff, v1  }
0x21: {  	[tilespmem:v8+s12+$0x0] =	vst.idx.msk $0xffff, v1  }
0x22: {  	s0 =	simm.s32 $0x0;
	s6 =	rddreg [dreg:$0x5];
	[tilespmem:v10+s12+$0x0] =	vst.idx.msk $0xffff, v1  }
0x23: {  	[tilespmem:s0], [sflag:$0x1] =	stream.linear.gather [hbm4b:s6+s0], $0x1000, $0x38;
	[tilespmem:$0x14900] =	vst v63  }
0x24: {  	s31 =	rddreg [dreg:$0x6];
	s7 =	simm.s32 $0x1000;
	s10 =	simm.s32 $0x0  }
0x25: {  	[tilespmem:s7], [sflag:$0x2] =	stream.linear.gather [hbm4b:s31+s0], $0x1000, $0x38;
	[tilespmem:$0x14900] =	vst v63  }
.LBB2_4:
0x26: {  	s11 =	sshll.u32 s10, $0xD  }
0x27: {  	s6 =	sor.u32 s11, s5  }
0x28: {  	s6 =	sshrl.u32 s6, $0x3  }
0x29: {  	s6 =	sor.u32 $0x200, s6  }
0x2a: {  	s7 =	sadd.s32 s1, s6  }
0x2b: {  	[tilespmem:s14], [sflag:$0x3] =	stream.linear.gather [hbm4b:s7+s0], $0x1000, $0x38;
	[tilespmem:$0x14900] =	vst v63  }
0x2c: {  	s6 =	sadd.s32 s2, s6  }
0x2d: {  	[tilespmem:s15], [sflag:$0x4] =	stream.linear.gather [hbm4b:s6+s0], $0x1000, $0x38;
	[tilespmem:$0x14900] =	vst v63  }
0x2e: {  	_ =	swait.ge [sflag:s16], $0x1000  }
0x2f: {  	[sflag:s16] =	ssyncset.done $0x0  }
0x30: {  	[sflag:s16] =	ssyncadd.s32 $0xFFFFF000  }
0x31: {  	_ =	swait.ge [sflag:s17], $0x1000  }
0x32: {  	[sflag:s17] =	ssyncset.done $0x0  }
0x33: {  	s6 =	simm.s32 $0x0;
	[sflag:s17] =	ssyncadd.s32 $0xFFFFF000  }
.LBB2_5:
0x34: {  	s7 =	sshra.s32 s6, $0x2  }
0x35: {  	v7 =	vld [tilespmem:s7+$0x0];
	_ =	sdelay $0x2  }
0x36: {  	v8 =	vld [tilespmem:s7+$0x1000];
	_ =	sdelay $0x1  }
0x37: {  	vm3 =	vlt.s32 v7, $0x0;
	v9 =	vxor.u32 $0xFFFFFFFF, v7;
	v7 =	vor.u32 $0x80000000, v7  }
0x38: {  	v7 =	vsel vm3, v9, v7  }
0x39: {  	v7 =	vxor.u32 v2, v7  }
0x3a: {  	vm3 =	vlt.s32 v8, $0x1;
	v7 =	vshrl.u32 v7, $0x15  }
0x3b: {  	vm3 =	vmxor vm0, vm3;
	v7 =	vadd.s32 v4, v7  }
0x3c: {  	v7 =	vsel vm3, v7, v4;
	_ =	sdelay $0x4  }
0x3d: {  	[tilespmem:v7+s12+$0x0] =	vst.idx.add.s32.msk vm3, v3  }
0x3e: {  	v7 =	vld [tilespmem:s7+$0x10];
	_ =	sdelay $0x2  }
0x3f: {  	v8 =	vld [tilespmem:s7+$0x1010];
	_ =	sdelay $0x1  }
0x40: {  	vm3 =	vlt.s32 v7, $0x0;
	v61 =	vxor.u32 $0xFFFFFFFF, v7;
	v7 =	vor.u32 $0x80000000, v7  }
0x41: {  	v7 =	vsel vm3, v61, v7  }
0x42: {  	v7 =	vxor.u32 v2, v7  }
0x43: {  	vm3 =	vlt.s32 v8, $0x1;
	v7 =	vshrl.u32 v7, $0x15  }
0x44: {  	vm3 =	vmxor vm0, vm3;
	v7 =	vadd.s32 v4, v7  }
0x45: {  	v7 =	vsel vm3, v7, v4;
	_ =	sdelay $0x4  }
0x46: {  	[tilespmem:v7+s12+$0x0] =	vst.idx.add.s32.msk vm3, v3  }
0x47: {  	v7 =	vld [tilespmem:s7+$0x20];
	_ =	sdelay $0x2  }
0x48: {  	v8 =	vld [tilespmem:s7+$0x1020];
	_ =	sdelay $0x1  }
0x49: {  	vm3 =	vlt.s32 v7, $0x0;
	v62 =	vxor.u32 $0xFFFFFFFF, v7;
	v7 =	vor.u32 $0x80000000, v7  }
0x4a: {  	v7 =	vsel vm3, v62, v7  }
0x4b: {  	v7 =	vxor.u32 v2, v7  }
0x4c: {  	vm3 =	vlt.s32 v8, $0x1;
	v7 =	vshrl.u32 v7, $0x15  }
0x4d: {  	vm3 =	vmxor vm0, vm3;
	v7 =	vadd.s32 v4, v7  }
0x4e: {  	v7 =	vsel vm3, v7, v4;
	_ =	sdelay $0x4  }
0x4f: {  	[tilespmem:v7+s12+$0x0] =	vst.idx.add.s32.msk vm3, v3  }
0x50: {  	v7 =	vld [tilespmem:s7+$0x30];
	_ =	sdelay $0x2  }
0x51: {  	v8 =	vld [tilespmem:s7+$0x1030];
	_ =	sdelay $0x1  }
0x52: {  	vm3 =	vlt.s32 v7, $0x0;
	v63 =	vxor.u32 $0xFFFFFFFF, v7;
	v7 =	vor.u32 $0x80000000, v7  }
0x53: {  	v7 =	vsel vm3, v63, v7  }
0x54: {  	v7 =	vxor.u32 v2, v7  }
0x55: {  	vm3 =	vlt.s32 v8, $0x1;
	v7 =	vshrl.u32 v7, $0x15  }
0x56: {  	vm3 =	vmxor vm0, vm3;
	v7 =	vadd.s32 v4, v7  }
0x57: {  	p2 =	sne.s32 s6, $0x3F00;
	v7 =	vsel vm3, v7, v4  }
.Ltmp1:
0x58: {  	_ = 	snop;
	(pc) =	sbr.rel @p2 .LBB2_5-.Ltmp1, $2  }
0x59: {  	_ =	sdelay $0x2  }
0x5a: {  	s6 =	sadd.s32 $0x100, s6;
	[tilespmem:v7+s12+$0x0] =	vst.idx.add.s32.msk vm3, v3  }
0x5b: {  	p2 =	seq.s32 s10, $0x7  }
0x5c: {  	s6 =	sadd.s32 @!p2 s11, s8  }
0x5d: {  	s6 =	sshrl.u32 @!p2 s6, $0x3  }
0x5e: {  	s9 =	simm.s32 @!p2 $0x0;
	s7 =	sadd.s32 @!p2 s1, s6  }
0x5f: {  	[tilespmem:s9], [sflag:$0x1] =	stream.linear.gather @!p2 [hbm4b:s7+s9], $0x1000, $0x38;
	[tilespmem:$0x14900] =	vst v63  }
0x60: {  	s6 =	sadd.s32 @!p2 s2, s6;
	s7 =	simm.s32 @!p2 $0x1000  }
0x61: {  	[tilespmem:s7], [sflag:$0x2] =	stream.linear.gather @!p2 [hbm4b:s6+s9], $0x1000, $0x38;
	[tilespmem:$0x14900] =	vst v63  }
0x62: {  	_ =	swait.ge [sflag:s18], $0x1000  }
0x63: {  	[sflag:s18] =	ssyncset.done $0x0  }
0x64: {  	[sflag:s18] =	ssyncadd.s32 $0xFFFFF000  }
0x65: {  	_ =	swait.ge [sflag:s19], $0x1000  }
0x66: {  	[sflag:s19] =	ssyncset.done $0x0  }
0x67: {  	s6 =	simm.s32 $0x0;
	[sflag:s19] =	ssyncadd.s32 $0xFFFFF000  }
.LBB2_7:
0x68: {  	s7 =	sshra.s32 s6, $0x2  }
0x69: {  	v7 =	vld [tilespmem:s7+$0x12100];
	_ =	sdelay $0x2  }
0x6a: {  	v8 =	vld [tilespmem:s7+$0x13100];
	_ =	sdelay $0x1  }
0x6b: {  	vm3 =	vlt.s32 v7, $0x0;
	v9 =	vxor.u32 $0xFFFFFFFF, v7;
	v7 =	vor.u32 $0x80000000, v7  }
0x6c: {  	v7 =	vsel vm3, v9, v7  }
0x6d: {  	v7 =	vxor.u32 v2, v7  }
0x6e: {  	vm3 =	vlt.s32 v8, $0x1;
	v7 =	vshrl.u32 v7, $0x15  }
0x6f: {  	vm3 =	vmxor vm0, vm3;
	v7 =	vadd.s32 v4, v7  }
0x70: {  	v7 =	vsel vm3, v7, v4;
	_ =	sdelay $0x4  }
0x71: {  	[tilespmem:v7+s12+$0x0] =	vst.idx.add.s32.msk vm3, v3  }
0x72: {  	v7 =	vld [tilespmem:s7+$0x12110];
	_ =	sdelay $0x2  }
0x73: {  	v8 =	vld [tilespmem:s7+$0x13110];
	_ =	sdelay $0x1  }
0x74: {  	vm3 =	vlt.s32 v7, $0x0;
	v61 =	vxor.u32 $0xFFFFFFFF, v7;
	v7 =	vor.u32 $0x80000000, v7  }
0x75: {  	v7 =	vsel vm3, v61, v7  }
0x76: {  	v7 =	vxor.u32 v2, v7  }
0x77: {  	vm3 =	vlt.s32 v8, $0x1;
	v7 =	vshrl.u32 v7, $0x15  }
0x78: {  	vm3 =	vmxor vm0, vm3;
	v7 =	vadd.s32 v4, v7  }
0x79: {  	v7 =	vsel vm3, v7, v4;
	_ =	sdelay $0x4  }
0x7a: {  	[tilespmem:v7+s12+$0x0] =	vst.idx.add.s32.msk vm3, v3  }
0x7b: {  	v7 =	vld [tilespmem:s7+$0x12120];
	_ =	sdelay $0x2  }
0x7c: {  	v8 =	vld [tilespmem:s7+$0x13120];
	_ =	sdelay $0x1  }
0x7d: {  	vm3 =	vlt.s32 v7, $0x0;
	v62 =	vxor.u32 $0xFFFFFFFF, v7;
	v7 =	vor.u32 $0x80000000, v7  }
0x7e: {  	v7 =	vsel vm3, v62, v7  }
0x7f: {  	v7 =	vxor.u32 v2, v7  }
0x80: {  	vm3 =	vlt.s32 v8, $0x1;
	v7 =	vshrl.u32 v7, $0x15  }
0x81: {  	vm3 =	vmxor vm0, vm3;
	v7 =	vadd.s32 v4, v7  }
0x82: {  	v7 =	vsel vm3, v7, v4;
	_ =	sdelay $0x4  }
0x83: {  	[tilespmem:v7+s12+$0x0] =	vst.idx.add.s32.msk vm3, v3  }
0x84: {  	v7 =	vld [tilespmem:s7+$0x12130];
	_ =	sdelay $0x2  }
0x85: {  	v8 =	vld [tilespmem:s7+$0x13130];
	_ =	sdelay $0x1  }
0x86: {  	vm3 =	vlt.s32 v7, $0x0;
	v63 =	vxor.u32 $0xFFFFFFFF, v7;
	v7 =	vor.u32 $0x80000000, v7  }
0x87: {  	v7 =	vsel vm3, v63, v7  }
0x88: {  	v7 =	vxor.u32 v2, v7  }
0x89: {  	vm3 =	vlt.s32 v8, $0x1;
	v7 =	vshrl.u32 v7, $0x15  }
0x8a: {  	vm3 =	vmxor vm0, vm3;
	v7 =	vadd.s32 v4, v7  }
0x8b: {  	p2 =	sne.s32 s6, $0x3F00;
	v7 =	vsel vm3, v7, v4  }
.Ltmp2:
0x8c: {  	_ = 	snop;
	(pc) =	sbr.rel @p2 .LBB2_7-.Ltmp2, $2  }
0x8d: {  	_ =	sdelay $0x2  }
0x8e: {  	s6 =	sadd.s32 $0x100, s6;
	[tilespmem:v7+s12+$0x0] =	vst.idx.add.s32.msk vm3, v3  }
0x8f: {  	s10 =	sadd.s32 $0x1, s10  }
0x90: {  	p2 =	sne.s32 s10, $0x8  }
.Ltmp3:
0x91: {  	_ = 	snop;
	(pc) =	sbr.rel @p2 .LBB2_4-.Ltmp3, $1  }
0x92: {  	_ =	sdelay $0x3  }
0x93: {  	s0 =	simm.s32 $0x801  }
0x94: {  	s6 =	simm.s32 $0x0;
	v7 =	vadd.s32 s0, v0  }
0x95: {  	s31 =	simm.s32 $0x1002;
	v8 =	vor.u32 s6, v0  }
0x96: {  	v9 =	vadd.s32 s31, v0;
	s6 =	simm.s32 $0x1803  }
0x97: {  	s7 =	simm.s32 $0x2004;
	v10 =	vadd.s32 s6, v0  }
0x98: {  	s9 =	simm.s32 $0x2805;
	v11 =	vadd.s32 s7, v0  }
0x99: {  	s10 =	simm.s32 $0x3006;
	v12 =	vadd.s32 s9, v0;
	v7 =	vld.idx.msk [tilespmem:v7+s12+$0x0], $0xffff  }
0x9a: {  	s11 =	simm.s32 $0x3807;
	v13 =	vadd.s32 s10, v0;
	v8 =	vld.idx.msk [tilespmem:v8+s12+$0x0], $0xffff  }
0x9b: {  	s13 =	simm.s32 $0x4008;
	v14 =	vadd.s32 s11, v0;
	v9 =	vld.idx.msk [tilespmem:v9+s12+$0x0], $0xffff  }
0x9c: {  	s20 =	simm.s32 $0x4809;
	v15 =	vadd.s32 s13, v0;
	v10 =	vld.idx.msk [tilespmem:v10+s12+$0x0], $0xffff  }
0x9d: {  	s23 =	simm.s32 $0x500A;
	v16 =	vadd.s32 s20, v0;
	v11 =	vld.idx.msk [tilespmem:v11+s12+$0x0], $0xffff  }
0x9e: {  	s24 =	simm.s32 $0x580B;
	v17 =	vadd.s32 s23, v0;
	v12 =	vld.idx.msk [tilespmem:v12+s12+$0x0], $0xffff  }
0x9f: {  	s25 =	simm.s32 $0x600C;
	v18 =	vadd.s32 s24, v0;
	v13 =	vld.idx.msk [tilespmem:v13+s12+$0x0], $0xffff;
	v7 =	vadd.s32 v8, v7  }
0xa0: {  	s26 =	simm.s32 $0x680D;
	v46 =	vadd.s32 s25, v0;
	v8 =	vld.idx.msk [tilespmem:v14+s12+$0x0], $0xffff;
	v7 =	vadd.s32 v9, v7  }
0xa1: {  	s28 =	simm.s32 $0x700E;
	v47 =	vadd.s32 s26, v0;
	v9 =	vld.idx.msk [tilespmem:v15+s12+$0x0], $0xffff;
	v7 =	vadd.s32 v10, v7  }
0xa2: {  	s29 =	simm.s32 $0x780F;
	v48 =	vadd.s32 s28, v0;
	v10 =	vld.idx.msk [tilespmem:v16+s12+$0x0], $0xffff;
	v7 =	vadd.s32 v11, v7  }
0xa3: {  	v49 =	vadd.s32 s29, v0;
	v11 =	vld.idx.msk [tilespmem:v17+s12+$0x0], $0xffff;
	v7 =	vadd.s32 v12, v7  }
0xa4: {  	v50 =	vld.idx.msk [tilespmem:v18+s12+$0x0], $0xffff;
	v7 =	vadd.s32 v13, v7  }
0xa5: {  	v51 =	vld.idx.msk [tilespmem:v46+s12+$0x0], $0xffff;
	v7 =	vadd.s32 v8, v7  }
0xa6: {  	v8 =	vld.idx.msk [tilespmem:v47+s12+$0x0], $0xffff;
	v7 =	vadd.s32 v9, v7  }
0xa7: {  	v9 =	vld.idx.msk [tilespmem:v48+s12+$0x0], $0xffff;
	v7 =	vadd.s32 v10, v7  }
0xa8: {  	v10 =	vld.idx.msk [tilespmem:v49+s12+$0x0], $0xffff;
	v7 =	vadd.s32 v11, v7  }
0xa9: {  	s30 =	simm.s32 $0x811;
	v7 =	vadd.s32 v50, v7  }
0xaa: {  	s31 =	simm.s32 $0x10;
	v11 =	vadd.s32 s30, v0;
	v7 =	vadd.s32 v51, v7  }
0xab: {  	s7 =	simm.s32 $0x1012;
	v52 =	vor.u32 s31, v0;
	v7 =	vadd.s32 v8, v7  }
0xac: {  	s9 =	simm.s32 $0x1813;
	v8 =	vadd.s32 s7, v0;
	v7 =	vadd.s32 v9, v7  }
0xad: {  	s0 =	simm.s32 $0xA080;
	s10 =	simm.s32 $0x2014;
	v9 =	vadd.s32 s9, v0;
	v7 =	vadd.s32 v10, v7  }
0xae: {  	s11 =	simm.s32 $0x2815;
	v10 =	vadd.s32 s10, v0;
	[tilespmem:s0+$0x0] =	vst v7  }
0xaf: {  	v7 =	vld.idx.msk [tilespmem:v11+s12+$0x0], $0xffff;
	v11 =	vadd.s32 s11, v0  }
0xb0: {  	s13 =	simm.s32 $0x3016;
	v12 =	vld.idx.msk [tilespmem:v52+s12+$0x0], $0xffff  }
0xb1: {  	s20 =	simm.s32 $0x3817;
	v53 =	vadd.s32 s13, v0;
	v8 =	vld.idx.msk [tilespmem:v8+s12+$0x0], $0xffff  }
0xb2: {  	s23 =	simm.s32 $0x4018;
	v54 =	vadd.s32 s20, v0;
	v9 =	vld.idx.msk [tilespmem:v9+s12+$0x0], $0xffff  }
0xb3: {  	s24 =	simm.s32 $0x4819;
	v55 =	vadd.s32 s23, v0;
	v10 =	vld.idx.msk [tilespmem:v10+s12+$0x0], $0xffff  }
0xb4: {  	s25 =	simm.s32 $0x501A;
	v56 =	vadd.s32 s24, v0;
	v11 =	vld.idx.msk [tilespmem:v11+s12+$0x0], $0xffff  }
0xb5: {  	s26 =	simm.s32 $0x581B;
	v57 =	vadd.s32 s25, v0;
	v7 =	vadd.s32 v12, v7  }
0xb6: {  	s28 =	simm.s32 $0x601C;
	v58 =	vadd.s32 s26, v0;
	v13 =	vld.idx.msk [tilespmem:v53+s12+$0x0], $0xffff;
	v7 =	vadd.s32 v8, v7  }
0xb7: {  	s29 =	simm.s32 $0x681D;
	v60 =	vadd.s32 s28, v0;
	v59 =	vld.idx.msk [tilespmem:v54+s12+$0x0], $0xffff;
	v7 =	vadd.s32 v9, v7  }
0xb8: {  	s30 =	simm.s32 $0x701E;
	v8 =	vld.idx.msk [tilespmem:v55+s12+$0x0], $0xffff;
	v7 =	vadd.s32 v10, v7;
	v10 =	vadd.s32 s29, v0  }
0xb9: {  	s7 =	simm.s32 $0x781F;
	v9 =	vld.idx.msk [tilespmem:v56+s12+$0x0], $0xffff;
	v7 =	vadd.s32 v11, v7;
	v11 =	vadd.s32 s30, v0  }
0xba: {  	v63 =	vadd.s32 s7, v0;
	v61 =	vld.idx.msk [tilespmem:v57+s12+$0x0], $0xffff  }
0xbb: {  	v62 =	vld.idx.msk [tilespmem:v58+s12+$0x0], $0xffff;
	v7 =	vadd.s32 v13, v7  }
0xbc: {  	v14 =	vld.idx.msk [tilespmem:v60+s12+$0x0], $0xffff;
	v7 =	vadd.s32 v59, v7  }
0xbd: {  	v7 =	vadd.s32 v8, v7;
	v10 =	vld.idx.msk [tilespmem:v10+s12+$0x0], $0xffff  }
0xbe: {  	v7 =	vadd.s32 v9, v7;
	v8 =	vld.idx.msk [tilespmem:v11+s12+$0x0], $0xffff  }
0xbf: {  	v9 =	vld.idx.msk [tilespmem:v63+s12+$0x0], $0xffff;
	v7 =	vadd.s32 v61, v7  }
0xc0: {  	s31 =	simm.s32 $0x821;
	v11 =	vadd.s32 v62, v7  }
0xc1: {  	s6 =	simm.s32 $0x20;
	s10 =	simm.s32 $0x782F;
	s11 =	simm.s32 $0x783F;
	v7 =	vadd.s32 s31, v0;
	v11 =	vadd.s32 v14, v11  }
.LBB2_10:
0xc2: {  	p2 =	sne.s32 s11, $0x7FFF;
	v12 =	vor.u32 s6, v0;
	s6 =	sadd.s32 $0xFFFF97F3, s10;
	v10 =	vadd.s32 v10, v11  }
0xc3: {  	v11 =	vadd.s32 s6, v0;
	s6 =	sadd.s32 $0xFFFF9FF4, s10;
	v8 =	vadd.s32 v8, v10  }
0xc4: {  	s0 =	sadd.s32 $0x80, s0;
	v10 =	vadd.s32 s6, v0;
	s6 =	sadd.s32 $0xFFFFA7F5, s10;
	v8 =	vadd.s32 v9, v8  }
0xc5: {  	v9 =	vadd.s32 s6, v0;
	s6 =	sadd.s32 $0xFFFFAFF6, s10;
	[tilespmem:s0+$0x0] =	vst v8  }
0xc6: {  	v7 =	vld.idx.msk [tilespmem:v7+s12+$0x0], $0xffff;
	v8 =	vadd.s32 s6, v0;
	s6 =	sadd.s32 $0xFFFFB7F7, s10  }
0xc7: {  	v12 =	vld.idx.msk [tilespmem:v12+s12+$0x0], $0xffff;
	v13 =	vadd.s32 s6, v0;
	s6 =	sadd.s32 $0xFFFFBFF8, s10  }
0xc8: {  	v11 =	vld.idx.msk [tilespmem:v11+s12+$0x0], $0xffff;
	v14 =	vadd.s32 s6, v0;
	s6 =	sadd.s32 $0xFFFFC7F9, s10  }
0xc9: {  	v10 =	vld.idx.msk [tilespmem:v10+s12+$0x0], $0xffff;
	v15 =	vadd.s32 s6, v0;
	s6 =	sadd.s32 $0xFFFFCFFA, s10  }
0xca: {  	v9 =	vld.idx.msk [tilespmem:v9+s12+$0x0], $0xffff;
	v16 =	vadd.s32 s6, v0;
	s6 =	sadd.s32 $0xFFFFD7FB, s10  }
0xcb: {  	v8 =	vld.idx.msk [tilespmem:v8+s12+$0x0], $0xffff;
	v17 =	vadd.s32 s6, v0;
	s6 =	sadd.s32 $0xFFFFDFFC, s10  }
0xcc: {  	v13 =	vld.idx.msk [tilespmem:v13+s12+$0x0], $0xffff;
	v18 =	vadd.s32 s6, v0;
	s6 =	sadd.s32 $0xFFFFE7FD, s10  }
0xcd: {  	v7 =	vadd.s32 v12, v7;
	v12 =	vld.idx.msk [tilespmem:v14+s12+$0x0], $0xffff;
	v14 =	vadd.s32 s6, v0;
	s6 =	sadd.s32 $0xFFFFEFFE, s10  }
0xce: {  	v7 =	vadd.s32 v11, v7;
	v11 =	vld.idx.msk [tilespmem:v15+s12+$0x0], $0xffff;
	v15 =	vadd.s32 s6, v0;
	s6 =	sadd.s32 $0xFFFFF7FF, s10  }
0xcf: {  	v7 =	vadd.s32 v10, v7;
	v16 =	vld.idx.msk [tilespmem:v16+s12+$0x0], $0xffff;
	v19 =	vadd.s32 s6, v0  }
0xd0: {  	v7 =	vadd.s32 v9, v7;
	v9 =	vadd.s32 s10, v0;
	s10 =	smov.u32 s11;
	v17 =	vld.idx.msk [tilespmem:v17+s12+$0x0], $0xffff  }
0xd1: {  	v7 =	vadd.s32 v8, v7;
	v18 =	vld.idx.msk [tilespmem:v18+s12+$0x0], $0xffff  }
0xd2: {  	v7 =	vadd.s32 v13, v7;
	v13 =	vld.idx.msk [tilespmem:v14+s12+$0x0], $0xffff  }
0xd3: {  	v7 =	vadd.s32 v12, v7;
	v10 =	vld.idx.msk [tilespmem:v15+s12+$0x0], $0xffff  }
.Ltmp4:
0xd4: {  	v7 =	vadd.s32 v11, v7;
	v8 =	vld.idx.msk [tilespmem:v19+s12+$0x0], $0xffff;
	(pc) =	sbr.rel @p2 .LBB2_10-.Ltmp4, $4  }
0xd5: {  	v7 =	vadd.s32 v16, v7;
	v9 =	vld.idx.msk [tilespmem:v9+s12+$0x0], $0xffff  }
0xd6: {  	v7 =	vadd.s32 v17, v7  }
0xd7: {  	s7 =	sadd.s32 $0xFFFF8FF2, s11;
	v11 =	vadd.s32 v18, v7  }
0xd8: {  	s11 =	sadd.s32 $0x10, s11;
	s6 =	sadd.s32 $0xFFFF87F1, s10;
	v7 =	vadd.s32 s7, v0;
	v11 =	vadd.s32 v13, v11  }
0xd9: {  	v12 =	vor.u32 s6, v0;
	s30 =	sadd.s32 $0xFFFF97F3, s10;
	v10 =	vadd.s32 v10, v11  }
0xda: {  	s31 =	sadd.s32 $0xFFFF9FF4, s10;
	v49 =	vadd.s32 s30, v0;
	v8 =	vadd.s32 v8, v10  }
0xdb: {  	s7 =	sadd.s32 $0xFFFFA7F5, s10;
	s0 =	sadd.s32 $0x80, s0;
	v50 =	vadd.s32 s31, v0;
	v8 =	vadd.s32 v9, v8  }
0xdc: {  	s9 =	sadd.s32 $0xFFFFAFF6, s10;
	v51 =	vadd.s32 s7, v0;
	[tilespmem:s0+$0x0] =	vst v8  }
0xdd: {  	s11 =	sadd.s32 $0xFFFFB7F7, s10;
	v8 =	vadd.s32 s9, v0;
	v7 =	vld.idx.msk [tilespmem:v7+s12+$0x0], $0xffff  }
0xde: {  	s13 =	sadd.s32 $0xFFFFBFF8, s10;
	v13 =	vadd.s32 s11, v0;
	v12 =	vld.idx.msk [tilespmem:v12+s12+$0x0], $0xffff  }
0xdf: {  	s20 =	sadd.s32 $0xFFFFC7F9, s10;
	v14 =	vadd.s32 s13, v0;
	v11 =	vld.idx.msk [tilespmem:v49+s12+$0x0], $0xffff  }
0xe0: {  	s23 =	sadd.s32 $0xFFFFCFFA, s10;
	v15 =	vadd.s32 s20, v0;
	v10 =	vld.idx.msk [tilespmem:v50+s12+$0x0], $0xffff  }
0xe1: {  	s24 =	sadd.s32 $0xFFFFD7FB, s10;
	v16 =	vadd.s32 s23, v0;
	v9 =	vld.idx.msk [tilespmem:v51+s12+$0x0], $0xffff  }
0xe2: {  	s25 =	sadd.s32 $0xFFFFDFFC, s10;
	v17 =	vadd.s32 s24, v0;
	v8 =	vld.idx.msk [tilespmem:v8+s12+$0x0], $0xffff  }
0xe3: {  	s26 =	sadd.s32 $0xFFFFE7FD, s10;
	v18 =	vadd.s32 s25, v0;
	v13 =	vld.idx.msk [tilespmem:v13+s12+$0x0], $0xffff;
	v7 =	vadd.s32 v12, v7  }
0xe4: {  	s28 =	sadd.s32 $0xFFFFEFFE, s10;
	v53 =	vadd.s32 s26, v0;
	v52 =	vld.idx.msk [tilespmem:v14+s12+$0x0], $0xffff;
	v7 =	vadd.s32 v11, v7  }
0xe5: {  	s29 =	sadd.s32 $0xFFFFF7FF, s10;
	v55 =	vadd.s32 s28, v0;
	v54 =	vld.idx.msk [tilespmem:v15+s12+$0x0], $0xffff;
	v7 =	vadd.s32 v10, v7  }
0xe6: {  	v57 =	vadd.s32 s29, v0;
	v56 =	vld.idx.msk [tilespmem:v16+s12+$0x0], $0xffff;
	v7 =	vadd.s32 v9, v7  }
0xe7: {  	v59 =	vadd.s32 s10, v0;
	v58 =	vld.idx.msk [tilespmem:v17+s12+$0x0], $0xffff;
	v7 =	vadd.s32 v8, v7  }
0xe8: {  	v8 =	vld.idx.msk [tilespmem:v18+s12+$0x0], $0xffff;
	v7 =	vadd.s32 v13, v7  }
0xe9: {  	v60 =	vld.idx.msk [tilespmem:v53+s12+$0x0], $0xffff;
	v7 =	vadd.s32 v52, v7  }
0xea: {  	v61 =	vld.idx.msk [tilespmem:v55+s12+$0x0], $0xffff;
	v7 =	vadd.s32 v54, v7  }
0xeb: {  	v62 =	vld.idx.msk [tilespmem:v57+s12+$0x0], $0xffff;
	v7 =	vadd.s32 v56, v7  }
0xec: {  	v63 =	vld.idx.msk [tilespmem:v59+s12+$0x0], $0xffff;
	v7 =	vadd.s32 v58, v7  }
0xed: {  	v7 =	vadd.s32 v8, v7  }
0xee: {  	v7 =	vadd.s32 v60, v7  }
0xef: {  	v7 =	vadd.s32 v61, v7  }
0xf0: {  	v7 =	vadd.s32 v62, v7  }
0xf1: {  	s0 =	sadd.s32 $0x80, s0;
	v7 =	vadd.s32 v63, v7  }
0xf2: {  	s30 =	rddreg [dreg:$0x7];
	s31 =	simm.s32 $0xA080;
	[tilespmem:s0+$0x0] =	vst v7  }
0xf3: {  	[spmem:s30] =	stream.linear.scatter [tilespmem:s31], [sflag:$0x5], $0x4000, $0x38;
	[tilespmem:$0x14900] =	vst v63  }
0xf4: {  	_ =	swait.ge [sflag:s21], $0x4000  }
0xf5: {  	[sflag:s21] =	ssyncset.done $0x0  }
0xf6: {  	[sflag:s21] =	ssyncadd.s32 $0xFFFFC000  }
0xf7: {  	[bflag:$0x0] =	sbarrier.arrive $0xFFFF  }
0xf8: {  	[tilespmem:s31], [sflag:$0x5] =	stream.linear.gather [spmem:s3], $0x4000, $0x38;
	[tilespmem:$0x14900] =	vst v63  }
0xf9: {  	_ =	swait.ge [sflag:s21], $0x4000  }
0xfa: {  	[sflag:s21] =	ssyncset.done $0x0  }
0xfb: {  	s0 =	simm.s32 $0x1;
	[sflag:s21] =	ssyncadd.s32 $0xFFFFC000  }
.LBB2_12:
0xfc: {  	s6 =	sshll.u32 s0, $0xE  }
0xfd: {  	s6 =	sand.u32 $0x3FFFC000, s6  }
0xfe: {  	s6 =	sadd.s32 s6, s3  }
0xff: {  	[tilespmem:s22], [sflag:$0x5] =	stream.linear.gather [spmem:s6], $0x4000, $0x38;
	[tilespmem:$0x14900] =	vst v63  }
0x100: {  	_ =	swait.ge [sflag:s21], $0x4000  }
0x101: {  	[sflag:s21] =	ssyncset.done $0x0  }
0x102: {  	s6 =	simm.s32 $0x0;
	[sflag:s21] =	ssyncadd.s32 $0xFFFFC000  }
0x103: {  	v12 =	vld [tilespmem:s6+$0xE080]  }
0x104: {  	v13 =	vld [tilespmem:s6+$0xE100]  }
0x105: {  	v8 =	vld [tilespmem:s6+$0xE180]  }
0x106: {  	v7 =	vld [tilespmem:s6+$0xE200]  }
0x107: {  	v11 =	vld [tilespmem:s6+$0xA080]  }
0x108: {  	v9 =	vld [tilespmem:s6+$0xA100]  }
0x109: {  	s7 =	simm.s32 $0x800;
	v10 =	vld [tilespmem:s6+$0xA180]  }
.LBB2_13:
0x10a: {  	s9 =	sshra.s32 s7, $0x2;
	p2 =	sne.s32 s7, $0xF800;
	v14 =	vld [tilespmem:s6+$0xA200];
	v15 =	vmov v8  }
0x10b: {  	v16 =	vld [tilespmem:s9+$0xE080];
	v17 =	vmov v7  }
0x10c: {  	v18 =	vld [tilespmem:s9+$0xE100];
	v7 =	vadd.s32 v11, v12  }
.Ltmp5:
0x10d: {  	v8 =	vld [tilespmem:s9+$0xE180];
	[tilespmem:s6+$0xA080] =	vst v7;
	v9 =	vadd.s32 v9, v13;
	(pc) =	sbr.rel @p2 .LBB2_13-.Ltmp5, $4  }
0x10e: {  	v7 =	vld [tilespmem:s9+$0xE200];
	[tilespmem:s6+$0xA100] =	vst v9;
	v9 =	vadd.s32 v10, v15  }
0x10f: {  	v11 =	vld [tilespmem:s9+$0xA080];
	[tilespmem:s6+$0xA180] =	vst v9;
	v10 =	vadd.s32 v14, v17  }
0x110: {  	v9 =	vld [tilespmem:s9+$0xA100];
	[tilespmem:s6+$0xA200] =	vst v10;
	v12 =	vmov v16;
	s6 =	smov.u32 s9  }
0x111: {  	s7 =	sadd.s32 $0x800, s7;
	v10 =	vld [tilespmem:s6+$0xA180];
	v13 =	vmov v18  }
0x112: {  	v14 =	vld [tilespmem:s6+$0xA200];
	s0 =	sadd.s32 $0x1, s0  }
0x113: {  	p2 =	sne.s32 s0, $0x10  }
.Ltmp6:
0x114: {  	v11 =	vadd.s32 v11, v12;
	(pc) =	sbr.rel @p2 .LBB2_12-.Ltmp6, $4  }
0x115: {  	[tilespmem:s6+$0xA080] =	vst v11;
	v9 =	vadd.s32 v9, v13  }
0x116: {  	[tilespmem:s6+$0xA100] =	vst v9;
	v8 =	vadd.s32 v10, v8  }
0x117: {  	[tilespmem:s6+$0xA180] =	vst v8;
	v7 =	vadd.s32 v14, v7  }
0x118: {  	[tilespmem:s6+$0xA200] =	vst v7  }
0x119: {  	[bflag:$0x0] =	sbarrier.arrive $0xFFFF;
	s0 =	simm.s32 $0x0  }
0x11a: {  	s30 =	simm.s32 $0x80;
	v7 =	vld [tilespmem:s0+$0xA080]  }
0x11b: {  	v8 =	vld [tilespmem:s30+$0xA080];
	_ =	sdelay $0x3  }
0x11c: {  	(xrf0) =	vadd.scan.msk.s32 $0xffff, v7  }
0x11d: {  	(xrf0) =	vadd.scan.msk.s32 $0xffff, v8;
	_ =	sdelay $0x4  }
0x11e: {  	s31 =	simm.s32 $0x100;
	v8, _, _ =	vpop (xrf0)  }
0x11f: {  	v7 =	vld [tilespmem:s31+$0xA080];
	(v2sf) =	vpush v8, $0xF;
	v8, _, _ =	vpop (xrf0)  }
0x120: {  	(v2sf) =	vpush v8, $0xF;
	_ =	sdelay $0x3  }
0x121: {  	s7 =	simm.s32 $0x180;
	(xrf0) =	vadd.scan.msk.s32 $0xffff, v7  }
0x122: {  	v7 =	vld [tilespmem:s7+$0xA080];
	_ =	sdelay $0x3  }
0x123: {  	s6 =	simm.s32 $0x800;
	s0 =	simm.s32 $0x0  }
.LBB2_16:
0x124: {  	s7 =	sshra.s32 s6, $0x2;
	p2 =	sne.s32 s6, $0xFE00;
	s6 =	sadd.s32 $0x200, s6;
	(xrf0) =	vadd.scan.msk.s32 $0xffff, v7;
	v8, _, _ =	vpop (xrf0)  }
.Ltmp7:
0x125: {  	v7 =	vld [tilespmem:s7+$0xA080];
	(v2sf) =	vpush v8, $0xF;
	(pc) =	sbr.rel @p2 .LBB2_16-.Ltmp7, $3  }
0x126: {  	_ =	sdelay $0x1  }
0x127: {  	s7 =	spop (v2sf)  }
0x128: {  	s0 =	sadd.s32 s0, s7  }
0x129: {  	(xrf0) =	vadd.scan.msk.s32 $0xffff, v7;
	s6 =	simm.s32 $0xE000  }
0x12a: {  	v7 =	vld [tilespmem:s6+$0x0];
	_ =	sdelay $0x3  }
0x12b: {  	v8, _, _ =	vpop (xrf0)  }
0x12c: {  	(v2sf) =	vpush v8, $0xF;
	v8, _, _ =	vpop (xrf0);
	(xrf0) =	vadd.scan.msk.s32 $0xffff, v7  }
0x12d: {  	(v2sf) =	vpush v8, $0xF;
	_ =	sdelay $0x4  }
0x12e: {  	s25 =	simm.s32 $0xDF80;
	v8, _, _ =	vpop (xrf0)  }
0x12f: {  	(v2sf) =	vpush v8, $0xF;
	v8 =	vld [tilespmem:s25+$0x0];
	_ =	sdelay $0x4  }
0x130: {  	s26 =	simm.s32 $0xDF00;
	(xrf0) =	vadd.scan.msk.s32 $0xffff, v8  }
0x131: {  	s20 =	spop (v2sf);
	v9 =	vld [tilespmem:s26+$0x0]  }
0x132: {  	s0 =	sadd.s32 s0, s20;
	s7 =	spop (v2sf)  }
0x133: {  	s30 =	sld [smem:$0x7FD];
	s0 =	sadd.s32 s0, s7;
	s23 =	spop (v2sf)  }
0x134: {  	s0 =	sadd.s32 s0, s23;
	s24 =	spop (v2sf)  }
0x135: {  	s0 =	sadd.s32 s0, s24  }
0x136: {  	p0 =	seq.s32 s30, $0x1;
	(xrf0) =	vadd.scan.msk.s32 $0xffff, v9;
	s23 =	ssub.s32 $0x100000, s0;
	v11, _, _ =	vpop (xrf0)  }
0x137: {  	s23 =	smov.u32 @p0 s0;
	(v2sf) =	vpush v11, $0xF  }
0x138: {  	p2 =	slt.s32 s23, $0x80;
	s0 =	smov.u32 s23  }
0x139: {  	s0 =	simm.s32 @!p2 $0x80  }
0x13a: {  	s25 =	ssub.s32 $0x100000, s23;
	s6 =	ssub.s32 $0x200, s0  }
0x13b: {  	s29 =	simm.s32 $0xDE80;
	p2 =	slt.s32 s6, s25  }
0x13c: {  	v12, _, _ =	vpop (xrf0);
	[dreg:$0xa] =	wrdreg s25;
	s31 =	spop (v2sf);
	s25 =	smov.u32 @p2 s6  }
0x13d: {  	v10 =	vld [tilespmem:s29+$0x0];
	(v2sf) =	vpush v12, $0xF;
	s10 =	sadd.s32 $0x0, s31;
	s25 =	smov.u32 @p0 s0  }
0x13e: {  	p6 =	por $0x1, $0x1;
	s13 =	simm.s32 $0x7E;
	p3 =	sge.s32 s10, s25  }
0x13f: {  	s28 =	simm.s32 $0x7D;
	s11 =	simm.s32 $0x7C;
	p3 =	por !p6, !p3  }
0x140: {  	s9 =	simm.s32 $0x7B;
	p2 =	sgt.s32 s25, $0x0;
	p3 =	por !p3, !p3  }
0x141: {  	s26 =	simm.s32 $0x0;
	s7 =	simm.s32 $0x0;
	p3 =	por !p2, !p3  }
0x142: {  	(xrf0) =	vadd.scan.msk.s32 $0xffff, v10;
	v11 =	vimm.s32 $0x0;
	s6 =	simm.s32 $0x7F;
	s0 =	simm.s32 $0xFFFFFFFF;
	p3 =	por !p3, !p3  }
.LBB2_18:
0x143: {  	p4 =	sne.s32 s9, $0x0;
	s0 =	smov.u32 @p3 s6;
	s26 =	smov.u32 @p3 s7  }
0x144: {  	v11 =	vpsel p3, v7, v11;
	v7 =	vmovc v8;
	v8 =	vmov v9;
	v9 =	vmov v10;
	s6 =	smov.u32 s13;
	s13 =	smov.u32 s28;
	s28 =	smov.u32 s11  }
0x145: {  	s29 =	sadd.s32 $0xFFFFFF80, s29;
	s11 =	smov.u32 s9;
	s9 =	sadd.s32 $0xFFFFFFFF, s9  }
0x146: {  	s7 =	smov.u32 s10;
	v10 =	vld [tilespmem:s29+$0x0];
	s20 =	spop (v2sf)  }
0x147: {  	s10 =	sadd.s32 s10, s20  }
.Ltmp8:
0x148: {  	p3 =	slt.s32 s0, $0x0;
	v12, _, _ =	vpop (xrf0);
	p5 =	sge.s32 s10, s25;
	(pc) =	sbr.rel @p4 .LBB2_18-.Ltmp8, $4  }
0x149: {  	(v2sf) =	vpush v12, $0xF;
	p3 =	por !p3, !p5  }
0x14a: {  	p3 =	por !p3, !p3  }
0x14b: {  	(xrf0) =	vadd.scan.msk.s32 $0xffff, v10;
	p3 =	por !p2, !p3  }
0x14c: {  	p3 =	por !p3, !p3  }
0x14d: {  	_ =	sdelay $0x3  }
0x14e: {  	v12, _, _ =	vpop (xrf0)  }
0x14f: {  	(v2sf) =	vpush v12, $0xF;
	_ =	sdelay $0x2  }
0x150: {  	s9 =	spop (v2sf)  }
0x151: {  	s0 =	smov.u32 @p3 s6;
	s6 =	sadd.s32 s10, s9  }
0x152: {  	p4 =	slt.s32 s0, $0x0;
	p5 =	sge.s32 s6, s25  }
0x153: {  	p4 =	por !p4, !p5  }
0x154: {  	p4 =	por !p4, !p4  }
0x155: {  	p4 =	por !p2, !p4  }
0x156: {  	p4 =	por !p4, !p4;
	s20 =	spop (v2sf)  }
0x157: {  	s0 =	smov.u32 @p4 s13;
	s9 =	sadd.s32 s6, s20  }
0x158: {  	p0 =	slt.s32 s0, $0x0;
	p6 =	sge.s32 s9, s25  }
0x159: {  	p5 =	por !p0, !p6  }
0x15a: {  	p5 =	por !p5, !p5  }
0x15b: {  	p5 =	por !p2, !p5  }
0x15c: {  	p5 =	por !p5, !p5;
	s24 =	spop (v2sf)  }
0x15d: {  	s0 =	smov.u32 @p5 s28;
	s13 =	sadd.s32 s9, s24  }
0x15e: {  	p6 =	slt.s32 s0, $0x0;
	p0 =	sge.s32 s13, s25  }
0x15f: {  	s29 =	simm.s32 $0x0;
	p0 =	por !p6, !p0  }
0x160: {  	v7 =	vpsel p3, v7, v11;
	v11 =	vor.u32 s29, v0;
	p0 =	por !p0, !p0  }
0x161: {  	s26 =	smov.u32 @p3 s7;
	v7 =	vpsel p4, v8, v7;
	p0 =	por !p2, !p0  }
0x162: {  	s30 =	simm.s32 $0x10;
	s26 =	smov.u32 @p4 s10;
	v7 =	vpsel p5, v9, v7;
	p0 =	por !p0, !p0  }
0x163: {  	s31 =	simm.s32 $0x20;
	s7 =	simm.s32 $0x70;
	s26 =	smov.u32 @p5 s6;
	v9 =	vor.u32 s30, v0;
	v7 =	vpsel p0, v10, v7  }
0x164: {  	s6 =	simm.s32 $0x30;
	s0 =	smov.u32 @p0 s11;
	s26 =	smov.u32 @p0 s9;
	v10 =	vor.u32 s31, v0;
	v7 =	vperm.xlane v7, v5  }
.LBB2_20:
0x165: {  	s9 =	sadd.s32 $0xFFFFFFD0, s7;
	[tilespmem:v11+s12+$0x0] =	vst.idx.msk $0xffff, v1;
	v8 =	vor.u32 s6, v0;
	s6 =	smov.u32 s7;
	p0 =	sne.s32 s7, $0x8030  }
.Ltmp9:
0x166: {  	v11 =	vor.u32 s9, v0;
	(pc) =	sbr.rel @p0 .LBB2_20-.Ltmp9, $4  }
0x167: {  	_ = 	snop  }
0x168: {  	s9 =	sadd.s32 $0xFFFFFFE0, s7;
	[tilespmem:v9+s12+$0x0] =	vst.idx.msk $0xffff, v1  }
0x169: {  	v9 =	vor.u32 s9, v0;
	s9 =	sadd.s32 $0xFFFFFFF0, s7;
	[tilespmem:v10+s12+$0x0] =	vst.idx.msk $0xffff, v1  }
0x16a: {  	s7 =	sadd.s32 $0x40, s7;
	v10 =	vor.u32 s9, v0;
	[tilespmem:v8+s12+$0x0] =	vst.idx.msk $0xffff, v1  }
0x16b: {  	(xrf0) =	vadd.scan.msk.s32 $0xffff, v7;
	_ =	sdelay $0x5  }
0x16c: {  	s7 =	ssub.s32 s25, s26;
	v8, _, _ =	vpop (xrf0)  }
0x16d: {  	vm3 =	vlt.s32 v8, s7  }
0x16e: {  	v12 =	vsel vm3, $0x80000010, v6  }
0x16f: {  	(xrf0) =	vmin.scan.msk.u32 $0xffff, v12;
	_ =	sdelay $0x5  }
0x170: {  	v12, _, _ =	vpop (xrf0)  }
0x171: {  	(v2sf) =	vpush v12, $0xF;
	_ =	sdelay $0x7  }
0x172: {  	v63 =	vor.u32 s6, v0;
	_ =	sdelay $0x1  }
0x173: {  	[tilespmem:v11+s12+$0x0] =	vst.idx.msk $0xffff, v1  }
0x174: {  	[tilespmem:v9+s12+$0x0] =	vst.idx.msk $0xffff, v1  }
0x175: {  	[tilespmem:v10+s12+$0x0] =	vst.idx.msk $0xffff, v1  }
0x176: {  	s30 =	simm.s32 $0x0;
	s13 =	rddreg [dreg:$0x5];
	[tilespmem:v63+s12+$0x0] =	vst.idx.msk $0xffff, v1  }
0x177: {  	[tilespmem:s30], [sflag:$0x1] =	stream.linear.gather [hbm4b:s13+s30], $0x1000, $0x38;
	[tilespmem:$0x14900] =	vst v63  }
0x178: {  	s11 =	spop (v2sf)  }
0x179: {  	s0 =	sshll.u32 s0, $0x4;
	s29 =	sxor.u32 $0x80000000, s11  }
0x17a: {  	s20 =	rddreg [dreg:$0x6];
	s0 =	ssub.s32 s0, s29  }
0x17b: {  	s24 =	simm.s32 $0x1000;
	s31 =	simm.s32 $0x0;
	s28 =	sadd.s32 $0xF, s0  }
0x17c: {  	[tilespmem:s24], [sflag:$0x2] =	stream.linear.gather [hbm4b:s20+s30], $0x1000, $0x38;
	v9 =	vmov s28;
	[tilespmem:$0x14900] =	vst v63  }
.LBB2_22:
0x17d: {  	s0 =	sshll.u32 s31, $0xD  }
0x17e: {  	s6 =	sor.u32 s0, s5  }
0x17f: {  	s6 =	sshrl.u32 s6, $0x3  }
0x180: {  	s6 =	sor.u32 $0x200, s6  }
0x181: {  	s7 =	sadd.s32 s1, s6  }
0x182: {  	[tilespmem:s14], [sflag:$0x3] =	stream.linear.gather [hbm4b:s7+s30], $0x1000, $0x38;
	[tilespmem:$0x14900] =	vst v63  }
0x183: {  	s6 =	sadd.s32 s2, s6  }
0x184: {  	[tilespmem:s15], [sflag:$0x4] =	stream.linear.gather [hbm4b:s6+s30], $0x1000, $0x38;
	[tilespmem:$0x14900] =	vst v63  }
0x185: {  	_ =	swait.ge [sflag:s16], $0x1000  }
0x186: {  	[sflag:s16] =	ssyncset.done $0x0  }
0x187: {  	[sflag:s16] =	ssyncadd.s32 $0xFFFFF000  }
0x188: {  	_ =	swait.ge [sflag:s17], $0x1000  }
0x189: {  	[sflag:s17] =	ssyncset.done $0x0  }
0x18a: {  	s10 =	simm.s32 $0x0;
	[sflag:s17] =	ssyncadd.s32 $0xFFFFF000  }
.LBB2_23:
0x18b: {  	s6 =	sshra.s32 s10, $0x2  }
0x18c: {  	v10 =	vld [tilespmem:s6+$0x0]  }
0x18d: {  	v11 =	vld [tilespmem:s6+$0x1000];
	_ =	sdelay $0x3  }
0x18e: {  	vm3 =	vlt.s32 v10, $0x0;
	v12 =	vxor.u32 $0xFFFFFFFF, v10;
	v10 =	vor.u32 $0x80000000, v10  }
0x18f: {  	v10 =	vsel vm3, v12, v10;
	vm3 =	vlt.s32 v11, $0x1  }
0x190: {  	v10 =	vxor.u32 v2, v10;
	vm3 =	vmxor vm0, vm3  }
0x191: {  	v10 =	vnsel vm3, $0x0, v10  }
0x192: {  	v11 =	vshrl.u32 v10, $0x15;
	v10 =	vshrl.u32 v10, $0xA  }
0x193: {  	vm3 =	veq.s32 v11, v9;
	v10 =	vand.u32 $0x7FF, v10  }
0x194: {  	v10 =	vadd.s32 v4, v10;
	_ =	sdelay $0x4  }
0x195: {  	[tilespmem:v10+s12+$0x0] =	vst.idx.add.s32.msk vm3, v3  }
0x196: {  	v10 =	vld [tilespmem:s6+$0x10]  }
0x197: {  	v11 =	vld [tilespmem:s6+$0x1010];
	_ =	sdelay $0x3  }
0x198: {  	vm3 =	vlt.s32 v10, $0x0;
	v61 =	vxor.u32 $0xFFFFFFFF, v10;
	v10 =	vor.u32 $0x80000000, v10  }
0x199: {  	v10 =	vsel vm3, v61, v10;
	vm3 =	vlt.s32 v11, $0x1  }
0x19a: {  	v10 =	vxor.u32 v2, v10;
	vm3 =	vmxor vm0, vm3  }
0x19b: {  	v10 =	vnsel vm3, $0x0, v10  }
0x19c: {  	v11 =	vshrl.u32 v10, $0x15;
	v10 =	vshrl.u32 v10, $0xA  }
0x19d: {  	vm3 =	veq.s32 v11, v9;
	v10 =	vand.u32 $0x7FF, v10  }
0x19e: {  	v10 =	vadd.s32 v4, v10;
	_ =	sdelay $0x4  }
0x19f: {  	[tilespmem:v10+s12+$0x0] =	vst.idx.add.s32.msk vm3, v3  }
0x1a0: {  	v10 =	vld [tilespmem:s6+$0x20]  }
0x1a1: {  	v11 =	vld [tilespmem:s6+$0x1020];
	_ =	sdelay $0x3  }
0x1a2: {  	vm3 =	vlt.s32 v10, $0x0;
	v62 =	vxor.u32 $0xFFFFFFFF, v10;
	v10 =	vor.u32 $0x80000000, v10  }
0x1a3: {  	v10 =	vsel vm3, v62, v10;
	vm3 =	vlt.s32 v11, $0x1  }
0x1a4: {  	v10 =	vxor.u32 v2, v10;
	vm3 =	vmxor vm0, vm3  }
0x1a5: {  	v10 =	vnsel vm3, $0x0, v10  }
0x1a6: {  	v11 =	vshrl.u32 v10, $0x15;
	v10 =	vshrl.u32 v10, $0xA  }
0x1a7: {  	vm3 =	veq.s32 v11, v9;
	v10 =	vand.u32 $0x7FF, v10  }
0x1a8: {  	v10 =	vadd.s32 v4, v10;
	_ =	sdelay $0x4  }
0x1a9: {  	[tilespmem:v10+s12+$0x0] =	vst.idx.add.s32.msk vm3, v3  }
0x1aa: {  	v10 =	vld [tilespmem:s6+$0x30]  }
0x1ab: {  	v11 =	vld [tilespmem:s6+$0x1030];
	_ =	sdelay $0x3  }
0x1ac: {  	vm3 =	vlt.s32 v10, $0x0;
	v63 =	vxor.u32 $0xFFFFFFFF, v10;
	v10 =	vor.u32 $0x80000000, v10  }
0x1ad: {  	v10 =	vsel vm3, v63, v10;
	vm3 =	vlt.s32 v11, $0x1  }
0x1ae: {  	v10 =	vxor.u32 v2, v10;
	vm3 =	vmxor vm0, vm3  }
0x1af: {  	v10 =	vnsel vm3, $0x0, v10  }
0x1b0: {  	v11 =	vshrl.u32 v10, $0x15;
	v10 =	vshrl.u32 v10, $0xA  }
0x1b1: {  	vm3 =	veq.s32 v11, v9;
	v10 =	vand.u32 $0x7FF, v10  }
0x1b2: {  	p0 =	sne.s32 s10, $0x3F00;
	v10 =	vadd.s32 v4, v10  }
.Ltmp10:
0x1b3: {  	_ = 	snop;
	(pc) =	sbr.rel @p0 .LBB2_23-.Ltmp10, $2  }
0x1b4: {  	_ =	sdelay $0x2  }
0x1b5: {  	s10 =	sadd.s32 $0x100, s10;
	[tilespmem:v10+s12+$0x0] =	vst.idx.add.s32.msk vm3, v3  }
0x1b6: {  	p0 =	seq.s32 s31, $0x7  }
0x1b7: {  	s0 =	sadd.s32 @!p0 s0, s8  }
0x1b8: {  	s0 =	sshrl.u32 @!p0 s0, $0x3  }
0x1b9: {  	s7 =	simm.s32 @!p0 $0x0;
	s6 =	sadd.s32 @!p0 s1, s0  }
0x1ba: {  	[tilespmem:s7], [sflag:$0x1] =	stream.linear.gather @!p0 [hbm4b:s6+s7], $0x1000, $0x38;
	[tilespmem:$0x14900] =	vst v63  }
0x1bb: {  	s0 =	sadd.s32 @!p0 s2, s0;
	s6 =	simm.s32 @!p0 $0x1000  }
0x1bc: {  	[tilespmem:s6], [sflag:$0x2] =	stream.linear.gather @!p0 [hbm4b:s0+s7], $0x1000, $0x38;
	[tilespmem:$0x14900] =	vst v63  }
0x1bd: {  	_ =	swait.ge [sflag:s18], $0x1000  }
0x1be: {  	[sflag:s18] =	ssyncset.done $0x0  }
0x1bf: {  	[sflag:s18] =	ssyncadd.s32 $0xFFFFF000  }
0x1c0: {  	_ =	swait.ge [sflag:s19], $0x1000  }
0x1c1: {  	[sflag:s19] =	ssyncset.done $0x0  }
0x1c2: {  	s0 =	simm.s32 $0x0;
	[sflag:s19] =	ssyncadd.s32 $0xFFFFF000  }
.LBB2_25:
0x1c3: {  	s6 =	sshra.s32 s0, $0x2  }
0x1c4: {  	v10 =	vld [tilespmem:s6+$0x12100]  }
0x1c5: {  	v11 =	vld [tilespmem:s6+$0x13100];
	_ =	sdelay $0x3  }
0x1c6: {  	vm3 =	vlt.s32 v10, $0x0;
	v12 =	vxor.u32 $0xFFFFFFFF, v10;
	v10 =	vor.u32 $0x80000000, v10  }
0x1c7: {  	v10 =	vsel vm3, v12, v10;
	vm3 =	vlt.s32 v11, $0x1  }
0x1c8: {  	v10 =	vxor.u32 v2, v10;
	vm3 =	vmxor vm0, vm3  }
0x1c9: {  	v10 =	vnsel vm3, $0x0, v10  }
0x1ca: {  	v11 =	vshrl.u32 v10, $0x15;
	v10 =	vshrl.u32 v10, $0xA  }
0x1cb: {  	vm3 =	veq.s32 v11, v9;
	v10 =	vand.u32 $0x7FF, v10  }
0x1cc: {  	v10 =	vadd.s32 v4, v10;
	_ =	sdelay $0x4  }
0x1cd: {  	[tilespmem:v10+s12+$0x0] =	vst.idx.add.s32.msk vm3, v3  }
0x1ce: {  	v10 =	vld [tilespmem:s6+$0x12110]  }
0x1cf: {  	v11 =	vld [tilespmem:s6+$0x13110];
	_ =	sdelay $0x3  }
0x1d0: {  	vm3 =	vlt.s32 v10, $0x0;
	v61 =	vxor.u32 $0xFFFFFFFF, v10;
	v10 =	vor.u32 $0x80000000, v10  }
0x1d1: {  	v10 =	vsel vm3, v61, v10;
	vm3 =	vlt.s32 v11, $0x1  }
0x1d2: {  	v10 =	vxor.u32 v2, v10;
	vm3 =	vmxor vm0, vm3  }
0x1d3: {  	v10 =	vnsel vm3, $0x0, v10  }
0x1d4: {  	v11 =	vshrl.u32 v10, $0x15;
	v10 =	vshrl.u32 v10, $0xA  }
0x1d5: {  	vm3 =	veq.s32 v11, v9;
	v10 =	vand.u32 $0x7FF, v10  }
0x1d6: {  	v10 =	vadd.s32 v4, v10;
	_ =	sdelay $0x4  }
0x1d7: {  	[tilespmem:v10+s12+$0x0] =	vst.idx.add.s32.msk vm3, v3  }
0x1d8: {  	v10 =	vld [tilespmem:s6+$0x12120]  }
0x1d9: {  	v11 =	vld [tilespmem:s6+$0x13120];
	_ =	sdelay $0x3  }
0x1da: {  	vm3 =	vlt.s32 v10, $0x0;
	v62 =	vxor.u32 $0xFFFFFFFF, v10;
	v10 =	vor.u32 $0x80000000, v10  }
0x1db: {  	v10 =	vsel vm3, v62, v10;
	vm3 =	vlt.s32 v11, $0x1  }
0x1dc: {  	v10 =	vxor.u32 v2, v10;
	vm3 =	vmxor vm0, vm3  }
0x1dd: {  	v10 =	vnsel vm3, $0x0, v10  }
0x1de: {  	v11 =	vshrl.u32 v10, $0x15;
	v10 =	vshrl.u32 v10, $0xA  }
0x1df: {  	vm3 =	veq.s32 v11, v9;
	v10 =	vand.u32 $0x7FF, v10  }
0x1e0: {  	v10 =	vadd.s32 v4, v10;
	_ =	sdelay $0x4  }
0x1e1: {  	[tilespmem:v10+s12+$0x0] =	vst.idx.add.s32.msk vm3, v3  }
0x1e2: {  	v10 =	vld [tilespmem:s6+$0x12130]  }
0x1e3: {  	v11 =	vld [tilespmem:s6+$0x13130];
	_ =	sdelay $0x3  }
0x1e4: {  	vm3 =	vlt.s32 v10, $0x0;
	v63 =	vxor.u32 $0xFFFFFFFF, v10;
	v10 =	vor.u32 $0x80000000, v10  }
0x1e5: {  	v10 =	vsel vm3, v63, v10;
	vm3 =	vlt.s32 v11, $0x1  }
0x1e6: {  	v10 =	vxor.u32 v2, v10;
	vm3 =	vmxor vm0, vm3  }
0x1e7: {  	v10 =	vnsel vm3, $0x0, v10  }
0x1e8: {  	v11 =	vshrl.u32 v10, $0x15;
	v10 =	vshrl.u32 v10, $0xA  }
0x1e9: {  	vm3 =	veq.s32 v11, v9;
	v10 =	vand.u32 $0x7FF, v10  }
0x1ea: {  	p0 =	sne.s32 s0, $0x3F00;
	v10 =	vadd.s32 v4, v10  }
.Ltmp11:
0x1eb: {  	_ = 	snop;
	(pc) =	sbr.rel @p0 .LBB2_25-.Ltmp11, $2  }
0x1ec: {  	_ =	sdelay $0x2  }
0x1ed: {  	s0 =	sadd.s32 $0x100, s0;
	[tilespmem:v10+s12+$0x0] =	vst.idx.add.s32.msk vm3, v3  }
0x1ee: {  	s31 =	sadd.s32 $0x1, s31  }
0x1ef: {  	p0 =	sne.s32 s31, $0x8  }
.Ltmp12:
0x1f0: {  	_ = 	snop;
	(pc) =	sbr.rel @p0 .LBB2_22-.Ltmp12, $1  }
0x1f1: {  	_ =	sdelay $0x3  }
0x1f2: {  	s0 =	simm.s32 $0x801  }
0x1f3: {  	s6 =	simm.s32 $0x0;
	v9 =	vadd.s32 s0, v0  }
0x1f4: {  	s31 =	simm.s32 $0x1002;
	v10 =	vor.u32 s6, v0  }
0x1f5: {  	v11 =	vadd.s32 s31, v0;
	s6 =	simm.s32 $0x1803  }
0x1f6: {  	s7 =	simm.s32 $0x2004;
	v12 =	vadd.s32 s6, v0  }
0x1f7: {  	s9 =	simm.s32 $0x2805;
	v13 =	vadd.s32 s7, v0  }
0x1f8: {  	s10 =	simm.s32 $0x3006;
	v14 =	vadd.s32 s9, v0;
	v9 =	vld.idx.msk [tilespmem:v9+s12+$0x0], $0xffff  }
0x1f9: {  	s11 =	simm.s32 $0x3807;
	v15 =	vadd.s32 s10, v0;
	v10 =	vld.idx.msk [tilespmem:v10+s12+$0x0], $0xffff  }
0x1fa: {  	s13 =	simm.s32 $0x4008;
	v16 =	vadd.s32 s11, v0;
	v11 =	vld.idx.msk [tilespmem:v11+s12+$0x0], $0xffff  }
0x1fb: {  	s20 =	simm.s32 $0x4809;
	v17 =	vadd.s32 s13, v0;
	v12 =	vld.idx.msk [tilespmem:v12+s12+$0x0], $0xffff  }
0x1fc: {  	s24 =	simm.s32 $0x500A;
	v18 =	vadd.s32 s20, v0;
	v13 =	vld.idx.msk [tilespmem:v13+s12+$0x0], $0xffff  }
0x1fd: {  	s30 =	simm.s32 $0x580B;
	v19 =	vadd.s32 s24, v0;
	v14 =	vld.idx.msk [tilespmem:v14+s12+$0x0], $0xffff  }
0x1fe: {  	v20 =	vadd.s32 s30, v0;
	s31 =	simm.s32 $0x600C;
	v15 =	vld.idx.msk [tilespmem:v15+s12+$0x0], $0xffff;
	v9 =	vadd.s32 v10, v9  }
0x1ff: {  	v52 =	vadd.s32 s31, v0;
	s6 =	simm.s32 $0x680D;
	v10 =	vld.idx.msk [tilespmem:v16+s12+$0x0], $0xffff;
	v9 =	vadd.s32 v11, v9  }
0x200: {  	s7 =	simm.s32 $0x700E;
	v53 =	vadd.s32 s6, v0;
	v11 =	vld.idx.msk [tilespmem:v17+s12+$0x0], $0xffff;
	v9 =	vadd.s32 v12, v9  }
0x201: {  	s9 =	simm.s32 $0x780F;
	v54 =	vadd.s32 s7, v0;
	v12 =	vld.idx.msk [tilespmem:v18+s12+$0x0], $0xffff;
	v9 =	vadd.s32 v13, v9  }
0x202: {  	v55 =	vadd.s32 s9, v0;
	v13 =	vld.idx.msk [tilespmem:v19+s12+$0x0], $0xffff;
	v9 =	vadd.s32 v14, v9  }
0x203: {  	v14 =	vld.idx.msk [tilespmem:v20+s12+$0x0], $0xffff;
	v9 =	vadd.s32 v15, v9  }
0x204: {  	v15 =	vld.idx.msk [tilespmem:v52+s12+$0x0], $0xffff;
	v9 =	vadd.s32 v10, v9  }
0x205: {  	v10 =	vld.idx.msk [tilespmem:v53+s12+$0x0], $0xffff;
	v9 =	vadd.s32 v11, v9  }
0x206: {  	v11 =	vld.idx.msk [tilespmem:v54+s12+$0x0], $0xffff;
	v9 =	vadd.s32 v12, v9  }
0x207: {  	v12 =	vld.idx.msk [tilespmem:v55+s12+$0x0], $0xffff;
	v9 =	vadd.s32 v13, v9  }
0x208: {  	s10 =	simm.s32 $0x811;
	v9 =	vadd.s32 v14, v9  }
0x209: {  	s11 =	simm.s32 $0x10;
	v13 =	vadd.s32 s10, v0;
	v9 =	vadd.s32 v15, v9  }
0x20a: {  	s13 =	simm.s32 $0x1012;
	v14 =	vor.u32 s11, v0;
	v9 =	vadd.s32 v10, v9  }
0x20b: {  	s20 =	simm.s32 $0x1813;
	v10 =	vadd.s32 s13, v0;
	v9 =	vadd.s32 v11, v9  }
0x20c: {  	s0 =	simm.s32 $0xA080;
	s24 =	simm.s32 $0x2014;
	v11 =	vadd.s32 s20, v0;
	v9 =	vadd.s32 v12, v9  }
0x20d: {  	s30 =	simm.s32 $0x2815;
	v12 =	vadd.s32 s24, v0;
	[tilespmem:s0+$0x0] =	vst v9  }
0x20e: {  	s31 =	simm.s32 $0x3016;
	v9 =	vld.idx.msk [tilespmem:v13+s12+$0x0], $0xffff;
	v13 =	vadd.s32 s30, v0  }
0x20f: {  	v15 =	vadd.s32 s31, v0;
	v14 =	vld.idx.msk [tilespmem:v14+s12+$0x0], $0xffff  }
0x210: {  	s7 =	simm.s32 $0x3817;
	v10 =	vld.idx.msk [tilespmem:v10+s12+$0x0], $0xffff  }
0x211: {  	s9 =	simm.s32 $0x4018;
	v56 =	vadd.s32 s7, v0;
	v11 =	vld.idx.msk [tilespmem:v11+s12+$0x0], $0xffff  }
0x212: {  	v57 =	vadd.s32 s9, v0;
	s10 =	simm.s32 $0x4819;
	v12 =	vld.idx.msk [tilespmem:v12+s12+$0x0], $0xffff  }
0x213: {  	v58 =	vadd.s32 s10, v0;
	s11 =	simm.s32 $0x501A;
	v13 =	vld.idx.msk [tilespmem:v13+s12+$0x0], $0xffff  }
0x214: {  	v59 =	vadd.s32 s11, v0;
	s13 =	simm.s32 $0x581B;
	v15 =	vld.idx.msk [tilespmem:v15+s12+$0x0], $0xffff;
	v9 =	vadd.s32 v14, v9  }
0x215: {  	v60 =	vadd.s32 s13, v0;
	s20 =	simm.s32 $0x601C;
	v9 =	vadd.s32 v10, v9  }
0x216: {  	v61 =	vadd.s32 s20, v0;
	s24 =	simm.s32 $0x681D;
	v14 =	vld.idx.msk [tilespmem:v56+s12+$0x0], $0xffff;
	v9 =	vadd.s32 v11, v9  }
0x217: {  	s30 =	simm.s32 $0x701E;
	v10 =	vld.idx.msk [tilespmem:v57+s12+$0x0], $0xffff;
	v9 =	vadd.s32 v12, v9;
	v12 =	vadd.s32 s24, v0  }
0x218: {  	s7 =	simm.s32 $0x781F;
	v11 =	vld.idx.msk [tilespmem:v58+s12+$0x0], $0xffff;
	v9 =	vadd.s32 v13, v9;
	v13 =	vadd.s32 s30, v0  }
0x219: {  	v62 =	vld.idx.msk [tilespmem:v59+s12+$0x0], $0xffff;
	v9 =	vadd.s32 v15, v9;
	v15 =	vadd.s32 s7, v0  }
0x21a: {  	v63 =	vld.idx.msk [tilespmem:v60+s12+$0x0], $0xffff  }
0x21b: {  	v16 =	vld.idx.msk [tilespmem:v61+s12+$0x0], $0xffff;
	v9 =	vadd.s32 v14, v9  }
0x21c: {  	v9 =	vadd.s32 v10, v9;
	v12 =	vld.idx.msk [tilespmem:v12+s12+$0x0], $0xffff  }
0x21d: {  	v9 =	vadd.s32 v11, v9;
	v10 =	vld.idx.msk [tilespmem:v13+s12+$0x0], $0xffff  }
0x21e: {  	v9 =	vadd.s32 v62, v9;
	v11 =	vld.idx.msk [tilespmem:v15+s12+$0x0], $0xffff  }
0x21f: {  	s31 =	simm.s32 $0x821;
	v13 =	vadd.s32 v63, v9  }
0x220: {  	s6 =	simm.s32 $0x20;
	s10 =	simm.s32 $0x782F;
	s11 =	simm.s32 $0x783F;
	v9 =	vadd.s32 s31, v0;
	v13 =	vadd.s32 v16, v13  }
.LBB2_28:
0x221: {  	p2 =	sne.s32 s11, $0x7FFF;
	v14 =	vor.u32 s6, v0;
	s6 =	sadd.s32 $0xFFFF97F3, s10;
	v12 =	vadd.s32 v12, v13  }
0x222: {  	v13 =	vadd.s32 s6, v0;
	s6 =	sadd.s32 $0xFFFF9FF4, s10;
	v10 =	vadd.s32 v10, v12  }
0x223: {  	s0 =	sadd.s32 $0x80, s0;
	v12 =	vadd.s32 s6, v0;
	s6 =	sadd.s32 $0xFFFFA7F5, s10;
	v10 =	vadd.s32 v11, v10  }
0x224: {  	v11 =	vadd.s32 s6, v0;
	s6 =	sadd.s32 $0xFFFFAFF6, s10;
	[tilespmem:s0+$0x0] =	vst v10  }
0x225: {  	v9 =	vld.idx.msk [tilespmem:v9+s12+$0x0], $0xffff;
	v10 =	vadd.s32 s6, v0;
	s6 =	sadd.s32 $0xFFFFB7F7, s10  }
0x226: {  	v14 =	vld.idx.msk [tilespmem:v14+s12+$0x0], $0xffff;
	v15 =	vadd.s32 s6, v0;
	s6 =	sadd.s32 $0xFFFFBFF8, s10  }
0x227: {  	v13 =	vld.idx.msk [tilespmem:v13+s12+$0x0], $0xffff;
	v16 =	vadd.s32 s6, v0;
	s6 =	sadd.s32 $0xFFFFC7F9, s10  }
0x228: {  	v12 =	vld.idx.msk [tilespmem:v12+s12+$0x0], $0xffff;
	v17 =	vadd.s32 s6, v0;
	s6 =	sadd.s32 $0xFFFFCFFA, s10  }
0x229: {  	v11 =	vld.idx.msk [tilespmem:v11+s12+$0x0], $0xffff;
	v18 =	vadd.s32 s6, v0;
	s6 =	sadd.s32 $0xFFFFD7FB, s10  }
0x22a: {  	v10 =	vld.idx.msk [tilespmem:v10+s12+$0x0], $0xffff;
	v19 =	vadd.s32 s6, v0;
	s6 =	sadd.s32 $0xFFFFDFFC, s10  }
0x22b: {  	v15 =	vld.idx.msk [tilespmem:v15+s12+$0x0], $0xffff;
	v20 =	vadd.s32 s6, v0;
	s6 =	sadd.s32 $0xFFFFE7FD, s10  }
0x22c: {  	v9 =	vadd.s32 v14, v9;
	v14 =	vld.idx.msk [tilespmem:v16+s12+$0x0], $0xffff;
	v16 =	vadd.s32 s6, v0;
	s6 =	sadd.s32 $0xFFFFEFFE, s10  }
0x22d: {  	v9 =	vadd.s32 v13, v9;
	v13 =	vld.idx.msk [tilespmem:v17+s12+$0x0], $0xffff;
	v17 =	vadd.s32 s6, v0;
	s6 =	sadd.s32 $0xFFFFF7FF, s10  }
0x22e: {  	v9 =	vadd.s32 v12, v9;
	v18 =	vld.idx.msk [tilespmem:v18+s12+$0x0], $0xffff;
	v21 =	vadd.s32 s6, v0  }
0x22f: {  	v9 =	vadd.s32 v11, v9;
	v11 =	vadd.s32 s10, v0;
	s10 =	smov.u32 s11;
	v19 =	vld.idx.msk [tilespmem:v19+s12+$0x0], $0xffff  }
0x230: {  	v9 =	vadd.s32 v10, v9;
	v20 =	vld.idx.msk [tilespmem:v20+s12+$0x0], $0xffff  }
0x231: {  	v9 =	vadd.s32 v15, v9;
	v15 =	vld.idx.msk [tilespmem:v16+s12+$0x0], $0xffff  }
0x232: {  	v9 =	vadd.s32 v14, v9;
	v12 =	vld.idx.msk [tilespmem:v17+s12+$0x0], $0xffff  }
.Ltmp13:
0x233: {  	v9 =	vadd.s32 v13, v9;
	v10 =	vld.idx.msk [tilespmem:v21+s12+$0x0], $0xffff;
	(pc) =	sbr.rel @p2 .LBB2_28-.Ltmp13, $4  }
0x234: {  	v9 =	vadd.s32 v18, v9;
	v11 =	vld.idx.msk [tilespmem:v11+s12+$0x0], $0xffff  }
0x235: {  	v9 =	vadd.s32 v19, v9  }
0x236: {  	s7 =	sadd.s32 $0xFFFF8FF2, s11;
	v13 =	vadd.s32 v20, v9  }
0x237: {  	s11 =	sadd.s32 $0x10, s11;
	s6 =	sadd.s32 $0xFFFF87F1, s10;
	v9 =	vadd.s32 s7, v0;
	v13 =	vadd.s32 v15, v13  }
0x238: {  	v14 =	vor.u32 s6, v0;
	s9 =	sadd.s32 $0xFFFF97F3, s10;
	v12 =	vadd.s32 v12, v13  }
0x239: {  	s11 =	sadd.s32 $0xFFFF9FF4, s10;
	v51 =	vadd.s32 s9, v0;
	v10 =	vadd.s32 v10, v12  }
0x23a: {  	s13 =	sadd.s32 $0xFFFFA7F5, s10;
	s0 =	sadd.s32 $0x80, s0;
	v52 =	vadd.s32 s11, v0;
	v10 =	vadd.s32 v11, v10  }
0x23b: {  	s20 =	sadd.s32 $0xFFFFAFF6, s10;
	v11 =	vadd.s32 s13, v0;
	[tilespmem:s0+$0x0] =	vst v10  }
0x23c: {  	s24 =	sadd.s32 $0xFFFFB7F7, s10;
	v10 =	vadd.s32 s20, v0;
	v9 =	vld.idx.msk [tilespmem:v9+s12+$0x0], $0xffff  }
0x23d: {  	s30 =	sadd.s32 $0xFFFFBFF8, s10;
	v15 =	vadd.s32 s24, v0;
	v14 =	vld.idx.msk [tilespmem:v14+s12+$0x0], $0xffff  }
0x23e: {  	s31 =	sadd.s32 $0xFFFFC7F9, s10;
	v16 =	vadd.s32 s30, v0;
	v13 =	vld.idx.msk [tilespmem:v51+s12+$0x0], $0xffff  }
0x23f: {  	s7 =	sadd.s32 $0xFFFFCFFA, s10;
	v17 =	vadd.s32 s31, v0;
	v12 =	vld.idx.msk [tilespmem:v52+s12+$0x0], $0xffff  }
0x240: {  	v18 =	vadd.s32 s7, v0;
	s9 =	sadd.s32 $0xFFFFD7FB, s10;
	v11 =	vld.idx.msk [tilespmem:v11+s12+$0x0], $0xffff  }
0x241: {  	s11 =	sadd.s32 $0xFFFFDFFC, s10;
	v19 =	vadd.s32 s9, v0;
	v10 =	vld.idx.msk [tilespmem:v10+s12+$0x0], $0xffff  }
0x242: {  	v20 =	vadd.s32 s11, v0;
	s13 =	sadd.s32 $0xFFFFE7FD, s10;
	v15 =	vld.idx.msk [tilespmem:v15+s12+$0x0], $0xffff;
	v9 =	vadd.s32 v14, v9  }
0x243: {  	v54 =	vadd.s32 s13, v0;
	s20 =	sadd.s32 $0xFFFFEFFE, s10;
	v53 =	vld.idx.msk [tilespmem:v16+s12+$0x0], $0xffff;
	v9 =	vadd.s32 v13, v9  }
0x244: {  	s24 =	sadd.s32 $0xFFFFF7FF, s10;
	v56 =	vadd.s32 s20, v0;
	v55 =	vld.idx.msk [tilespmem:v17+s12+$0x0], $0xffff;
	v9 =	vadd.s32 v12, v9  }
0x245: {  	v58 =	vadd.s32 s24, v0;
	v57 =	vld.idx.msk [tilespmem:v18+s12+$0x0], $0xffff;
	v9 =	vadd.s32 v11, v9  }
0x246: {  	v59 =	vadd.s32 s10, v0;
	v11 =	vld.idx.msk [tilespmem:v19+s12+$0x0], $0xffff;
	v9 =	vadd.s32 v10, v9  }
0x247: {  	v10 =	vld.idx.msk [tilespmem:v20+s12+$0x0], $0xffff;
	v9 =	vadd.s32 v15, v9  }
0x248: {  	v60 =	vld.idx.msk [tilespmem:v54+s12+$0x0], $0xffff;
	v9 =	vadd.s32 v53, v9  }
0x249: {  	v61 =	vld.idx.msk [tilespmem:v56+s12+$0x0], $0xffff;
	v9 =	vadd.s32 v55, v9  }
0x24a: {  	v62 =	vld.idx.msk [tilespmem:v58+s12+$0x0], $0xffff;
	v9 =	vadd.s32 v57, v9  }
0x24b: {  	v63 =	vld.idx.msk [tilespmem:v59+s12+$0x0], $0xffff;
	v9 =	vadd.s32 v11, v9  }
0x24c: {  	v9 =	vadd.s32 v10, v9  }
0x24d: {  	v9 =	vadd.s32 v60, v9  }
0x24e: {  	v9 =	vadd.s32 v61, v9  }
0x24f: {  	v9 =	vadd.s32 v62, v9  }
0x250: {  	s0 =	sadd.s32 $0x80, s0;
	v9 =	vadd.s32 v63, v9  }
0x251: {  	s30 =	rddreg [dreg:$0x7];
	s31 =	simm.s32 $0xA080;
	[tilespmem:s0+$0x0] =	vst v9  }
0x252: {  	[spmem:s30] =	stream.linear.scatter [tilespmem:s31], [sflag:$0x5], $0x4000, $0x38;
	[tilespmem:$0x14900] =	vst v63  }
0x253: {  	_ =	swait.ge [sflag:s21], $0x4000  }
0x254: {  	[sflag:s21] =	ssyncset.done $0x0  }
0x255: {  	[sflag:s21] =	ssyncadd.s32 $0xFFFFC000  }
0x256: {  	[bflag:$0x0] =	sbarrier.arrive $0xFFFF  }
0x257: {  	[tilespmem:s31], [sflag:$0x5] =	stream.linear.gather [spmem:s3], $0x4000, $0x38;
	[tilespmem:$0x14900] =	vst v63  }
0x258: {  	_ =	swait.ge [sflag:s21], $0x4000  }
0x259: {  	[sflag:s21] =	ssyncset.done $0x0  }
0x25a: {  	s0 =	simm.s32 $0x1;
	[sflag:s21] =	ssyncadd.s32 $0xFFFFC000  }
.LBB2_30:
0x25b: {  	s6 =	sshll.u32 s0, $0xE  }
0x25c: {  	s6 =	sand.u32 $0x3FFFC000, s6  }
0x25d: {  	s6 =	sadd.s32 s6, s3  }
0x25e: {  	[tilespmem:s22], [sflag:$0x5] =	stream.linear.gather [spmem:s6], $0x4000, $0x38;
	[tilespmem:$0x14900] =	vst v63  }
0x25f: {  	_ =	swait.ge [sflag:s21], $0x4000  }
0x260: {  	[sflag:s21] =	ssyncset.done $0x0  }
0x261: {  	s6 =	simm.s32 $0x0;
	[sflag:s21] =	ssyncadd.s32 $0xFFFFC000  }
0x262: {  	v14 =	vld [tilespmem:s6+$0xE080]  }
0x263: {  	v15 =	vld [tilespmem:s6+$0xE100]  }
0x264: {  	v10 =	vld [tilespmem:s6+$0xE180]  }
0x265: {  	v9 =	vld [tilespmem:s6+$0xE200]  }
0x266: {  	v13 =	vld [tilespmem:s6+$0xA080]  }
0x267: {  	v11 =	vld [tilespmem:s6+$0xA100]  }
0x268: {  	s7 =	simm.s32 $0x800;
	v12 =	vld [tilespmem:s6+$0xA180]  }
.LBB2_31:
0x269: {  	s9 =	sshra.s32 s7, $0x2;
	p2 =	sne.s32 s7, $0xF800;
	v16 =	vld [tilespmem:s6+$0xA200];
	v17 =	vmov v10  }
0x26a: {  	v18 =	vld [tilespmem:s9+$0xE080];
	v19 =	vmov v9  }
0x26b: {  	v20 =	vld [tilespmem:s9+$0xE100];
	v9 =	vadd.s32 v13, v14  }
.Ltmp14:
0x26c: {  	v10 =	vld [tilespmem:s9+$0xE180];
	[tilespmem:s6+$0xA080] =	vst v9;
	v11 =	vadd.s32 v11, v15;
	(pc) =	sbr.rel @p2 .LBB2_31-.Ltmp14, $4  }
0x26d: {  	v9 =	vld [tilespmem:s9+$0xE200];
	[tilespmem:s6+$0xA100] =	vst v11;
	v11 =	vadd.s32 v12, v17  }
0x26e: {  	v13 =	vld [tilespmem:s9+$0xA080];
	[tilespmem:s6+$0xA180] =	vst v11;
	v12 =	vadd.s32 v16, v19  }
0x26f: {  	v11 =	vld [tilespmem:s9+$0xA100];
	[tilespmem:s6+$0xA200] =	vst v12;
	v14 =	vmov v18;
	s6 =	smov.u32 s9  }
0x270: {  	s7 =	sadd.s32 $0x800, s7;
	v12 =	vld [tilespmem:s6+$0xA180];
	v15 =	vmov v20  }
0x271: {  	v16 =	vld [tilespmem:s6+$0xA200];
	s0 =	sadd.s32 $0x1, s0  }
0x272: {  	p0 =	sne.s32 s0, $0x10  }
.Ltmp15:
0x273: {  	v13 =	vadd.s32 v13, v14;
	(pc) =	sbr.rel @p0 .LBB2_30-.Ltmp15, $4  }
0x274: {  	[tilespmem:s6+$0xA080] =	vst v13;
	v11 =	vadd.s32 v11, v15  }
0x275: {  	[tilespmem:s6+$0xA100] =	vst v11;
	v10 =	vadd.s32 v12, v10  }
0x276: {  	[tilespmem:s6+$0xA180] =	vst v10;
	v9 =	vadd.s32 v16, v9  }
0x277: {  	[tilespmem:s6+$0xA200] =	vst v9  }
0x278: {  	v9 =	vmov s29  }
0x279: {  	vm3 =	veq.s32 v9, v0  }
0x27a: {  	v8 =	vnsel vm3, $0x0, v8  }
0x27b: {  	v7 =	vnsel vm3, $0x0, v7;
	(xrf0) =	vadd.scan.msk.s32 $0xffff, v8  }
0x27c: {  	(xrf0) =	vadd.scan.msk.s32 $0xffff, v7;
	_ =	sdelay $0x4  }
0x27d: {  	v7, _, _ =	vpop (xrf0)  }
0x27e: {  	(v2sf) =	vpush v7, $0xF;
	v7, _, _ =	vpop (xrf0)  }
0x27f: {  	(v2sf) =	vpush v7, $0xF;
	_ =	sdelay $0xd  }
0x280: {  	s0 =	spop (v2sf)  }
0x281: {  	s6 =	spop (v2sf)  }
0x282: {  	s7 =	simm.s32 $0xE000;
	[bflag:$0x0] =	sbarrier.arrive $0xFFFF  }
0x283: {  	v7 =	vld [tilespmem:s7+$0x0];
	_ =	sdelay $0x4  }
0x284: {  	(xrf0) =	vadd.scan.msk.s32 $0xffff, v7;
	_ =	sdelay $0x5  }
0x285: {  	s20 =	simm.s32 $0xDF80;
	v8, _, _ =	vpop (xrf0)  }
0x286: {  	(v2sf) =	vpush v8, $0xF;
	v8 =	vld [tilespmem:s20+$0x0];
	_ =	sdelay $0x4  }
0x287: {  	s24 =	simm.s32 $0xDF00;
	(xrf0) =	vadd.scan.msk.s32 $0xffff, v8  }
0x288: {  	v9 =	vld [tilespmem:s24+$0x0];
	_ =	sdelay $0x4  }
0x289: {  	(xrf0) =	vadd.scan.msk.s32 $0xffff, v9;
	v11, _, _ =	vpop (xrf0)  }
0x28a: {  	(v2sf) =	vpush v11, $0xF;
	_ =	sdelay $0x3  }
0x28b: {  	s0 =	sadd.s32 s26, s0  }
0x28c: {  	s13 =	simm.s32 $0xDE80;
	s6 =	ssub.s32 s0, s6;
	v12, _, _ =	vpop (xrf0);
	s26 =	spop (v2sf)  }
0x28d: {  	p0 =	por $0x1, $0x1;
	s29 =	ssub.s32 s25, s6;
	v10 =	vld [tilespmem:s13+$0x0];
	(v2sf) =	vpush v12, $0xF;
	s10 =	sadd.s32 $0x0, s26  }
0x28e: {  	s30 =	simm.s32 $0x0;
	s31 =	simm.s32 $0x7D;
	p2 =	sge.s32 s10, s29  }
0x28f: {  	s11 =	simm.s32 $0x7C;
	s9 =	simm.s32 $0x0;
	p0 =	por !p0, !p2  }
0x290: {  	s0 =	simm.s32 $0xFFFFFFFF;
	p2 =	sgt.s32 s29, $0x0;
	p0 =	por !p0, !p0  }
0x291: {  	[dreg:$0xb] =	wrdreg s6;
	s7 =	simm.s32 $0x7F;
	p0 =	por !p2, !p0  }
0x292: {  	s6 =	simm.s32 $0x7E;
	s20 =	simm.s32 $0x7B;
	(xrf0) =	vadd.scan.msk.s32 $0xffff, v10;
	v11 =	vimm.s32 $0x0;
	p3 =	por !p0, !p0  }
.LBB2_34:
0x293: {  	p4 =	sne.s32 s20, $0x0;
	s0 =	smov.u32 @p3 s7;
	s30 =	smov.u32 @p3 s9  }
0x294: {  	v11 =	vpsel p3, v7, v11;
	v7 =	vmovc v8;
	v8 =	vmov v9;
	v9 =	vmov v10;
	s7 =	smov.u32 s6;
	s6 =	smov.u32 s31;
	s31 =	smov.u32 s11  }
0x295: {  	s13 =	sadd.s32 $0xFFFFFF80, s13;
	s11 =	smov.u32 s20;
	s20 =	sadd.s32 $0xFFFFFFFF, s20  }
0x296: {  	s9 =	smov.u32 s10;
	v10 =	vld [tilespmem:s13+$0x0];
	s24 =	spop (v2sf)  }
0x297: {  	s10 =	sadd.s32 s10, s24  }
.Ltmp16:
0x298: {  	p0 =	slt.s32 s0, $0x0;
	v12, _, _ =	vpop (xrf0);
	p3 =	sge.s32 s10, s29;
	(pc) =	sbr.rel @p4 .LBB2_34-.Ltmp16, $4  }
0x299: {  	(v2sf) =	vpush v12, $0xF;
	p0 =	por !p0, !p3  }
0x29a: {  	p0 =	por !p0, !p0  }
0x29b: {  	(xrf0) =	vadd.scan.msk.s32 $0xffff, v10;
	p0 =	por !p2, !p0  }
0x29c: {  	p3 =	por !p0, !p0  }
0x29d: {  	_ =	sdelay $0x3  }
0x29e: {  	v12, _, _ =	vpop (xrf0)  }
0x29f: {  	(v2sf) =	vpush v12, $0xF;
	_ =	sdelay $0x2  }
0x2a0: {  	s13 =	spop (v2sf)  }
0x2a1: {  	s0 =	smov.u32 @p3 s7;
	s7 =	sadd.s32 s10, s13  }
0x2a2: {  	p0 =	slt.s32 s0, $0x0;
	p4 =	sge.s32 s7, s29  }
0x2a3: {  	p0 =	por !p0, !p4  }
0x2a4: {  	p0 =	por !p0, !p0  }
0x2a5: {  	p0 =	por !p2, !p0  }
0x2a6: {  	p4 =	por !p0, !p0;
	s26 =	spop (v2sf)  }
0x2a7: {  	s0 =	smov.u32 @p4 s6;
	s6 =	sadd.s32 s7, s26  }
0x2a8: {  	p6 =	slt.s32 s0, $0x0;
	p5 =	sge.s32 s6, s29  }
0x2a9: {  	p0 =	por !p6, !p5  }
0x2aa: {  	p0 =	por !p0, !p0  }
0x2ab: {  	p0 =	por !p2, !p0  }
0x2ac: {  	p5 =	por !p0, !p0;
	s20 =	spop (v2sf)  }
0x2ad: {  	s0 =	smov.u32 @p5 s31;
	s13 =	sadd.s32 s6, s20  }
0x2ae: {  	p0 =	slt.s32 s0, $0x0;
	p6 =	sge.s32 s13, s29  }
0x2af: {  	s24 =	simm.s32 $0x0;
	p0 =	por !p0, !p6  }
0x2b0: {  	v7 =	vpsel p3, v7, v11;
	v11 =	vor.u32 s24, v0;
	p0 =	por !p0, !p0  }
0x2b1: {  	s30 =	smov.u32 @p3 s9;
	v7 =	vpsel p4, v8, v7;
	p0 =	por !p2, !p0  }
0x2b2: {  	s30 =	smov.u32 @p4 s10;
	s26 =	simm.s32 $0x10;
	v7 =	vpsel p5, v9, v7;
	p0 =	por !p0, !p0  }
0x2b3: {  	s30 =	smov.u32 @p5 s7;
	s31 =	simm.s32 $0x20;
	v9 =	vor.u32 s26, v0;
	s7 =	simm.s32 $0x70;
	v7 =	vpsel p0, v10, v7  }
0x2b4: {  	s0 =	smov.u32 @p0 s11;
	s30 =	smov.u32 @p0 s6;
	s6 =	simm.s32 $0x30;
	v10 =	vor.u32 s31, v0;
	v7 =	vperm.xlane v7, v5  }
.LBB2_36:
0x2b5: {  	s9 =	sadd.s32 $0xFFFFFFD0, s7;
	[tilespmem:v11+s12+$0x0] =	vst.idx.msk $0xffff, v1;
	v8 =	vor.u32 s6, v0;
	s6 =	smov.u32 s7;
	p0 =	sne.s32 s7, $0x8030  }
.Ltmp17:
0x2b6: {  	v11 =	vor.u32 s9, v0;
	(pc) =	sbr.rel @p0 .LBB2_36-.Ltmp17, $4  }
0x2b7: {  	_ = 	snop  }
0x2b8: {  	s9 =	sadd.s32 $0xFFFFFFE0, s7;
	[tilespmem:v9+s12+$0x0] =	vst.idx.msk $0xffff, v1  }
0x2b9: {  	v9 =	vor.u32 s9, v0;
	s9 =	sadd.s32 $0xFFFFFFF0, s7;
	[tilespmem:v10+s12+$0x0] =	vst.idx.msk $0xffff, v1  }
0x2ba: {  	s7 =	sadd.s32 $0x40, s7;
	v10 =	vor.u32 s9, v0;
	[tilespmem:v8+s12+$0x0] =	vst.idx.msk $0xffff, v1  }
0x2bb: {  	(xrf0) =	vadd.scan.msk.s32 $0xffff, v7;
	_ =	sdelay $0x5  }
0x2bc: {  	s7 =	ssub.s32 s29, s30;
	v8, _, _ =	vpop (xrf0)  }
0x2bd: {  	vm3 =	vlt.s32 v8, s7  }
0x2be: {  	v12 =	vsel vm3, $0x80000010, v6  }
0x2bf: {  	(xrf0) =	vmin.scan.msk.u32 $0xffff, v12;
	_ =	sdelay $0x5  }
0x2c0: {  	v12, _, _ =	vpop (xrf0)  }
0x2c1: {  	(v2sf) =	vpush v12, $0xF;
	_ =	sdelay $0x5  }
0x2c2: {  	v63 =	vor.u32 s6, v0;
	_ =	sdelay $0x1  }
0x2c3: {  	[tilespmem:v11+s12+$0x0] =	vst.idx.msk $0xffff, v1  }
0x2c4: {  	[tilespmem:v9+s12+$0x0] =	vst.idx.msk $0xffff, v1  }
0x2c5: {  	[tilespmem:v10+s12+$0x0] =	vst.idx.msk $0xffff, v1  }
0x2c6: {  	s20 =	sshllo.u32 s0, $0x4;
	s0 =	simm.s32 $0x0;
	s24 =	rddreg [dreg:$0x5];
	[tilespmem:v63+s12+$0x0] =	vst.idx.msk $0xffff, v1  }
0x2c7: {  	[tilespmem:s0], [sflag:$0x1] =	stream.linear.gather [hbm4b:s24+s0], $0x1000, $0x38;
	[tilespmem:$0x14900] =	vst v63  }
0x2c8: {  	s9 =	rddreg [dreg:$0x6];
	s10 =	simm.s32 $0x1000  }
0x2c9: {  	[tilespmem:s10], [sflag:$0x2] =	stream.linear.gather [hbm4b:s9+s0], $0x1000, $0x38;
	[tilespmem:$0x14900] =	vst v63  }
0x2ca: {  	s13 =	spop (v2sf)  }
0x2cb: {  	s31 =	sxor.u32 $0x80000000, s13  }
0x2cc: {  	s26 =	sshll.u32 s28, $0xB;
	s6 =	ssub.s32 s20, s31  }
0x2cd: {  	s28 =	sor.u32 s26, s6  }
0x2ce: {  	s10 =	simm.s32 $0x0;
	v9 =	vmov s28  }
.LBB2_38:
0x2cf: {  	s11 =	sshll.u32 s10, $0xD  }
0x2d0: {  	s6 =	sor.u32 s11, s5  }
0x2d1: {  	s6 =	sshrl.u32 s6, $0x3  }
0x2d2: {  	s6 =	sor.u32 $0x200, s6  }
0x2d3: {  	s7 =	sadd.s32 s1, s6  }
0x2d4: {  	[tilespmem:s14], [sflag:$0x3] =	stream.linear.gather [hbm4b:s7+s0], $0x1000, $0x38;
	[tilespmem:$0x14900] =	vst v63  }
0x2d5: {  	s6 =	sadd.s32 s2, s6  }
0x2d6: {  	[tilespmem:s15], [sflag:$0x4] =	stream.linear.gather [hbm4b:s6+s0], $0x1000, $0x38;
	[tilespmem:$0x14900] =	vst v63  }
0x2d7: {  	_ =	swait.ge [sflag:s16], $0x1000  }
0x2d8: {  	[sflag:s16] =	ssyncset.done $0x0  }
0x2d9: {  	[sflag:s16] =	ssyncadd.s32 $0xFFFFF000  }
0x2da: {  	_ =	swait.ge [sflag:s17], $0x1000  }
0x2db: {  	[sflag:s17] =	ssyncset.done $0x0  }
0x2dc: {  	s13 =	simm.s32 $0x0;
	[sflag:s17] =	ssyncadd.s32 $0xFFFFF000  }
.LBB2_39:
0x2dd: {  	s6 =	sshra.s32 s13, $0x2  }
0x2de: {  	v10 =	vld [tilespmem:s6+$0x0]  }
0x2df: {  	v11 =	vld [tilespmem:s6+$0x1000];
	_ =	sdelay $0x3  }
0x2e0: {  	vm3 =	vlt.s32 v10, $0x0;
	v12 =	vxor.u32 $0xFFFFFFFF, v10;
	v10 =	vor.u32 $0x80000000, v10  }
0x2e1: {  	v10 =	vsel vm3, v12, v10;
	vm3 =	vlt.s32 v11, $0x1  }
0x2e2: {  	v10 =	vxor.u32 v2, v10;
	vm3 =	vmxor vm0, vm3  }
0x2e3: {  	v10 =	vnsel vm3, $0x0, v10  }
0x2e4: {  	v11 =	vshrl.u32 v10, $0xA  }
0x2e5: {  	v10 =	vand.u32 $0x3FF, v10;
	vm3 =	veq.s32 v11, v9  }
0x2e6: {  	v10 =	vadd.s32 v4, v10;
	_ =	sdelay $0x4  }
0x2e7: {  	[tilespmem:v10+s12+$0x0] =	vst.idx.add.s32.msk vm3, v3  }
0x2e8: {  	v10 =	vld [tilespmem:s6+$0x10]  }
0x2e9: {  	v11 =	vld [tilespmem:s6+$0x1010];
	_ =	sdelay $0x3  }
0x2ea: {  	vm3 =	vlt.s32 v10, $0x0;
	v61 =	vxor.u32 $0xFFFFFFFF, v10;
	v10 =	vor.u32 $0x80000000, v10  }
0x2eb: {  	v10 =	vsel vm3, v61, v10;
	vm3 =	vlt.s32 v11, $0x1  }
0x2ec: {  	v10 =	vxor.u32 v2, v10;
	vm3 =	vmxor vm0, vm3  }
0x2ed: {  	v10 =	vnsel vm3, $0x0, v10  }
0x2ee: {  	v11 =	vshrl.u32 v10, $0xA  }
0x2ef: {  	v10 =	vand.u32 $0x3FF, v10;
	vm3 =	veq.s32 v11, v9  }
0x2f0: {  	v10 =	vadd.s32 v4, v10;
	_ =	sdelay $0x4  }
0x2f1: {  	[tilespmem:v10+s12+$0x0] =	vst.idx.add.s32.msk vm3, v3  }
0x2f2: {  	v10 =	vld [tilespmem:s6+$0x20]  }
0x2f3: {  	v11 =	vld [tilespmem:s6+$0x1020];
	_ =	sdelay $0x3  }
0x2f4: {  	vm3 =	vlt.s32 v10, $0x0;
	v62 =	vxor.u32 $0xFFFFFFFF, v10;
	v10 =	vor.u32 $0x80000000, v10  }
0x2f5: {  	v10 =	vsel vm3, v62, v10;
	vm3 =	vlt.s32 v11, $0x1  }
0x2f6: {  	v10 =	vxor.u32 v2, v10;
	vm3 =	vmxor vm0, vm3  }
0x2f7: {  	v10 =	vnsel vm3, $0x0, v10  }
0x2f8: {  	v11 =	vshrl.u32 v10, $0xA  }
0x2f9: {  	v10 =	vand.u32 $0x3FF, v10;
	vm3 =	veq.s32 v11, v9  }
0x2fa: {  	v10 =	vadd.s32 v4, v10;
	_ =	sdelay $0x4  }
0x2fb: {  	[tilespmem:v10+s12+$0x0] =	vst.idx.add.s32.msk vm3, v3  }
0x2fc: {  	v10 =	vld [tilespmem:s6+$0x30]  }
0x2fd: {  	v11 =	vld [tilespmem:s6+$0x1030];
	_ =	sdelay $0x3  }
0x2fe: {  	vm3 =	vlt.s32 v10, $0x0;
	v63 =	vxor.u32 $0xFFFFFFFF, v10;
	v10 =	vor.u32 $0x80000000, v10  }
0x2ff: {  	v10 =	vsel vm3, v63, v10;
	vm3 =	vlt.s32 v11, $0x1  }
0x300: {  	v10 =	vxor.u32 v2, v10;
	vm3 =	vmxor vm0, vm3  }
0x301: {  	v10 =	vnsel vm3, $0x0, v10  }
0x302: {  	v11 =	vshrl.u32 v10, $0xA  }
0x303: {  	v10 =	vand.u32 $0x3FF, v10;
	vm3 =	veq.s32 v11, v9  }
0x304: {  	p0 =	sne.s32 s13, $0x3F00;
	v10 =	vadd.s32 v4, v10  }
.Ltmp18:
0x305: {  	_ = 	snop;
	(pc) =	sbr.rel @p0 .LBB2_39-.Ltmp18, $2  }
0x306: {  	_ =	sdelay $0x2  }
0x307: {  	s13 =	sadd.s32 $0x100, s13;
	[tilespmem:v10+s12+$0x0] =	vst.idx.add.s32.msk vm3, v3  }
0x308: {  	p0 =	seq.s32 s10, $0x7  }
0x309: {  	s6 =	sadd.s32 @!p0 s11, s8  }
0x30a: {  	s6 =	sshrl.u32 @!p0 s6, $0x3  }
0x30b: {  	s9 =	simm.s32 @!p0 $0x0;
	s7 =	sadd.s32 @!p0 s1, s6  }
0x30c: {  	[tilespmem:s9], [sflag:$0x1] =	stream.linear.gather @!p0 [hbm4b:s7+s9], $0x1000, $0x38;
	[tilespmem:$0x14900] =	vst v63  }
0x30d: {  	s6 =	sadd.s32 @!p0 s2, s6;
	s7 =	simm.s32 @!p0 $0x1000  }
0x30e: {  	[tilespmem:s7], [sflag:$0x2] =	stream.linear.gather @!p0 [hbm4b:s6+s9], $0x1000, $0x38;
	[tilespmem:$0x14900] =	vst v63  }
0x30f: {  	_ =	swait.ge [sflag:s18], $0x1000  }
0x310: {  	[sflag:s18] =	ssyncset.done $0x0  }
0x311: {  	[sflag:s18] =	ssyncadd.s32 $0xFFFFF000  }
0x312: {  	_ =	swait.ge [sflag:s19], $0x1000  }
0x313: {  	[sflag:s19] =	ssyncset.done $0x0  }
0x314: {  	s11 =	simm.s32 $0x0;
	[sflag:s19] =	ssyncadd.s32 $0xFFFFF000  }
.LBB2_41:
0x315: {  	s6 =	sshra.s32 s11, $0x2  }
0x316: {  	v10 =	vld [tilespmem:s6+$0x12100]  }
0x317: {  	v11 =	vld [tilespmem:s6+$0x13100];
	_ =	sdelay $0x3  }
0x318: {  	vm3 =	vlt.s32 v10, $0x0;
	v12 =	vxor.u32 $0xFFFFFFFF, v10;
	v10 =	vor.u32 $0x80000000, v10  }
0x319: {  	v10 =	vsel vm3, v12, v10;
	vm3 =	vlt.s32 v11, $0x1  }
0x31a: {  	v10 =	vxor.u32 v2, v10;
	vm3 =	vmxor vm0, vm3  }
0x31b: {  	v10 =	vnsel vm3, $0x0, v10  }
0x31c: {  	v11 =	vshrl.u32 v10, $0xA  }
0x31d: {  	v10 =	vand.u32 $0x3FF, v10;
	vm3 =	veq.s32 v11, v9  }
0x31e: {  	v10 =	vadd.s32 v4, v10;
	_ =	sdelay $0x4  }
0x31f: {  	[tilespmem:v10+s12+$0x0] =	vst.idx.add.s32.msk vm3, v3  }
0x320: {  	v10 =	vld [tilespmem:s6+$0x12110]  }
0x321: {  	v11 =	vld [tilespmem:s6+$0x13110];
	_ =	sdelay $0x3  }
0x322: {  	vm3 =	vlt.s32 v10, $0x0;
	v61 =	vxor.u32 $0xFFFFFFFF, v10;
	v10 =	vor.u32 $0x80000000, v10  }
0x323: {  	v10 =	vsel vm3, v61, v10;
	vm3 =	vlt.s32 v11, $0x1  }
0x324: {  	v10 =	vxor.u32 v2, v10;
	vm3 =	vmxor vm0, vm3  }
0x325: {  	v10 =	vnsel vm3, $0x0, v10  }
0x326: {  	v11 =	vshrl.u32 v10, $0xA  }
0x327: {  	v10 =	vand.u32 $0x3FF, v10;
	vm3 =	veq.s32 v11, v9  }
0x328: {  	v10 =	vadd.s32 v4, v10;
	_ =	sdelay $0x4  }
0x329: {  	[tilespmem:v10+s12+$0x0] =	vst.idx.add.s32.msk vm3, v3  }
0x32a: {  	v10 =	vld [tilespmem:s6+$0x12120]  }
0x32b: {  	v11 =	vld [tilespmem:s6+$0x13120];
	_ =	sdelay $0x3  }
0x32c: {  	vm3 =	vlt.s32 v10, $0x0;
	v62 =	vxor.u32 $0xFFFFFFFF, v10;
	v10 =	vor.u32 $0x80000000, v10  }
0x32d: {  	v10 =	vsel vm3, v62, v10;
	vm3 =	vlt.s32 v11, $0x1  }
0x32e: {  	v10 =	vxor.u32 v2, v10;
	vm3 =	vmxor vm0, vm3  }
0x32f: {  	v10 =	vnsel vm3, $0x0, v10  }
0x330: {  	v11 =	vshrl.u32 v10, $0xA  }
0x331: {  	v10 =	vand.u32 $0x3FF, v10;
	vm3 =	veq.s32 v11, v9  }
0x332: {  	v10 =	vadd.s32 v4, v10;
	_ =	sdelay $0x4  }
0x333: {  	[tilespmem:v10+s12+$0x0] =	vst.idx.add.s32.msk vm3, v3  }
0x334: {  	v10 =	vld [tilespmem:s6+$0x12130]  }
0x335: {  	v11 =	vld [tilespmem:s6+$0x13130];
	_ =	sdelay $0x3  }
0x336: {  	vm3 =	vlt.s32 v10, $0x0;
	v63 =	vxor.u32 $0xFFFFFFFF, v10;
	v10 =	vor.u32 $0x80000000, v10  }
0x337: {  	v10 =	vsel vm3, v63, v10;
	vm3 =	vlt.s32 v11, $0x1  }
0x338: {  	v10 =	vxor.u32 v2, v10;
	vm3 =	vmxor vm0, vm3  }
0x339: {  	v10 =	vnsel vm3, $0x0, v10  }
0x33a: {  	v11 =	vshrl.u32 v10, $0xA  }
0x33b: {  	v10 =	vand.u32 $0x3FF, v10;
	vm3 =	veq.s32 v11, v9  }
0x33c: {  	p0 =	sne.s32 s11, $0x3F00;
	v10 =	vadd.s32 v4, v10  }
.Ltmp19:
0x33d: {  	_ = 	snop;
	(pc) =	sbr.rel @p0 .LBB2_41-.Ltmp19, $2  }
0x33e: {  	_ =	sdelay $0x2  }
0x33f: {  	s11 =	sadd.s32 $0x100, s11;
	[tilespmem:v10+s12+$0x0] =	vst.idx.add.s32.msk vm3, v3  }
0x340: {  	s10 =	sadd.s32 $0x1, s10  }
0x341: {  	p0 =	sne.s32 s10, $0x8  }
.Ltmp20:
0x342: {  	_ = 	snop;
	(pc) =	sbr.rel @p0 .LBB2_38-.Ltmp20, $1  }
0x343: {  	_ =	sdelay $0x3  }
0x344: {  	s0 =	simm.s32 $0x801  }
0x345: {  	s6 =	simm.s32 $0x0;
	v9 =	vadd.s32 s0, v0  }
0x346: {  	s11 =	simm.s32 $0x1002;
	v10 =	vor.u32 s6, v0  }
0x347: {  	s13 =	simm.s32 $0x1803;
	v11 =	vadd.s32 s11, v0  }
0x348: {  	s20 =	simm.s32 $0x2004;
	v12 =	vadd.s32 s13, v0  }
0x349: {  	s24 =	simm.s32 $0x2805;
	v13 =	vadd.s32 s20, v0  }
0x34a: {  	s26 =	simm.s32 $0x3006;
	v14 =	vadd.s32 s24, v0;
	v9 =	vld.idx.msk [tilespmem:v9+s12+$0x0], $0xffff  }
0x34b: {  	v15 =	vadd.s32 s26, v0;
	s6 =	simm.s32 $0x3807;
	v10 =	vld.idx.msk [tilespmem:v10+s12+$0x0], $0xffff  }
0x34c: {  	s7 =	simm.s32 $0x4008;
	v16 =	vadd.s32 s6, v0;
	v11 =	vld.idx.msk [tilespmem:v11+s12+$0x0], $0xffff  }
0x34d: {  	s9 =	simm.s32 $0x4809;
	v17 =	vadd.s32 s7, v0;
	v12 =	vld.idx.msk [tilespmem:v12+s12+$0x0], $0xffff  }
0x34e: {  	s10 =	simm.s32 $0x500A;
	v18 =	vadd.s32 s9, v0;
	v13 =	vld.idx.msk [tilespmem:v13+s12+$0x0], $0xffff  }
0x34f: {  	v19 =	vadd.s32 s10, v0;
	s11 =	simm.s32 $0x580B;
	v14 =	vld.idx.msk [tilespmem:v14+s12+$0x0], $0xffff  }
0x350: {  	s13 =	simm.s32 $0x600C;
	v20 =	vadd.s32 s11, v0;
	v15 =	vld.idx.msk [tilespmem:v15+s12+$0x0], $0xffff;
	v9 =	vadd.s32 v10, v9  }
0x351: {  	s20 =	simm.s32 $0x680D;
	v52 =	vadd.s32 s13, v0;
	v10 =	vld.idx.msk [tilespmem:v16+s12+$0x0], $0xffff;
	v9 =	vadd.s32 v11, v9  }
0x352: {  	s24 =	simm.s32 $0x700E;
	v53 =	vadd.s32 s20, v0;
	v11 =	vld.idx.msk [tilespmem:v17+s12+$0x0], $0xffff;
	v9 =	vadd.s32 v12, v9  }
0x353: {  	s26 =	simm.s32 $0x780F;
	v54 =	vadd.s32 s24, v0;
	v12 =	vld.idx.msk [tilespmem:v18+s12+$0x0], $0xffff;
	v9 =	vadd.s32 v13, v9  }
0x354: {  	v55 =	vadd.s32 s26, v0;
	v13 =	vld.idx.msk [tilespmem:v19+s12+$0x0], $0xffff;
	v9 =	vadd.s32 v14, v9  }
0x355: {  	v14 =	vld.idx.msk [tilespmem:v20+s12+$0x0], $0xffff;
	v9 =	vadd.s32 v15, v9  }
0x356: {  	v15 =	vld.idx.msk [tilespmem:v52+s12+$0x0], $0xffff;
	v9 =	vadd.s32 v10, v9  }
0x357: {  	v10 =	vld.idx.msk [tilespmem:v53+s12+$0x0], $0xffff;
	v9 =	vadd.s32 v11, v9  }
0x358: {  	v11 =	vld.idx.msk [tilespmem:v54+s12+$0x0], $0xffff;
	v9 =	vadd.s32 v12, v9  }
0x359: {  	v12 =	vld.idx.msk [tilespmem:v55+s12+$0x0], $0xffff;
	v9 =	vadd.s32 v13, v9  }
0x35a: {  	s7 =	simm.s32 $0x811;
	v9 =	vadd.s32 v14, v9  }
0x35b: {  	s9 =	simm.s32 $0x10;
	v13 =	vadd.s32 s7, v0;
	v9 =	vadd.s32 v15, v9  }
0x35c: {  	s10 =	simm.s32 $0x1012;
	v14 =	vor.u32 s9, v0;
	v9 =	vadd.s32 v10, v9  }
0x35d: {  	s11 =	simm.s32 $0x1813;
	v10 =	vadd.s32 s10, v0;
	v9 =	vadd.s32 v11, v9  }
0x35e: {  	s0 =	simm.s32 $0xA080;
	s13 =	simm.s32 $0x2014;
	v11 =	vadd.s32 s11, v0;
	v9 =	vadd.s32 v12, v9  }
0x35f: {  	s20 =	simm.s32 $0x2815;
	v12 =	vadd.s32 s13, v0;
	[tilespmem:s0+$0x0] =	vst v9  }
0x360: {  	s24 =	simm.s32 $0x3016;
	v9 =	vld.idx.msk [tilespmem:v13+s12+$0x0], $0xffff;
	v13 =	vadd.s32 s20, v0  }
0x361: {  	v15 =	vadd.s32 s24, v0;
	v14 =	vld.idx.msk [tilespmem:v14+s12+$0x0], $0xffff  }
0x362: {  	s26 =	simm.s32 $0x3817;
	v10 =	vld.idx.msk [tilespmem:v10+s12+$0x0], $0xffff  }
0x363: {  	v56 =	vadd.s32 s26, v0;
	s7 =	simm.s32 $0x4018;
	v11 =	vld.idx.msk [tilespmem:v11+s12+$0x0], $0xffff  }
0x364: {  	v57 =	vadd.s32 s7, v0;
	s9 =	simm.s32 $0x4819;
	v12 =	vld.idx.msk [tilespmem:v12+s12+$0x0], $0xffff  }
0x365: {  	v58 =	vadd.s32 s9, v0;
	s10 =	simm.s32 $0x501A;
	v13 =	vld.idx.msk [tilespmem:v13+s12+$0x0], $0xffff  }
0x366: {  	v59 =	vadd.s32 s10, v0;
	s11 =	simm.s32 $0x581B;
	v15 =	vld.idx.msk [tilespmem:v15+s12+$0x0], $0xffff;
	v9 =	vadd.s32 v14, v9  }
0x367: {  	v60 =	vadd.s32 s11, v0;
	s13 =	simm.s32 $0x601C;
	v9 =	vadd.s32 v10, v9  }
0x368: {  	v61 =	vadd.s32 s13, v0;
	s20 =	simm.s32 $0x681D;
	v14 =	vld.idx.msk [tilespmem:v56+s12+$0x0], $0xffff;
	v9 =	vadd.s32 v11, v9  }
0x369: {  	s24 =	simm.s32 $0x701E;
	v10 =	vld.idx.msk [tilespmem:v57+s12+$0x0], $0xffff;
	v9 =	vadd.s32 v12, v9;
	v12 =	vadd.s32 s20, v0  }
0x36a: {  	s7 =	simm.s32 $0x781F;
	v11 =	vld.idx.msk [tilespmem:v58+s12+$0x0], $0xffff;
	v9 =	vadd.s32 v13, v9;
	v13 =	vadd.s32 s24, v0  }
0x36b: {  	v62 =	vld.idx.msk [tilespmem:v59+s12+$0x0], $0xffff;
	v9 =	vadd.s32 v15, v9;
	v15 =	vadd.s32 s7, v0  }
0x36c: {  	v63 =	vld.idx.msk [tilespmem:v60+s12+$0x0], $0xffff  }
0x36d: {  	v16 =	vld.idx.msk [tilespmem:v61+s12+$0x0], $0xffff;
	v9 =	vadd.s32 v14, v9  }
0x36e: {  	v9 =	vadd.s32 v10, v9;
	v12 =	vld.idx.msk [tilespmem:v12+s12+$0x0], $0xffff  }
0x36f: {  	v9 =	vadd.s32 v11, v9;
	v10 =	vld.idx.msk [tilespmem:v13+s12+$0x0], $0xffff  }
0x370: {  	v9 =	vadd.s32 v62, v9;
	v11 =	vld.idx.msk [tilespmem:v15+s12+$0x0], $0xffff  }
0x371: {  	s26 =	simm.s32 $0x821;
	v13 =	vadd.s32 v63, v9  }
0x372: {  	s6 =	simm.s32 $0x20;
	s10 =	simm.s32 $0x782F;
	s11 =	simm.s32 $0x783F;
	v9 =	vadd.s32 s26, v0;
	v13 =	vadd.s32 v16, v13  }
.LBB2_44:
0x373: {  	p2 =	sne.s32 s11, $0x7BFF;
	v14 =	vor.u32 s6, v0;
	s6 =	sadd.s32 $0xFFFF97F3, s10;
	v12 =	vadd.s32 v12, v13  }
0x374: {  	v13 =	vadd.s32 s6, v0;
	s6 =	sadd.s32 $0xFFFF9FF4, s10;
	v10 =	vadd.s32 v10, v12  }
0x375: {  	s0 =	sadd.s32 $0x80, s0;
	v12 =	vadd.s32 s6, v0;
	s6 =	sadd.s32 $0xFFFFA7F5, s10;
	v10 =	vadd.s32 v11, v10  }
0x376: {  	v11 =	vadd.s32 s6, v0;
	s6 =	sadd.s32 $0xFFFFAFF6, s10;
	[tilespmem:s0+$0x0] =	vst v10  }
0x377: {  	v9 =	vld.idx.msk [tilespmem:v9+s12+$0x0], $0xffff;
	v10 =	vadd.s32 s6, v0;
	s6 =	sadd.s32 $0xFFFFB7F7, s10  }
0x378: {  	v14 =	vld.idx.msk [tilespmem:v14+s12+$0x0], $0xffff;
	v15 =	vadd.s32 s6, v0;
	s6 =	sadd.s32 $0xFFFFBFF8, s10  }
0x379: {  	v13 =	vld.idx.msk [tilespmem:v13+s12+$0x0], $0xffff;
	v16 =	vadd.s32 s6, v0;
	s6 =	sadd.s32 $0xFFFFC7F9, s10  }
0x37a: {  	v12 =	vld.idx.msk [tilespmem:v12+s12+$0x0], $0xffff;
	v17 =	vadd.s32 s6, v0;
	s6 =	sadd.s32 $0xFFFFCFFA, s10  }
0x37b: {  	v11 =	vld.idx.msk [tilespmem:v11+s12+$0x0], $0xffff;
	v18 =	vadd.s32 s6, v0;
	s6 =	sadd.s32 $0xFFFFD7FB, s10  }
0x37c: {  	v10 =	vld.idx.msk [tilespmem:v10+s12+$0x0], $0xffff;
	v19 =	vadd.s32 s6, v0;
	s6 =	sadd.s32 $0xFFFFDFFC, s10  }
0x37d: {  	v15 =	vld.idx.msk [tilespmem:v15+s12+$0x0], $0xffff;
	v20 =	vadd.s32 s6, v0;
	s6 =	sadd.s32 $0xFFFFE7FD, s10  }
0x37e: {  	v9 =	vadd.s32 v14, v9;
	v14 =	vld.idx.msk [tilespmem:v16+s12+$0x0], $0xffff;
	v16 =	vadd.s32 s6, v0;
	s6 =	sadd.s32 $0xFFFFEFFE, s10  }
0x37f: {  	v9 =	vadd.s32 v13, v9;
	v13 =	vld.idx.msk [tilespmem:v17+s12+$0x0], $0xffff;
	v17 =	vadd.s32 s6, v0;
	s6 =	sadd.s32 $0xFFFFF7FF, s10  }
0x380: {  	v9 =	vadd.s32 v12, v9;
	v18 =	vld.idx.msk [tilespmem:v18+s12+$0x0], $0xffff;
	v21 =	vadd.s32 s6, v0  }
0x381: {  	v9 =	vadd.s32 v11, v9;
	v11 =	vadd.s32 s10, v0;
	s10 =	smov.u32 s11;
	v19 =	vld.idx.msk [tilespmem:v19+s12+$0x0], $0xffff  }
0x382: {  	v9 =	vadd.s32 v10, v9;
	v20 =	vld.idx.msk [tilespmem:v20+s12+$0x0], $0xffff  }
0x383: {  	v9 =	vadd.s32 v15, v9;
	v15 =	vld.idx.msk [tilespmem:v16+s12+$0x0], $0xffff  }
0x384: {  	v9 =	vadd.s32 v14, v9;
	v12 =	vld.idx.msk [tilespmem:v17+s12+$0x0], $0xffff  }
.Ltmp21:
0x385: {  	v9 =	vadd.s32 v13, v9;
	v10 =	vld.idx.msk [tilespmem:v21+s12+$0x0], $0xffff;
	(pc) =	sbr.rel @p2 .LBB2_44-.Ltmp21, $4  }
0x386: {  	v9 =	vadd.s32 v18, v9;
	v11 =	vld.idx.msk [tilespmem:v11+s12+$0x0], $0xffff  }
0x387: {  	v9 =	vadd.s32 v19, v9  }
0x388: {  	s7 =	sadd.s32 $0xFFFF8FF2, s11;
	v13 =	vadd.s32 v20, v9  }
0x389: {  	s11 =	sadd.s32 $0x10, s11;
	s6 =	sadd.s32 $0xFFFF87F1, s10;
	v9 =	vadd.s32 s7, v0;
	v13 =	vadd.s32 v15, v13  }
0x38a: {  	v14 =	vor.u32 s6, v0;
	s26 =	sadd.s32 $0xFFFF97F3, s10;
	v12 =	vadd.s32 v12, v13  }
0x38b: {  	s7 =	sadd.s32 $0xFFFF9FF4, s10;
	v51 =	vadd.s32 s26, v0;
	v10 =	vadd.s32 v10, v12  }
0x38c: {  	s9 =	sadd.s32 $0xFFFFA7F5, s10;
	s0 =	sadd.s32 $0x80, s0;
	v52 =	vadd.s32 s7, v0;
	v10 =	vadd.s32 v11, v10  }
0x38d: {  	s11 =	sadd.s32 $0xFFFFAFF6, s10;
	v11 =	vadd.s32 s9, v0;
	[tilespmem:s0+$0x0] =	vst v10  }
0x38e: {  	s13 =	sadd.s32 $0xFFFFB7F7, s10;
	v10 =	vadd.s32 s11, v0;
	v9 =	vld.idx.msk [tilespmem:v9+s12+$0x0], $0xffff  }
0x38f: {  	s20 =	sadd.s32 $0xFFFFBFF8, s10;
	v15 =	vadd.s32 s13, v0;
	v14 =	vld.idx.msk [tilespmem:v14+s12+$0x0], $0xffff  }
0x390: {  	s24 =	sadd.s32 $0xFFFFC7F9, s10;
	v16 =	vadd.s32 s20, v0;
	v13 =	vld.idx.msk [tilespmem:v51+s12+$0x0], $0xffff  }
0x391: {  	v17 =	vadd.s32 s24, v0;
	s26 =	sadd.s32 $0xFFFFCFFA, s10;
	v12 =	vld.idx.msk [tilespmem:v52+s12+$0x0], $0xffff  }
0x392: {  	s7 =	sadd.s32 $0xFFFFD7FB, s10;
	v18 =	vadd.s32 s26, v0;
	v11 =	vld.idx.msk [tilespmem:v11+s12+$0x0], $0xffff  }
0x393: {  	v19 =	vadd.s32 s7, v0;
	s9 =	sadd.s32 $0xFFFFDFFC, s10;
	v10 =	vld.idx.msk [tilespmem:v10+s12+$0x0], $0xffff  }
0x394: {  	v20 =	vadd.s32 s9, v0;
	s11 =	sadd.s32 $0xFFFFE7FD, s10;
	v15 =	vld.idx.msk [tilespmem:v15+s12+$0x0], $0xffff;
	v9 =	vadd.s32 v14, v9  }
0x395: {  	s13 =	sadd.s32 $0xFFFFEFFE, s10;
	v54 =	vadd.s32 s11, v0;
	v53 =	vld.idx.msk [tilespmem:v16+s12+$0x0], $0xffff;
	v9 =	vadd.s32 v13, v9  }
0x396: {  	s20 =	sadd.s32 $0xFFFFF7FF, s10;
	v56 =	vadd.s32 s13, v0;
	v55 =	vld.idx.msk [tilespmem:v17+s12+$0x0], $0xffff;
	v9 =	vadd.s32 v12, v9  }
0x397: {  	v58 =	vadd.s32 s20, v0;
	v57 =	vld.idx.msk [tilespmem:v18+s12+$0x0], $0xffff;
	v9 =	vadd.s32 v11, v9  }
0x398: {  	v59 =	vadd.s32 s10, v0;
	v11 =	vld.idx.msk [tilespmem:v19+s12+$0x0], $0xffff;
	v9 =	vadd.s32 v10, v9  }
0x399: {  	v10 =	vld.idx.msk [tilespmem:v20+s12+$0x0], $0xffff;
	v9 =	vadd.s32 v15, v9  }
0x39a: {  	v60 =	vld.idx.msk [tilespmem:v54+s12+$0x0], $0xffff;
	v9 =	vadd.s32 v53, v9  }
0x39b: {  	v61 =	vld.idx.msk [tilespmem:v56+s12+$0x0], $0xffff;
	v9 =	vadd.s32 v55, v9  }
0x39c: {  	v62 =	vld.idx.msk [tilespmem:v58+s12+$0x0], $0xffff;
	v9 =	vadd.s32 v57, v9  }
0x39d: {  	v63 =	vld.idx.msk [tilespmem:v59+s12+$0x0], $0xffff;
	v9 =	vadd.s32 v11, v9  }
0x39e: {  	v9 =	vadd.s32 v10, v9  }
0x39f: {  	v9 =	vadd.s32 v60, v9  }
0x3a0: {  	v9 =	vadd.s32 v61, v9  }
0x3a1: {  	v9 =	vadd.s32 v62, v9  }
0x3a2: {  	s0 =	sadd.s32 $0x80, s0;
	v9 =	vadd.s32 v63, v9  }
0x3a3: {  	s24 =	rddreg [dreg:$0x7];
	s26 =	simm.s32 $0xA080;
	[tilespmem:s0+$0x0] =	vst v9  }
0x3a4: {  	[spmem:s24] =	stream.linear.scatter [tilespmem:s26], [sflag:$0x5], $0x4000, $0x38;
	[tilespmem:$0x14900] =	vst v63  }
0x3a5: {  	_ =	swait.ge [sflag:s21], $0x4000  }
0x3a6: {  	[sflag:s21] =	ssyncset.done $0x0  }
0x3a7: {  	[sflag:s21] =	ssyncadd.s32 $0xFFFFC000  }
0x3a8: {  	[bflag:$0x0] =	sbarrier.arrive $0xFFFF  }
0x3a9: {  	[tilespmem:s26], [sflag:$0x5] =	stream.linear.gather [spmem:s3], $0x4000, $0x38;
	[tilespmem:$0x14900] =	vst v63  }
0x3aa: {  	_ =	swait.ge [sflag:s21], $0x4000  }
0x3ab: {  	[sflag:s21] =	ssyncset.done $0x0  }
0x3ac: {  	s0 =	simm.s32 $0x1;
	[sflag:s21] =	ssyncadd.s32 $0xFFFFC000  }
.LBB2_46:
0x3ad: {  	s6 =	sshll.u32 s0, $0xE  }
0x3ae: {  	s6 =	sand.u32 $0x3FFFC000, s6  }
0x3af: {  	s6 =	sadd.s32 s6, s3  }
0x3b0: {  	[tilespmem:s22], [sflag:$0x5] =	stream.linear.gather [spmem:s6], $0x4000, $0x38;
	[tilespmem:$0x14900] =	vst v63  }
0x3b1: {  	_ =	swait.ge [sflag:s21], $0x4000  }
0x3b2: {  	[sflag:s21] =	ssyncset.done $0x0  }
0x3b3: {  	s6 =	simm.s32 $0x0;
	[sflag:s21] =	ssyncadd.s32 $0xFFFFC000  }
0x3b4: {  	v14 =	vld [tilespmem:s6+$0xE080]  }
0x3b5: {  	v15 =	vld [tilespmem:s6+$0xE100]  }
0x3b6: {  	v10 =	vld [tilespmem:s6+$0xE180]  }
0x3b7: {  	v9 =	vld [tilespmem:s6+$0xE200]  }
0x3b8: {  	v13 =	vld [tilespmem:s6+$0xA080]  }
0x3b9: {  	v11 =	vld [tilespmem:s6+$0xA100]  }
0x3ba: {  	s7 =	simm.s32 $0x800;
	v12 =	vld [tilespmem:s6+$0xA180]  }
.LBB2_47:
0x3bb: {  	s9 =	sshra.s32 s7, $0x2;
	p2 =	sne.s32 s7, $0x7800;
	v16 =	vld [tilespmem:s6+$0xA200];
	v17 =	vmov v10  }
0x3bc: {  	v18 =	vld [tilespmem:s9+$0xE080];
	v19 =	vmov v9  }
0x3bd: {  	v20 =	vld [tilespmem:s9+$0xE100];
	v9 =	vadd.s32 v13, v14  }
.Ltmp22:
0x3be: {  	v10 =	vld [tilespmem:s9+$0xE180];
	[tilespmem:s6+$0xA080] =	vst v9;
	v11 =	vadd.s32 v11, v15;
	(pc) =	sbr.rel @p2 .LBB2_47-.Ltmp22, $4  }
0x3bf: {  	v9 =	vld [tilespmem:s9+$0xE200];
	[tilespmem:s6+$0xA100] =	vst v11;
	v11 =	vadd.s32 v12, v17  }
0x3c0: {  	v13 =	vld [tilespmem:s9+$0xA080];
	[tilespmem:s6+$0xA180] =	vst v11;
	v12 =	vadd.s32 v16, v19  }
0x3c1: {  	v11 =	vld [tilespmem:s9+$0xA100];
	[tilespmem:s6+$0xA200] =	vst v12;
	v14 =	vmov v18;
	s6 =	smov.u32 s9  }
0x3c2: {  	s7 =	sadd.s32 $0x800, s7;
	v12 =	vld [tilespmem:s6+$0xA180];
	v15 =	vmov v20  }
0x3c3: {  	v16 =	vld [tilespmem:s6+$0xA200];
	s0 =	sadd.s32 $0x1, s0  }
0x3c4: {  	p0 =	sne.s32 s0, $0x10  }
.Ltmp23:
0x3c5: {  	v13 =	vadd.s32 v13, v14;
	(pc) =	sbr.rel @p0 .LBB2_46-.Ltmp23, $4  }
0x3c6: {  	[tilespmem:s6+$0xA080] =	vst v13;
	v11 =	vadd.s32 v11, v15  }
0x3c7: {  	[tilespmem:s6+$0xA100] =	vst v11;
	v10 =	vadd.s32 v12, v10  }
0x3c8: {  	[tilespmem:s6+$0xA180] =	vst v10;
	v9 =	vadd.s32 v16, v9  }
0x3c9: {  	[tilespmem:s6+$0xA200] =	vst v9  }
0x3ca: {  	v9 =	vmov s31  }
0x3cb: {  	vm3 =	veq.s32 v9, v0  }
0x3cc: {  	v8 =	vnsel vm3, $0x0, v8  }
0x3cd: {  	v7 =	vnsel vm3, $0x0, v7;
	(xrf0) =	vadd.scan.msk.s32 $0xffff, v8  }
0x3ce: {  	(xrf0) =	vadd.scan.msk.s32 $0xffff, v7;
	_ =	sdelay $0x4  }
0x3cf: {  	v7, _, _ =	vpop (xrf0)  }
0x3d0: {  	(v2sf) =	vpush v7, $0xF;
	v7, _, _ =	vpop (xrf0)  }
0x3d1: {  	(v2sf) =	vpush v7, $0xF;
	_ =	sdelay $0xd  }
0x3d2: {  	s0 =	spop (v2sf)  }
0x3d3: {  	s6 =	spop (v2sf)  }
0x3d4: {  	s7 =	simm.s32 $0xC000;
	[bflag:$0x0] =	sbarrier.arrive $0xFFFF  }
0x3d5: {  	v7 =	vld [tilespmem:s7+$0x0];
	_ =	sdelay $0x4  }
0x3d6: {  	(xrf0) =	vadd.scan.msk.s32 $0xffff, v7;
	_ =	sdelay $0x5  }
0x3d7: {  	s13 =	simm.s32 $0xBF80;
	v8, _, _ =	vpop (xrf0)  }
0x3d8: {  	(v2sf) =	vpush v8, $0xF;
	v8 =	vld [tilespmem:s13+$0x0];
	_ =	sdelay $0x4  }
0x3d9: {  	s20 =	simm.s32 $0xBF00;
	(xrf0) =	vadd.scan.msk.s32 $0xffff, v8  }
0x3da: {  	v9 =	vld [tilespmem:s20+$0x0];
	_ =	sdelay $0x4  }
0x3db: {  	(xrf0) =	vadd.scan.msk.s32 $0xffff, v9;
	v11, _, _ =	vpop (xrf0)  }
0x3dc: {  	(v2sf) =	vpush v11, $0xF;
	_ =	sdelay $0x3  }
0x3dd: {  	s0 =	sadd.s32 s30, s0  }
0x3de: {  	s0 =	ssub.s32 s0, s6;
	s6 =	simm.s32 $0xBE80;
	v12, _, _ =	vpop (xrf0);
	s24 =	spop (v2sf)  }
0x3df: {  	s26 =	smov.u32 s4;
	s31 =	ssub.s32 s29, s0;
	v10 =	vld [tilespmem:s6+$0x0];
	(v2sf) =	vpush v12, $0xF;
	s11 =	sadd.s32 $0x0, s24  }
0x3e0: {  	p0 =	por $0x1, $0x1;
	s10 =	simm.s32 $0x0;
	p2 =	sge.s32 s11, s31  }
0x3e1: {  	s9 =	simm.s32 $0x0;
	s30 =	simm.s32 $0x3C;
	p0 =	por !p0, !p2  }
0x3e2: {  	s29 =	simm.s32 $0xFFFFFFFF;
	p2 =	sgt.s32 s31, $0x0;
	p0 =	por !p0, !p0  }
0x3e3: {  	s20 =	simm.s32 $0x3F;
	s7 =	simm.s32 $0x3E;
	p0 =	por !p2, !p0  }
0x3e4: {  	s13 =	simm.s32 $0x3D;
	(xrf0) =	vadd.scan.msk.s32 $0xffff, v10;
	v11 =	vimm.s32 $0x0;
	s24 =	simm.s32 $0x3B;
	p3 =	por !p0, !p0  }
.LBB2_50:
0x3e5: {  	p4 =	sne.s32 s24, $0x0;
	s29 =	smov.u32 @p3 s20;
	s10 =	smov.u32 @p3 s9  }
0x3e6: {  	v11 =	vpsel p3, v7, v11;
	v7 =	vmovc v8;
	v8 =	vmov v9;
	v9 =	vmov v10;
	s20 =	smov.u32 s7;
	s7 =	smov.u32 s13;
	s13 =	smov.u32 s30  }
0x3e7: {  	s6 =	sadd.s32 $0xFFFFFF80, s6;
	s30 =	smov.u32 s24;
	s24 =	sadd.s32 $0xFFFFFFFF, s24  }
0x3e8: {  	s9 =	smov.u32 s11;
	v10 =	vld [tilespmem:s6+$0x0];
	s4 =	spop (v2sf)  }
0x3e9: {  	s11 =	sadd.s32 s11, s4  }
.Ltmp24:
0x3ea: {  	p0 =	slt.s32 s29, $0x0;
	v12, _, _ =	vpop (xrf0);
	p3 =	sge.s32 s11, s31;
	(pc) =	sbr.rel @p4 .LBB2_50-.Ltmp24, $4  }
0x3eb: {  	(v2sf) =	vpush v12, $0xF;
	p0 =	por !p0, !p3  }
0x3ec: {  	p0 =	por !p0, !p0  }
0x3ed: {  	(xrf0) =	vadd.scan.msk.s32 $0xffff, v10;
	p0 =	por !p2, !p0  }
0x3ee: {  	p3 =	por !p0, !p0  }
0x3ef: {  	_ =	sdelay $0x3  }
0x3f0: {  	v12, _, _ =	vpop (xrf0)  }
0x3f1: {  	(v2sf) =	vpush v12, $0xF;
	_ =	sdelay $0x2  }
0x3f2: {  	s4 =	spop (v2sf)  }
0x3f3: {  	s29 =	smov.u32 @p3 s20;
	s4 =	sadd.s32 s11, s4  }
0x3f4: {  	p0 =	slt.s32 s29, $0x0;
	p4 =	sge.s32 s4, s31  }
0x3f5: {  	p0 =	por !p0, !p4  }
0x3f6: {  	p0 =	por !p0, !p0  }
0x3f7: {  	p0 =	por !p2, !p0  }
0x3f8: {  	p4 =	por !p0, !p0;
	s6 =	spop (v2sf)  }
0x3f9: {  	s29 =	smov.u32 @p4 s7;
	s6 =	sadd.s32 s4, s6  }
0x3fa: {  	p6 =	slt.s32 s29, $0x0;
	p5 =	sge.s32 s6, s31  }
0x3fb: {  	p0 =	por !p6, !p5  }
0x3fc: {  	p0 =	por !p0, !p0  }
0x3fd: {  	p0 =	por !p2, !p0  }
0x3fe: {  	p5 =	por !p0, !p0;
	s24 =	spop (v2sf)  }
0x3ff: {  	s29 =	smov.u32 @p5 s13;
	s7 =	sadd.s32 s6, s24  }
0x400: {  	p0 =	slt.s32 s29, $0x0;
	p6 =	sge.s32 s7, s31  }
0x401: {  	p0 =	por !p0, !p6  }
0x402: {  	v7 =	vpsel p3, v7, v11;
	p0 =	por !p0, !p0  }
0x403: {  	v7 =	vpsel p4, v8, v7;
	p0 =	por !p2, !p0  }
0x404: {  	v7 =	vpsel p5, v9, v7;
	p2 =	por !p0, !p0  }
0x405: {  	v7 =	vpsel p2, v10, v7  }
0x406: {  	v7 =	vperm.xlane v7, v5;
	_ =	sdelay $0x1  }
0x407: {  	(xrf0) =	vadd.scan.msk.s32 @!p1 $0xffff, v7;
	_ =	sdelay $0x1  }
0x408: {  	s10 =	smov.u32 @p3 s9  }
0x409: {  	s10 =	smov.u32 @p4 s11  }
0x40a: {  	s10 =	smov.u32 @p5 s4  }
0x40b: {  	s10 =	smov.u32 @p2 s6  }
0x40c: {  	v9 =	vlaneseq.u32 @!p1;
	s4 =	ssub.s32 @!p1 s31, s10;
	v8, _, _ =	vpop @!p1 (xrf0)  }
0x40d: {  	v10 =	vor.u32 @!p1 $0x80000000, v9;
	vm3 =	vlt.s32 @!p1 v8, s4  }
0x40e: {  	v10 =	vsel @!p1 vm3, $0x80000010, v10  }
0x40f: {  	(xrf0) =	vmin.scan.msk.u32 @!p1 $0xffff, v10;
	_ =	sdelay $0x5  }
0x410: {  	v10, _, _ =	vpop @!p1 (xrf0)  }
0x411: {  	(v2sf) =	vpush @!p1 v10, $0xF;
	_ =	sdelay $0xe  }
0x412: {  	s4 =	spop @!p1 (v2sf)  }
0x413: {  	s4 =	sxor.u32 @!p1 $0x80000000, s4  }
0x414: {  	v10 =	vmov @!p1 s4  }
0x415: {  	vm3 =	veq.s32 @!p1 v10, v9  }
0x416: {  	v8 =	vnsel @!p1 vm3, $0x0, v8  }
0x417: {  	(xrf0) =	vadd.scan.msk.s32 @!p1 $0xffff, v8  }
0x418: {  	v7 =	vnsel @!p1 vm3, $0x0, v7  }
0x419: {  	(xrf0) =	vadd.scan.msk.s32 @!p1 $0xffff, v7;
	_ =	sdelay $0x3  }
0x41a: {  	v7, _, _ =	vpop @!p1 (xrf0)  }
0x41b: {  	(v2sf) =	vpush @!p1 v7, $0xF  }
0x41c: {  	v7, _, _ =	vpop @!p1 (xrf0)  }
0x41d: {  	(v2sf) =	vpush @!p1 v7, $0xF;
	_ =	sdelay $0x9  }
0x41e: {  	s9 =	rddreg [dreg:$0xb]  }
0x41f: {  	s0 =	sadd.s32 @!p1 s0, s9;
	s29 =	smov.u32 @p2 s30  }
0x420: {  	p0 =	sgt.s32 @!p1 s25, $0x0;
	s6 =	sshll.u32 @!p1 s28, $0xA;
	s7 =	sshllo.u32 @!p1 s29, $0x4  }
0x421: {  	s0 =	sadd.s32 @!p1 s10, s0;
	s4 =	ssub.s32 @!p1 s7, s4;
	s7 =	spop @!p1 (v2sf)  }
0x422: {  	p0 =	por !p0, p1;
	s4 =	sor.u32 @!p1 s6, s4;
	s0 =	sadd.s32 @!p1 s7, s0  }
0x423: {  	s4 =	simm.s32 @p0 $0xFFFFFFFF;
	s6 =	spop @!p1 (v2sf);
	s0 =	ssub.s32 @!p1 s25, s0  }
0x424: {  	v7 =	vmov @!p1 s4;
	s0 =	sadd.s32 @!p1 s6, s0  }
0x425: {  	v7 =	vnsel @!p1 vm1, $0x0, v7;
	s0 =	simm.s32 @p0 $0x0  }
0x426: {  	vm3 =	vcmask @!p1 $0xB08;
	v7 =	vsel @!p1 vm2, s0, v7  }
0x427: {  	s0 =	rddreg [dreg:$0xa];
	v7 =	vsel @!p1 vm3, s23, v7;
	vm3 =	vcmask @!p1 $0xF0C  }
0x428: {  	v7 =	vsel @!p1 vm3, s0, v7  }
0x429: {  	s4 =	simm.s32 @!p1 $0x12080;
	s6 =	rddreg [dreg:$0x8];
	s0 =	simm.s32 @!p1 $0x0;
	[tilespmem:$0x12080] =	vst @!p1 v7  }
0x42a: {  	[hbm4b:s6+s0] =	stream.linear.scatter @!p1 [tilespmem:s4], [sflag:$0x5], $0x80, $0x38;
	[tilespmem:$0x14900] =	vst v63  }
0x42b: {  	s0 =	simm.s32 @!p1 $0x5  }
0x42c: {  	_ =	swait.ge @!p1 [sflag:s0], $0x80  }
0x42d: {  	s4 =	sadd.s32 $0x1, s26;
	s31 =	rddreg [dreg:$0x9]  }
0x42e: {  	p0 =	sne.s32 s4, s31  }
.Ltmp25:
0x42f: {  	_ = 	snop;
	(pc) =	sbr.rel @p0 .LBB2_1-.Ltmp25, $3  }
0x430: {  	_ =	sdelay $0x1  }
0x431: {  	[sflag:s0] =	ssyncset.done @!p1 $0x0  }
0x432: {  	[sflag:s0] =	ssyncadd.s32 @!p1 $0xFFFFFF80  }
0x433: {  	_ =	sfence.sel $0x180000  }
0x434: {  	[bflag:$0x0] =	sbarrier.arrive $0xFFFF  }
0x435: {  	_ =	strace $0x90000047  }
0x436: {  	[bflag:$0x2] =	sbarrier.arrive $0xFFFF  }
0x437: {  	s0 =	rddreg [dreg:$0x4]  }
0x438: {  	s0 =	sadd.s32 @!p1 $0x100000, s0  }
0x439: {  	[sflag:s0] =	ssyncadd.tile.s32 @!p1 $0x1;
	_ =	shalt  }
.Lfunc_end2:
_tile_overlayer_lowered:
.L_overlay_start_2:
0x43a: {  	(tag) =	ssettag $0x2  }
0x43b: {  	s0 =	rddreg [dreg:$0x0];
	s2 =	stileid.u32  }
0x43c: {  	s1 =	rddreg [dreg:$0x1];
	p0 =	sne.s32 s2, $0x0  }
0x43d: {  	s3 =	rddreg [dreg:$0x2];
	[bflag:$0x3] =	sbarrier.arrive $0xFFFF;
	s2 =	simm.s32 @!p0 $0x1C05  }
0x43e: {  	[timem:s3], [sflag:s2] =	dma.local @!p0 [hbm:s0], s1  }
0x43f: {  	s0 =	simm.s32 @!p0 $0x5  }
0x440: {  	_ =	swait.ge @!p0 [sflag:s0], s1  }
0x441: {  	s1 =	ssub.s32 @!p0 $0x0, s1;
	[sflag:s0] =	ssyncset.done @!p0 $0x0  }
0x442: {  	[sflag:s0] =	ssyncadd.s32 @!p0 s1  }
0x443: {  	[bflag:$0x3] =	sbarrier.arrive $0xFFFF  }
0x444: {  	_ =	shalt  }

</sc_bundles>
